<compile_context>
chip_gen: v7x
topology: tpu7x:2x2x1
jax: 0.10.2.dev20260603
libtpu: 0.0.44.dev20260713+nightly
codegen_flags: <defaults>
</compile_context>

<pallas_src>
import functools

import jax
import jax.numpy as jnp
from jax import lax
from jax.experimental import pallas as pl
from jax.experimental.pallas import tpu as pltpu
from jax.experimental.pallas import tpu_sc as plsc

B, T = 16384, 50
V, D = 1000, 64
NC, NS = 2, 16
NW = NC * NS
B_PER_W = B // NW
BH = 256

_mesh = plsc.VectorSubcoreMesh(
    core_axis_name="c", subcore_axis_name="s", num_cores=NC, num_subcores=NS
)


@functools.partial(
    pl.kernel,
    out_type=jax.ShapeDtypeStruct((T, D, B), jnp.float32),
    mesh=_mesh,
    compiler_params=pltpu.CompilerParams(needs_layout_passes=False),
    scratch_types=[
        pltpu.VMEM((T, B_PER_W), jnp.int32),
        pltpu.VMEM((D, V), jnp.float32),
        pltpu.VMEM((2, D, BH), jnp.float32),
        pltpu.SemaphoreType.DMA((2,)),
    ],
)
def _gather_kernel(xt_hbm, tt_hbm, out_hbm, x_v, tt_v, st_v, sem_s):
    wid = lax.axis_index("s") * NC + lax.axis_index("c")
    b0 = wid * B_PER_W

    pltpu.sync_copy(xt_hbm.at[:, pl.ds(b0, B_PER_W)], x_v)
    pltpu.sync_copy(tt_hbm, tt_v)

    def fill(t, h):
        @plsc.parallel_loop(0, BH // 16, unroll=4)
        def blk_body(blk):
            off = blk * 16
            idx = x_v[t, pl.ds(h * BH + off, 16)]
            for d0 in range(0, D, 4):
                vals = [
                    plsc.load_gather(
                        tt_v, [jnp.full((16,), d0 + k, jnp.int32), idx]
                    )
                    for k in range(4)
                ]
                for k in range(4):
                    st_v[h, d0 + k, pl.ds(off, 16)] = vals[k]

    def out_slice(t, h):
        return out_hbm.at[t, :, pl.ds(b0 + h * BH, BH)]

    def issue_store(t, h):
        pltpu.async_copy(st_v.at[h], out_slice(t, h), sem_s.at[h])

    def wait_store(t, h):
        pltpu.make_async_copy(st_v.at[h], out_slice(t, h), sem_s.at[h]).wait()

    fill(0, 0)
    issue_store(0, 0)
    fill(0, 1)
    issue_store(0, 1)

    def body(t, carry):
        for h in range(2):
            wait_store(t - 1, h)
            fill(t, h)
            issue_store(t, h)
        return carry

    lax.fori_loop(1, T, body, 0)

    wait_store(T - 1, 0)
    wait_store(T - 1, 1)


def kernel(x, table):
    out_t = _gather_kernel(x.T, table.T)
    return out_t.transpose(2, 0, 1)

# --- scband reference (transcript-rebuilt; emitter-appended) ---
"""Pipeline reference for scband-column-embedding-78847009620628 (READ-ONLY COPY).

The authoritative reference and input builder live on the scoring server;
editing this copy changes nothing except your own understanding.
"""

import jax, jax.numpy as jnp
import numpy as np


def setup_inputs(seed: int = 0) -> dict:
    key = jax.random.key(seed)
    k1, k2 = jax.random.split(key)
    # indices into the 'category' column vocabulary (len == 1000)
    x = jax.random.randint(k1, (16384, 50), 0, 1000, dtype=jnp.int32)
    # learned parameter: nn.Embedding(1000, 64) weight for column 'category'
    table = jax.random.normal(k2, (1000, 64), dtype=jnp.float32) * 0.02
    return {"x": x, "table": table}


def reference(x, table):
    # ColumnEmbedding.forward(x, column='category') -> self.embeddings['category'](x)
    # i.e. a plain embedding gather: out[b, t, :] = table[x[b, t], :]
    return jnp.take(table, x, axis=0)

if __name__ == "__main__":
    import jax
    _d = setup_inputs()
    print(jax.jit(kernel)(*tuple(_d.values())))

</pallas_src>

<mosaic_0001>
#map = affine_map<(d0, d1) -> (0, 0)>
#map1 = affine_map<(d0, d1) -> (0, 0, 0)>
module attributes {stable_mosaic.version = 14 : i64} {
  func.func @_gather_kernel(%arg0: i32, %arg1: i32, %arg2: memref<50x16384xi32, #tpu.memory_space<hbm>>, %arg3: memref<64x1000xf32, #tpu.memory_space<hbm>>, %arg4: memref<50x64x16384xf32, #tpu.memory_space<hbm>>, %arg5: memref<50x512xi32, #tpu.memory_space<vmem>>, %arg6: memref<64x1000xf32, #tpu.memory_space<vmem>>, %arg7: memref<2x64x256xf32, #tpu.memory_space<vmem>>, %arg8: memref<2x!tpu.dma_semaphore, #tpu.memory_space<semaphore_mem>>) attributes {dimension_semantics = [#tpu.dimension_semantics<core_parallel>, #tpu.dimension_semantics<subcore_parallel>], iteration_bounds = array<i64: 2, 16>, scalar_prefetch = 0 : i64, scratch_operands = 4 : i64, tpu.core_type = #tpu.core_type<sc_vector_subcore>, window_params = [{transform_indices = #map}, {transform_indices = #map}, {transform_indices = #map1}]} {
    %mul3A = arith.constant 2 : i32
    %mul3A_0 = arith.muli %arg1, %mul3A : i32
    %add3A = arith.addi %mul3A_0, %arg0 : i32
    %mul3A_1 = arith.constant 512 : i32
    %mul3A_2 = arith.muli %add3A, %mul3A_1 : i32
    "tpu.region"() ({
      %run_scoped3A = tpu.sem_alloc : memref<!tpu.dma_semaphore, #tpu.memory_space<semaphore_mem>>
      %dma_start3A_95 = arith.constant 0 : i32
      %dma_start3A_96 = tpu.memref_slice %arg2[%dma_start3A_95, %mul3A_2] : memref<50x16384xi32, #tpu.memory_space<hbm>> -> memref<50x512xi32, #tpu.memory_space<hbm>>
      %dma_start3A_97 = arith.constant 0 : i32
      %dma_start3A_98 = tpu.memref_slice %arg2[%dma_start3A_97, %mul3A_2] : memref<50x16384xi32, #tpu.memory_space<hbm>> -> memref<50x512xi32, #tpu.memory_space<hbm>>
      tpu.enqueue_dma source(%dma_start3A_98 : memref<50x512xi32, #tpu.memory_space<hbm>>) target(%arg5 : memref<50x512xi32, #tpu.memory_space<vmem>>) target_semaphore(%run_scoped3A : memref<!tpu.dma_semaphore, #tpu.memory_space<semaphore_mem>>)
      %dma_wait3A_99 = arith.constant 0 : i32
      %dma_wait3A_100 = tpu.memref_slice %arg2[%dma_wait3A_99, %mul3A_2] : memref<50x16384xi32, #tpu.memory_space<hbm>> -> memref<50x512xi32, #tpu.memory_space<hbm>>
      %dma_wait3A_101 = arith.constant 0 : i32
      %dma_wait3A_102 = tpu.memref_slice %arg2[%dma_wait3A_101, %mul3A_2] : memref<50x16384xi32, #tpu.memory_space<hbm>> -> memref<50x512xi32, #tpu.memory_space<hbm>>
      tpu.wait_dma2 semaphore(%run_scoped3A : memref<!tpu.dma_semaphore, #tpu.memory_space<semaphore_mem>>) src(%dma_wait3A_102 : memref<50x512xi32, #tpu.memory_space<hbm>>) dst(%arg5 : memref<50x512xi32, #tpu.memory_space<vmem>>)
      tpu.yield
    }) : () -> ()
    "tpu.region"() ({
      %run_scoped3A = tpu.sem_alloc : memref<!tpu.dma_semaphore, #tpu.memory_space<semaphore_mem>>
      tpu.enqueue_dma source(%arg3 : memref<64x1000xf32, #tpu.memory_space<hbm>>) target(%arg6 : memref<64x1000xf32, #tpu.memory_space<vmem>>) target_semaphore(%run_scoped3A : memref<!tpu.dma_semaphore, #tpu.memory_space<semaphore_mem>>)
      tpu.wait_dma2 semaphore(%run_scoped3A : memref<!tpu.dma_semaphore, #tpu.memory_space<semaphore_mem>>) src(%arg3 : memref<64x1000xf32, #tpu.memory_space<hbm>>) dst(%arg6 : memref<64x1000xf32, #tpu.memory_space<vmem>>)
      tpu.yield
    }) : () -> ()
    %parallel_loop3A = arith.constant 0 : i32
    %parallel_loop3A_3 = arith.constant 16 : i32
    %parallel_loop3A_4 = arith.constant 1 : i32
    scf.for %parallel_loop3A_95 = %parallel_loop3A to %parallel_loop3A_3 step %parallel_loop3A_4  : i32 {
      %parallel_loop3A_96 = arith.constant 16 : i32
      %parallel_loop3A_97 = arith.muli %parallel_loop3A_95, %parallel_loop3A_96 : i32
      %parallel_loop3A_98 = arith.constant 0 : i32
      %parallel_loop3A_99 = arith.addi %parallel_loop3A_98, %parallel_loop3A_97 : i32
      %parallel_loop3A_100 = arith.constant 0 : i32
      %parallel_loop3A_101 = arith.index_cast %parallel_loop3A_100 : i32 to index
      %parallel_loop3A_102 = arith.index_cast %parallel_loop3A_99 : i32 to index
      %parallel_loop3A_103 = tpu.vector_load %arg5[%parallel_loop3A_101, %parallel_loop3A_102] {strides = array<i32>} : memref<50x512xi32, #tpu.memory_space<vmem>>, vector<16xi32>,
      %parallel_loop3A_104 = arith.constant 0 : i32
      %parallel_loop3A_105 = vector.broadcast %parallel_loop3A_104 : i32 to vector<16xi32>
      %parallel_loop3A_106 = tpu.vector_load_idx %arg6[%parallel_loop3A_105, %parallel_loop3A_103] : memref<64x1000xf32, #tpu.memory_space<vmem>>[vector<16xi32>, vector<16xi32>], vector<16xf32>,
      %parallel_loop3A_107 = arith.constant 1 : i32
      %parallel_loop3A_108 = vector.broadcast %parallel_loop3A_107 : i32 to vector<16xi32>
      %parallel_loop3A_109 = tpu.vector_load_idx %arg6[%parallel_loop3A_108, %parallel_loop3A_103] : memref<64x1000xf32, #tpu.memory_space<vmem>>[vector<16xi32>, vector<16xi32>], vector<16xf32>,
      %parallel_loop3A_110 = arith.constant 2 : i32
      %parallel_loop3A_111 = vector.broadcast %parallel_loop3A_110 : i32 to vector<16xi32>
      %parallel_loop3A_112 = tpu.vector_load_idx %arg6[%parallel_loop3A_111, %parallel_loop3A_103] : memref<64x1000xf32, #tpu.memory_space<vmem>>[vector<16xi32>, vector<16xi32>], vector<16xf32>,
      %parallel_loop3A_113 = arith.constant 3 : i32
      %parallel_loop3A_114 = vector.broadcast %parallel_loop3A_113 : i32 to vector<16xi32>
      %parallel_loop3A_115 = tpu.vector_load_idx %arg6[%parallel_loop3A_114, %parallel_loop3A_103] : memref<64x1000xf32, #tpu.memory_space<vmem>>[vector<16xi32>, vector<16xi32>], vector<16xf32>,
      %parallel_loop3A_116 = arith.constant 0 : i32
      %parallel_loop3A_117 = arith.constant 0 : i32
      %parallel_loop3A_118 = arith.index_cast %parallel_loop3A_116 : i32 to index
      %parallel_loop3A_119 = arith.index_cast %parallel_loop3A_117 : i32 to index
      %parallel_loop3A_120 = arith.index_cast %parallel_loop3A_97 : i32 to index
      %parallel_loop3A_121 = tpu.vector_load %arg7[%parallel_loop3A_118, %parallel_loop3A_119, %parallel_loop3A_120] {strides = array<i32>} : memref<2x64x256xf32, #tpu.memory_space<vmem>>, vector<16xf32>,
      tpu.vector_store %arg7[%parallel_loop3A_118, %parallel_loop3A_119, %parallel_loop3A_120], %parallel_loop3A_106 {strides = array<i32>} : memref<2x64x256xf32, #tpu.memory_space<vmem>>, vector<16xf32>,
      %parallel_loop3A_122 = arith.constant 0 : i32
      %parallel_loop3A_123 = arith.constant 1 : i32
      %parallel_loop3A_124 = arith.index_cast %parallel_loop3A_122 : i32 to index
      %parallel_loop3A_125 = arith.index_cast %parallel_loop3A_123 : i32 to index
      %parallel_loop3A_126 = arith.index_cast %parallel_loop3A_97 : i32 to index
      %parallel_loop3A_127 = tpu.vector_load %arg7[%parallel_loop3A_124, %parallel_loop3A_125, %parallel_loop3A_126] {strides = array<i32>} : memref<2x64x256xf32, #tpu.memory_space<vmem>>, vector<16xf32>,
      tpu.vector_store %arg7[%parallel_loop3A_124, %parallel_loop3A_125, %parallel_loop3A_126], %parallel_loop3A_109 {strides = array<i32>} : memref<2x64x256xf32, #tpu.memory_space<vmem>>, vector<16xf32>,
      %parallel_loop3A_128 = arith.constant 0 : i32
      %parallel_loop3A_129 = arith.constant 2 : i32
      %parallel_loop3A_130 = arith.index_cast %parallel_loop3A_128 : i32 to index
      %parallel_loop3A_131 = arith.index_cast %parallel_loop3A_129 : i32 to index
      %parallel_loop3A_132 = arith.index_cast %parallel_loop3A_97 : i32 to index
      %parallel_loop3A_133 = tpu.vector_load %arg7[%parallel_loop3A_130, %parallel_loop3A_131, %parallel_loop3A_132] {strides = array<i32>} : memref<2x64x256xf32, #tpu.memory_space<vmem>>, vector<16xf32>,
      tpu.vector_store %arg7[%parallel_loop3A_130, %parallel_loop3A_131, %parallel_loop3A_132], %parallel_loop3A_112 {strides = array<i32>} : memref<2x64x256xf32, #tpu.memory_space<vmem>>, vector<16xf32>,
      %parallel_loop3A_134 = arith.constant 0 : i32
      %parallel_loop3A_135 = arith.constant 3 : i32
      %parallel_loop3A_136 = arith.index_cast %parallel_loop3A_134 : i32 to index
      %parallel_loop3A_137 = arith.index_cast %parallel_loop3A_135 : i32 to index
      %parallel_loop3A_138 = arith.index_cast %parallel_loop3A_97 : i32 to index
      %parallel_loop3A_139 = tpu.vector_load %arg7[%parallel_loop3A_136, %parallel_loop3A_137, %parallel_loop3A_138] {strides = array<i32>} : memref<2x64x256xf32, #tpu.memory_space<vmem>>, vector<16xf32>,
      tpu.vector_store %arg7[%parallel_loop3A_136, %parallel_loop3A_137, %parallel_loop3A_138], %parallel_loop3A_115 {strides = array<i32>} : memref<2x64x256xf32, #tpu.memory_space<vmem>>, vector<16xf32>,
      %parallel_loop3A_140 = arith.constant 4 : i32
      %parallel_loop3A_141 = vector.broadcast %parallel_loop3A_140 : i32 to vector<16xi32>
      %parallel_loop3A_142 = tpu.vector_load_idx %arg6[%parallel_loop3A_141, %parallel_loop3A_103] : memref<64x1000xf32, #tpu.memory_space<vmem>>[vector<16xi32>, vector<16xi32>], vector<16xf32>,
      %parallel_loop3A_143 = arith.constant 5 : i32
      %parallel_loop3A_144 = vector.broadcast %parallel_loop3A_143 : i32 to vector<16xi32>
      %parallel_loop3A_145 = tpu.vector_load_idx %arg6[%parallel_loop3A_144, %parallel_loop3A_103] : memref<64x1000xf32, #tpu.memory_space<vmem>>[vector<16xi32>, vector<16xi32>], vector<16xf32>,
      %parallel_loop3A_146 = arith.constant 6 : i32
      %parallel_loop3A_147 = vector.broadcast %parallel_loop3A_146 : i32 to vector<16xi32>
      %parallel_loop3A_148 = tpu.vector_load_idx %arg6[%parallel_loop3A_147, %parallel_loop3A_103] : memref<64x1000xf32, #tpu.memory_space<vmem>>[vector<16xi32>, vector<16xi32>], vector<16xf32>,
      %parallel_loop3A_149 = arith.constant 7 : i32
      %parallel_loop3A_150 = vector.broadcast %parallel_loop3A_149 : i32 to vector<16xi32>
      %parallel_loop3A_151 = tpu.vector_load_idx %arg6[%parallel_loop3A_150, %parallel_loop3A_103] : memref<64x1000xf32, #tpu.memory_space<vmem>>[vector<16xi32>, vector<16xi32>], vector<16xf32>,
      %parallel_loop3A_152 = arith.constant 0 : i32
      %parallel_loop3A_153 = arith.constant 4 : i32
      %parallel_loop3A_154 = arith.index_cast %parallel_loop3A_152 : i32 to index
      %parallel_loop3A_155 = arith.index_cast %parallel_loop3A_153 : i32 to index
      %parallel_loop3A_156 = arith.index_cast %parallel_loop3A_97 : i32 to index
      %parallel_loop3A_157 = tpu.vector_load %arg7[%parallel_loop3A_154, %parallel_loop3A_155, %parallel_loop3A_156] {strides = array<i32>} : memref<2x64x256xf32, #tpu.memory_space<vmem>>, vector<16xf32>,
      tpu.vector_store %arg7[%parallel_loop3A_154, %parallel_loop3A_155, %parallel_loop3A_156], %parallel_loop3A_142 {strides = array<i32>} : memref<2x64x256xf32, #tpu.memory_space<vmem>>, vector<16xf32>,
      %parallel_loop3A_158 = arith.constant 0 : i32
      %parallel_loop3A_159 = arith.constant 5 : i32
      %parallel_loop3A_160 = arith.index_cast %parallel_loop3A_158 : i32 to index
      %parallel_loop3A_161 = arith.index_cast %parallel_loop3A_159 : i32 to index
      %parallel_loop3A_162 = arith.index_cast %parallel_loop3A_97 : i32 to index
      %parallel_loop3A_163 = tpu.vector_load %arg7[%parallel_loop3A_160, %parallel_loop3A_161, %parallel_loop3A_162] {strides = array<i32>} : memref<2x64x256xf32, #tpu.memory_space<vmem>>, vector<16xf32>,
      tpu.vector_store %arg7[%parallel_loop3A_160, %parallel_loop3A_161, %parallel_loop3A_162], %parallel_loop3A_145 {strides = array<i32>} : memref<2x64x256xf32, #tpu.memory_space<vmem>>, vector<16xf32>,
      %parallel_loop3A_164 = arith.constant 0 : i32
      %parallel_loop3A_165 = arith.constant 6 : i32
      %parallel_loop3A_166 = arith.index_cast %parallel_loop3A_164 : i32 to index
      %parallel_loop3A_167 = arith.index_cast %parallel_loop3A_165 : i32 to index
      %parallel_loop3A_168 = arith.index_cast %parallel_loop3A_97 : i32 to index
      %parallel_loop3A_169 = tpu.vector_load %arg7[%parallel_loop3A_166, %parallel_loop3A_167, %parallel_loop3A_168] {strides = array<i32>} : memref<2x64x256xf32, #tpu.memory_space<vmem>>, vector<16xf32>,
      tpu.vector_store %arg7[%parallel_loop3A_166, %parallel_loop3A_167, %parallel_loop3A_168], %parallel_loop3A_148 {strides = array<i32>} : memref<2x64x256xf32, #tpu.memory_space<vmem>>, vector<16xf32>,
      %parallel_loop3A_170 = arith.constant 0 : i32
      %parallel_loop3A_171 = arith.constant 7 : i32
      %parallel_loop3A_172 = arith.index_cast %parallel_loop3A_170 : i32 to index
      %parallel_loop3A_173 = arith.index_cast %parallel_loop3A_171 : i32 to index
      %parallel_loop3A_174 = arith.index_cast %parallel_loop3A_97 : i32 to index
      %parallel_loop3A_175 = tpu.vector_load %arg7[%parallel_loop3A_172, %parallel_loop3A_173, %parallel_loop3A_174] {strides = array<i32>} : memref<2x64x256xf32, #tpu.memory_space<vmem>>, vector<16xf32>,
      tpu.vector_store %arg7[%parallel_loop3A_172, %parallel_loop3A_173, %parallel_loop3A_174], %parallel_loop3A_151 {strides = array<i32>} : memref<2x64x256xf32, #tpu.memory_space<vmem>>, vector<16xf32>,
      %parallel_loop3A_176 = arith.constant 8 : i32
      %parallel_loop3A_177 = vector.broadcast %parallel_loop3A_176 : i32 to vector<16xi32>
      %parallel_loop3A_178 = tpu.vector_load_idx %arg6[%parallel_loop3A_177, %parallel_loop3A_103] : memref<64x1000xf32, #tpu.memory_space<vmem>>[vector<16xi32>, vector<16xi32>], vector<16xf32>,
      %parallel_loop3A_179 = arith.constant 9 : i32
      %parallel_loop3A_180 = vector.broadcast %parallel_loop3A_179 : i32 to vector<16xi32>
      %parallel_loop3A_181 = tpu.vector_load_idx %arg6[%parallel_loop3A_180, %parallel_loop3A_103] : memref<64x1000xf32, #tpu.memory_space<vmem>>[vector<16xi32>, vector<16xi32>], vector<16xf32>,
      %parallel_loop3A_182 = arith.constant 10 : i32
      %parallel_loop3A_183 = vector.broadcast %parallel_loop3A_182 : i32 to vector<16xi32>
      %parallel_loop3A_184 = tpu.vector_load_idx %arg6[%parallel_loop3A_183, %parallel_loop3A_103] : memref<64x1000xf32, #tpu.memory_space<vmem>>[vector<16xi32>, vector<16xi32>], vector<16xf32>,
      %parallel_loop3A_185 = arith.constant 11 : i32
      %parallel_loop3A_186 = vector.broadcast %parallel_loop3A_185 : i32 to vector<16xi32>
      %parallel_loop3A_187 = tpu.vector_load_idx %arg6[%parallel_loop3A_186, %parallel_loop3A_103] : memref<64x1000xf32, #tpu.memory_space<vmem>>[vector<16xi32>, vector<16xi32>], vector<16xf32>,
      %parallel_loop3A_188 = arith.constant 0 : i32
      %parallel_loop3A_189 = arith.constant 8 : i32
      %parallel_loop3A_190 = arith.index_cast %parallel_loop3A_188 : i32 to index
      %parallel_loop3A_191 = arith.index_cast %parallel_loop3A_189 : i32 to index
      %parallel_loop3A_192 = arith.index_cast %parallel_loop3A_97 : i32 to index
      %parallel_loop3A_193 = tpu.vector_load %arg7[%parallel_loop3A_190, %parallel_loop3A_191, %parallel_loop3A_192] {strides = array<i32>} : memref<2x64x256xf32, #tpu.memory_space<vmem>>, vector<16xf32>,
      tpu.vector_store %arg7[%parallel_loop3A_190, %parallel_loop3A_191, %parallel_loop3A_192], %parallel_loop3A_178 {strides = array<i32>} : memref<2x64x256xf32, #tpu.memory_space<vmem>>, vector<16xf32>,
      %parallel_loop3A_194 = arith.constant 0 : i32
      %parallel_loop3A_195 = arith.constant 9 : i32
      %parallel_loop3A_196 = arith.index_cast %parallel_loop3A_194 : i32 to index
      %parallel_loop3A_197 = arith.index_cast %parallel_loop3A_195 : i32 to index
      %parallel_loop3A_198 = arith.index_cast %parallel_loop3A_97 : i32 to index
      %parallel_loop3A_199 = tpu.vector_load %arg7[%parallel_loop3A_196, %parallel_loop3A_197, %parallel_loop3A_198] {strides = array<i32>} : memref<2x64x256xf32, #tpu.memory_space<vmem>>, vector<16xf32>,
      tpu.vector_store %arg7[%parallel_loop3A_196, %parallel_loop3A_197, %parallel_loop3A_198], %parallel_loop3A_181 {strides = array<i32>} : memref<2x64x256xf32, #tpu.memory_space<vmem>>, vector<16xf32>,
      %parallel_loop3A_200 = arith.constant 0 : i32
      %parallel_loop3A_201 = arith.constant 10 : i32
      %parallel_loop3A_202 = arith.index_cast %parallel_loop3A_200 : i32 to index
      %parallel_loop3A_203 = arith.index_cast %parallel_loop3A_201 : i32 to index
      %parallel_loop3A_204 = arith.index_cast %parallel_loop3A_97 : i32 to index
      %parallel_loop3A_205 = tpu.vector_load %arg7[%parallel_loop3A_202, %parallel_loop3A_203, %parallel_loop3A_204] {strides = array<i32>} : memref<2x64x256xf32, #tpu.memory_space<vmem>>, vector<16xf32>,
      tpu.vector_store %arg7[%parallel_loop3A_202, %parallel_loop3A_203, %parallel_loop3A_204], %parallel_loop3A_184 {strides = array<i32>} : memref<2x64x256xf32, #tpu.memory_space<vmem>>, vector<16xf32>,
      %parallel_loop3A_206 = arith.constant 0 : i32
      %parallel_loop3A_207 = arith.constant 11 : i32
      %parallel_loop3A_208 = arith.index_cast %parallel_loop3A_206 : i32 to index
      %parallel_loop3A_209 = arith.index_cast %parallel_loop3A_207 : i32 to index
      %parallel_loop3A_210 = arith.index_cast %parallel_loop3A_97 : i32 to index
      %parallel_loop3A_211 = tpu.vector_load %arg7[%parallel_loop3A_208, %parallel_loop3A_209, %parallel_loop3A_210] {strides = array<i32>} : memref<2x64x256xf32, #tpu.memory_space<vmem>>, vector<16xf32>,
      tpu.vector_store %arg7[%parallel_loop3A_208, %parallel_loop3A_209, %parallel_loop3A_210], %parallel_loop3A_187 {strides = array<i32>} : memref<2x64x256xf32, #tpu.memory_space<vmem>>, vector<16xf32>,
      %parallel_loop3A_212 = arith.constant 12 : i32
      %parallel_loop3A_213 = vector.broadcast %parallel_loop3A_212 : i32 to vector<16xi32>
      %parallel_loop3A_214 = tpu.vector_load_idx %arg6[%parallel_loop3A_213, %parallel_loop3A_103] : memref<64x1000xf32, #tpu.memory_space<vmem>>[vector<16xi32>, vector<16xi32>], vector<16xf32>,
      %parallel_loop3A_215 = arith.constant 13 : i32
      %parallel_loop3A_216 = vector.broadcast %parallel_loop3A_215 : i32 to vector<16xi32>
      %parallel_loop3A_217 = tpu.vector_load_idx %arg6[%parallel_loop3A_216, %parallel_loop3A_103] : memref<64x1000xf32, #tpu.memory_space<vmem>>[vector<16xi32>, vector<16xi32>], vector<16xf32>,
      %parallel_loop3A_218 = arith.constant 14 : i32
      %parallel_loop3A_219 = vector.broadcast %parallel_loop3A_218 : i32 to vector<16xi32>
      %parallel_loop3A_220 = tpu.vector_load_idx %arg6[%parallel_loop3A_219, %parallel_loop3A_103] : memref<64x1000xf32, #tpu.memory_space<vmem>>[vector<16xi32>, vector<16xi32>], vector<16xf32>,
      %parallel_loop3A_221 = arith.constant 15 : i32
      %parallel_loop3A_222 = vector.broadcast %parallel_loop3A_221 : i32 to vector<16xi32>
      %parallel_loop3A_223 = tpu.vector_load_idx %arg6[%parallel_loop3A_222, %parallel_loop3A_103] : memref<64x1000xf32, #tpu.memory_space<vmem>>[vector<16xi32>, vector<16xi32>], vector<16xf32>,
      %parallel_loop3A_224 = arith.constant 0 : i32
      %parallel_loop3A_225 = arith.constant 12 : i32
      %parallel_loop3A_226 = arith.index_cast %parallel_loop3A_224 : i32 to index
      %parallel_loop3A_227 = arith.index_cast %parallel_loop3A_225 : i32 to index
      %parallel_loop3A_228 = arith.index_cast %parallel_loop3A_97 : i32 to index
      %parallel_loop3A_229 = tpu.vector_load %arg7[%parallel_loop3A_226, %parallel_loop3A_227, %parallel_loop3A_228] {strides = array<i32>} : memref<2x64x256xf32, #tpu.memory_space<vmem>>, vector<16xf32>,
      tpu.vector_store %arg7[%parallel_loop3A_226, %parallel_loop3A_227, %parallel_loop3A_228], %parallel_loop3A_214 {strides = array<i32>} : memref<2x64x256xf32, #tpu.memory_space<vmem>>, vector<16xf32>,
      %parallel_loop3A_230 = arith.constant 0 : i32
      %parallel_loop3A_231 = arith.constant 13 : i32
      %parallel_loop3A_232 = arith.index_cast %parallel_loop3A_230 : i32 to index
      %parallel_loop3A_233 = arith.index_cast %parallel_loop3A_231 : i32 to index
      %parallel_loop3A_234 = arith.index_cast %parallel_loop3A_97 : i32 to index
      %parallel_loop3A_235 = tpu.vector_load %arg7[%parallel_loop3A_232, %parallel_loop3A_233, %parallel_loop3A_234] {strides = array<i32>} : memref<2x64x256xf32, #tpu.memory_space<vmem>>, vector<16xf32>,
      tpu.vector_store %arg7[%parallel_loop3A_232, %parallel_loop3A_233, %parallel_loop3A_234], %parallel_loop3A_217 {strides = array<i32>} : memref<2x64x256xf32, #tpu.memory_space<vmem>>, vector<16xf32>,
      %parallel_loop3A_236 = arith.constant 0 : i32
      %parallel_loop3A_237 = arith.constant 14 : i32
      %parallel_loop3A_238 = arith.index_cast %parallel_loop3A_236 : i32 to index
      %parallel_loop3A_239 = arith.index_cast %parallel_loop3A_237 : i32 to index
      %parallel_loop3A_240 = arith.index_cast %parallel_loop3A_97 : i32 to index
      %parallel_loop3A_241 = tpu.vector_load %arg7[%parallel_loop3A_238, %parallel_loop3A_239, %parallel_loop3A_240] {strides = array<i32>} : memref<2x64x256xf32, #tpu.memory_space<vmem>>, vector<16xf32>,
      tpu.vector_store %arg7[%parallel_loop3A_238, %parallel_loop3A_239, %parallel_loop3A_240], %parallel_loop3A_220 {strides = array<i32>} : memref<2x64x256xf32, #tpu.memory_space<vmem>>, vector<16xf32>,
      %parallel_loop3A_242 = arith.constant 0 : i32
      %parallel_loop3A_243 = arith.constant 15 : i32
      %parallel_loop3A_244 = arith.index_cast %parallel_loop3A_242 : i32 to index
      %parallel_loop3A_245 = arith.index_cast %parallel_loop3A_243 : i32 to index
      %parallel_loop3A_246 = arith.index_cast %parallel_loop3A_97 : i32 to index
      %parallel_loop3A_247 = tpu.vector_load %arg7[%parallel_loop3A_244, %parallel_loop3A_245, %parallel_loop3A_246] {strides = array<i32>} : memref<2x64x256xf32, #tpu.memory_space<vmem>>, vector<16xf32>,
      tpu.vector_store %arg7[%parallel_loop3A_244, %parallel_loop3A_245, %parallel_loop3A_246], %parallel_loop3A_223 {strides = array<i32>} : memref<2x64x256xf32, #tpu.memory_space<vmem>>, vector<16xf32>,
      %parallel_loop3A_248 = arith.constant 16 : i32
      %parallel_loop3A_249 = vector.broadcast %parallel_loop3A_248 : i32 to vector<16xi32>
      %parallel_loop3A_250 = tpu.vector_load_idx %arg6[%parallel_loop3A_249, %parallel_loop3A_103] : memref<64x1000xf32, #tpu.memory_space<vmem>>[vector<16xi32>, vector<16xi32>], vector<16xf32>,
      %parallel_loop3A_251 = arith.constant 17 : i32
      %parallel_loop3A_252 = vector.broadcast %parallel_loop3A_251 : i32 to vector<16xi32>
      %parallel_loop3A_253 = tpu.vector_load_idx %arg6[%parallel_loop3A_252, %parallel_loop3A_103] : memref<64x1000xf32, #tpu.memory_space<vmem>>[vector<16xi32>, vector<16xi32>], vector<16xf32>,
      %parallel_loop3A_254 = arith.constant 18 : i32
      %parallel_loop3A_255 = vector.broadcast %parallel_loop3A_254 : i32 to vector<16xi32>
      %parallel_loop3A_256 = tpu.vector_load_idx %arg6[%parallel_loop3A_255, %parallel_loop3A_103] : memref<64x1000xf32, #tpu.memory_space<vmem>>[vector<16xi32>, vector<16xi32>], vector<16xf32>,
      %parallel_loop3A_257 = arith.constant 19 : i32
      %parallel_loop3A_258 = vector.broadcast %parallel_loop3A_257 : i32 to vector<16xi32>
      %parallel_loop3A_259 = tpu.vector_load_idx %arg6[%parallel_loop3A_258, %parallel_loop3A_103] : memref<64x1000xf32, #tpu.memory_space<vmem>>[vector<16xi32>, vector<16xi32>], vector<16xf32>,
      %parallel_loop3A_260 = arith.constant 0 : i32
      %parallel_loop3A_261 = arith.constant 16 : i32
      %parallel_loop3A_262 = arith.index_cast %parallel_loop3A_260 : i32 to index
      %parallel_loop3A_263 = arith.index_cast %parallel_loop3A_261 : i32 to index
      %parallel_loop3A_264 = arith.index_cast %parallel_loop3A_97 : i32 to index
      %parallel_loop3A_265 = tpu.vector_load %arg7[%parallel_loop3A_262, %parallel_loop3A_263, %parallel_loop3A_264] {strides = array<i32>} : memref<2x64x256xf32, #tpu.memory_space<vmem>>, vector<16xf32>,
      tpu.vector_store %arg7[%parallel_loop3A_262, %parallel_loop3A_263, %parallel_loop3A_264], %parallel_loop3A_250 {strides = array<i32>} : memref<2x64x256xf32, #tpu.memory_space<vmem>>, vector<16xf32>,
      %parallel_loop3A_266 = arith.constant 0 : i32
      %parallel_loop3A_267 = arith.constant 17 : i32
      %parallel_loop3A_268 = arith.index_cast %parallel_loop3A_266 : i32 to index
      %parallel_loop3A_269 = arith.index_cast %parallel_loop3A_267 : i32 to index
      %parallel_loop3A_270 = arith.index_cast %parallel_loop3A_97 : i32 to index
      %parallel_loop3A_271 = tpu.vector_load %arg7[%parallel_loop3A_268, %parallel_loop3A_269, %parallel_loop3A_270] {strides = array<i32>} : memref<2x64x256xf32, #tpu.memory_space<vmem>>, vector<16xf32>,
      tpu.vector_store %arg7[%parallel_loop3A_268, %parallel_loop3A_269, %parallel_loop3A_270], %parallel_loop3A_253 {strides = array<i32>} : memref<2x64x256xf32, #tpu.memory_space<vmem>>, vector<16xf32>,
      %parallel_loop3A_272 = arith.constant 0 : i32
      %parallel_loop3A_273 = arith.constant 18 : i32
      %parallel_loop3A_274 = arith.index_cast %parallel_loop3A_272 : i32 to index
      %parallel_loop3A_275 = arith.index_cast %parallel_loop3A_273 : i32 to index
      %parallel_loop3A_276 = arith.index_cast %parallel_loop3A_97 : i32 to index
      %parallel_loop3A_277 = tpu.vector_load %arg7[%parallel_loop3A_274, %parallel_loop3A_275, %parallel_loop3A_276] {strides = array<i32>} : memref<2x64x256xf32, #tpu.memory_space<vmem>>, vector<16xf32>,
      tpu.vector_store %arg7[%parallel_loop3A_274, %parallel_loop3A_275, %parallel_loop3A_276], %parallel_loop3A_256 {strides = array<i32>} : memref<2x64x256xf32, #tpu.memory_space<vmem>>, vector<16xf32>,
      %parallel_loop3A_278 = arith.constant 0 : i32
      %parallel_loop3A_279 = arith.constant 19 : i32
      %parallel_loop3A_280 = arith.index_cast %parallel_loop3A_278 : i32 to index
      %parallel_loop3A_281 = arith.index_cast %parallel_loop3A_279 : i32 to index
      %parallel_loop3A_282 = arith.index_cast %parallel_loop3A_97 : i32 to index
      %parallel_loop3A_283 = tpu.vector_load %arg7[%parallel_loop3A_280, %parallel_loop3A_281, %parallel_loop3A_282] {strides = array<i32>} : memref<2x64x256xf32, #tpu.memory_space<vmem>>, vector<16xf32>,
      tpu.vector_store %arg7[%parallel_loop3A_280, %parallel_loop3A_281, %parallel_loop3A_282], %parallel_loop3A_259 {strides = array<i32>} : memref<2x64x256xf32, #tpu.memory_space<vmem>>, vector<16xf32>,
      %parallel_loop3A_284 = arith.constant 20 : i32
      %parallel_loop3A_285 = vector.broadcast %parallel_loop3A_284 : i32 to vector<16xi32>
      %parallel_loop3A_286 = tpu.vector_load_idx %arg6[%parallel_loop3A_285, %parallel_loop3A_103] : memref<64x1000xf32, #tpu.memory_space<vmem>>[vector<16xi32>, vector<16xi32>], vector<16xf32>,
      %parallel_loop3A_287 = arith.constant 21 : i32
      %parallel_loop3A_288 = vector.broadcast %parallel_loop3A_287 : i32 to vector<16xi32>
      %parallel_loop3A_289 = tpu.vector_load_idx %arg6[%parallel_loop3A_288, %parallel_loop3A_103] : memref<64x1000xf32, #tpu.memory_space<vmem>>[vector<16xi32>, vector<16xi32>], vector<16xf32>,
      %parallel_loop3A_290 = arith.constant 22 : i32
      %parallel_loop3A_291 = vector.broadcast %parallel_loop3A_290 : i32 to vector<16xi32>
      %parallel_loop3A_292 = tpu.vector_load_idx %arg6[%parallel_loop3A_291, %parallel_loop3A_103] : memref<64x1000xf32, #tpu.memory_space<vmem>>[vector<16xi32>, vector<16xi32>], vector<16xf32>,
      %parallel_loop3A_293 = arith.constant 23 : i32
      %parallel_loop3A_294 = vector.broadcast %parallel_loop3A_293 : i32 to vector<16xi32>
      %parallel_loop3A_295 = tpu.vector_load_idx %arg6[%parallel_loop3A_294, %parallel_loop3A_103] : memref<64x1000xf32, #tpu.memory_space<vmem>>[vector<16xi32>, vector<16xi32>], vector<16xf32>,
      %parallel_loop3A_296 = arith.constant 0 : i32
      %parallel_loop3A_297 = arith.constant 20 : i32
      %parallel_loop3A_298 = arith.index_cast %parallel_loop3A_296 : i32 to index
      %parallel_loop3A_299 = arith.index_cast %parallel_loop3A_297 : i32 to index
      %parallel_loop3A_300 = arith.index_cast %parallel_loop3A_97 : i32 to index
      %parallel_loop3A_301 = tpu.vector_load %arg7[%parallel_loop3A_298, %parallel_loop3A_299, %parallel_loop3A_300] {strides = array<i32>} : memref<2x64x256xf32, #tpu.memory_space<vmem>>, vector<16xf32>,
      tpu.vector_store %arg7[%parallel_loop3A_298, %parallel_loop3A_299, %parallel_loop3A_300], %parallel_loop3A_286 {strides = array<i32>} : memref<2x64x256xf32, #tpu.memory_space<vmem>>, vector<16xf32>,
      %parallel_loop3A_302 = arith.constant 0 : i32
      %parallel_loop3A_303 = arith.constant 21 : i32
      %parallel_loop3A_304 = arith.index_cast %parallel_loop3A_302 : i32 to index
      %parallel_loop3A_305 = arith.index_cast %parallel_loop3A_303 : i32 to index
      %parallel_loop3A_306 = arith.index_cast %parallel_loop3A_97 : i32 to index
      %parallel_loop3A_307 = tpu.vector_load %arg7[%parallel_loop3A_304, %parallel_loop3A_305, %parallel_loop3A_306] {strides = array<i32>} : memref<2x64x256xf32, #tpu.memory_space<vmem>>, vector<16xf32>,
      tpu.vector_store %arg7[%parallel_loop3A_304, %parallel_loop3A_305, %parallel_loop3A_306], %parallel_loop3A_289 {strides = array<i32>} : memref<2x64x256xf32, #tpu.memory_space<vmem>>, vector<16xf32>,
      %parallel_loop3A_308 = arith.constant 0 : i32
      %parallel_loop3A_309 = arith.constant 22 : i32
      %parallel_loop3A_310 = arith.index_cast %parallel_loop3A_308 : i32 to index
      %parallel_loop3A_311 = arith.index_cast %parallel_loop3A_309 : i32 to index
      %parallel_loop3A_312 = arith.index_cast %parallel_loop3A_97 : i32 to index
      %parallel_loop3A_313 = tpu.vector_load %arg7[%parallel_loop3A_310, %parallel_loop3A_311, %parallel_loop3A_312] {strides = array<i32>} : memref<2x64x256xf32, #tpu.memory_space<vmem>>, vector<16xf32>,
      tpu.vector_store %arg7[%parallel_loop3A_310, %parallel_loop3A_311, %parallel_loop3A_312], %parallel_loop3A_292 {strides = array<i32>} : memref<2x64x256xf32, #tpu.memory_space<vmem>>, vector<16xf32>,
      %parallel_loop3A_314 = arith.constant 0 : i32
      %parallel_loop3A_315 = arith.constant 23 : i32
      %parallel_loop3A_316 = arith.index_cast %parallel_loop3A_314 : i32 to index
      %parallel_loop3A_317 = arith.index_cast %parallel_loop3A_315 : i32 to index
      %parallel_loop3A_318 = arith.index_cast %parallel_loop3A_97 : i32 to index
      %parallel_loop3A_319 = tpu.vector_load %arg7[%parallel_loop3A_316, %parallel_loop3A_317, %parallel_loop3A_318] {strides = array<i32>} : memref<2x64x256xf32, #tpu.memory_space<vmem>>, vector<16xf32>,
      tpu.vector_store %arg7[%parallel_loop3A_316, %parallel_loop3A_317, %parallel_loop3A_318], %parallel_loop3A_295 {strides = array<i32>} : memref<2x64x256xf32, #tpu.memory_space<vmem>>, vector<16xf32>,
      %parallel_loop3A_320 = arith.constant 24 : i32
      %parallel_loop3A_321 = vector.broadcast %parallel_loop3A_320 : i32 to vector<16xi32>
      %parallel_loop3A_322 = tpu.vector_load_idx %arg6[%parallel_loop3A_321, %parallel_loop3A_103] : memref<64x1000xf32, #tpu.memory_space<vmem>>[vector<16xi32>, vector<16xi32>], vector<16xf32>,
      %parallel_loop3A_323 = arith.constant 25 : i32
      %parallel_loop3A_324 = vector.broadcast %parallel_loop3A_323 : i32 to vector<16xi32>
      %parallel_loop3A_325 = tpu.vector_load_idx %arg6[%parallel_loop3A_324, %parallel_loop3A_103] : memref<64x1000xf32, #tpu.memory_space<vmem>>[vector<16xi32>, vector<16xi32>], vector<16xf32>,
      %parallel_loop3A_326 = arith.constant 26 : i32
      %parallel_loop3A_327 = vector.broadcast %parallel_loop3A_326 : i32 to vector<16xi32>
      %parallel_loop3A_328 = tpu.vector_load_idx %arg6[%parallel_loop3A_327, %parallel_loop3A_103] : memref<64x1000xf32, #tpu.memory_space<vmem>>[vector<16xi32>, vector<16xi32>], vector<16xf32>,
      %parallel_loop3A_329 = arith.constant 27 : i32
      %parallel_loop3A_330 = vector.broadcast %parallel_loop3A_329 : i32 to vector<16xi32>
      %parallel_loop3A_331 = tpu.vector_load_idx %arg6[%parallel_loop3A_330, %parallel_loop3A_103] : memref<64x1000xf32, #tpu.memory_space<vmem>>[vector<16xi32>, vector<16xi32>], vector<16xf32>,
      %parallel_loop3A_332 = arith.constant 0 : i32
      %parallel_loop3A_333 = arith.constant 24 : i32
      %parallel_loop3A_334 = arith.index_cast %parallel_loop3A_332 : i32 to index
      %parallel_loop3A_335 = arith.index_cast %parallel_loop3A_333 : i32 to index
      %parallel_loop3A_336 = arith.index_cast %parallel_loop3A_97 : i32 to index
      %parallel_loop3A_337 = tpu.vector_load %arg7[%parallel_loop3A_334, %parallel_loop3A_335, %parallel_loop3A_336] {strides = array<i32>} : memref<2x64x256xf32, #tpu.memory_space<vmem>>, vector<16xf32>,
      tpu.vector_store %arg7[%parallel_loop3A_334, %parallel_loop3A_335, %parallel_loop3A_336], %parallel_loop3A_322 {strides = array<i32>} : memref<2x64x256xf32, #tpu.memory_space<vmem>>, vector<16xf32>,
      %parallel_loop3A_338 = arith.constant 0 : i32
      %parallel_loop3A_339 = arith.constant 25 : i32
      %parallel_loop3A_340 = arith.index_cast %parallel_loop3A_338 : i32 to index
      %parallel_loop3A_341 = arith.index_cast %parallel_loop3A_339 : i32 to index
      %parallel_loop3A_342 = arith.index_cast %parallel_loop3A_97 : i32 to index
      %parallel_loop3A_343 = tpu.vector_load %arg7[%parallel_loop3A_340, %parallel_loop3A_341, %parallel_loop3A_342] {strides = array<i32>} : memref<2x64x256xf32, #tpu.memory_space<vmem>>, vector<16xf32>,
      tpu.vector_store %arg7[%parallel_loop3A_340, %parallel_loop3A_341, %parallel_loop3A_342], %parallel_loop3A_325 {strides = array<i32>} : memref<2x64x256xf32, #tpu.memory_space<vmem>>, vector<16xf32>,
      %parallel_loop3A_344 = arith.constant 0 : i32
      %parallel_loop3A_345 = arith.constant 26 : i32
      %parallel_loop3A_346 = arith.index_cast %parallel_loop3A_344 : i32 to index
      %parallel_loop3A_347 = arith.index_cast %parallel_loop3A_345 : i32 to index
      %parallel_loop3A_348 = arith.index_cast %parallel_loop3A_97 : i32 to index
      %parallel_loop3A_349 = tpu.vector_load %arg7[%parallel_loop3A_346, %parallel_loop3A_347, %parallel_loop3A_348] {strides = array<i32>} : memref<2x64x256xf32, #tpu.memory_space<vmem>>, vector<16xf32>,
      tpu.vector_store %arg7[%parallel_loop3A_346, %parallel_loop3A_347, %parallel_loop3A_348], %parallel_loop3A_328 {strides = array<i32>} : memref<2x64x256xf32, #tpu.memory_space<vmem>>, vector<16xf32>,
      %parallel_loop3A_350 = arith.constant 0 : i32
      %parallel_loop3A_351 = arith.constant 27 : i32
      %parallel_loop3A_352 = arith.index_cast %parallel_loop3A_350 : i32 to index
      %parallel_loop3A_353 = arith.index_cast %parallel_loop3A_351 : i32 to index
      %parallel_loop3A_354 = arith.index_cast %parallel_loop3A_97 : i32 to index
      %parallel_loop3A_355 = tpu.vector_load %arg7[%parallel_loop3A_352, %parallel_loop3A_353, %parallel_loop3A_354] {strides = array<i32>} : memref<2x64x256xf32, #tpu.memory_space<vmem>>, vector<16xf32>,
      tpu.vector_store %arg7[%parallel_loop3A_352, %parallel_loop3A_353, %parallel_loop3A_354], %parallel_loop3A_331 {strides = array<i32>} : memref<2x64x256xf32, #tpu.memory_space<vmem>>, vector<16xf32>,
      %parallel_loop3A_356 = arith.constant 28 : i32
      %parallel_loop3A_357 = vector.broadcast %parallel_loop3A_356 : i32 to vector<16xi32>
      %parallel_loop3A_358 = tpu.vector_load_idx %arg6[%parallel_loop3A_357, %parallel_loop3A_103] : memref<64x1000xf32, #tpu.memory_space<vmem>>[vector<16xi32>, vector<16xi32>], vector<16xf32>,
      %parallel_loop3A_359 = arith.constant 29 : i32
      %parallel_loop3A_360 = vector.broadcast %parallel_loop3A_359 : i32 to vector<16xi32>
      %parallel_loop3A_361 = tpu.vector_load_idx %arg6[%parallel_loop3A_360, %parallel_loop3A_103] : memref<64x1000xf32, #tpu.memory_space<vmem>>[vector<16xi32>, vector<16xi32>], vector<16xf32>,
      %parallel_loop3A_362 = arith.constant 30 : i32
      %parallel_loop3A_363 = vector.broadcast %parallel_loop3A_362 : i32 to vector<16xi32>
      %parallel_loop3A_364 = tpu.vector_load_idx %arg6[%parallel_loop3A_363, %parallel_loop3A_103] : memref<64x1000xf32, #tpu.memory_space<vmem>>[vector<16xi32>, vector<16xi32>], vector<16xf32>,
      %parallel_loop3A_365 = arith.constant 31 : i32
      %parallel_loop3A_366 = vector.broadcast %parallel_loop3A_365 : i32 to vector<16xi32>
      %parallel_loop3A_367 = tpu.vector_load_idx %arg6[%parallel_loop3A_366, %parallel_loop3A_103] : memref<64x1000xf32, #tpu.memory_space<vmem>>[vector<16xi32>, vector<16xi32>], vector<16xf32>,
      %parallel_loop3A_368 = arith.constant 0 : i32
      %parallel_loop3A_369 = arith.constant 28 : i32
      %parallel_loop3A_370 = arith.index_cast %parallel_loop3A_368 : i32 to index
      %parallel_loop3A_371 = arith.index_cast %parallel_loop3A_369 : i32 to index
      %parallel_loop3A_372 = arith.index_cast %parallel_loop3A_97 : i32 to index
      %parallel_loop3A_373 = tpu.vector_load %arg7[%parallel_loop3A_370, %parallel_loop3A_371, %parallel_loop3A_372] {strides = array<i32>} : memref<2x64x256xf32, #tpu.memory_space<vmem>>, vector<16xf32>,
      tpu.vector_store %arg7[%parallel_loop3A_370, %parallel_loop3A_371, %parallel_loop3A_372], %parallel_loop3A_358 {strides = array<i32>} : memref<2x64x256xf32, #tpu.memory_space<vmem>>, vector<16xf32>,
      %parallel_loop3A_374 = arith.constant 0 : i32
      %parallel_loop3A_375 = arith.constant 29 : i32
      %parallel_loop3A_376 = arith.index_cast %parallel_loop3A_374 : i32 to index
      %parallel_loop3A_377 = arith.index_cast %parallel_loop3A_375 : i32 to index
      %parallel_loop3A_378 = arith.index_cast %parallel_loop3A_97 : i32 to index
      %parallel_loop3A_379 = tpu.vector_load %arg7[%parallel_loop3A_376, %parallel_loop3A_377, %parallel_loop3A_378] {strides = array<i32>} : memref<2x64x256xf32, #tpu.memory_space<vmem>>, vector<16xf32>,
      tpu.vector_store %arg7[%parallel_loop3A_376, %parallel_loop3A_377, %parallel_loop3A_378], %parallel_loop3A_361 {strides = array<i32>} : memref<2x64x256xf32, #tpu.memory_space<vmem>>, vector<16xf32>,
      %parallel_loop3A_380 = arith.constant 0 : i32
      %parallel_loop3A_381 = arith.constant 30 : i32
      %parallel_loop3A_382 = arith.index_cast %parallel_loop3A_380 : i32 to index
      %parallel_loop3A_383 = arith.index_cast %parallel_loop3A_381 : i32 to index
      %parallel_loop3A_384 = arith.index_cast %parallel_loop3A_97 : i32 to index
      %parallel_loop3A_385 = tpu.vector_load %arg7[%parallel_loop3A_382, %parallel_loop3A_383, %parallel_loop3A_384] {strides = array<i32>} : memref<2x64x256xf32, #tpu.memory_space<vmem>>, vector<16xf32>,
      tpu.vector_store %arg7[%parallel_loop3A_382, %parallel_loop3A_383, %parallel_loop3A_384], %parallel_loop3A_364 {strides = array<i32>} : memref<2x64x256xf32, #tpu.memory_space<vmem>>, vector<16xf32>,
      %parallel_loop3A_386 = arith.constant 0 : i32
      %parallel_loop3A_387 = arith.constant 31 : i32
      %parallel_loop3A_388 = arith.index_cast %parallel_loop3A_386 : i32 to index
      %parallel_loop3A_389 = arith.index_cast %parallel_loop3A_387 : i32 to index
      %parallel_loop3A_390 = arith.index_cast %parallel_loop3A_97 : i32 to index
      %parallel_loop3A_391 = tpu.vector_load %arg7[%parallel_loop3A_388, %parallel_loop3A_389, %parallel_loop3A_390] {strides = array<i32>} : memref<2x64x256xf32, #tpu.memory_space<vmem>>, vector<16xf32>,
      tpu.vector_store %arg7[%parallel_loop3A_388, %parallel_loop3A_389, %parallel_loop3A_390], %parallel_loop3A_367 {strides = array<i32>} : memref<2x64x256xf32, #tpu.memory_space<vmem>>, vector<16xf32>,
      %parallel_loop3A_392 = arith.constant 32 : i32
      %parallel_loop3A_393 = vector.broadcast %parallel_loop3A_392 : i32 to vector<16xi32>
      %parallel_loop3A_394 = tpu.vector_load_idx %arg6[%parallel_loop3A_393, %parallel_loop3A_103] : memref<64x1000xf32, #tpu.memory_space<vmem>>[vector<16xi32>, vector<16xi32>], vector<16xf32>,
      %parallel_loop3A_395 = arith.constant 33 : i32
      %parallel_loop3A_396 = vector.broadcast %parallel_loop3A_395 : i32 to vector<16xi32>
      %parallel_loop3A_397 = tpu.vector_load_idx %arg6[%parallel_loop3A_396, %parallel_loop3A_103] : memref<64x1000xf32, #tpu.memory_space<vmem>>[vector<16xi32>, vector<16xi32>], vector<16xf32>,
      %parallel_loop3A_398 = arith.constant 34 : i32
      %parallel_loop3A_399 = vector.broadcast %parallel_loop3A_398 : i32 to vector<16xi32>
      %parallel_loop3A_400 = tpu.vector_load_idx %arg6[%parallel_loop3A_399, %parallel_loop3A_103] : memref<64x1000xf32, #tpu.memory_space<vmem>>[vector<16xi32>, vector<16xi32>], vector<16xf32>,
      %parallel_loop3A_401 = arith.constant 35 : i32
      %parallel_loop3A_402 = vector.broadcast %parallel_loop3A_401 : i32 to vector<16xi32>
      %parallel_loop3A_403 = tpu.vector_load_idx %arg6[%parallel_loop3A_402, %parallel_loop3A_103] : memref<64x1000xf32, #tpu.memory_space<vmem>>[vector<16xi32>, vector<16xi32>], vector<16xf32>,
      %parallel_loop3A_404 = arith.constant 0 : i32
      %parallel_loop3A_405 = arith.constant 32 : i32
      %parallel_loop3A_406 = arith.index_cast %parallel_loop3A_404 : i32 to index
      %parallel_loop3A_407 = arith.index_cast %parallel_loop3A_405 : i32 to index
      %parallel_loop3A_408 = arith.index_cast %parallel_loop3A_97 : i32 to index
      %parallel_loop3A_409 = tpu.vector_load %arg7[%parallel_loop3A_406, %parallel_loop3A_407, %parallel_loop3A_408] {strides = array<i32>} : memref<2x64x256xf32, #tpu.memory_space<vmem>>, vector<16xf32>,
      tpu.vector_store %arg7[%parallel_loop3A_406, %parallel_loop3A_407, %parallel_loop3A_408], %parallel_loop3A_394 {strides = array<i32>} : memref<2x64x256xf32, #tpu.memory_space<vmem>>, vector<16xf32>,
      %parallel_loop3A_410 = arith.constant 0 : i32
      %parallel_loop3A_411 = arith.constant 33 : i32
      %parallel_loop3A_412 = arith.index_cast %parallel_loop3A_410 : i32 to index
      %parallel_loop3A_413 = arith.index_cast %parallel_loop3A_411 : i32 to index
      %parallel_loop3A_414 = arith.index_cast %parallel_loop3A_97 : i32 to index
      %parallel_loop3A_415 = tpu.vector_load %arg7[%parallel_loop3A_412, %parallel_loop3A_413, %parallel_loop3A_414] {strides = array<i32>} : memref<2x64x256xf32, #tpu.memory_space<vmem>>, vector<16xf32>,
      tpu.vector_store %arg7[%parallel_loop3A_412, %parallel_loop3A_413, %parallel_loop3A_414], %parallel_loop3A_397 {strides = array<i32>} : memref<2x64x256xf32, #tpu.memory_space<vmem>>, vector<16xf32>,
      %parallel_loop3A_416 = arith.constant 0 : i32
      %parallel_loop3A_417 = arith.constant 34 : i32
      %parallel_loop3A_418 = arith.index_cast %parallel_loop3A_416 : i32 to index
      %parallel_loop3A_419 = arith.index_cast %parallel_loop3A_417 : i32 to index
      %parallel_loop3A_420 = arith.index_cast %parallel_loop3A_97 : i32 to index
      %parallel_loop3A_421 = tpu.vector_load %arg7[%parallel_loop3A_418, %parallel_loop3A_419, %parallel_loop3A_420] {strides = array<i32>} : memref<2x64x256xf32, #tpu.memory_space<vmem>>, vector<16xf32>,
      tpu.vector_store %arg7[%parallel_loop3A_418, %parallel_loop3A_419, %parallel_loop3A_420], %parallel_loop3A_400 {strides = array<i32>} : memref<2x64x256xf32, #tpu.memory_space<vmem>>, vector<16xf32>,
      %parallel_loop3A_422 = arith.constant 0 : i32
      %parallel_loop3A_423 = arith.constant 35 : i32
      %parallel_loop3A_424 = arith.index_cast %parallel_loop3A_422 : i32 to index
      %parallel_loop3A_425 = arith.index_cast %parallel_loop3A_423 : i32 to index
      %parallel_loop3A_426 = arith.index_cast %parallel_loop3A_97 : i32 to index
      %parallel_loop3A_427 = tpu.vector_load %arg7[%parallel_loop3A_424, %parallel_loop3A_425, %parallel_loop3A_426] {strides = array<i32>} : memref<2x64x256xf32, #tpu.memory_space<vmem>>, vector<16xf32>,
      tpu.vector_store %arg7[%parallel_loop3A_424, %parallel_loop3A_425, %parallel_loop3A_426], %parallel_loop3A_403 {strides = array<i32>} : memref<2x64x256xf32, #tpu.memory_space<vmem>>, vector<16xf32>,
      %parallel_loop3A_428 = arith.constant 36 : i32
      %parallel_loop3A_429 = vector.broadcast %parallel_loop3A_428 : i32 to vector<16xi32>
      %parallel_loop3A_430 = tpu.vector_load_idx %arg6[%parallel_loop3A_429, %parallel_loop3A_103] : memref<64x1000xf32, #tpu.memory_space<vmem>>[vector<16xi32>, vector<16xi32>], vector<16xf32>,
      %parallel_loop3A_431 = arith.constant 37 : i32
      %parallel_loop3A_432 = vector.broadcast %parallel_loop3A_431 : i32 to vector<16xi32>
      %parallel_loop3A_433 = tpu.vector_load_idx %arg6[%parallel_loop3A_432, %parallel_loop3A_103] : memref<64x1000xf32, #tpu.memory_space<vmem>>[vector<16xi32>, vector<16xi32>], vector<16xf32>,
      %parallel_loop3A_434 = arith.constant 38 : i32
      %parallel_loop3A_435 = vector.broadcast %parallel_loop3A_434 : i32 to vector<16xi32>
      %parallel_loop3A_436 = tpu.vector_load_idx %arg6[%parallel_loop3A_435, %parallel_loop3A_103] : memref<64x1000xf32, #tpu.memory_space<vmem>>[vector<16xi32>, vector<16xi32>], vector<16xf32>,
      %parallel_loop3A_437 = arith.constant 39 : i32
      %parallel_loop3A_438 = vector.broadcast %parallel_loop3A_437 : i32 to vector<16xi32>
      %parallel_loop3A_439 = tpu.vector_load_idx %arg6[%parallel_loop3A_438, %parallel_loop3A_103] : memref<64x1000xf32, #tpu.memory_space<vmem>>[vector<16xi32>, vector<16xi32>], vector<16xf32>,
      %parallel_loop3A_440 = arith.constant 0 : i32
      %parallel_loop3A_441 = arith.constant 36 : i32
      %parallel_loop3A_442 = arith.index_cast %parallel_loop3A_440 : i32 to index
      %parallel_loop3A_443 = arith.index_cast %parallel_loop3A_441 : i32 to index
      %parallel_loop3A_444 = arith.index_cast %parallel_loop3A_97 : i32 to index
      %parallel_loop3A_445 = tpu.vector_load %arg7[%parallel_loop3A_442, %parallel_loop3A_443, %parallel_loop3A_444] {strides = array<i32>} : memref<2x64x256xf32, #tpu.memory_space<vmem>>, vector<16xf32>,
      tpu.vector_store %arg7[%parallel_loop3A_442, %parallel_loop3A_443, %parallel_loop3A_444], %parallel_loop3A_430 {strides = array<i32>} : memref<2x64x256xf32, #tpu.memory_space<vmem>>, vector<16xf32>,
      %parallel_loop3A_446 = arith.constant 0 : i32
      %parallel_loop3A_447 = arith.constant 37 : i32
      %parallel_loop3A_448 = arith.index_cast %parallel_loop3A_446 : i32 to index
      %parallel_loop3A_449 = arith.index_cast %parallel_loop3A_447 : i32 to index
      %parallel_loop3A_450 = arith.index_cast %parallel_loop3A_97 : i32 to index
      %parallel_loop3A_451 = tpu.vector_load %arg7[%parallel_loop3A_448, %parallel_loop3A_449, %parallel_loop3A_450] {strides = array<i32>} : memref<2x64x256xf32, #tpu.memory_space<vmem>>, vector<16xf32>,
      tpu.vector_store %arg7[%parallel_loop3A_448, %parallel_loop3A_449, %parallel_loop3A_450], %parallel_loop3A_433 {strides = array<i32>} : memref<2x64x256xf32, #tpu.memory_space<vmem>>, vector<16xf32>,
      %parallel_loop3A_452 = arith.constant 0 : i32
      %parallel_loop3A_453 = arith.constant 38 : i32
      %parallel_loop3A_454 = arith.index_cast %parallel_loop3A_452 : i32 to index
      %parallel_loop3A_455 = arith.index_cast %parallel_loop3A_453 : i32 to index
      %parallel_loop3A_456 = arith.index_cast %parallel_loop3A_97 : i32 to index
      %parallel_loop3A_457 = tpu.vector_load %arg7[%parallel_loop3A_454, %parallel_loop3A_455, %parallel_loop3A_456] {strides = array<i32>} : memref<2x64x256xf32, #tpu.memory_space<vmem>>, vector<16xf32>,
      tpu.vector_store %arg7[%parallel_loop3A_454, %parallel_loop3A_455, %parallel_loop3A_456], %parallel_loop3A_436 {strides = array<i32>} : memref<2x64x256xf32, #tpu.memory_space<vmem>>, vector<16xf32>,
      %parallel_loop3A_458 = arith.constant 0 : i32
      %parallel_loop3A_459 = arith.constant 39 : i32
      %parallel_loop3A_460 = arith.index_cast %parallel_loop3A_458 : i32 to index
      %parallel_loop3A_461 = arith.index_cast %parallel_loop3A_459 : i32 to index
      %parallel_loop3A_462 = arith.index_cast %parallel_loop3A_97 : i32 to index
      %parallel_loop3A_463 = tpu.vector_load %arg7[%parallel_loop3A_460, %parallel_loop3A_461, %parallel_loop3A_462] {strides = array<i32>} : memref<2x64x256xf32, #tpu.memory_space<vmem>>, vector<16xf32>,
      tpu.vector_store %arg7[%parallel_loop3A_460, %parallel_loop3A_461, %parallel_loop3A_462], %parallel_loop3A_439 {strides = array<i32>} : memref<2x64x256xf32, #tpu.memory_space<vmem>>, vector<16xf32>,
      %parallel_loop3A_464 = arith.constant 40 : i32
      %parallel_loop3A_465 = vector.broadcast %parallel_loop3A_464 : i32 to vector<16xi32>
      %parallel_loop3A_466 = tpu.vector_load_idx %arg6[%parallel_loop3A_465, %parallel_loop3A_103] : memref<64x1000xf32, #tpu.memory_space<vmem>>[vector<16xi32>, vector<16xi32>], vector<16xf32>,
      %parallel_loop3A_467 = arith.constant 41 : i32
      %parallel_loop3A_468 = vector.broadcast %parallel_loop3A_467 : i32 to vector<16xi32>
      %parallel_loop3A_469 = tpu.vector_load_idx %arg6[%parallel_loop3A_468, %parallel_loop3A_103] : memref<64x1000xf32, #tpu.memory_space<vmem>>[vector<16xi32>, vector<16xi32>], vector<16xf32>,
      %parallel_loop3A_470 = arith.constant 42 : i32
      %parallel_loop3A_471 = vector.broadcast %parallel_loop3A_470 : i32 to vector<16xi32>
      %parallel_loop3A_472 = tpu.vector_load_idx %arg6[%parallel_loop3A_471, %parallel_loop3A_103] : memref<64x1000xf32, #tpu.memory_space<vmem>>[vector<16xi32>, vector<16xi32>], vector<16xf32>,
      %parallel_loop3A_473 = arith.constant 43 : i32
      %parallel_loop3A_474 = vector.broadcast %parallel_loop3A_473 : i32 to vector<16xi32>
      %parallel_loop3A_475 = tpu.vector_load_idx %arg6[%parallel_loop3A_474, %parallel_loop3A_103] : memref<64x1000xf32, #tpu.memory_space<vmem>>[vector<16xi32>, vector<16xi32>], vector<16xf32>,
      %parallel_loop3A_476 = arith.constant 0 : i32
      %parallel_loop3A_477 = arith.constant 40 : i32
      %parallel_loop3A_478 = arith.index_cast %parallel_loop3A_476 : i32 to index
      %parallel_loop3A_479 = arith.index_cast %parallel_loop3A_477 : i32 to index
      %parallel_loop3A_480 = arith.index_cast %parallel_loop3A_97 : i32 to index
      %parallel_loop3A_481 = tpu.vector_load %arg7[%parallel_loop3A_478, %parallel_loop3A_479, %parallel_loop3A_480] {strides = array<i32>} : memref<2x64x256xf32, #tpu.memory_space<vmem>>, vector<16xf32>,
      tpu.vector_store %arg7[%parallel_loop3A_478, %parallel_loop3A_479, %parallel_loop3A_480], %parallel_loop3A_466 {strides = array<i32>} : memref<2x64x256xf32, #tpu.memory_space<vmem>>, vector<16xf32>,
      %parallel_loop3A_482 = arith.constant 0 : i32
      %parallel_loop3A_483 = arith.constant 41 : i32
      %parallel_loop3A_484 = arith.index_cast %parallel_loop3A_482 : i32 to index
      %parallel_loop3A_485 = arith.index_cast %parallel_loop3A_483 : i32 to index
      %parallel_loop3A_486 = arith.index_cast %parallel_loop3A_97 : i32 to index
      %parallel_loop3A_487 = tpu.vector_load %arg7[%parallel_loop3A_484, %parallel_loop3A_485, %parallel_loop3A_486] {strides = array<i32>} : memref<2x64x256xf32, #tpu.memory_space<vmem>>, vector<16xf32>,
      tpu.vector_store %arg7[%parallel_loop3A_484, %parallel_loop3A_485, %parallel_loop3A_486], %parallel_loop3A_469 {strides = array<i32>} : memref<2x64x256xf32, #tpu.memory_space<vmem>>, vector<16xf32>,
      %parallel_loop3A_488 = arith.constant 0 : i32
      %parallel_loop3A_489 = arith.constant 42 : i32
      %parallel_loop3A_490 = arith.index_cast %parallel_loop3A_488 : i32 to index
      %parallel_loop3A_491 = arith.index_cast %parallel_loop3A_489 : i32 to index
      %parallel_loop3A_492 = arith.index_cast %parallel_loop3A_97 : i32 to index
      %parallel_loop3A_493 = tpu.vector_load %arg7[%parallel_loop3A_490, %parallel_loop3A_491, %parallel_loop3A_492] {strides = array<i32>} : memref<2x64x256xf32, #tpu.memory_space<vmem>>, vector<16xf32>,
      tpu.vector_store %arg7[%parallel_loop3A_490, %parallel_loop3A_491, %parallel_loop3A_492], %parallel_loop3A_472 {strides = array<i32>} : memref<2x64x256xf32, #tpu.memory_space<vmem>>, vector<16xf32>,
      %parallel_loop3A_494 = arith.constant 0 : i32
      %parallel_loop3A_495 = arith.constant 43 : i32
      %parallel_loop3A_496 = arith.index_cast %parallel_loop3A_494 : i32 to index
      %parallel_loop3A_497 = arith.index_cast %parallel_loop3A_495 : i32 to index
      %parallel_loop3A_498 = arith.index_cast %parallel_loop3A_97 : i32 to index
      %parallel_loop3A_499 = tpu.vector_load %arg7[%parallel_loop3A_496, %parallel_loop3A_497, %parallel_loop3A_498] {strides = array<i32>} : memref<2x64x256xf32, #tpu.memory_space<vmem>>, vector<16xf32>,
      tpu.vector_store %arg7[%parallel_loop3A_496, %parallel_loop3A_497, %parallel_loop3A_498], %parallel_loop3A_475 {strides = array<i32>} : memref<2x64x256xf32, #tpu.memory_space<vmem>>, vector<16xf32>,
      %parallel_loop3A_500 = arith.constant 44 : i32
      %parallel_loop3A_501 = vector.broadcast %parallel_loop3A_500 : i32 to vector<16xi32>
      %parallel_loop3A_502 = tpu.vector_load_idx %arg6[%parallel_loop3A_501, %parallel_loop3A_103] : memref<64x1000xf32, #tpu.memory_space<vmem>>[vector<16xi32>, vector<16xi32>], vector<16xf32>,
      %parallel_loop3A_503 = arith.constant 45 : i32
      %parallel_loop3A_504 = vector.broadcast %parallel_loop3A_503 : i32 to vector<16xi32>
      %parallel_loop3A_505 = tpu.vector_load_idx %arg6[%parallel_loop3A_504, %parallel_loop3A_103] : memref<64x1000xf32, #tpu.memory_space<vmem>>[vector<16xi32>, vector<16xi32>], vector<16xf32>,
      %parallel_loop3A_506 = arith.constant 46 : i32
      %parallel_loop3A_507 = vector.broadcast %parallel_loop3A_506 : i32 to vector<16xi32>
      %parallel_loop3A_508 = tpu.vector_load_idx %arg6[%parallel_loop3A_507, %parallel_loop3A_103] : memref<64x1000xf32, #tpu.memory_space<vmem>>[vector<16xi32>, vector<16xi32>], vector<16xf32>,
      %parallel_loop3A_509 = arith.constant 47 : i32
      %parallel_loop3A_510 = vector.broadcast %parallel_loop3A_509 : i32 to vector<16xi32>
      %parallel_loop3A_511 = tpu.vector_load_idx %arg6[%parallel_loop3A_510, %parallel_loop3A_103] : memref<64x1000xf32, #tpu.memory_space<vmem>>[vector<16xi32>, vector<16xi32>], vector<16xf32>,
      %parallel_loop3A_512 = arith.constant 0 : i32
      %parallel_loop3A_513 = arith.constant 44 : i32
      %parallel_loop3A_514 = arith.index_cast %parallel_loop3A_512 : i32 to index
      %parallel_loop3A_515 = arith.index_cast %parallel_loop3A_513 : i32 to index
      %parallel_loop3A_516 = arith.index_cast %parallel_loop3A_97 : i32 to index
      %parallel_loop3A_517 = tpu.vector_load %arg7[%parallel_loop3A_514, %parallel_loop3A_515, %parallel_loop3A_516] {strides = array<i32>} : memref<2x64x256xf32, #tpu.memory_space<vmem>>, vector<16xf32>,
      tpu.vector_store %arg7[%parallel_loop3A_514, %parallel_loop3A_515, %parallel_loop3A_516], %parallel_loop3A_502 {strides = array<i32>} : memref<2x64x256xf32, #tpu.memory_space<vmem>>, vector<16xf32>,
      %parallel_loop3A_518 = arith.constant 0 : i32
      %parallel_loop3A_519 = arith.constant 45 : i32
      %parallel_loop3A_520 = arith.index_cast %parallel_loop3A_518 : i32 to index
      %parallel_loop3A_521 = arith.index_cast %parallel_loop3A_519 : i32 to index
      %parallel_loop3A_522 = arith.index_cast %parallel_loop3A_97 : i32 to index
      %parallel_loop3A_523 = tpu.vector_load %arg7[%parallel_loop3A_520, %parallel_loop3A_521, %parallel_loop3A_522] {strides = array<i32>} : memref<2x64x256xf32, #tpu.memory_space<vmem>>, vector<16xf32>,
      tpu.vector_store %arg7[%parallel_loop3A_520, %parallel_loop3A_521, %parallel_loop3A_522], %parallel_loop3A_505 {strides = array<i32>} : memref<2x64x256xf32, #tpu.memory_space<vmem>>, vector<16xf32>,
      %parallel_loop3A_524 = arith.constant 0 : i32
      %parallel_loop3A_525 = arith.constant 46 : i32
      %parallel_loop3A_526 = arith.index_cast %parallel_loop3A_524 : i32 to index
      %parallel_loop3A_527 = arith.index_cast %parallel_loop3A_525 : i32 to index
      %parallel_loop3A_528 = arith.index_cast %parallel_loop3A_97 : i32 to index
      %parallel_loop3A_529 = tpu.vector_load %arg7[%parallel_loop3A_526, %parallel_loop3A_527, %parallel_loop3A_528] {strides = array<i32>} : memref<2x64x256xf32, #tpu.memory_space<vmem>>, vector<16xf32>,
      tpu.vector_store %arg7[%parallel_loop3A_526, %parallel_loop3A_527, %parallel_loop3A_528], %parallel_loop3A_508 {strides = array<i32>} : memref<2x64x256xf32, #tpu.memory_space<vmem>>, vector<16xf32>,
      %parallel_loop3A_530 = arith.constant 0 : i32
      %parallel_loop3A_531 = arith.constant 47 : i32
      %parallel_loop3A_532 = arith.index_cast %parallel_loop3A_530 : i32 to index
      %parallel_loop3A_533 = arith.index_cast %parallel_loop3A_531 : i32 to index
      %parallel_loop3A_534 = arith.index_cast %parallel_loop3A_97 : i32 to index
      %parallel_loop3A_535 = tpu.vector_load %arg7[%parallel_loop3A_532, %parallel_loop3A_533, %parallel_loop3A_534] {strides = array<i32>} : memref<2x64x256xf32, #tpu.memory_space<vmem>>, vector<16xf32>,
      tpu.vector_store %arg7[%parallel_loop3A_532, %parallel_loop3A_533, %parallel_loop3A_534], %parallel_loop3A_511 {strides = array<i32>} : memref<2x64x256xf32, #tpu.memory_space<vmem>>, vector<16xf32>,
      %parallel_loop3A_536 = arith.constant 48 : i32
      %parallel_loop3A_537 = vector.broadcast %parallel_loop3A_536 : i32 to vector<16xi32>
      %parallel_loop3A_538 = tpu.vector_load_idx %arg6[%parallel_loop3A_537, %parallel_loop3A_103] : memref<64x1000xf32, #tpu.memory_space<vmem>>[vector<16xi32>, vector<16xi32>], vector<16xf32>,
      %parallel_loop3A_539 = arith.constant 49 : i32
      %parallel_loop3A_540 = vector.broadcast %parallel_loop3A_539 : i32 to vector<16xi32>
      %parallel_loop3A_541 = tpu.vector_load_idx %arg6[%parallel_loop3A_540, %parallel_loop3A_103] : memref<64x1000xf32, #tpu.memory_space<vmem>>[vector<16xi32>, vector<16xi32>], vector<16xf32>,
      %parallel_loop3A_542 = arith.constant 50 : i32
      %parallel_loop3A_543 = vector.broadcast %parallel_loop3A_542 : i32 to vector<16xi32>
      %parallel_loop3A_544 = tpu.vector_load_idx %arg6[%parallel_loop3A_543, %parallel_loop3A_103] : memref<64x1000xf32, #tpu.memory_space<vmem>>[vector<16xi32>, vector<16xi32>], vector<16xf32>,
      %parallel_loop3A_545 = arith.constant 51 : i32
      %parallel_loop3A_546 = vector.broadcast %parallel_loop3A_545 : i32 to vector<16xi32>
      %parallel_loop3A_547 = tpu.vector_load_idx %arg6[%parallel_loop3A_546, %parallel_loop3A_103] : memref<64x1000xf32, #tpu.memory_space<vmem>>[vector<16xi32>, vector<16xi32>], vector<16xf32>,
      %parallel_loop3A_548 = arith.constant 0 : i32
      %parallel_loop3A_549 = arith.constant 48 : i32
      %parallel_loop3A_550 = arith.index_cast %parallel_loop3A_548 : i32 to index
      %parallel_loop3A_551 = arith.index_cast %parallel_loop3A_549 : i32 to index
      %parallel_loop3A_552 = arith.index_cast %parallel_loop3A_97 : i32 to index
      %parallel_loop3A_553 = tpu.vector_load %arg7[%parallel_loop3A_550, %parallel_loop3A_551, %parallel_loop3A_552] {strides = array<i32>} : memref<2x64x256xf32, #tpu.memory_space<vmem>>, vector<16xf32>,
      tpu.vector_store %arg7[%parallel_loop3A_550, %parallel_loop3A_551, %parallel_loop3A_552], %parallel_loop3A_538 {strides = array<i32>} : memref<2x64x256xf32, #tpu.memory_space<vmem>>, vector<16xf32>,
      %parallel_loop3A_554 = arith.constant 0 : i32
      %parallel_loop3A_555 = arith.constant 49 : i32
      %parallel_loop3A_556 = arith.index_cast %parallel_loop3A_554 : i32 to index
      %parallel_loop3A_557 = arith.index_cast %parallel_loop3A_555 : i32 to index
      %parallel_loop3A_558 = arith.index_cast %parallel_loop3A_97 : i32 to index
      %parallel_loop3A_559 = tpu.vector_load %arg7[%parallel_loop3A_556, %parallel_loop3A_557, %parallel_loop3A_558] {strides = array<i32>} : memref<2x64x256xf32, #tpu.memory_space<vmem>>, vector<16xf32>,
      tpu.vector_store %arg7[%parallel_loop3A_556, %parallel_loop3A_557, %parallel_loop3A_558], %parallel_loop3A_541 {strides = array<i32>} : memref<2x64x256xf32, #tpu.memory_space<vmem>>, vector<16xf32>,
      %parallel_loop3A_560 = arith.constant 0 : i32
      %parallel_loop3A_561 = arith.constant 50 : i32
      %parallel_loop3A_562 = arith.index_cast %parallel_loop3A_560 : i32 to index
      %parallel_loop3A_563 = arith.index_cast %parallel_loop3A_561 : i32 to index
      %parallel_loop3A_564 = arith.index_cast %parallel_loop3A_97 : i32 to index
      %parallel_loop3A_565 = tpu.vector_load %arg7[%parallel_loop3A_562, %parallel_loop3A_563, %parallel_loop3A_564] {strides = array<i32>} : memref<2x64x256xf32, #tpu.memory_space<vmem>>, vector<16xf32>,
      tpu.vector_store %arg7[%parallel_loop3A_562, %parallel_loop3A_563, %parallel_loop3A_564], %parallel_loop3A_544 {strides = array<i32>} : memref<2x64x256xf32, #tpu.memory_space<vmem>>, vector<16xf32>,
      %parallel_loop3A_566 = arith.constant 0 : i32
      %parallel_loop3A_567 = arith.constant 51 : i32
      %parallel_loop3A_568 = arith.index_cast %parallel_loop3A_566 : i32 to index
      %parallel_loop3A_569 = arith.index_cast %parallel_loop3A_567 : i32 to index
      %parallel_loop3A_570 = arith.index_cast %parallel_loop3A_97 : i32 to index
      %parallel_loop3A_571 = tpu.vector_load %arg7[%parallel_loop3A_568, %parallel_loop3A_569, %parallel_loop3A_570] {strides = array<i32>} : memref<2x64x256xf32, #tpu.memory_space<vmem>>, vector<16xf32>,
      tpu.vector_store %arg7[%parallel_loop3A_568, %parallel_loop3A_569, %parallel_loop3A_570], %parallel_loop3A_547 {strides = array<i32>} : memref<2x64x256xf32, #tpu.memory_space<vmem>>, vector<16xf32>,
      %parallel_loop3A_572 = arith.constant 52 : i32
      %parallel_loop3A_573 = vector.broadcast %parallel_loop3A_572 : i32 to vector<16xi32>
      %parallel_loop3A_574 = tpu.vector_load_idx %arg6[%parallel_loop3A_573, %parallel_loop3A_103] : memref<64x1000xf32, #tpu.memory_space<vmem>>[vector<16xi32>, vector<16xi32>], vector<16xf32>,
      %parallel_loop3A_575 = arith.constant 53 : i32
      %parallel_loop3A_576 = vector.broadcast %parallel_loop3A_575 : i32 to vector<16xi32>
      %parallel_loop3A_577 = tpu.vector_load_idx %arg6[%parallel_loop3A_576, %parallel_loop3A_103] : memref<64x1000xf32, #tpu.memory_space<vmem>>[vector<16xi32>, vector<16xi32>], vector<16xf32>,
      %parallel_loop3A_578 = arith.constant 54 : i32
      %parallel_loop3A_579 = vector.broadcast %parallel_loop3A_578 : i32 to vector<16xi32>
      %parallel_loop3A_580 = tpu.vector_load_idx %arg6[%parallel_loop3A_579, %parallel_loop3A_103] : memref<64x1000xf32, #tpu.memory_space<vmem>>[vector<16xi32>, vector<16xi32>], vector<16xf32>,
      %parallel_loop3A_581 = arith.constant 55 : i32
      %parallel_loop3A_582 = vector.broadcast %parallel_loop3A_581 : i32 to vector<16xi32>
      %parallel_loop3A_583 = tpu.vector_load_idx %arg6[%parallel_loop3A_582, %parallel_loop3A_103] : memref<64x1000xf32, #tpu.memory_space<vmem>>[vector<16xi32>, vector<16xi32>], vector<16xf32>,
      %parallel_loop3A_584 = arith.constant 0 : i32
      %parallel_loop3A_585 = arith.constant 52 : i32
      %parallel_loop3A_586 = arith.index_cast %parallel_loop3A_584 : i32 to index
      %parallel_loop3A_587 = arith.index_cast %parallel_loop3A_585 : i32 to index
      %parallel_loop3A_588 = arith.index_cast %parallel_loop3A_97 : i32 to index
      %parallel_loop3A_589 = tpu.vector_load %arg7[%parallel_loop3A_586, %parallel_loop3A_587, %parallel_loop3A_588] {strides = array<i32>} : memref<2x64x256xf32, #tpu.memory_space<vmem>>, vector<16xf32>,
      tpu.vector_store %arg7[%parallel_loop3A_586, %parallel_loop3A_587, %parallel_loop3A_588], %parallel_loop3A_574 {strides = array<i32>} : memref<2x64x256xf32, #tpu.memory_space<vmem>>, vector<16xf32>,
      %parallel_loop3A_590 = arith.constant 0 : i32
      %parallel_loop3A_591 = arith.constant 53 : i32
      %parallel_loop3A_592 = arith.index_cast %parallel_loop3A_590 : i32 to index
      %parallel_loop3A_593 = arith.index_cast %parallel_loop3A_591 : i32 to index
      %parallel_loop3A_594 = arith.index_cast %parallel_loop3A_97 : i32 to index
      %parallel_loop3A_595 = tpu.vector_load %arg7[%parallel_loop3A_592, %parallel_loop3A_593, %parallel_loop3A_594] {strides = array<i32>} : memref<2x64x256xf32, #tpu.memory_space<vmem>>, vector<16xf32>,
      tpu.vector_store %arg7[%parallel_loop3A_592, %parallel_loop3A_593, %parallel_loop3A_594], %parallel_loop3A_577 {strides = array<i32>} : memref<2x64x256xf32, #tpu.memory_space<vmem>>, vector<16xf32>,
      %parallel_loop3A_596 = arith.constant 0 : i32
      %parallel_loop3A_597 = arith.constant 54 : i32
      %parallel_loop3A_598 = arith.index_cast %parallel_loop3A_596 : i32 to index
      %parallel_loop3A_599 = arith.index_cast %parallel_loop3A_597 : i32 to index
      %parallel_loop3A_600 = arith.index_cast %parallel_loop3A_97 : i32 to index
      %parallel_loop3A_601 = tpu.vector_load %arg7[%parallel_loop3A_598, %parallel_loop3A_599, %parallel_loop3A_600] {strides = array<i32>} : memref<2x64x256xf32, #tpu.memory_space<vmem>>, vector<16xf32>,
      tpu.vector_store %arg7[%parallel_loop3A_598, %parallel_loop3A_599, %parallel_loop3A_600], %parallel_loop3A_580 {strides = array<i32>} : memref<2x64x256xf32, #tpu.memory_space<vmem>>, vector<16xf32>,
      %parallel_loop3A_602 = arith.constant 0 : i32
      %parallel_loop3A_603 = arith.constant 55 : i32
      %parallel_loop3A_604 = arith.index_cast %parallel_loop3A_602 : i32 to index
      %parallel_loop3A_605 = arith.index_cast %parallel_loop3A_603 : i32 to index
      %parallel_loop3A_606 = arith.index_cast %parallel_loop3A_97 : i32 to index
      %parallel_loop3A_607 = tpu.vector_load %arg7[%parallel_loop3A_604, %parallel_loop3A_605, %parallel_loop3A_606] {strides = array<i32>} : memref<2x64x256xf32, #tpu.memory_space<vmem>>, vector<16xf32>,
      tpu.vector_store %arg7[%parallel_loop3A_604, %parallel_loop3A_605, %parallel_loop3A_606], %parallel_loop3A_583 {strides = array<i32>} : memref<2x64x256xf32, #tpu.memory_space<vmem>>, vector<16xf32>,
      %parallel_loop3A_608 = arith.constant 56 : i32
      %parallel_loop3A_609 = vector.broadcast %parallel_loop3A_608 : i32 to vector<16xi32>
      %parallel_loop3A_610 = tpu.vector_load_idx %arg6[%parallel_loop3A_609, %parallel_loop3A_103] : memref<64x1000xf32, #tpu.memory_space<vmem>>[vector<16xi32>, vector<16xi32>], vector<16xf32>,
      %parallel_loop3A_611 = arith.constant 57 : i32
      %parallel_loop3A_612 = vector.broadcast %parallel_loop3A_611 : i32 to vector<16xi32>
      %parallel_loop3A_613 = tpu.vector_load_idx %arg6[%parallel_loop3A_612, %parallel_loop3A_103] : memref<64x1000xf32, #tpu.memory_space<vmem>>[vector<16xi32>, vector<16xi32>], vector<16xf32>,
      %parallel_loop3A_614 = arith.constant 58 : i32
      %parallel_loop3A_615 = vector.broadcast %parallel_loop3A_614 : i32 to vector<16xi32>
      %parallel_loop3A_616 = tpu.vector_load_idx %arg6[%parallel_loop3A_615, %parallel_loop3A_103] : memref<64x1000xf32, #tpu.memory_space<vmem>>[vector<16xi32>, vector<16xi32>], vector<16xf32>,
      %parallel_loop3A_617 = arith.constant 59 : i32
      %parallel_loop3A_618 = vector.broadcast %parallel_loop3A_617 : i32 to vector<16xi32>
      %parallel_loop3A_619 = tpu.vector_load_idx %arg6[%parallel_loop3A_618, %parallel_loop3A_103] : memref<64x1000xf32, #tpu.memory_space<vmem>>[vector<16xi32>, vector<16xi32>], vector<16xf32>,
      %parallel_loop3A_620 = arith.constant 0 : i32
      %parallel_loop3A_621 = arith.constant 56 : i32
      %parallel_loop3A_622 = arith.index_cast %parallel_loop3A_620 : i32 to index
      %parallel_loop3A_623 = arith.index_cast %parallel_loop3A_621 : i32 to index
      %parallel_loop3A_624 = arith.index_cast %parallel_loop3A_97 : i32 to index
      %parallel_loop3A_625 = tpu.vector_load %arg7[%parallel_loop3A_622, %parallel_loop3A_623, %parallel_loop3A_624] {strides = array<i32>} : memref<2x64x256xf32, #tpu.memory_space<vmem>>, vector<16xf32>,
      tpu.vector_store %arg7[%parallel_loop3A_622, %parallel_loop3A_623, %parallel_loop3A_624], %parallel_loop3A_610 {strides = array<i32>} : memref<2x64x256xf32, #tpu.memory_space<vmem>>, vector<16xf32>,
      %parallel_loop3A_626 = arith.constant 0 : i32
      %parallel_loop3A_627 = arith.constant 57 : i32
      %parallel_loop3A_628 = arith.index_cast %parallel_loop3A_626 : i32 to index
      %parallel_loop3A_629 = arith.index_cast %parallel_loop3A_627 : i32 to index
      %parallel_loop3A_630 = arith.index_cast %parallel_loop3A_97 : i32 to index
      %parallel_loop3A_631 = tpu.vector_load %arg7[%parallel_loop3A_628, %parallel_loop3A_629, %parallel_loop3A_630] {strides = array<i32>} : memref<2x64x256xf32, #tpu.memory_space<vmem>>, vector<16xf32>,
      tpu.vector_store %arg7[%parallel_loop3A_628, %parallel_loop3A_629, %parallel_loop3A_630], %parallel_loop3A_613 {strides = array<i32>} : memref<2x64x256xf32, #tpu.memory_space<vmem>>, vector<16xf32>,
      %parallel_loop3A_632 = arith.constant 0 : i32
      %parallel_loop3A_633 = arith.constant 58 : i32
      %parallel_loop3A_634 = arith.index_cast %parallel_loop3A_632 : i32 to index
      %parallel_loop3A_635 = arith.index_cast %parallel_loop3A_633 : i32 to index
      %parallel_loop3A_636 = arith.index_cast %parallel_loop3A_97 : i32 to index
      %parallel_loop3A_637 = tpu.vector_load %arg7[%parallel_loop3A_634, %parallel_loop3A_635, %parallel_loop3A_636] {strides = array<i32>} : memref<2x64x256xf32, #tpu.memory_space<vmem>>, vector<16xf32>,
      tpu.vector_store %arg7[%parallel_loop3A_634, %parallel_loop3A_635, %parallel_loop3A_636], %parallel_loop3A_616 {strides = array<i32>} : memref<2x64x256xf32, #tpu.memory_space<vmem>>, vector<16xf32>,
      %parallel_loop3A_638 = arith.constant 0 : i32
      %parallel_loop3A_639 = arith.constant 59 : i32
      %parallel_loop3A_640 = arith.index_cast %parallel_loop3A_638 : i32 to index
      %parallel_loop3A_641 = arith.index_cast %parallel_loop3A_639 : i32 to index
      %parallel_loop3A_642 = arith.index_cast %parallel_loop3A_97 : i32 to index
      %parallel_loop3A_643 = tpu.vector_load %arg7[%parallel_loop3A_640, %parallel_loop3A_641, %parallel_loop3A_642] {strides = array<i32>} : memref<2x64x256xf32, #tpu.memory_space<vmem>>, vector<16xf32>,
      tpu.vector_store %arg7[%parallel_loop3A_640, %parallel_loop3A_641, %parallel_loop3A_642], %parallel_loop3A_619 {strides = array<i32>} : memref<2x64x256xf32, #tpu.memory_space<vmem>>, vector<16xf32>,
      %parallel_loop3A_644 = arith.constant 60 : i32
      %parallel_loop3A_645 = vector.broadcast %parallel_loop3A_644 : i32 to vector<16xi32>
      %parallel_loop3A_646 = tpu.vector_load_idx %arg6[%parallel_loop3A_645, %parallel_loop3A_103] : memref<64x1000xf32, #tpu.memory_space<vmem>>[vector<16xi32>, vector<16xi32>], vector<16xf32>,
      %parallel_loop3A_647 = arith.constant 61 : i32
      %parallel_loop3A_648 = vector.broadcast %parallel_loop3A_647 : i32 to vector<16xi32>
      %parallel_loop3A_649 = tpu.vector_load_idx %arg6[%parallel_loop3A_648, %parallel_loop3A_103] : memref<64x1000xf32, #tpu.memory_space<vmem>>[vector<16xi32>, vector<16xi32>], vector<16xf32>,
      %parallel_loop3A_650 = arith.constant 62 : i32
      %parallel_loop3A_651 = vector.broadcast %parallel_loop3A_650 : i32 to vector<16xi32>
      %parallel_loop3A_652 = tpu.vector_load_idx %arg6[%parallel_loop3A_651, %parallel_loop3A_103] : memref<64x1000xf32, #tpu.memory_space<vmem>>[vector<16xi32>, vector<16xi32>], vector<16xf32>,
      %parallel_loop3A_653 = arith.constant 63 : i32
      %parallel_loop3A_654 = vector.broadcast %parallel_loop3A_653 : i32 to vector<16xi32>
      %parallel_loop3A_655 = tpu.vector_load_idx %arg6[%parallel_loop3A_654, %parallel_loop3A_103] : memref<64x1000xf32, #tpu.memory_space<vmem>>[vector<16xi32>, vector<16xi32>], vector<16xf32>,
      %parallel_loop3A_656 = arith.constant 0 : i32
      %parallel_loop3A_657 = arith.constant 60 : i32
      %parallel_loop3A_658 = arith.index_cast %parallel_loop3A_656 : i32 to index
      %parallel_loop3A_659 = arith.index_cast %parallel_loop3A_657 : i32 to index
      %parallel_loop3A_660 = arith.index_cast %parallel_loop3A_97 : i32 to index
      %parallel_loop3A_661 = tpu.vector_load %arg7[%parallel_loop3A_658, %parallel_loop3A_659, %parallel_loop3A_660] {strides = array<i32>} : memref<2x64x256xf32, #tpu.memory_space<vmem>>, vector<16xf32>,
      tpu.vector_store %arg7[%parallel_loop3A_658, %parallel_loop3A_659, %parallel_loop3A_660], %parallel_loop3A_646 {strides = array<i32>} : memref<2x64x256xf32, #tpu.memory_space<vmem>>, vector<16xf32>,
      %parallel_loop3A_662 = arith.constant 0 : i32
      %parallel_loop3A_663 = arith.constant 61 : i32
      %parallel_loop3A_664 = arith.index_cast %parallel_loop3A_662 : i32 to index
      %parallel_loop3A_665 = arith.index_cast %parallel_loop3A_663 : i32 to index
      %parallel_loop3A_666 = arith.index_cast %parallel_loop3A_97 : i32 to index
      %parallel_loop3A_667 = tpu.vector_load %arg7[%parallel_loop3A_664, %parallel_loop3A_665, %parallel_loop3A_666] {strides = array<i32>} : memref<2x64x256xf32, #tpu.memory_space<vmem>>, vector<16xf32>,
      tpu.vector_store %arg7[%parallel_loop3A_664, %parallel_loop3A_665, %parallel_loop3A_666], %parallel_loop3A_649 {strides = array<i32>} : memref<2x64x256xf32, #tpu.memory_space<vmem>>, vector<16xf32>,
      %parallel_loop3A_668 = arith.constant 0 : i32
      %parallel_loop3A_669 = arith.constant 62 : i32
      %parallel_loop3A_670 = arith.index_cast %parallel_loop3A_668 : i32 to index
      %parallel_loop3A_671 = arith.index_cast %parallel_loop3A_669 : i32 to index
      %parallel_loop3A_672 = arith.index_cast %parallel_loop3A_97 : i32 to index
      %parallel_loop3A_673 = tpu.vector_load %arg7[%parallel_loop3A_670, %parallel_loop3A_671, %parallel_loop3A_672] {strides = array<i32>} : memref<2x64x256xf32, #tpu.memory_space<vmem>>, vector<16xf32>,
      tpu.vector_store %arg7[%parallel_loop3A_670, %parallel_loop3A_671, %parallel_loop3A_672], %parallel_loop3A_652 {strides = array<i32>} : memref<2x64x256xf32, #tpu.memory_space<vmem>>, vector<16xf32>,
      %parallel_loop3A_674 = arith.constant 0 : i32
      %parallel_loop3A_675 = arith.constant 63 : i32
      %parallel_loop3A_676 = arith.index_cast %parallel_loop3A_674 : i32 to index
      %parallel_loop3A_677 = arith.index_cast %parallel_loop3A_675 : i32 to index
      %parallel_loop3A_678 = arith.index_cast %parallel_loop3A_97 : i32 to index
      %parallel_loop3A_679 = tpu.vector_load %arg7[%parallel_loop3A_676, %parallel_loop3A_677, %parallel_loop3A_678] {strides = array<i32>} : memref<2x64x256xf32, #tpu.memory_space<vmem>>, vector<16xf32>,
      tpu.vector_store %arg7[%parallel_loop3A_676, %parallel_loop3A_677, %parallel_loop3A_678], %parallel_loop3A_655 {strides = array<i32>} : memref<2x64x256xf32, #tpu.memory_space<vmem>>, vector<16xf32>,
    } {sc.loop_unroll_factor = 4 : i64, sc.parallel_access}
    %add3A_5 = arith.constant 0 : i32
    %add3A_6 = arith.addi %mul3A_2, %add3A_5 : i32
    %dma_start3A = arith.constant 0 : i32
    %dma_start3A_7 = arith.constant 0 : i32
    %dma_start3A_8 = arith.constant 0 : i32
    %dma_start3A_9 = arith.constant 0 : i32
    %dma_start3A_10 = arith.constant 0 : i32
    %dma_start3A_11 = tpu.memref_slice %arg7[%dma_start3A, %dma_start3A_9, %dma_start3A_10] : memref<2x64x256xf32, #tpu.memory_space<vmem>> -> memref<1x64x256xf32, #tpu.memory_space<vmem>>
    %dma_start3A_12 = tpu.memref_squeeze %dma_start3A_11 : memref<1x64x256xf32, #tpu.memory_space<vmem>> -> memref<64x256xf32, #tpu.memory_space<vmem>>
    %dma_start3A_13 = arith.constant 0 : i32
    %dma_start3A_14 = tpu.memref_slice %arg4[%dma_start3A_7, %dma_start3A_13, %add3A_6] : memref<50x64x16384xf32, #tpu.memory_space<hbm>> -> memref<1x64x256xf32, #tpu.memory_space<hbm>>
    %dma_start3A_15 = tpu.memref_squeeze %dma_start3A_14 : memref<1x64x256xf32, #tpu.memory_space<hbm>> -> memref<64x256xf32, #tpu.memory_space<hbm>>
    %dma_start3A_16 = tpu.memref_slice %arg8[%dma_start3A_8] : memref<2x!tpu.dma_semaphore, #tpu.memory_space<semaphore_mem>> -> memref<1x!tpu.dma_semaphore, #tpu.memory_space<semaphore_mem>>
    %dma_start3A_17 = tpu.memref_squeeze %dma_start3A_16 : memref<1x!tpu.dma_semaphore, #tpu.memory_space<semaphore_mem>> -> memref<!tpu.dma_semaphore, #tpu.memory_space<semaphore_mem>>
    %dma_start3A_18 = arith.constant 0 : i32
    %dma_start3A_19 = tpu.memref_slice %arg4[%dma_start3A_7, %dma_start3A_18, %add3A_6] : memref<50x64x16384xf32, #tpu.memory_space<hbm>> -> memref<1x64x256xf32, #tpu.memory_space<hbm>>
    %dma_start3A_20 = tpu.memref_squeeze %dma_start3A_19 : memref<1x64x256xf32, #tpu.memory_space<hbm>> -> memref<64x256xf32, #tpu.memory_space<hbm>>
    %dma_start3A_21 = arith.constant 0 : i32
    %dma_start3A_22 = arith.constant 0 : i32
    %dma_start3A_23 = tpu.memref_slice %arg7[%dma_start3A, %dma_start3A_21, %dma_start3A_22] : memref<2x64x256xf32, #tpu.memory_space<vmem>> -> memref<1x64x256xf32, #tpu.memory_space<vmem>>
    %dma_start3A_24 = tpu.memref_squeeze %dma_start3A_23 : memref<1x64x256xf32, #tpu.memory_space<vmem>> -> memref<64x256xf32, #tpu.memory_space<vmem>>
    tpu.enqueue_dma source(%dma_start3A_24 : memref<64x256xf32, #tpu.memory_space<vmem>>) target(%dma_start3A_20 : memref<64x256xf32, #tpu.memory_space<hbm>>) target_semaphore(%dma_start3A_17 : memref<!tpu.dma_semaphore, #tpu.memory_space<semaphore_mem>>)
    %parallel_loop3A_25 = arith.constant 0 : i32
    %parallel_loop3A_26 = arith.constant 16 : i32
    %parallel_loop3A_27 = arith.constant 1 : i32
    scf.for %parallel_loop3A_95 = %parallel_loop3A_25 to %parallel_loop3A_26 step %parallel_loop3A_27  : i32 {
      %parallel_loop3A_96 = arith.constant 16 : i32
      %parallel_loop3A_97 = arith.muli %parallel_loop3A_95, %parallel_loop3A_96 : i32
      %parallel_loop3A_98 = arith.constant 256 : i32
      %parallel_loop3A_99 = arith.addi %parallel_loop3A_98, %parallel_loop3A_97 : i32
      %parallel_loop3A_100 = arith.constant 0 : i32
      %parallel_loop3A_101 = arith.index_cast %parallel_loop3A_100 : i32 to index
      %parallel_loop3A_102 = arith.index_cast %parallel_loop3A_99 : i32 to index
      %parallel_loop3A_103 = tpu.vector_load %arg5[%parallel_loop3A_101, %parallel_loop3A_102] {strides = array<i32>} : memref<50x512xi32, #tpu.memory_space<vmem>>, vector<16xi32>,
      %parallel_loop3A_104 = arith.constant 0 : i32
      %parallel_loop3A_105 = vector.broadcast %parallel_loop3A_104 : i32 to vector<16xi32>
      %parallel_loop3A_106 = tpu.vector_load_idx %arg6[%parallel_loop3A_105, %parallel_loop3A_103] : memref<64x1000xf32, #tpu.memory_space<vmem>>[vector<16xi32>, vector<16xi32>], vector<16xf32>,
      %parallel_loop3A_107 = arith.constant 1 : i32
      %parallel_loop3A_108 = vector.broadcast %parallel_loop3A_107 : i32 to vector<16xi32>
      %parallel_loop3A_109 = tpu.vector_load_idx %arg6[%parallel_loop3A_108, %parallel_loop3A_103] : memref<64x1000xf32, #tpu.memory_space<vmem>>[vector<16xi32>, vector<16xi32>], vector<16xf32>,
      %parallel_loop3A_110 = arith.constant 2 : i32
      %parallel_loop3A_111 = vector.broadcast %parallel_loop3A_110 : i32 to vector<16xi32>
      %parallel_loop3A_112 = tpu.vector_load_idx %arg6[%parallel_loop3A_111, %parallel_loop3A_103] : memref<64x1000xf32, #tpu.memory_space<vmem>>[vector<16xi32>, vector<16xi32>], vector<16xf32>,
      %parallel_loop3A_113 = arith.constant 3 : i32
      %parallel_loop3A_114 = vector.broadcast %parallel_loop3A_113 : i32 to vector<16xi32>
      %parallel_loop3A_115 = tpu.vector_load_idx %arg6[%parallel_loop3A_114, %parallel_loop3A_103] : memref<64x1000xf32, #tpu.memory_space<vmem>>[vector<16xi32>, vector<16xi32>], vector<16xf32>,
      %parallel_loop3A_116 = arith.constant 1 : i32
      %parallel_loop3A_117 = arith.constant 0 : i32
      %parallel_loop3A_118 = arith.index_cast %parallel_loop3A_116 : i32 to index
      %parallel_loop3A_119 = arith.index_cast %parallel_loop3A_117 : i32 to index
      %parallel_loop3A_120 = arith.index_cast %parallel_loop3A_97 : i32 to index
      %parallel_loop3A_121 = tpu.vector_load %arg7[%parallel_loop3A_118, %parallel_loop3A_119, %parallel_loop3A_120] {strides = array<i32>} : memref<2x64x256xf32, #tpu.memory_space<vmem>>, vector<16xf32>,
      tpu.vector_store %arg7[%parallel_loop3A_118, %parallel_loop3A_119, %parallel_loop3A_120], %parallel_loop3A_106 {strides = array<i32>} : memref<2x64x256xf32, #tpu.memory_space<vmem>>, vector<16xf32>,
      %parallel_loop3A_122 = arith.constant 1 : i32
      %parallel_loop3A_123 = arith.constant 1 : i32
      %parallel_loop3A_124 = arith.index_cast %parallel_loop3A_122 : i32 to index
      %parallel_loop3A_125 = arith.index_cast %parallel_loop3A_123 : i32 to index
      %parallel_loop3A_126 = arith.index_cast %parallel_loop3A_97 : i32 to index
      %parallel_loop3A_127 = tpu.vector_load %arg7[%parallel_loop3A_124, %parallel_loop3A_125, %parallel_loop3A_126] {strides = array<i32>} : memref<2x64x256xf32, #tpu.memory_space<vmem>>, vector<16xf32>,
      tpu.vector_store %arg7[%parallel_loop3A_124, %parallel_loop3A_125, %parallel_loop3A_126], %parallel_loop3A_109 {strides = array<i32>} : memref<2x64x256xf32, #tpu.memory_space<vmem>>, vector<16xf32>,
      %parallel_loop3A_128 = arith.constant 1 : i32
      %parallel_loop3A_129 = arith.constant 2 : i32
      %parallel_loop3A_130 = arith.index_cast %parallel_loop3A_128 : i32 to index
      %parallel_loop3A_131 = arith.index_cast %parallel_loop3A_129 : i32 to index
      %parallel_loop3A_132 = arith.index_cast %parallel_loop3A_97 : i32 to index
      %parallel_loop3A_133 = tpu.vector_load %arg7[%parallel_loop3A_130, %parallel_loop3A_131, %parallel_loop3A_132] {strides = array<i32>} : memref<2x64x256xf32, #tpu.memory_space<vmem>>, vector<16xf32>,
      tpu.vector_store %arg7[%parallel_loop3A_130, %parallel_loop3A_131, %parallel_loop3A_132], %parallel_loop3A_112 {strides = array<i32>} : memref<2x64x256xf32, #tpu.memory_space<vmem>>, vector<16xf32>,
      %parallel_loop3A_134 = arith.constant 1 : i32
      %parallel_loop3A_135 = arith.constant 3 : i32
      %parallel_loop3A_136 = arith.index_cast %parallel_loop3A_134 : i32 to index
      %parallel_loop3A_137 = arith.index_cast %parallel_loop3A_135 : i32 to index
      %parallel_loop3A_138 = arith.index_cast %parallel_loop3A_97 : i32 to index
      %parallel_loop3A_139 = tpu.vector_load %arg7[%parallel_loop3A_136, %parallel_loop3A_137, %parallel_loop3A_138] {strides = array<i32>} : memref<2x64x256xf32, #tpu.memory_space<vmem>>, vector<16xf32>,
      tpu.vector_store %arg7[%parallel_loop3A_136, %parallel_loop3A_137, %parallel_loop3A_138], %parallel_loop3A_115 {strides = array<i32>} : memref<2x64x256xf32, #tpu.memory_space<vmem>>, vector<16xf32>,
      %parallel_loop3A_140 = arith.constant 4 : i32
      %parallel_loop3A_141 = vector.broadcast %parallel_loop3A_140 : i32 to vector<16xi32>
      %parallel_loop3A_142 = tpu.vector_load_idx %arg6[%parallel_loop3A_141, %parallel_loop3A_103] : memref<64x1000xf32, #tpu.memory_space<vmem>>[vector<16xi32>, vector<16xi32>], vector<16xf32>,
      %parallel_loop3A_143 = arith.constant 5 : i32
      %parallel_loop3A_144 = vector.broadcast %parallel_loop3A_143 : i32 to vector<16xi32>
      %parallel_loop3A_145 = tpu.vector_load_idx %arg6[%parallel_loop3A_144, %parallel_loop3A_103] : memref<64x1000xf32, #tpu.memory_space<vmem>>[vector<16xi32>, vector<16xi32>], vector<16xf32>,
      %parallel_loop3A_146 = arith.constant 6 : i32
      %parallel_loop3A_147 = vector.broadcast %parallel_loop3A_146 : i32 to vector<16xi32>
      %parallel_loop3A_148 = tpu.vector_load_idx %arg6[%parallel_loop3A_147, %parallel_loop3A_103] : memref<64x1000xf32, #tpu.memory_space<vmem>>[vector<16xi32>, vector<16xi32>], vector<16xf32>,
      %parallel_loop3A_149 = arith.constant 7 : i32
      %parallel_loop3A_150 = vector.broadcast %parallel_loop3A_149 : i32 to vector<16xi32>
      %parallel_loop3A_151 = tpu.vector_load_idx %arg6[%parallel_loop3A_150, %parallel_loop3A_103] : memref<64x1000xf32, #tpu.memory_space<vmem>>[vector<16xi32>, vector<16xi32>], vector<16xf32>,
      %parallel_loop3A_152 = arith.constant 1 : i32
      %parallel_loop3A_153 = arith.constant 4 : i32
      %parallel_loop3A_154 = arith.index_cast %parallel_loop3A_152 : i32 to index
      %parallel_loop3A_155 = arith.index_cast %parallel_loop3A_153 : i32 to index
      %parallel_loop3A_156 = arith.index_cast %parallel_loop3A_97 : i32 to index
      %parallel_loop3A_157 = tpu.vector_load %arg7[%parallel_loop3A_154, %parallel_loop3A_155, %parallel_loop3A_156] {strides = array<i32>} : memref<2x64x256xf32, #tpu.memory_space<vmem>>, vector<16xf32>,
      tpu.vector_store %arg7[%parallel_loop3A_154, %parallel_loop3A_155, %parallel_loop3A_156], %parallel_loop3A_142 {strides = array<i32>} : memref<2x64x256xf32, #tpu.memory_space<vmem>>, vector<16xf32>,
      %parallel_loop3A_158 = arith.constant 1 : i32
      %parallel_loop3A_159 = arith.constant 5 : i32
      %parallel_loop3A_160 = arith.index_cast %parallel_loop3A_158 : i32 to index
      %parallel_loop3A_161 = arith.index_cast %parallel_loop3A_159 : i32 to index
      %parallel_loop3A_162 = arith.index_cast %parallel_loop3A_97 : i32 to index
      %parallel_loop3A_163 = tpu.vector_load %arg7[%parallel_loop3A_160, %parallel_loop3A_161, %parallel_loop3A_162] {strides = array<i32>} : memref<2x64x256xf32, #tpu.memory_space<vmem>>, vector<16xf32>,
      tpu.vector_store %arg7[%parallel_loop3A_160, %parallel_loop3A_161, %parallel_loop3A_162], %parallel_loop3A_145 {strides = array<i32>} : memref<2x64x256xf32, #tpu.memory_space<vmem>>, vector<16xf32>,
      %parallel_loop3A_164 = arith.constant 1 : i32
      %parallel_loop3A_165 = arith.constant 6 : i32
      %parallel_loop3A_166 = arith.index_cast %parallel_loop3A_164 : i32 to index
      %parallel_loop3A_167 = arith.index_cast %parallel_loop3A_165 : i32 to index
      %parallel_loop3A_168 = arith.index_cast %parallel_loop3A_97 : i32 to index
      %parallel_loop3A_169 = tpu.vector_load %arg7[%parallel_loop3A_166, %parallel_loop3A_167, %parallel_loop3A_168] {strides = array<i32>} : memref<2x64x256xf32, #tpu.memory_space<vmem>>, vector<16xf32>,
      tpu.vector_store %arg7[%parallel_loop3A_166, %parallel_loop3A_167, %parallel_loop3A_168], %parallel_loop3A_148 {strides = array<i32>} : memref<2x64x256xf32, #tpu.memory_space<vmem>>, vector<16xf32>,
      %parallel_loop3A_170 = arith.constant 1 : i32
      %parallel_loop3A_171 = arith.constant 7 : i32
      %parallel_loop3A_172 = arith.index_cast %parallel_loop3A_170 : i32 to index
      %parallel_loop3A_173 = arith.index_cast %parallel_loop3A_171 : i32 to index
      %parallel_loop3A_174 = arith.index_cast %parallel_loop3A_97 : i32 to index
      %parallel_loop3A_175 = tpu.vector_load %arg7[%parallel_loop3A_172, %parallel_loop3A_173, %parallel_loop3A_174] {strides = array<i32>} : memref<2x64x256xf32, #tpu.memory_space<vmem>>, vector<16xf32>,
      tpu.vector_store %arg7[%parallel_loop3A_172, %parallel_loop3A_173, %parallel_loop3A_174], %parallel_loop3A_151 {strides = array<i32>} : memref<2x64x256xf32, #tpu.memory_space<vmem>>, vector<16xf32>,
      %parallel_loop3A_176 = arith.constant 8 : i32
      %parallel_loop3A_177 = vector.broadcast %parallel_loop3A_176 : i32 to vector<16xi32>
      %parallel_loop3A_178 = tpu.vector_load_idx %arg6[%parallel_loop3A_177, %parallel_loop3A_103] : memref<64x1000xf32, #tpu.memory_space<vmem>>[vector<16xi32>, vector<16xi32>], vector<16xf32>,
      %parallel_loop3A_179 = arith.constant 9 : i32
      %parallel_loop3A_180 = vector.broadcast %parallel_loop3A_179 : i32 to vector<16xi32>
      %parallel_loop3A_181 = tpu.vector_load_idx %arg6[%parallel_loop3A_180, %parallel_loop3A_103] : memref<64x1000xf32, #tpu.memory_space<vmem>>[vector<16xi32>, vector<16xi32>], vector<16xf32>,
      %parallel_loop3A_182 = arith.constant 10 : i32
      %parallel_loop3A_183 = vector.broadcast %parallel_loop3A_182 : i32 to vector<16xi32>
      %parallel_loop3A_184 = tpu.vector_load_idx %arg6[%parallel_loop3A_183, %parallel_loop3A_103] : memref<64x1000xf32, #tpu.memory_space<vmem>>[vector<16xi32>, vector<16xi32>], vector<16xf32>,
      %parallel_loop3A_185 = arith.constant 11 : i32
      %parallel_loop3A_186 = vector.broadcast %parallel_loop3A_185 : i32 to vector<16xi32>
      %parallel_loop3A_187 = tpu.vector_load_idx %arg6[%parallel_loop3A_186, %parallel_loop3A_103] : memref<64x1000xf32, #tpu.memory_space<vmem>>[vector<16xi32>, vector<16xi32>], vector<16xf32>,
      %parallel_loop3A_188 = arith.constant 1 : i32
      %parallel_loop3A_189 = arith.constant 8 : i32
      %parallel_loop3A_190 = arith.index_cast %parallel_loop3A_188 : i32 to index
      %parallel_loop3A_191 = arith.index_cast %parallel_loop3A_189 : i32 to index
      %parallel_loop3A_192 = arith.index_cast %parallel_loop3A_97 : i32 to index
      %parallel_loop3A_193 = tpu.vector_load %arg7[%parallel_loop3A_190, %parallel_loop3A_191, %parallel_loop3A_192] {strides = array<i32>} : memref<2x64x256xf32, #tpu.memory_space<vmem>>, vector<16xf32>,
      tpu.vector_store %arg7[%parallel_loop3A_190, %parallel_loop3A_191, %parallel_loop3A_192], %parallel_loop3A_178 {strides = array<i32>} : memref<2x64x256xf32, #tpu.memory_space<vmem>>, vector<16xf32>,
      %parallel_loop3A_194 = arith.constant 1 : i32
      %parallel_loop3A_195 = arith.constant 9 : i32
      %parallel_loop3A_196 = arith.index_cast %parallel_loop3A_194 : i32 to index
      %parallel_loop3A_197 = arith.index_cast %parallel_loop3A_195 : i32 to index
      %parallel_loop3A_198 = arith.index_cast %parallel_loop3A_97 : i32 to index
      %parallel_loop3A_199 = tpu.vector_load %arg7[%parallel_loop3A_196, %parallel_loop3A_197, %parallel_loop3A_198] {strides = array<i32>} : memref<2x64x256xf32, #tpu.memory_space<vmem>>, vector<16xf32>,
      tpu.vector_store %arg7[%parallel_loop3A_196, %parallel_loop3A_197, %parallel_loop3A_198], %parallel_loop3A_181 {strides = array<i32>} : memref<2x64x256xf32, #tpu.memory_space<vmem>>, vector<16xf32>,
      %parallel_loop3A_200 = arith.constant 1 : i32
      %parallel_loop3A_201 = arith.constant 10 : i32
      %parallel_loop3A_202 = arith.index_cast %parallel_loop3A_200 : i32 to index
      %parallel_loop3A_203 = arith.index_cast %parallel_loop3A_201 : i32 to index
      %parallel_loop3A_204 = arith.index_cast %parallel_loop3A_97 : i32 to index
      %parallel_loop3A_205 = tpu.vector_load %arg7[%parallel_loop3A_202, %parallel_loop3A_203, %parallel_loop3A_204] {strides = array<i32>} : memref<2x64x256xf32, #tpu.memory_space<vmem>>, vector<16xf32>,
      tpu.vector_store %arg7[%parallel_loop3A_202, %parallel_loop3A_203, %parallel_loop3A_204], %parallel_loop3A_184 {strides = array<i32>} : memref<2x64x256xf32, #tpu.memory_space<vmem>>, vector<16xf32>,
      %parallel_loop3A_206 = arith.constant 1 : i32
      %parallel_loop3A_207 = arith.constant 11 : i32
      %parallel_loop3A_208 = arith.index_cast %parallel_loop3A_206 : i32 to index
      %parallel_loop3A_209 = arith.index_cast %parallel_loop3A_207 : i32 to index
      %parallel_loop3A_210 = arith.index_cast %parallel_loop3A_97 : i32 to index
      %parallel_loop3A_211 = tpu.vector_load %arg7[%parallel_loop3A_208, %parallel_loop3A_209, %parallel_loop3A_210] {strides = array<i32>} : memref<2x64x256xf32, #tpu.memory_space<vmem>>, vector<16xf32>,
      tpu.vector_store %arg7[%parallel_loop3A_208, %parallel_loop3A_209, %parallel_loop3A_210], %parallel_loop3A_187 {strides = array<i32>} : memref<2x64x256xf32, #tpu.memory_space<vmem>>, vector<16xf32>,
      %parallel_loop3A_212 = arith.constant 12 : i32
      %parallel_loop3A_213 = vector.broadcast %parallel_loop3A_212 : i32 to vector<16xi32>
      %parallel_loop3A_214 = tpu.vector_load_idx %arg6[%parallel_loop3A_213, %parallel_loop3A_103] : memref<64x1000xf32, #tpu.memory_space<vmem>>[vector<16xi32>, vector<16xi32>], vector<16xf32>,
      %parallel_loop3A_215 = arith.constant 13 : i32
      %parallel_loop3A_216 = vector.broadcast %parallel_loop3A_215 : i32 to vector<16xi32>
      %parallel_loop3A_217 = tpu.vector_load_idx %arg6[%parallel_loop3A_216, %parallel_loop3A_103] : memref<64x1000xf32, #tpu.memory_space<vmem>>[vector<16xi32>, vector<16xi32>], vector<16xf32>,
      %parallel_loop3A_218 = arith.constant 14 : i32
      %parallel_loop3A_219 = vector.broadcast %parallel_loop3A_218 : i32 to vector<16xi32>
      %parallel_loop3A_220 = tpu.vector_load_idx %arg6[%parallel_loop3A_219, %parallel_loop3A_103] : memref<64x1000xf32, #tpu.memory_space<vmem>>[vector<16xi32>, vector<16xi32>], vector<16xf32>,
      %parallel_loop3A_221 = arith.constant 15 : i32
      %parallel_loop3A_222 = vector.broadcast %parallel_loop3A_221 : i32 to vector<16xi32>
      %parallel_loop3A_223 = tpu.vector_load_idx %arg6[%parallel_loop3A_222, %parallel_loop3A_103] : memref<64x1000xf32, #tpu.memory_space<vmem>>[vector<16xi32>, vector<16xi32>], vector<16xf32>,
      %parallel_loop3A_224 = arith.constant 1 : i32
      %parallel_loop3A_225 = arith.constant 12 : i32
      %parallel_loop3A_226 = arith.index_cast %parallel_loop3A_224 : i32 to index
      %parallel_loop3A_227 = arith.index_cast %parallel_loop3A_225 : i32 to index
      %parallel_loop3A_228 = arith.index_cast %parallel_loop3A_97 : i32 to index
      %parallel_loop3A_229 = tpu.vector_load %arg7[%parallel_loop3A_226, %parallel_loop3A_227, %parallel_loop3A_228] {strides = array<i32>} : memref<2x64x256xf32, #tpu.memory_space<vmem>>, vector<16xf32>,
      tpu.vector_store %arg7[%parallel_loop3A_226, %parallel_loop3A_227, %parallel_loop3A_228], %parallel_loop3A_214 {strides = array<i32>} : memref<2x64x256xf32, #tpu.memory_space<vmem>>, vector<16xf32>,
      %parallel_loop3A_230 = arith.constant 1 : i32
      %parallel_loop3A_231 = arith.constant 13 : i32
      %parallel_loop3A_232 = arith.index_cast %parallel_loop3A_230 : i32 to index
      %parallel_loop3A_233 = arith.index_cast %parallel_loop3A_231 : i32 to index
      %parallel_loop3A_234 = arith.index_cast %parallel_loop3A_97 : i32 to index
      %parallel_loop3A_235 = tpu.vector_load %arg7[%parallel_loop3A_232, %parallel_loop3A_233, %parallel_loop3A_234] {strides = array<i32>} : memref<2x64x256xf32, #tpu.memory_space<vmem>>, vector<16xf32>,
      tpu.vector_store %arg7[%parallel_loop3A_232, %parallel_loop3A_233, %parallel_loop3A_234], %parallel_loop3A_217 {strides = array<i32>} : memref<2x64x256xf32, #tpu.memory_space<vmem>>, vector<16xf32>,
      %parallel_loop3A_236 = arith.constant 1 : i32
      %parallel_loop3A_237 = arith.constant 14 : i32
      %parallel_loop3A_238 = arith.index_cast %parallel_loop3A_236 : i32 to index
      %parallel_loop3A_239 = arith.index_cast %parallel_loop3A_237 : i32 to index
      %parallel_loop3A_240 = arith.index_cast %parallel_loop3A_97 : i32 to index
      %parallel_loop3A_241 = tpu.vector_load %arg7[%parallel_loop3A_238, %parallel_loop3A_239, %parallel_loop3A_240] {strides = array<i32>} : memref<2x64x256xf32, #tpu.memory_space<vmem>>, vector<16xf32>,
      tpu.vector_store %arg7[%parallel_loop3A_238, %parallel_loop3A_239, %parallel_loop3A_240], %parallel_loop3A_220 {strides = array<i32>} : memref<2x64x256xf32, #tpu.memory_space<vmem>>, vector<16xf32>,
      %parallel_loop3A_242 = arith.constant 1 : i32
      %parallel_loop3A_243 = arith.constant 15 : i32
      %parallel_loop3A_244 = arith.index_cast %parallel_loop3A_242 : i32 to index
      %parallel_loop3A_245 = arith.index_cast %parallel_loop3A_243 : i32 to index
      %parallel_loop3A_246 = arith.index_cast %parallel_loop3A_97 : i32 to index
      %parallel_loop3A_247 = tpu.vector_load %arg7[%parallel_loop3A_244, %parallel_loop3A_245, %parallel_loop3A_246] {strides = array<i32>} : memref<2x64x256xf32, #tpu.memory_space<vmem>>, vector<16xf32>,
      tpu.vector_store %arg7[%parallel_loop3A_244, %parallel_loop3A_245, %parallel_loop3A_246], %parallel_loop3A_223 {strides = array<i32>} : memref<2x64x256xf32, #tpu.memory_space<vmem>>, vector<16xf32>,
      %parallel_loop3A_248 = arith.constant 16 : i32
      %parallel_loop3A_249 = vector.broadcast %parallel_loop3A_248 : i32 to vector<16xi32>
      %parallel_loop3A_250 = tpu.vector_load_idx %arg6[%parallel_loop3A_249, %parallel_loop3A_103] : memref<64x1000xf32, #tpu.memory_space<vmem>>[vector<16xi32>, vector<16xi32>], vector<16xf32>,
      %parallel_loop3A_251 = arith.constant 17 : i32
      %parallel_loop3A_252 = vector.broadcast %parallel_loop3A_251 : i32 to vector<16xi32>
      %parallel_loop3A_253 = tpu.vector_load_idx %arg6[%parallel_loop3A_252, %parallel_loop3A_103] : memref<64x1000xf32, #tpu.memory_space<vmem>>[vector<16xi32>, vector<16xi32>], vector<16xf32>,
      %parallel_loop3A_254 = arith.constant 18 : i32
      %parallel_loop3A_255 = vector.broadcast %parallel_loop3A_254 : i32 to vector<16xi32>
      %parallel_loop3A_256 = tpu.vector_load_idx %arg6[%parallel_loop3A_255, %parallel_loop3A_103] : memref<64x1000xf32, #tpu.memory_space<vmem>>[vector<16xi32>, vector<16xi32>], vector<16xf32>,
      %parallel_loop3A_257 = arith.constant 19 : i32
      %parallel_loop3A_258 = vector.broadcast %parallel_loop3A_257 : i32 to vector<16xi32>
      %parallel_loop3A_259 = tpu.vector_load_idx %arg6[%parallel_loop3A_258, %parallel_loop3A_103] : memref<64x1000xf32, #tpu.memory_space<vmem>>[vector<16xi32>, vector<16xi32>], vector<16xf32>,
      %parallel_loop3A_260 = arith.constant 1 : i32
      %parallel_loop3A_261 = arith.constant 16 : i32
      %parallel_loop3A_262 = arith.index_cast %parallel_loop3A_260 : i32 to index
      %parallel_loop3A_263 = arith.index_cast %parallel_loop3A_261 : i32 to index
      %parallel_loop3A_264 = arith.index_cast %parallel_loop3A_97 : i32 to index
      %parallel_loop3A_265 = tpu.vector_load %arg7[%parallel_loop3A_262, %parallel_loop3A_263, %parallel_loop3A_264] {strides = array<i32>} : memref<2x64x256xf32, #tpu.memory_space<vmem>>, vector<16xf32>,
      tpu.vector_store %arg7[%parallel_loop3A_262, %parallel_loop3A_263, %parallel_loop3A_264], %parallel_loop3A_250 {strides = array<i32>} : memref<2x64x256xf32, #tpu.memory_space<vmem>>, vector<16xf32>,
      %parallel_loop3A_266 = arith.constant 1 : i32
      %parallel_loop3A_267 = arith.constant 17 : i32
      %parallel_loop3A_268 = arith.index_cast %parallel_loop3A_266 : i32 to index
      %parallel_loop3A_269 = arith.index_cast %parallel_loop3A_267 : i32 to index
      %parallel_loop3A_270 = arith.index_cast %parallel_loop3A_97 : i32 to index
      %parallel_loop3A_271 = tpu.vector_load %arg7[%parallel_loop3A_268, %parallel_loop3A_269, %parallel_loop3A_270] {strides = array<i32>} : memref<2x64x256xf32, #tpu.memory_space<vmem>>, vector<16xf32>,
      tpu.vector_store %arg7[%parallel_loop3A_268, %parallel_loop3A_269, %parallel_loop3A_270], %parallel_loop3A_253 {strides = array<i32>} : memref<2x64x256xf32, #tpu.memory_space<vmem>>, vector<16xf32>,
      %parallel_loop3A_272 = arith.constant 1 : i32
      %parallel_loop3A_273 = arith.constant 18 : i32
      %parallel_loop3A_274 = arith.index_cast %parallel_loop3A_272 : i32 to index
      %parallel_loop3A_275 = arith.index_cast %parallel_loop3A_273 : i32 to index
      %parallel_loop3A_276 = arith.index_cast %parallel_loop3A_97 : i32 to index
      %parallel_loop3A_277 = tpu.vector_load %arg7[%parallel_loop3A_274, %parallel_loop3A_275, %parallel_loop3A_276] {strides = array<i32>} : memref<2x64x256xf32, #tpu.memory_space<vmem>>, vector<16xf32>,
      tpu.vector_store %arg7[%parallel_loop3A_274, %parallel_loop3A_275, %parallel_loop3A_276], %parallel_loop3A_256 {strides = array<i32>} : memref<2x64x256xf32, #tpu.memory_space<vmem>>, vector<16xf32>,
      %parallel_loop3A_278 = arith.constant 1 : i32
      %parallel_loop3A_279 = arith.constant 19 : i32
      %parallel_loop3A_280 = arith.index_cast %parallel_loop3A_278 : i32 to index
      %parallel_loop3A_281 = arith.index_cast %parallel_loop3A_279 : i32 to index
      %parallel_loop3A_282 = arith.index_cast %parallel_loop3A_97 : i32 to index
      %parallel_loop3A_283 = tpu.vector_load %arg7[%parallel_loop3A_280, %parallel_loop3A_281, %parallel_loop3A_282] {strides = array<i32>} : memref<2x64x256xf32, #tpu.memory_space<vmem>>, vector<16xf32>,
      tpu.vector_store %arg7[%parallel_loop3A_280, %parallel_loop3A_281, %parallel_loop3A_282], %parallel_loop3A_259 {strides = array<i32>} : memref<2x64x256xf32, #tpu.memory_space<vmem>>, vector<16xf32>,
      %parallel_loop3A_284 = arith.constant 20 : i32
      %parallel_loop3A_285 = vector.broadcast %parallel_loop3A_284 : i32 to vector<16xi32>
      %parallel_loop3A_286 = tpu.vector_load_idx %arg6[%parallel_loop3A_285, %parallel_loop3A_103] : memref<64x1000xf32, #tpu.memory_space<vmem>>[vector<16xi32>, vector<16xi32>], vector<16xf32>,
      %parallel_loop3A_287 = arith.constant 21 : i32
      %parallel_loop3A_288 = vector.broadcast %parallel_loop3A_287 : i32 to vector<16xi32>
      %parallel_loop3A_289 = tpu.vector_load_idx %arg6[%parallel_loop3A_288, %parallel_loop3A_103] : memref<64x1000xf32, #tpu.memory_space<vmem>>[vector<16xi32>, vector<16xi32>], vector<16xf32>,
      %parallel_loop3A_290 = arith.constant 22 : i32
      %parallel_loop3A_291 = vector.broadcast %parallel_loop3A_290 : i32 to vector<16xi32>
      %parallel_loop3A_292 = tpu.vector_load_idx %arg6[%parallel_loop3A_291, %parallel_loop3A_103] : memref<64x1000xf32, #tpu.memory_space<vmem>>[vector<16xi32>, vector<16xi32>], vector<16xf32>,
      %parallel_loop3A_293 = arith.constant 23 : i32
      %parallel_loop3A_294 = vector.broadcast %parallel_loop3A_293 : i32 to vector<16xi32>
      %parallel_loop3A_295 = tpu.vector_load_idx %arg6[%parallel_loop3A_294, %parallel_loop3A_103] : memref<64x1000xf32, #tpu.memory_space<vmem>>[vector<16xi32>, vector<16xi32>], vector<16xf32>,
      %parallel_loop3A_296 = arith.constant 1 : i32
      %parallel_loop3A_297 = arith.constant 20 : i32
      %parallel_loop3A_298 = arith.index_cast %parallel_loop3A_296 : i32 to index
      %parallel_loop3A_299 = arith.index_cast %parallel_loop3A_297 : i32 to index
      %parallel_loop3A_300 = arith.index_cast %parallel_loop3A_97 : i32 to index
      %parallel_loop3A_301 = tpu.vector_load %arg7[%parallel_loop3A_298, %parallel_loop3A_299, %parallel_loop3A_300] {strides = array<i32>} : memref<2x64x256xf32, #tpu.memory_space<vmem>>, vector<16xf32>,
      tpu.vector_store %arg7[%parallel_loop3A_298, %parallel_loop3A_299, %parallel_loop3A_300], %parallel_loop3A_286 {strides = array<i32>} : memref<2x64x256xf32, #tpu.memory_space<vmem>>, vector<16xf32>,
      %parallel_loop3A_302 = arith.constant 1 : i32
      %parallel_loop3A_303 = arith.constant 21 : i32
      %parallel_loop3A_304 = arith.index_cast %parallel_loop3A_302 : i32 to index
      %parallel_loop3A_305 = arith.index_cast %parallel_loop3A_303 : i32 to index
      %parallel_loop3A_306 = arith.index_cast %parallel_loop3A_97 : i32 to index
      %parallel_loop3A_307 = tpu.vector_load %arg7[%parallel_loop3A_304, %parallel_loop3A_305, %parallel_loop3A_306] {strides = array<i32>} : memref<2x64x256xf32, #tpu.memory_space<vmem>>, vector<16xf32>,
      tpu.vector_store %arg7[%parallel_loop3A_304, %parallel_loop3A_305, %parallel_loop3A_306], %parallel_loop3A_289 {strides = array<i32>} : memref<2x64x256xf32, #tpu.memory_space<vmem>>, vector<16xf32>,
      %parallel_loop3A_308 = arith.constant 1 : i32
      %parallel_loop3A_309 = arith.constant 22 : i32
      %parallel_loop3A_310 = arith.index_cast %parallel_loop3A_308 : i32 to index
      %parallel_loop3A_311 = arith.index_cast %parallel_loop3A_309 : i32 to index
      %parallel_loop3A_312 = arith.index_cast %parallel_loop3A_97 : i32 to index
      %parallel_loop3A_313 = tpu.vector_load %arg7[%parallel_loop3A_310, %parallel_loop3A_311, %parallel_loop3A_312] {strides = array<i32>} : memref<2x64x256xf32, #tpu.memory_space<vmem>>, vector<16xf32>,
      tpu.vector_store %arg7[%parallel_loop3A_310, %parallel_loop3A_311, %parallel_loop3A_312], %parallel_loop3A_292 {strides = array<i32>} : memref<2x64x256xf32, #tpu.memory_space<vmem>>, vector<16xf32>,
      %parallel_loop3A_314 = arith.constant 1 : i32
      %parallel_loop3A_315 = arith.constant 23 : i32
      %parallel_loop3A_316 = arith.index_cast %parallel_loop3A_314 : i32 to index
      %parallel_loop3A_317 = arith.index_cast %parallel_loop3A_315 : i32 to index
      %parallel_loop3A_318 = arith.index_cast %parallel_loop3A_97 : i32 to index
      %parallel_loop3A_319 = tpu.vector_load %arg7[%parallel_loop3A_316, %parallel_loop3A_317, %parallel_loop3A_318] {strides = array<i32>} : memref<2x64x256xf32, #tpu.memory_space<vmem>>, vector<16xf32>,
      tpu.vector_store %arg7[%parallel_loop3A_316, %parallel_loop3A_317, %parallel_loop3A_318], %parallel_loop3A_295 {strides = array<i32>} : memref<2x64x256xf32, #tpu.memory_space<vmem>>, vector<16xf32>,
      %parallel_loop3A_320 = arith.constant 24 : i32
      %parallel_loop3A_321 = vector.broadcast %parallel_loop3A_320 : i32 to vector<16xi32>
      %parallel_loop3A_322 = tpu.vector_load_idx %arg6[%parallel_loop3A_321, %parallel_loop3A_103] : memref<64x1000xf32, #tpu.memory_space<vmem>>[vector<16xi32>, vector<16xi32>], vector<16xf32>,
      %parallel_loop3A_323 = arith.constant 25 : i32
      %parallel_loop3A_324 = vector.broadcast %parallel_loop3A_323 : i32 to vector<16xi32>
      %parallel_loop3A_325 = tpu.vector_load_idx %arg6[%parallel_loop3A_324, %parallel_loop3A_103] : memref<64x1000xf32, #tpu.memory_space<vmem>>[vector<16xi32>, vector<16xi32>], vector<16xf32>,
      %parallel_loop3A_326 = arith.constant 26 : i32
      %parallel_loop3A_327 = vector.broadcast %parallel_loop3A_326 : i32 to vector<16xi32>
      %parallel_loop3A_328 = tpu.vector_load_idx %arg6[%parallel_loop3A_327, %parallel_loop3A_103] : memref<64x1000xf32, #tpu.memory_space<vmem>>[vector<16xi32>, vector<16xi32>], vector<16xf32>,
      %parallel_loop3A_329 = arith.constant 27 : i32
      %parallel_loop3A_330 = vector.broadcast %parallel_loop3A_329 : i32 to vector<16xi32>
      %parallel_loop3A_331 = tpu.vector_load_idx %arg6[%parallel_loop3A_330, %parallel_loop3A_103] : memref<64x1000xf32, #tpu.memory_space<vmem>>[vector<16xi32>, vector<16xi32>], vector<16xf32>,
      %parallel_loop3A_332 = arith.constant 1 : i32
      %parallel_loop3A_333 = arith.constant 24 : i32
      %parallel_loop3A_334 = arith.index_cast %parallel_loop3A_332 : i32 to index
      %parallel_loop3A_335 = arith.index_cast %parallel_loop3A_333 : i32 to index
      %parallel_loop3A_336 = arith.index_cast %parallel_loop3A_97 : i32 to index
      %parallel_loop3A_337 = tpu.vector_load %arg7[%parallel_loop3A_334, %parallel_loop3A_335, %parallel_loop3A_336] {strides = array<i32>} : memref<2x64x256xf32, #tpu.memory_space<vmem>>, vector<16xf32>,
      tpu.vector_store %arg7[%parallel_loop3A_334, %parallel_loop3A_335, %parallel_loop3A_336], %parallel_loop3A_322 {strides = array<i32>} : memref<2x64x256xf32, #tpu.memory_space<vmem>>, vector<16xf32>,
      %parallel_loop3A_338 = arith.constant 1 : i32
      %parallel_loop3A_339 = arith.constant 25 : i32
      %parallel_loop3A_340 = arith.index_cast %parallel_loop3A_338 : i32 to index
      %parallel_loop3A_341 = arith.index_cast %parallel_loop3A_339 : i32 to index
      %parallel_loop3A_342 = arith.index_cast %parallel_loop3A_97 : i32 to index
      %parallel_loop3A_343 = tpu.vector_load %arg7[%parallel_loop3A_340, %parallel_loop3A_341, %parallel_loop3A_342] {strides = array<i32>} : memref<2x64x256xf32, #tpu.memory_space<vmem>>, vector<16xf32>,
      tpu.vector_store %arg7[%parallel_loop3A_340, %parallel_loop3A_341, %parallel_loop3A_342], %parallel_loop3A_325 {strides = array<i32>} : memref<2x64x256xf32, #tpu.memory_space<vmem>>, vector<16xf32>,
      %parallel_loop3A_344 = arith.constant 1 : i32
      %parallel_loop3A_345 = arith.constant 26 : i32
      %parallel_loop3A_346 = arith.index_cast %parallel_loop3A_344 : i32 to index
      %parallel_loop3A_347 = arith.index_cast %parallel_loop3A_345 : i32 to index
      %parallel_loop3A_348 = arith.index_cast %parallel_loop3A_97 : i32 to index
      %parallel_loop3A_349 = tpu.vector_load %arg7[%parallel_loop3A_346, %parallel_loop3A_347, %parallel_loop3A_348] {strides = array<i32>} : memref<2x64x256xf32, #tpu.memory_space<vmem>>, vector<16xf32>,
      tpu.vector_store %arg7[%parallel_loop3A_346, %parallel_loop3A_347, %parallel_loop3A_348], %parallel_loop3A_328 {strides = array<i32>} : memref<2x64x256xf32, #tpu.memory_space<vmem>>, vector<16xf32>,
      %parallel_loop3A_350 = arith.constant 1 : i32
      %parallel_loop3A_351 = arith.constant 27 : i32
      %parallel_loop3A_352 = arith.index_cast %parallel_loop3A_350 : i32 to index
      %parallel_loop3A_353 = arith.index_cast %parallel_loop3A_351 : i32 to index
      %parallel_loop3A_354 = arith.index_cast %parallel_loop3A_97 : i32 to index
      %parallel_loop3A_355 = tpu.vector_load %arg7[%parallel_loop3A_352, %parallel_loop3A_353, %parallel_loop3A_354] {strides = array<i32>} : memref<2x64x256xf32, #tpu.memory_space<vmem>>, vector<16xf32>,
      tpu.vector_store %arg7[%parallel_loop3A_352, %parallel_loop3A_353, %parallel_loop3A_354], %parallel_loop3A_331 {strides = array<i32>} : memref<2x64x256xf32, #tpu.memory_space<vmem>>, vector<16xf32>,
      %parallel_loop3A_356 = arith.constant 28 : i32
      %parallel_loop3A_357 = vector.broadcast %parallel_loop3A_356 : i32 to vector<16xi32>
      %parallel_loop3A_358 = tpu.vector_load_idx %arg6[%parallel_loop3A_357, %parallel_loop3A_103] : memref<64x1000xf32, #tpu.memory_space<vmem>>[vector<16xi32>, vector<16xi32>], vector<16xf32>,
      %parallel_loop3A_359 = arith.constant 29 : i32
      %parallel_loop3A_360 = vector.broadcast %parallel_loop3A_359 : i32 to vector<16xi32>
      %parallel_loop3A_361 = tpu.vector_load_idx %arg6[%parallel_loop3A_360, %parallel_loop3A_103] : memref<64x1000xf32, #tpu.memory_space<vmem>>[vector<16xi32>, vector<16xi32>], vector<16xf32>,
      %parallel_loop3A_362 = arith.constant 30 : i32
      %parallel_loop3A_363 = vector.broadcast %parallel_loop3A_362 : i32 to vector<16xi32>
      %parallel_loop3A_364 = tpu.vector_load_idx %arg6[%parallel_loop3A_363, %parallel_loop3A_103] : memref<64x1000xf32, #tpu.memory_space<vmem>>[vector<16xi32>, vector<16xi32>], vector<16xf32>,
      %parallel_loop3A_365 = arith.constant 31 : i32
      %parallel_loop3A_366 = vector.broadcast %parallel_loop3A_365 : i32 to vector<16xi32>
      %parallel_loop3A_367 = tpu.vector_load_idx %arg6[%parallel_loop3A_366, %parallel_loop3A_103] : memref<64x1000xf32, #tpu.memory_space<vmem>>[vector<16xi32>, vector<16xi32>], vector<16xf32>,
      %parallel_loop3A_368 = arith.constant 1 : i32
      %parallel_loop3A_369 = arith.constant 28 : i32
      %parallel_loop3A_370 = arith.index_cast %parallel_loop3A_368 : i32 to index
      %parallel_loop3A_371 = arith.index_cast %parallel_loop3A_369 : i32 to index
      %parallel_loop3A_372 = arith.index_cast %parallel_loop3A_97 : i32 to index
      %parallel_loop3A_373 = tpu.vector_load %arg7[%parallel_loop3A_370, %parallel_loop3A_371, %parallel_loop3A_372] {strides = array<i32>} : memref<2x64x256xf32, #tpu.memory_space<vmem>>, vector<16xf32>,
      tpu.vector_store %arg7[%parallel_loop3A_370, %parallel_loop3A_371, %parallel_loop3A_372], %parallel_loop3A_358 {strides = array<i32>} : memref<2x64x256xf32, #tpu.memory_space<vmem>>, vector<16xf32>,
      %parallel_loop3A_374 = arith.constant 1 : i32
      %parallel_loop3A_375 = arith.constant 29 : i32
      %parallel_loop3A_376 = arith.index_cast %parallel_loop3A_374 : i32 to index
      %parallel_loop3A_377 = arith.index_cast %parallel_loop3A_375 : i32 to index
      %parallel_loop3A_378 = arith.index_cast %parallel_loop3A_97 : i32 to index
      %parallel_loop3A_379 = tpu.vector_load %arg7[%parallel_loop3A_376, %parallel_loop3A_377, %parallel_loop3A_378] {strides = array<i32>} : memref<2x64x256xf32, #tpu.memory_space<vmem>>, vector<16xf32>,
      tpu.vector_store %arg7[%parallel_loop3A_376, %parallel_loop3A_377, %parallel_loop3A_378], %parallel_loop3A_361 {strides = array<i32>} : memref<2x64x256xf32, #tpu.memory_space<vmem>>, vector<16xf32>,
      %parallel_loop3A_380 = arith.constant 1 : i32
      %parallel_loop3A_381 = arith.constant 30 : i32
      %parallel_loop3A_382 = arith.index_cast %parallel_loop3A_380 : i32 to index
      %parallel_loop3A_383 = arith.index_cast %parallel_loop3A_381 : i32 to index
      %parallel_loop3A_384 = arith.index_cast %parallel_loop3A_97 : i32 to index
      %parallel_loop3A_385 = tpu.vector_load %arg7[%parallel_loop3A_382, %parallel_loop3A_383, %parallel_loop3A_384] {strides = array<i32>} : memref<2x64x256xf32, #tpu.memory_space<vmem>>, vector<16xf32>,
      tpu.vector_store %arg7[%parallel_loop3A_382, %parallel_loop3A_383, %parallel_loop3A_384], %parallel_loop3A_364 {strides = array<i32>} : memref<2x64x256xf32, #tpu.memory_space<vmem>>, vector<16xf32>,
      %parallel_loop3A_386 = arith.constant 1 : i32
      %parallel_loop3A_387 = arith.constant 31 : i32
      %parallel_loop3A_388 = arith.index_cast %parallel_loop3A_386 : i32 to index
      %parallel_loop3A_389 = arith.index_cast %parallel_loop3A_387 : i32 to index
      %parallel_loop3A_390 = arith.index_cast %parallel_loop3A_97 : i32 to index
      %parallel_loop3A_391 = tpu.vector_load %arg7[%parallel_loop3A_388, %parallel_loop3A_389, %parallel_loop3A_390] {strides = array<i32>} : memref<2x64x256xf32, #tpu.memory_space<vmem>>, vector<16xf32>,
      tpu.vector_store %arg7[%parallel_loop3A_388, %parallel_loop3A_389, %parallel_loop3A_390], %parallel_loop3A_367 {strides = array<i32>} : memref<2x64x256xf32, #tpu.memory_space<vmem>>, vector<16xf32>,
      %parallel_loop3A_392 = arith.constant 32 : i32
      %parallel_loop3A_393 = vector.broadcast %parallel_loop3A_392 : i32 to vector<16xi32>
      %parallel_loop3A_394 = tpu.vector_load_idx %arg6[%parallel_loop3A_393, %parallel_loop3A_103] : memref<64x1000xf32, #tpu.memory_space<vmem>>[vector<16xi32>, vector<16xi32>], vector<16xf32>,
      %parallel_loop3A_395 = arith.constant 33 : i32
      %parallel_loop3A_396 = vector.broadcast %parallel_loop3A_395 : i32 to vector<16xi32>
      %parallel_loop3A_397 = tpu.vector_load_idx %arg6[%parallel_loop3A_396, %parallel_loop3A_103] : memref<64x1000xf32, #tpu.memory_space<vmem>>[vector<16xi32>, vector<16xi32>], vector<16xf32>,
      %parallel_loop3A_398 = arith.constant 34 : i32
      %parallel_loop3A_399 = vector.broadcast %parallel_loop3A_398 : i32 to vector<16xi32>
      %parallel_loop3A_400 = tpu.vector_load_idx %arg6[%parallel_loop3A_399, %parallel_loop3A_103] : memref<64x1000xf32, #tpu.memory_space<vmem>>[vector<16xi32>, vector<16xi32>], vector<16xf32>,
      %parallel_loop3A_401 = arith.constant 35 : i32
      %parallel_loop3A_402 = vector.broadcast %parallel_loop3A_401 : i32 to vector<16xi32>
      %parallel_loop3A_403 = tpu.vector_load_idx %arg6[%parallel_loop3A_402, %parallel_loop3A_103] : memref<64x1000xf32, #tpu.memory_space<vmem>>[vector<16xi32>, vector<16xi32>], vector<16xf32>,
      %parallel_loop3A_404 = arith.constant 1 : i32
      %parallel_loop3A_405 = arith.constant 32 : i32
      %parallel_loop3A_406 = arith.index_cast %parallel_loop3A_404 : i32 to index
      %parallel_loop3A_407 = arith.index_cast %parallel_loop3A_405 : i32 to index
      %parallel_loop3A_408 = arith.index_cast %parallel_loop3A_97 : i32 to index
      %parallel_loop3A_409 = tpu.vector_load %arg7[%parallel_loop3A_406, %parallel_loop3A_407, %parallel_loop3A_408] {strides = array<i32>} : memref<2x64x256xf32, #tpu.memory_space<vmem>>, vector<16xf32>,
      tpu.vector_store %arg7[%parallel_loop3A_406, %parallel_loop3A_407, %parallel_loop3A_408], %parallel_loop3A_394 {strides = array<i32>} : memref<2x64x256xf32, #tpu.memory_space<vmem>>, vector<16xf32>,
      %parallel_loop3A_410 = arith.constant 1 : i32
      %parallel_loop3A_411 = arith.constant 33 : i32
      %parallel_loop3A_412 = arith.index_cast %parallel_loop3A_410 : i32 to index
      %parallel_loop3A_413 = arith.index_cast %parallel_loop3A_411 : i32 to index
      %parallel_loop3A_414 = arith.index_cast %parallel_loop3A_97 : i32 to index
      %parallel_loop3A_415 = tpu.vector_load %arg7[%parallel_loop3A_412, %parallel_loop3A_413, %parallel_loop3A_414] {strides = array<i32>} : memref<2x64x256xf32, #tpu.memory_space<vmem>>, vector<16xf32>,
      tpu.vector_store %arg7[%parallel_loop3A_412, %parallel_loop3A_413, %parallel_loop3A_414], %parallel_loop3A_397 {strides = array<i32>} : memref<2x64x256xf32, #tpu.memory_space<vmem>>, vector<16xf32>,
      %parallel_loop3A_416 = arith.constant 1 : i32
      %parallel_loop3A_417 = arith.constant 34 : i32
      %parallel_loop3A_418 = arith.index_cast %parallel_loop3A_416 : i32 to index
      %parallel_loop3A_419 = arith.index_cast %parallel_loop3A_417 : i32 to index
      %parallel_loop3A_420 = arith.index_cast %parallel_loop3A_97 : i32 to index
      %parallel_loop3A_421 = tpu.vector_load %arg7[%parallel_loop3A_418, %parallel_loop3A_419, %parallel_loop3A_420] {strides = array<i32>} : memref<2x64x256xf32, #tpu.memory_space<vmem>>, vector<16xf32>,
      tpu.vector_store %arg7[%parallel_loop3A_418, %parallel_loop3A_419, %parallel_loop3A_420], %parallel_loop3A_400 {strides = array<i32>} : memref<2x64x256xf32, #tpu.memory_space<vmem>>, vector<16xf32>,
      %parallel_loop3A_422 = arith.constant 1 : i32
      %parallel_loop3A_423 = arith.constant 35 : i32
      %parallel_loop3A_424 = arith.index_cast %parallel_loop3A_422 : i32 to index
      %parallel_loop3A_425 = arith.index_cast %parallel_loop3A_423 : i32 to index
      %parallel_loop3A_426 = arith.index_cast %parallel_loop3A_97 : i32 to index
      %parallel_loop3A_427 = tpu.vector_load %arg7[%parallel_loop3A_424, %parallel_loop3A_425, %parallel_loop3A_426] {strides = array<i32>} : memref<2x64x256xf32, #tpu.memory_space<vmem>>, vector<16xf32>,
      tpu.vector_store %arg7[%parallel_loop3A_424, %parallel_loop3A_425, %parallel_loop3A_426], %parallel_loop3A_403 {strides = array<i32>} : memref<2x64x256xf32, #tpu.memory_space<vmem>>, vector<16xf32>,
      %parallel_loop3A_428 = arith.constant 36 : i32
      %parallel_loop3A_429 = vector.broadcast %parallel_loop3A_428 : i32 to vector<16xi32>
      %parallel_loop3A_430 = tpu.vector_load_idx %arg6[%parallel_loop3A_429, %parallel_loop3A_103] : memref<64x1000xf32, #tpu.memory_space<vmem>>[vector<16xi32>, vector<16xi32>], vector<16xf32>,
      %parallel_loop3A_431 = arith.constant 37 : i32
      %parallel_loop3A_432 = vector.broadcast %parallel_loop3A_431 : i32 to vector<16xi32>
      %parallel_loop3A_433 = tpu.vector_load_idx %arg6[%parallel_loop3A_432, %parallel_loop3A_103] : memref<64x1000xf32, #tpu.memory_space<vmem>>[vector<16xi32>, vector<16xi32>], vector<16xf32>,
      %parallel_loop3A_434 = arith.constant 38 : i32
      %parallel_loop3A_435 = vector.broadcast %parallel_loop3A_434 : i32 to vector<16xi32>
      %parallel_loop3A_436 = tpu.vector_load_idx %arg6[%parallel_loop3A_435, %parallel_loop3A_103] : memref<64x1000xf32, #tpu.memory_space<vmem>>[vector<16xi32>, vector<16xi32>], vector<16xf32>,
      %parallel_loop3A_437 = arith.constant 39 : i32
      %parallel_loop3A_438 = vector.broadcast %parallel_loop3A_437 : i32 to vector<16xi32>
      %parallel_loop3A_439 = tpu.vector_load_idx %arg6[%parallel_loop3A_438, %parallel_loop3A_103] : memref<64x1000xf32, #tpu.memory_space<vmem>>[vector<16xi32>, vector<16xi32>], vector<16xf32>,
      %parallel_loop3A_440 = arith.constant 1 : i32
      %parallel_loop3A_441 = arith.constant 36 : i32
      %parallel_loop3A_442 = arith.index_cast %parallel_loop3A_440 : i32 to index
      %parallel_loop3A_443 = arith.index_cast %parallel_loop3A_441 : i32 to index
      %parallel_loop3A_444 = arith.index_cast %parallel_loop3A_97 : i32 to index
      %parallel_loop3A_445 = tpu.vector_load %arg7[%parallel_loop3A_442, %parallel_loop3A_443, %parallel_loop3A_444] {strides = array<i32>} : memref<2x64x256xf32, #tpu.memory_space<vmem>>, vector<16xf32>,
      tpu.vector_store %arg7[%parallel_loop3A_442, %parallel_loop3A_443, %parallel_loop3A_444], %parallel_loop3A_430 {strides = array<i32>} : memref<2x64x256xf32, #tpu.memory_space<vmem>>, vector<16xf32>,
      %parallel_loop3A_446 = arith.constant 1 : i32
      %parallel_loop3A_447 = arith.constant 37 : i32
      %parallel_loop3A_448 = arith.index_cast %parallel_loop3A_446 : i32 to index
      %parallel_loop3A_449 = arith.index_cast %parallel_loop3A_447 : i32 to index
      %parallel_loop3A_450 = arith.index_cast %parallel_loop3A_97 : i32 to index
      %parallel_loop3A_451 = tpu.vector_load %arg7[%parallel_loop3A_448, %parallel_loop3A_449, %parallel_loop3A_450] {strides = array<i32>} : memref<2x64x256xf32, #tpu.memory_space<vmem>>, vector<16xf32>,
      tpu.vector_store %arg7[%parallel_loop3A_448, %parallel_loop3A_449, %parallel_loop3A_450], %parallel_loop3A_433 {strides = array<i32>} : memref<2x64x256xf32, #tpu.memory_space<vmem>>, vector<16xf32>,
      %parallel_loop3A_452 = arith.constant 1 : i32
      %parallel_loop3A_453 = arith.constant 38 : i32
      %parallel_loop3A_454 = arith.index_cast %parallel_loop3A_452 : i32 to index
      %parallel_loop3A_455 = arith.index_cast %parallel_loop3A_453 : i32 to index
      %parallel_loop3A_456 = arith.index_cast %parallel_loop3A_97 : i32 to index
      %parallel_loop3A_457 = tpu.vector_load %arg7[%parallel_loop3A_454, %parallel_loop3A_455, %parallel_loop3A_456] {strides = array<i32>} : memref<2x64x256xf32, #tpu.memory_space<vmem>>, vector<16xf32>,
      tpu.vector_store %arg7[%parallel_loop3A_454, %parallel_loop3A_455, %parallel_loop3A_456], %parallel_loop3A_436 {strides = array<i32>} : memref<2x64x256xf32, #tpu.memory_space<vmem>>, vector<16xf32>,
      %parallel_loop3A_458 = arith.constant 1 : i32
      %parallel_loop3A_459 = arith.constant 39 : i32
      %parallel_loop3A_460 = arith.index_cast %parallel_loop3A_458 : i32 to index
      %parallel_loop3A_461 = arith.index_cast %parallel_loop3A_459 : i32 to index
      %parallel_loop3A_462 = arith.index_cast %parallel_loop3A_97 : i32 to index
      %parallel_loop3A_463 = tpu.vector_load %arg7[%parallel_loop3A_460, %parallel_loop3A_461, %parallel_loop3A_462] {strides = array<i32>} : memref<2x64x256xf32, #tpu.memory_space<vmem>>, vector<16xf32>,
      tpu.vector_store %arg7[%parallel_loop3A_460, %parallel_loop3A_461, %parallel_loop3A_462], %parallel_loop3A_439 {strides = array<i32>} : memref<2x64x256xf32, #tpu.memory_space<vmem>>, vector<16xf32>,
      %parallel_loop3A_464 = arith.constant 40 : i32
      %parallel_loop3A_465 = vector.broadcast %parallel_loop3A_464 : i32 to vector<16xi32>
      %parallel_loop3A_466 = tpu.vector_load_idx %arg6[%parallel_loop3A_465, %parallel_loop3A_103] : memref<64x1000xf32, #tpu.memory_space<vmem>>[vector<16xi32>, vector<16xi32>], vector<16xf32>,
      %parallel_loop3A_467 = arith.constant 41 : i32
      %parallel_loop3A_468 = vector.broadcast %parallel_loop3A_467 : i32 to vector<16xi32>
      %parallel_loop3A_469 = tpu.vector_load_idx %arg6[%parallel_loop3A_468, %parallel_loop3A_103] : memref<64x1000xf32, #tpu.memory_space<vmem>>[vector<16xi32>, vector<16xi32>], vector<16xf32>,
      %parallel_loop3A_470 = arith.constant 42 : i32
      %parallel_loop3A_471 = vector.broadcast %parallel_loop3A_470 : i32 to vector<16xi32>
      %parallel_loop3A_472 = tpu.vector_load_idx %arg6[%parallel_loop3A_471, %parallel_loop3A_103] : memref<64x1000xf32, #tpu.memory_space<vmem>>[vector<16xi32>, vector<16xi32>], vector<16xf32>,
      %parallel_loop3A_473 = arith.constant 43 : i32
      %parallel_loop3A_474 = vector.broadcast %parallel_loop3A_473 : i32 to vector<16xi32>
      %parallel_loop3A_475 = tpu.vector_load_idx %arg6[%parallel_loop3A_474, %parallel_loop3A_103] : memref<64x1000xf32, #tpu.memory_space<vmem>>[vector<16xi32>, vector<16xi32>], vector<16xf32>,
      %parallel_loop3A_476 = arith.constant 1 : i32
      %parallel_loop3A_477 = arith.constant 40 : i32
      %parallel_loop3A_478 = arith.index_cast %parallel_loop3A_476 : i32 to index
      %parallel_loop3A_479 = arith.index_cast %parallel_loop3A_477 : i32 to index
      %parallel_loop3A_480 = arith.index_cast %parallel_loop3A_97 : i32 to index
      %parallel_loop3A_481 = tpu.vector_load %arg7[%parallel_loop3A_478, %parallel_loop3A_479, %parallel_loop3A_480] {strides = array<i32>} : memref<2x64x256xf32, #tpu.memory_space<vmem>>, vector<16xf32>,
      tpu.vector_store %arg7[%parallel_loop3A_478, %parallel_loop3A_479, %parallel_loop3A_480], %parallel_loop3A_466 {strides = array<i32>} : memref<2x64x256xf32, #tpu.memory_space<vmem>>, vector<16xf32>,
      %parallel_loop3A_482 = arith.constant 1 : i32
      %parallel_loop3A_483 = arith.constant 41 : i32
      %parallel_loop3A_484 = arith.index_cast %parallel_loop3A_482 : i32 to index
      %parallel_loop3A_485 = arith.index_cast %parallel_loop3A_483 : i32 to index
      %parallel_loop3A_486 = arith.index_cast %parallel_loop3A_97 : i32 to index
      %parallel_loop3A_487 = tpu.vector_load %arg7[%parallel_loop3A_484, %parallel_loop3A_485, %parallel_loop3A_486] {strides = array<i32>} : memref<2x64x256xf32, #tpu.memory_space<vmem>>, vector<16xf32>,
      tpu.vector_store %arg7[%parallel_loop3A_484, %parallel_loop3A_485, %parallel_loop3A_486], %parallel_loop3A_469 {strides = array<i32>} : memref<2x64x256xf32, #tpu.memory_space<vmem>>, vector<16xf32>,
      %parallel_loop3A_488 = arith.constant 1 : i32
      %parallel_loop3A_489 = arith.constant 42 : i32
      %parallel_loop3A_490 = arith.index_cast %parallel_loop3A_488 : i32 to index
      %parallel_loop3A_491 = arith.index_cast %parallel_loop3A_489 : i32 to index
      %parallel_loop3A_492 = arith.index_cast %parallel_loop3A_97 : i32 to index
      %parallel_loop3A_493 = tpu.vector_load %arg7[%parallel_loop3A_490, %parallel_loop3A_491, %parallel_loop3A_492] {strides = array<i32>} : memref<2x64x256xf32, #tpu.memory_space<vmem>>, vector<16xf32>,
      tpu.vector_store %arg7[%parallel_loop3A_490, %parallel_loop3A_491, %parallel_loop3A_492], %parallel_loop3A_472 {strides = array<i32>} : memref<2x64x256xf32, #tpu.memory_space<vmem>>, vector<16xf32>,
      %parallel_loop3A_494 = arith.constant 1 : i32
      %parallel_loop3A_495 = arith.constant 43 : i32
      %parallel_loop3A_496 = arith.index_cast %parallel_loop3A_494 : i32 to index
      %parallel_loop3A_497 = arith.index_cast %parallel_loop3A_495 : i32 to index
      %parallel_loop3A_498 = arith.index_cast %parallel_loop3A_97 : i32 to index
      %parallel_loop3A_499 = tpu.vector_load %arg7[%parallel_loop3A_496, %parallel_loop3A_497, %parallel_loop3A_498] {strides = array<i32>} : memref<2x64x256xf32, #tpu.memory_space<vmem>>, vector<16xf32>,
      tpu.vector_store %arg7[%parallel_loop3A_496, %parallel_loop3A_497, %parallel_loop3A_498], %parallel_loop3A_475 {strides = array<i32>} : memref<2x64x256xf32, #tpu.memory_space<vmem>>, vector<16xf32>,
      %parallel_loop3A_500 = arith.constant 44 : i32
      %parallel_loop3A_501 = vector.broadcast %parallel_loop3A_500 : i32 to vector<16xi32>
      %parallel_loop3A_502 = tpu.vector_load_idx %arg6[%parallel_loop3A_501, %parallel_loop3A_103] : memref<64x1000xf32, #tpu.memory_space<vmem>>[vector<16xi32>, vector<16xi32>], vector<16xf32>,
      %parallel_loop3A_503 = arith.constant 45 : i32
      %parallel_loop3A_504 = vector.broadcast %parallel_loop3A_503 : i32 to vector<16xi32>
      %parallel_loop3A_505 = tpu.vector_load_idx %arg6[%parallel_loop3A_504, %parallel_loop3A_103] : memref<64x1000xf32, #tpu.memory_space<vmem>>[vector<16xi32>, vector<16xi32>], vector<16xf32>,
      %parallel_loop3A_506 = arith.constant 46 : i32
      %parallel_loop3A_507 = vector.broadcast %parallel_loop3A_506 : i32 to vector<16xi32>
      %parallel_loop3A_508 = tpu.vector_load_idx %arg6[%parallel_loop3A_507, %parallel_loop3A_103] : memref<64x1000xf32, #tpu.memory_space<vmem>>[vector<16xi32>, vector<16xi32>], vector<16xf32>,
      %parallel_loop3A_509 = arith.constant 47 : i32
      %parallel_loop3A_510 = vector.broadcast %parallel_loop3A_509 : i32 to vector<16xi32>
      %parallel_loop3A_511 = tpu.vector_load_idx %arg6[%parallel_loop3A_510, %parallel_loop3A_103] : memref<64x1000xf32, #tpu.memory_space<vmem>>[vector<16xi32>, vector<16xi32>], vector<16xf32>,
      %parallel_loop3A_512 = arith.constant 1 : i32
      %parallel_loop3A_513 = arith.constant 44 : i32
      %parallel_loop3A_514 = arith.index_cast %parallel_loop3A_512 : i32 to index
      %parallel_loop3A_515 = arith.index_cast %parallel_loop3A_513 : i32 to index
      %parallel_loop3A_516 = arith.index_cast %parallel_loop3A_97 : i32 to index
      %parallel_loop3A_517 = tpu.vector_load %arg7[%parallel_loop3A_514, %parallel_loop3A_515, %parallel_loop3A_516] {strides = array<i32>} : memref<2x64x256xf32, #tpu.memory_space<vmem>>, vector<16xf32>,
      tpu.vector_store %arg7[%parallel_loop3A_514, %parallel_loop3A_515, %parallel_loop3A_516], %parallel_loop3A_502 {strides = array<i32>} : memref<2x64x256xf32, #tpu.memory_space<vmem>>, vector<16xf32>,
      %parallel_loop3A_518 = arith.constant 1 : i32
      %parallel_loop3A_519 = arith.constant 45 : i32
      %parallel_loop3A_520 = arith.index_cast %parallel_loop3A_518 : i32 to index
      %parallel_loop3A_521 = arith.index_cast %parallel_loop3A_519 : i32 to index
      %parallel_loop3A_522 = arith.index_cast %parallel_loop3A_97 : i32 to index
      %parallel_loop3A_523 = tpu.vector_load %arg7[%parallel_loop3A_520, %parallel_loop3A_521, %parallel_loop3A_522] {strides = array<i32>} : memref<2x64x256xf32, #tpu.memory_space<vmem>>, vector<16xf32>,
      tpu.vector_store %arg7[%parallel_loop3A_520, %parallel_loop3A_521, %parallel_loop3A_522], %parallel_loop3A_505 {strides = array<i32>} : memref<2x64x256xf32, #tpu.memory_space<vmem>>, vector<16xf32>,
      %parallel_loop3A_524 = arith.constant 1 : i32
      %parallel_loop3A_525 = arith.constant 46 : i32
      %parallel_loop3A_526 = arith.index_cast %parallel_loop3A_524 : i32 to index
      %parallel_loop3A_527 = arith.index_cast %parallel_loop3A_525 : i32 to index
      %parallel_loop3A_528 = arith.index_cast %parallel_loop3A_97 : i32 to index
      %parallel_loop3A_529 = tpu.vector_load %arg7[%parallel_loop3A_526, %parallel_loop3A_527, %parallel_loop3A_528] {strides = array<i32>} : memref<2x64x256xf32, #tpu.memory_space<vmem>>, vector<16xf32>,
      tpu.vector_store %arg7[%parallel_loop3A_526, %parallel_loop3A_527, %parallel_loop3A_528], %parallel_loop3A_508 {strides = array<i32>} : memref<2x64x256xf32, #tpu.memory_space<vmem>>, vector<16xf32>,
      %parallel_loop3A_530 = arith.constant 1 : i32
      %parallel_loop3A_531 = arith.constant 47 : i32
      %parallel_loop3A_532 = arith.index_cast %parallel_loop3A_530 : i32 to index
      %parallel_loop3A_533 = arith.index_cast %parallel_loop3A_531 : i32 to index
      %parallel_loop3A_534 = arith.index_cast %parallel_loop3A_97 : i32 to index
      %parallel_loop3A_535 = tpu.vector_load %arg7[%parallel_loop3A_532, %parallel_loop3A_533, %parallel_loop3A_534] {strides = array<i32>} : memref<2x64x256xf32, #tpu.memory_space<vmem>>, vector<16xf32>,
      tpu.vector_store %arg7[%parallel_loop3A_532, %parallel_loop3A_533, %parallel_loop3A_534], %parallel_loop3A_511 {strides = array<i32>} : memref<2x64x256xf32, #tpu.memory_space<vmem>>, vector<16xf32>,
      %parallel_loop3A_536 = arith.constant 48 : i32
      %parallel_loop3A_537 = vector.broadcast %parallel_loop3A_536 : i32 to vector<16xi32>
      %parallel_loop3A_538 = tpu.vector_load_idx %arg6[%parallel_loop3A_537, %parallel_loop3A_103] : memref<64x1000xf32, #tpu.memory_space<vmem>>[vector<16xi32>, vector<16xi32>], vector<16xf32>,
      %parallel_loop3A_539 = arith.constant 49 : i32
      %parallel_loop3A_540 = vector.broadcast %parallel_loop3A_539 : i32 to vector<16xi32>
      %parallel_loop3A_541 = tpu.vector_load_idx %arg6[%parallel_loop3A_540, %parallel_loop3A_103] : memref<64x1000xf32, #tpu.memory_space<vmem>>[vector<16xi32>, vector<16xi32>], vector<16xf32>,
      %parallel_loop3A_542 = arith.constant 50 : i32
      %parallel_loop3A_543 = vector.broadcast %parallel_loop3A_542 : i32 to vector<16xi32>
      %parallel_loop3A_544 = tpu.vector_load_idx %arg6[%parallel_loop3A_543, %parallel_loop3A_103] : memref<64x1000xf32, #tpu.memory_space<vmem>>[vector<16xi32>, vector<16xi32>], vector<16xf32>,
      %parallel_loop3A_545 = arith.constant 51 : i32
      %parallel_loop3A_546 = vector.broadcast %parallel_loop3A_545 : i32 to vector<16xi32>
      %parallel_loop3A_547 = tpu.vector_load_idx %arg6[%parallel_loop3A_546, %parallel_loop3A_103] : memref<64x1000xf32, #tpu.memory_space<vmem>>[vector<16xi32>, vector<16xi32>], vector<16xf32>,
      %parallel_loop3A_548 = arith.constant 1 : i32
      %parallel_loop3A_549 = arith.constant 48 : i32
      %parallel_loop3A_550 = arith.index_cast %parallel_loop3A_548 : i32 to index
      %parallel_loop3A_551 = arith.index_cast %parallel_loop3A_549 : i32 to index
      %parallel_loop3A_552 = arith.index_cast %parallel_loop3A_97 : i32 to index
      %parallel_loop3A_553 = tpu.vector_load %arg7[%parallel_loop3A_550, %parallel_loop3A_551, %parallel_loop3A_552] {strides = array<i32>} : memref<2x64x256xf32, #tpu.memory_space<vmem>>, vector<16xf32>,
      tpu.vector_store %arg7[%parallel_loop3A_550, %parallel_loop3A_551, %parallel_loop3A_552], %parallel_loop3A_538 {strides = array<i32>} : memref<2x64x256xf32, #tpu.memory_space<vmem>>, vector<16xf32>,
      %parallel_loop3A_554 = arith.constant 1 : i32
      %parallel_loop3A_555 = arith.constant 49 : i32
      %parallel_loop3A_556 = arith.index_cast %parallel_loop3A_554 : i32 to index
      %parallel_loop3A_557 = arith.index_cast %parallel_loop3A_555 : i32 to index
      %parallel_loop3A_558 = arith.index_cast %parallel_loop3A_97 : i32 to index
      %parallel_loop3A_559 = tpu.vector_load %arg7[%parallel_loop3A_556, %parallel_loop3A_557, %parallel_loop3A_558] {strides = array<i32>} : memref<2x64x256xf32, #tpu.memory_space<vmem>>, vector<16xf32>,
      tpu.vector_store %arg7[%parallel_loop3A_556, %parallel_loop3A_557, %parallel_loop3A_558], %parallel_loop3A_541 {strides = array<i32>} : memref<2x64x256xf32, #tpu.memory_space<vmem>>, vector<16xf32>,
      %parallel_loop3A_560 = arith.constant 1 : i32
      %parallel_loop3A_561 = arith.constant 50 : i32
      %parallel_loop3A_562 = arith.index_cast %parallel_loop3A_560 : i32 to index
      %parallel_loop3A_563 = arith.index_cast %parallel_loop3A_561 : i32 to index
      %parallel_loop3A_564 = arith.index_cast %parallel_loop3A_97 : i32 to index
      %parallel_loop3A_565 = tpu.vector_load %arg7[%parallel_loop3A_562, %parallel_loop3A_563, %parallel_loop3A_564] {strides = array<i32>} : memref<2x64x256xf32, #tpu.memory_space<vmem>>, vector<16xf32>,
      tpu.vector_store %arg7[%parallel_loop3A_562, %parallel_loop3A_563, %parallel_loop3A_564], %parallel_loop3A_544 {strides = array<i32>} : memref<2x64x256xf32, #tpu.memory_space<vmem>>, vector<16xf32>,
      %parallel_loop3A_566 = arith.constant 1 : i32
      %parallel_loop3A_567 = arith.constant 51 : i32
      %parallel_loop3A_568 = arith.index_cast %parallel_loop3A_566 : i32 to index
      %parallel_loop3A_569 = arith.index_cast %parallel_loop3A_567 : i32 to index
      %parallel_loop3A_570 = arith.index_cast %parallel_loop3A_97 : i32 to index
      %parallel_loop3A_571 = tpu.vector_load %arg7[%parallel_loop3A_568, %parallel_loop3A_569, %parallel_loop3A_570] {strides = array<i32>} : memref<2x64x256xf32, #tpu.memory_space<vmem>>, vector<16xf32>,
      tpu.vector_store %arg7[%parallel_loop3A_568, %parallel_loop3A_569, %parallel_loop3A_570], %parallel_loop3A_547 {strides = array<i32>} : memref<2x64x256xf32, #tpu.memory_space<vmem>>, vector<16xf32>,
      %parallel_loop3A_572 = arith.constant 52 : i32
      %parallel_loop3A_573 = vector.broadcast %parallel_loop3A_572 : i32 to vector<16xi32>
      %parallel_loop3A_574 = tpu.vector_load_idx %arg6[%parallel_loop3A_573, %parallel_loop3A_103] : memref<64x1000xf32, #tpu.memory_space<vmem>>[vector<16xi32>, vector<16xi32>], vector<16xf32>,
      %parallel_loop3A_575 = arith.constant 53 : i32
      %parallel_loop3A_576 = vector.broadcast %parallel_loop3A_575 : i32 to vector<16xi32>
      %parallel_loop3A_577 = tpu.vector_load_idx %arg6[%parallel_loop3A_576, %parallel_loop3A_103] : memref<64x1000xf32, #tpu.memory_space<vmem>>[vector<16xi32>, vector<16xi32>], vector<16xf32>,
      %parallel_loop3A_578 = arith.constant 54 : i32
      %parallel_loop3A_579 = vector.broadcast %parallel_loop3A_578 : i32 to vector<16xi32>
      %parallel_loop3A_580 = tpu.vector_load_idx %arg6[%parallel_loop3A_579, %parallel_loop3A_103] : memref<64x1000xf32, #tpu.memory_space<vmem>>[vector<16xi32>, vector<16xi32>], vector<16xf32>,
      %parallel_loop3A_581 = arith.constant 55 : i32
      %parallel_loop3A_582 = vector.broadcast %parallel_loop3A_581 : i32 to vector<16xi32>
      %parallel_loop3A_583 = tpu.vector_load_idx %arg6[%parallel_loop3A_582, %parallel_loop3A_103] : memref<64x1000xf32, #tpu.memory_space<vmem>>[vector<16xi32>, vector<16xi32>], vector<16xf32>,
      %parallel_loop3A_584 = arith.constant 1 : i32
      %parallel_loop3A_585 = arith.constant 52 : i32
      %parallel_loop3A_586 = arith.index_cast %parallel_loop3A_584 : i32 to index
      %parallel_loop3A_587 = arith.index_cast %parallel_loop3A_585 : i32 to index
      %parallel_loop3A_588 = arith.index_cast %parallel_loop3A_97 : i32 to index
      %parallel_loop3A_589 = tpu.vector_load %arg7[%parallel_loop3A_586, %parallel_loop3A_587, %parallel_loop3A_588] {strides = array<i32>} : memref<2x64x256xf32, #tpu.memory_space<vmem>>, vector<16xf32>,
      tpu.vector_store %arg7[%parallel_loop3A_586, %parallel_loop3A_587, %parallel_loop3A_588], %parallel_loop3A_574 {strides = array<i32>} : memref<2x64x256xf32, #tpu.memory_space<vmem>>, vector<16xf32>,
      %parallel_loop3A_590 = arith.constant 1 : i32
      %parallel_loop3A_591 = arith.constant 53 : i32
      %parallel_loop3A_592 = arith.index_cast %parallel_loop3A_590 : i32 to index
      %parallel_loop3A_593 = arith.index_cast %parallel_loop3A_591 : i32 to index
      %parallel_loop3A_594 = arith.index_cast %parallel_loop3A_97 : i32 to index
      %parallel_loop3A_595 = tpu.vector_load %arg7[%parallel_loop3A_592, %parallel_loop3A_593, %parallel_loop3A_594] {strides = array<i32>} : memref<2x64x256xf32, #tpu.memory_space<vmem>>, vector<16xf32>,
      tpu.vector_store %arg7[%parallel_loop3A_592, %parallel_loop3A_593, %parallel_loop3A_594], %parallel_loop3A_577 {strides = array<i32>} : memref<2x64x256xf32, #tpu.memory_space<vmem>>, vector<16xf32>,
      %parallel_loop3A_596 = arith.constant 1 : i32
      %parallel_loop3A_597 = arith.constant 54 : i32
      %parallel_loop3A_598 = arith.index_cast %parallel_loop3A_596 : i32 to index
      %parallel_loop3A_599 = arith.index_cast %parallel_loop3A_597 : i32 to index
      %parallel_loop3A_600 = arith.index_cast %parallel_loop3A_97 : i32 to index
      %parallel_loop3A_601 = tpu.vector_load %arg7[%parallel_loop3A_598, %parallel_loop3A_599, %parallel_loop3A_600] {strides = array<i32>} : memref<2x64x256xf32, #tpu.memory_space<vmem>>, vector<16xf32>,
      tpu.vector_store %arg7[%parallel_loop3A_598, %parallel_loop3A_599, %parallel_loop3A_600], %parallel_loop3A_580 {strides = array<i32>} : memref<2x64x256xf32, #tpu.memory_space<vmem>>, vector<16xf32>,
      %parallel_loop3A_602 = arith.constant 1 : i32
      %parallel_loop3A_603 = arith.constant 55 : i32
      %parallel_loop3A_604 = arith.index_cast %parallel_loop3A_602 : i32 to index
      %parallel_loop3A_605 = arith.index_cast %parallel_loop3A_603 : i32 to index
      %parallel_loop3A_606 = arith.index_cast %parallel_loop3A_97 : i32 to index
      %parallel_loop3A_607 = tpu.vector_load %arg7[%parallel_loop3A_604, %parallel_loop3A_605, %parallel_loop3A_606] {strides = array<i32>} : memref<2x64x256xf32, #tpu.memory_space<vmem>>, vector<16xf32>,
      tpu.vector_store %arg7[%parallel_loop3A_604, %parallel_loop3A_605, %parallel_loop3A_606], %parallel_loop3A_583 {strides = array<i32>} : memref<2x64x256xf32, #tpu.memory_space<vmem>>, vector<16xf32>,
      %parallel_loop3A_608 = arith.constant 56 : i32
      %parallel_loop3A_609 = vector.broadcast %parallel_loop3A_608 : i32 to vector<16xi32>
      %parallel_loop3A_610 = tpu.vector_load_idx %arg6[%parallel_loop3A_609, %parallel_loop3A_103] : memref<64x1000xf32, #tpu.memory_space<vmem>>[vector<16xi32>, vector<16xi32>], vector<16xf32>,
      %parallel_loop3A_611 = arith.constant 57 : i32
      %parallel_loop3A_612 = vector.broadcast %parallel_loop3A_611 : i32 to vector<16xi32>
      %parallel_loop3A_613 = tpu.vector_load_idx %arg6[%parallel_loop3A_612, %parallel_loop3A_103] : memref<64x1000xf32, #tpu.memory_space<vmem>>[vector<16xi32>, vector<16xi32>], vector<16xf32>,
      %parallel_loop3A_614 = arith.constant 58 : i32
      %parallel_loop3A_615 = vector.broadcast %parallel_loop3A_614 : i32 to vector<16xi32>
      %parallel_loop3A_616 = tpu.vector_load_idx %arg6[%parallel_loop3A_615, %parallel_loop3A_103] : memref<64x1000xf32, #tpu.memory_space<vmem>>[vector<16xi32>, vector<16xi32>], vector<16xf32>,
      %parallel_loop3A_617 = arith.constant 59 : i32
      %parallel_loop3A_618 = vector.broadcast %parallel_loop3A_617 : i32 to vector<16xi32>
      %parallel_loop3A_619 = tpu.vector_load_idx %arg6[%parallel_loop3A_618, %parallel_loop3A_103] : memref<64x1000xf32, #tpu.memory_space<vmem>>[vector<16xi32>, vector<16xi32>], vector<16xf32>,
      %parallel_loop3A_620 = arith.constant 1 : i32
      %parallel_loop3A_621 = arith.constant 56 : i32
      %parallel_loop3A_622 = arith.index_cast %parallel_loop3A_620 : i32 to index
      %parallel_loop3A_623 = arith.index_cast %parallel_loop3A_621 : i32 to index
      %parallel_loop3A_624 = arith.index_cast %parallel_loop3A_97 : i32 to index
      %parallel_loop3A_625 = tpu.vector_load %arg7[%parallel_loop3A_622, %parallel_loop3A_623, %parallel_loop3A_624] {strides = array<i32>} : memref<2x64x256xf32, #tpu.memory_space<vmem>>, vector<16xf32>,
      tpu.vector_store %arg7[%parallel_loop3A_622, %parallel_loop3A_623, %parallel_loop3A_624], %parallel_loop3A_610 {strides = array<i32>} : memref<2x64x256xf32, #tpu.memory_space<vmem>>, vector<16xf32>,
      %parallel_loop3A_626 = arith.constant 1 : i32
      %parallel_loop3A_627 = arith.constant 57 : i32
      %parallel_loop3A_628 = arith.index_cast %parallel_loop3A_626 : i32 to index
      %parallel_loop3A_629 = arith.index_cast %parallel_loop3A_627 : i32 to index
      %parallel_loop3A_630 = arith.index_cast %parallel_loop3A_97 : i32 to index
      %parallel_loop3A_631 = tpu.vector_load %arg7[%parallel_loop3A_628, %parallel_loop3A_629, %parallel_loop3A_630] {strides = array<i32>} : memref<2x64x256xf32, #tpu.memory_space<vmem>>, vector<16xf32>,
      tpu.vector_store %arg7[%parallel_loop3A_628, %parallel_loop3A_629, %parallel_loop3A_630], %parallel_loop3A_613 {strides = array<i32>} : memref<2x64x256xf32, #tpu.memory_space<vmem>>, vector<16xf32>,
      %parallel_loop3A_632 = arith.constant 1 : i32
      %parallel_loop3A_633 = arith.constant 58 : i32
      %parallel_loop3A_634 = arith.index_cast %parallel_loop3A_632 : i32 to index
      %parallel_loop3A_635 = arith.index_cast %parallel_loop3A_633 : i32 to index
      %parallel_loop3A_636 = arith.index_cast %parallel_loop3A_97 : i32 to index
      %parallel_loop3A_637 = tpu.vector_load %arg7[%parallel_loop3A_634, %parallel_loop3A_635, %parallel_loop3A_636] {strides = array<i32>} : memref<2x64x256xf32, #tpu.memory_space<vmem>>, vector<16xf32>,
      tpu.vector_store %arg7[%parallel_loop3A_634, %parallel_loop3A_635, %parallel_loop3A_636], %parallel_loop3A_616 {strides = array<i32>} : memref<2x64x256xf32, #tpu.memory_space<vmem>>, vector<16xf32>,
      %parallel_loop3A_638 = arith.constant 1 : i32
      %parallel_loop3A_639 = arith.constant 59 : i32
      %parallel_loop3A_640 = arith.index_cast %parallel_loop3A_638 : i32 to index
      %parallel_loop3A_641 = arith.index_cast %parallel_loop3A_639 : i32 to index
      %parallel_loop3A_642 = arith.index_cast %parallel_loop3A_97 : i32 to index
      %parallel_loop3A_643 = tpu.vector_load %arg7[%parallel_loop3A_640, %parallel_loop3A_641, %parallel_loop3A_642] {strides = array<i32>} : memref<2x64x256xf32, #tpu.memory_space<vmem>>, vector<16xf32>,
      tpu.vector_store %arg7[%parallel_loop3A_640, %parallel_loop3A_641, %parallel_loop3A_642], %parallel_loop3A_619 {strides = array<i32>} : memref<2x64x256xf32, #tpu.memory_space<vmem>>, vector<16xf32>,
      %parallel_loop3A_644 = arith.constant 60 : i32
      %parallel_loop3A_645 = vector.broadcast %parallel_loop3A_644 : i32 to vector<16xi32>
      %parallel_loop3A_646 = tpu.vector_load_idx %arg6[%parallel_loop3A_645, %parallel_loop3A_103] : memref<64x1000xf32, #tpu.memory_space<vmem>>[vector<16xi32>, vector<16xi32>], vector<16xf32>,
      %parallel_loop3A_647 = arith.constant 61 : i32
      %parallel_loop3A_648 = vector.broadcast %parallel_loop3A_647 : i32 to vector<16xi32>
      %parallel_loop3A_649 = tpu.vector_load_idx %arg6[%parallel_loop3A_648, %parallel_loop3A_103] : memref<64x1000xf32, #tpu.memory_space<vmem>>[vector<16xi32>, vector<16xi32>], vector<16xf32>,
      %parallel_loop3A_650 = arith.constant 62 : i32
      %parallel_loop3A_651 = vector.broadcast %parallel_loop3A_650 : i32 to vector<16xi32>
      %parallel_loop3A_652 = tpu.vector_load_idx %arg6[%parallel_loop3A_651, %parallel_loop3A_103] : memref<64x1000xf32, #tpu.memory_space<vmem>>[vector<16xi32>, vector<16xi32>], vector<16xf32>,
      %parallel_loop3A_653 = arith.constant 63 : i32
      %parallel_loop3A_654 = vector.broadcast %parallel_loop3A_653 : i32 to vector<16xi32>
      %parallel_loop3A_655 = tpu.vector_load_idx %arg6[%parallel_loop3A_654, %parallel_loop3A_103] : memref<64x1000xf32, #tpu.memory_space<vmem>>[vector<16xi32>, vector<16xi32>], vector<16xf32>,
      %parallel_loop3A_656 = arith.constant 1 : i32
      %parallel_loop3A_657 = arith.constant 60 : i32
      %parallel_loop3A_658 = arith.index_cast %parallel_loop3A_656 : i32 to index
      %parallel_loop3A_659 = arith.index_cast %parallel_loop3A_657 : i32 to index
      %parallel_loop3A_660 = arith.index_cast %parallel_loop3A_97 : i32 to index
      %parallel_loop3A_661 = tpu.vector_load %arg7[%parallel_loop3A_658, %parallel_loop3A_659, %parallel_loop3A_660] {strides = array<i32>} : memref<2x64x256xf32, #tpu.memory_space<vmem>>, vector<16xf32>,
      tpu.vector_store %arg7[%parallel_loop3A_658, %parallel_loop3A_659, %parallel_loop3A_660], %parallel_loop3A_646 {strides = array<i32>} : memref<2x64x256xf32, #tpu.memory_space<vmem>>, vector<16xf32>,
      %parallel_loop3A_662 = arith.constant 1 : i32
      %parallel_loop3A_663 = arith.constant 61 : i32
      %parallel_loop3A_664 = arith.index_cast %parallel_loop3A_662 : i32 to index
      %parallel_loop3A_665 = arith.index_cast %parallel_loop3A_663 : i32 to index
      %parallel_loop3A_666 = arith.index_cast %parallel_loop3A_97 : i32 to index
      %parallel_loop3A_667 = tpu.vector_load %arg7[%parallel_loop3A_664, %parallel_loop3A_665, %parallel_loop3A_666] {strides = array<i32>} : memref<2x64x256xf32, #tpu.memory_space<vmem>>, vector<16xf32>,
      tpu.vector_store %arg7[%parallel_loop3A_664, %parallel_loop3A_665, %parallel_loop3A_666], %parallel_loop3A_649 {strides = array<i32>} : memref<2x64x256xf32, #tpu.memory_space<vmem>>, vector<16xf32>,
      %parallel_loop3A_668 = arith.constant 1 : i32
      %parallel_loop3A_669 = arith.constant 62 : i32
      %parallel_loop3A_670 = arith.index_cast %parallel_loop3A_668 : i32 to index
      %parallel_loop3A_671 = arith.index_cast %parallel_loop3A_669 : i32 to index
      %parallel_loop3A_672 = arith.index_cast %parallel_loop3A_97 : i32 to index
      %parallel_loop3A_673 = tpu.vector_load %arg7[%parallel_loop3A_670, %parallel_loop3A_671, %parallel_loop3A_672] {strides = array<i32>} : memref<2x64x256xf32, #tpu.memory_space<vmem>>, vector<16xf32>,
      tpu.vector_store %arg7[%parallel_loop3A_670, %parallel_loop3A_671, %parallel_loop3A_672], %parallel_loop3A_652 {strides = array<i32>} : memref<2x64x256xf32, #tpu.memory_space<vmem>>, vector<16xf32>,
      %parallel_loop3A_674 = arith.constant 1 : i32
      %parallel_loop3A_675 = arith.constant 63 : i32
      %parallel_loop3A_676 = arith.index_cast %parallel_loop3A_674 : i32 to index
      %parallel_loop3A_677 = arith.index_cast %parallel_loop3A_675 : i32 to index
      %parallel_loop3A_678 = arith.index_cast %parallel_loop3A_97 : i32 to index
      %parallel_loop3A_679 = tpu.vector_load %arg7[%parallel_loop3A_676, %parallel_loop3A_677, %parallel_loop3A_678] {strides = array<i32>} : memref<2x64x256xf32, #tpu.memory_space<vmem>>, vector<16xf32>,
      tpu.vector_store %arg7[%parallel_loop3A_676, %parallel_loop3A_677, %parallel_loop3A_678], %parallel_loop3A_655 {strides = array<i32>} : memref<2x64x256xf32, #tpu.memory_space<vmem>>, vector<16xf32>,
    } {sc.loop_unroll_factor = 4 : i64, sc.parallel_access}
    %add3A_28 = arith.constant 256 : i32
    %add3A_29 = arith.addi %mul3A_2, %add3A_28 : i32
    %dma_start3A_30 = arith.constant 1 : i32
    %dma_start3A_31 = arith.constant 0 : i32
    %dma_start3A_32 = arith.constant 1 : i32
    %dma_start3A_33 = arith.constant 0 : i32
    %dma_start3A_34 = arith.constant 0 : i32
    %dma_start3A_35 = tpu.memref_slice %arg7[%dma_start3A_30, %dma_start3A_33, %dma_start3A_34] : memref<2x64x256xf32, #tpu.memory_space<vmem>> -> memref<1x64x256xf32, #tpu.memory_space<vmem>>
    %dma_start3A_36 = tpu.memref_squeeze %dma_start3A_35 : memref<1x64x256xf32, #tpu.memory_space<vmem>> -> memref<64x256xf32, #tpu.memory_space<vmem>>
    %dma_start3A_37 = arith.constant 0 : i32
    %dma_start3A_38 = tpu.memref_slice %arg4[%dma_start3A_31, %dma_start3A_37, %add3A_29] : memref<50x64x16384xf32, #tpu.memory_space<hbm>> -> memref<1x64x256xf32, #tpu.memory_space<hbm>>
    %dma_start3A_39 = tpu.memref_squeeze %dma_start3A_38 : memref<1x64x256xf32, #tpu.memory_space<hbm>> -> memref<64x256xf32, #tpu.memory_space<hbm>>
    %dma_start3A_40 = tpu.memref_slice %arg8[%dma_start3A_32] : memref<2x!tpu.dma_semaphore, #tpu.memory_space<semaphore_mem>> -> memref<1x!tpu.dma_semaphore, #tpu.memory_space<semaphore_mem>>
    %dma_start3A_41 = tpu.memref_squeeze %dma_start3A_40 : memref<1x!tpu.dma_semaphore, #tpu.memory_space<semaphore_mem>> -> memref<!tpu.dma_semaphore, #tpu.memory_space<semaphore_mem>>
    %dma_start3A_42 = arith.constant 0 : i32
    %dma_start3A_43 = tpu.memref_slice %arg4[%dma_start3A_31, %dma_start3A_42, %add3A_29] : memref<50x64x16384xf32, #tpu.memory_space<hbm>> -> memref<1x64x256xf32, #tpu.memory_space<hbm>>
    %dma_start3A_44 = tpu.memref_squeeze %dma_start3A_43 : memref<1x64x256xf32, #tpu.memory_space<hbm>> -> memref<64x256xf32, #tpu.memory_space<hbm>>
    %dma_start3A_45 = arith.constant 0 : i32
    %dma_start3A_46 = arith.constant 0 : i32
    %dma_start3A_47 = tpu.memref_slice %arg7[%dma_start3A_30, %dma_start3A_45, %dma_start3A_46] : memref<2x64x256xf32, #tpu.memory_space<vmem>> -> memref<1x64x256xf32, #tpu.memory_space<vmem>>
    %dma_start3A_48 = tpu.memref_squeeze %dma_start3A_47 : memref<1x64x256xf32, #tpu.memory_space<vmem>> -> memref<64x256xf32, #tpu.memory_space<vmem>>
    tpu.enqueue_dma source(%dma_start3A_48 : memref<64x256xf32, #tpu.memory_space<vmem>>) target(%dma_start3A_44 : memref<64x256xf32, #tpu.memory_space<hbm>>) target_semaphore(%dma_start3A_41 : memref<!tpu.dma_semaphore, #tpu.memory_space<semaphore_mem>>)
    %scan3A = arith.constant 0 : i32
    %scan3A_49 = arith.constant 1 : i32
    %scan3A_50 = arith.constant 49 : i32
    %scan3A_51 = arith.addi %scan3A_49, %scan3A_50 : i32
    %scan3A_52 = arith.constant 1 : i32
    scf.for %scan3A_95 = %scan3A_49 to %scan3A_51 step %scan3A_52  : i32 {
      %sub3A = arith.constant 1 : i32
      %sub3A_96 = arith.subi %scan3A_95, %sub3A : i32
      %add3A_97 = arith.constant 0 : i32
      %add3A_98 = arith.addi %mul3A_2, %add3A_97 : i32
      %dma_wait3A_99 = arith.constant 0 : i32
      %dma_wait3A_100 = arith.constant 0 : i32
      %dma_wait3A_101 = arith.constant 0 : i32
      %dma_wait3A_102 = arith.constant 0 : i32
      %dma_wait3A_103 = tpu.memref_slice %arg7[%dma_wait3A_99, %dma_wait3A_101, %dma_wait3A_102] : memref<2x64x256xf32, #tpu.memory_space<vmem>> -> memref<1x64x256xf32, #tpu.memory_space<vmem>>
      %dma_wait3A_104 = tpu.memref_squeeze %dma_wait3A_103 : memref<1x64x256xf32, #tpu.memory_space<vmem>> -> memref<64x256xf32, #tpu.memory_space<vmem>>
      %dma_wait3A_105 = arith.constant 0 : i32
      %dma_wait3A_106 = tpu.memref_slice %arg4[%sub3A_96, %dma_wait3A_105, %add3A_98] : memref<50x64x16384xf32, #tpu.memory_space<hbm>> -> memref<1x64x256xf32, #tpu.memory_space<hbm>>
      %dma_wait3A_107 = tpu.memref_squeeze %dma_wait3A_106 : memref<1x64x256xf32, #tpu.memory_space<hbm>> -> memref<64x256xf32, #tpu.memory_space<hbm>>
      %dma_wait3A_108 = tpu.memref_slice %arg8[%dma_wait3A_100] : memref<2x!tpu.dma_semaphore, #tpu.memory_space<semaphore_mem>> -> memref<1x!tpu.dma_semaphore, #tpu.memory_space<semaphore_mem>>
      %dma_wait3A_109 = tpu.memref_squeeze %dma_wait3A_108 : memref<1x!tpu.dma_semaphore, #tpu.memory_space<semaphore_mem>> -> memref<!tpu.dma_semaphore, #tpu.memory_space<semaphore_mem>>
      %dma_wait3A_110 = arith.constant 0 : i32
      %dma_wait3A_111 = tpu.memref_slice %arg4[%sub3A_96, %dma_wait3A_110, %add3A_98] : memref<50x64x16384xf32, #tpu.memory_space<hbm>> -> memref<1x64x256xf32, #tpu.memory_space<hbm>>
      %dma_wait3A_112 = tpu.memref_squeeze %dma_wait3A_111 : memref<1x64x256xf32, #tpu.memory_space<hbm>> -> memref<64x256xf32, #tpu.memory_space<hbm>>
      %dma_wait3A_113 = arith.constant 0 : i32
      %dma_wait3A_114 = arith.constant 0 : i32
      %dma_wait3A_115 = tpu.memref_slice %arg7[%dma_wait3A_99, %dma_wait3A_113, %dma_wait3A_114] : memref<2x64x256xf32, #tpu.memory_space<vmem>> -> memref<1x64x256xf32, #tpu.memory_space<vmem>>
      %dma_wait3A_116 = tpu.memref_squeeze %dma_wait3A_115 : memref<1x64x256xf32, #tpu.memory_space<vmem>> -> memref<64x256xf32, #tpu.memory_space<vmem>>
      tpu.wait_dma2 semaphore(%dma_wait3A_109 : memref<!tpu.dma_semaphore, #tpu.memory_space<semaphore_mem>>) src(%dma_wait3A_116 : memref<64x256xf32, #tpu.memory_space<vmem>>) dst(%dma_wait3A_112 : memref<64x256xf32, #tpu.memory_space<hbm>>)
      %parallel_loop3A_117 = arith.constant 0 : i32
      %parallel_loop3A_118 = arith.constant 16 : i32
      %parallel_loop3A_119 = arith.constant 1 : i32
      scf.for %parallel_loop3A_185 = %parallel_loop3A_117 to %parallel_loop3A_118 step %parallel_loop3A_119  : i32 {
        %parallel_loop3A_186 = arith.constant 16 : i32
        %parallel_loop3A_187 = arith.muli %parallel_loop3A_185, %parallel_loop3A_186 : i32
        %parallel_loop3A_188 = arith.constant 0 : i32
        %parallel_loop3A_189 = arith.addi %parallel_loop3A_188, %parallel_loop3A_187 : i32
        %parallel_loop3A_190 = arith.index_cast %scan3A_95 : i32 to index
        %parallel_loop3A_191 = arith.index_cast %parallel_loop3A_189 : i32 to index
        %parallel_loop3A_192 = tpu.vector_load %arg5[%parallel_loop3A_190, %parallel_loop3A_191] {strides = array<i32>} : memref<50x512xi32, #tpu.memory_space<vmem>>, vector<16xi32>,
        %parallel_loop3A_193 = arith.constant 0 : i32
        %parallel_loop3A_194 = vector.broadcast %parallel_loop3A_193 : i32 to vector<16xi32>
        %parallel_loop3A_195 = tpu.vector_load_idx %arg6[%parallel_loop3A_194, %parallel_loop3A_192] : memref<64x1000xf32, #tpu.memory_space<vmem>>[vector<16xi32>, vector<16xi32>], vector<16xf32>,
        %parallel_loop3A_196 = arith.constant 1 : i32
        %parallel_loop3A_197 = vector.broadcast %parallel_loop3A_196 : i32 to vector<16xi32>
        %parallel_loop3A_198 = tpu.vector_load_idx %arg6[%parallel_loop3A_197, %parallel_loop3A_192] : memref<64x1000xf32, #tpu.memory_space<vmem>>[vector<16xi32>, vector<16xi32>], vector<16xf32>,
        %parallel_loop3A_199 = arith.constant 2 : i32
        %parallel_loop3A_200 = vector.broadcast %parallel_loop3A_199 : i32 to vector<16xi32>
        %parallel_loop3A_201 = tpu.vector_load_idx %arg6[%parallel_loop3A_200, %parallel_loop3A_192] : memref<64x1000xf32, #tpu.memory_space<vmem>>[vector<16xi32>, vector<16xi32>], vector<16xf32>,
        %parallel_loop3A_202 = arith.constant 3 : i32
        %parallel_loop3A_203 = vector.broadcast %parallel_loop3A_202 : i32 to vector<16xi32>
        %parallel_loop3A_204 = tpu.vector_load_idx %arg6[%parallel_loop3A_203, %parallel_loop3A_192] : memref<64x1000xf32, #tpu.memory_space<vmem>>[vector<16xi32>, vector<16xi32>], vector<16xf32>,
        %parallel_loop3A_205 = arith.constant 0 : i32
        %parallel_loop3A_206 = arith.constant 0 : i32
        %parallel_loop3A_207 = arith.index_cast %parallel_loop3A_205 : i32 to index
        %parallel_loop3A_208 = arith.index_cast %parallel_loop3A_206 : i32 to index
        %parallel_loop3A_209 = arith.index_cast %parallel_loop3A_187 : i32 to index
        %parallel_loop3A_210 = tpu.vector_load %arg7[%parallel_loop3A_207, %parallel_loop3A_208, %parallel_loop3A_209] {strides = array<i32>} : memref<2x64x256xf32, #tpu.memory_space<vmem>>, vector<16xf32>,
        tpu.vector_store %arg7[%parallel_loop3A_207, %parallel_loop3A_208, %parallel_loop3A_209], %parallel_loop3A_195 {strides = array<i32>} : memref<2x64x256xf32, #tpu.memory_space<vmem>>, vector<16xf32>,
        %parallel_loop3A_211 = arith.constant 0 : i32
        %parallel_loop3A_212 = arith.constant 1 : i32
        %parallel_loop3A_213 = arith.index_cast %parallel_loop3A_211 : i32 to index
        %parallel_loop3A_214 = arith.index_cast %parallel_loop3A_212 : i32 to index
        %parallel_loop3A_215 = arith.index_cast %parallel_loop3A_187 : i32 to index
        %parallel_loop3A_216 = tpu.vector_load %arg7[%parallel_loop3A_213, %parallel_loop3A_214, %parallel_loop3A_215] {strides = array<i32>} : memref<2x64x256xf32, #tpu.memory_space<vmem>>, vector<16xf32>,
        tpu.vector_store %arg7[%parallel_loop3A_213, %parallel_loop3A_214, %parallel_loop3A_215], %parallel_loop3A_198 {strides = array<i32>} : memref<2x64x256xf32, #tpu.memory_space<vmem>>, vector<16xf32>,
        %parallel_loop3A_217 = arith.constant 0 : i32
        %parallel_loop3A_218 = arith.constant 2 : i32
        %parallel_loop3A_219 = arith.index_cast %parallel_loop3A_217 : i32 to index
        %parallel_loop3A_220 = arith.index_cast %parallel_loop3A_218 : i32 to index
        %parallel_loop3A_221 = arith.index_cast %parallel_loop3A_187 : i32 to index
        %parallel_loop3A_222 = tpu.vector_load %arg7[%parallel_loop3A_219, %parallel_loop3A_220, %parallel_loop3A_221] {strides = array<i32>} : memref<2x64x256xf32, #tpu.memory_space<vmem>>, vector<16xf32>,
        tpu.vector_store %arg7[%parallel_loop3A_219, %parallel_loop3A_220, %parallel_loop3A_221], %parallel_loop3A_201 {strides = array<i32>} : memref<2x64x256xf32, #tpu.memory_space<vmem>>, vector<16xf32>,
        %parallel_loop3A_223 = arith.constant 0 : i32
        %parallel_loop3A_224 = arith.constant 3 : i32
        %parallel_loop3A_225 = arith.index_cast %parallel_loop3A_223 : i32 to index
        %parallel_loop3A_226 = arith.index_cast %parallel_loop3A_224 : i32 to index
        %parallel_loop3A_227 = arith.index_cast %parallel_loop3A_187 : i32 to index
        %parallel_loop3A_228 = tpu.vector_load %arg7[%parallel_loop3A_225, %parallel_loop3A_226, %parallel_loop3A_227] {strides = array<i32>} : memref<2x64x256xf32, #tpu.memory_space<vmem>>, vector<16xf32>,
        tpu.vector_store %arg7[%parallel_loop3A_225, %parallel_loop3A_226, %parallel_loop3A_227], %parallel_loop3A_204 {strides = array<i32>} : memref<2x64x256xf32, #tpu.memory_space<vmem>>, vector<16xf32>,
        %parallel_loop3A_229 = arith.constant 4 : i32
        %parallel_loop3A_230 = vector.broadcast %parallel_loop3A_229 : i32 to vector<16xi32>
        %parallel_loop3A_231 = tpu.vector_load_idx %arg6[%parallel_loop3A_230, %parallel_loop3A_192] : memref<64x1000xf32, #tpu.memory_space<vmem>>[vector<16xi32>, vector<16xi32>], vector<16xf32>,
        %parallel_loop3A_232 = arith.constant 5 : i32
        %parallel_loop3A_233 = vector.broadcast %parallel_loop3A_232 : i32 to vector<16xi32>
        %parallel_loop3A_234 = tpu.vector_load_idx %arg6[%parallel_loop3A_233, %parallel_loop3A_192] : memref<64x1000xf32, #tpu.memory_space<vmem>>[vector<16xi32>, vector<16xi32>], vector<16xf32>,
        %parallel_loop3A_235 = arith.constant 6 : i32
        %parallel_loop3A_236 = vector.broadcast %parallel_loop3A_235 : i32 to vector<16xi32>
        %parallel_loop3A_237 = tpu.vector_load_idx %arg6[%parallel_loop3A_236, %parallel_loop3A_192] : memref<64x1000xf32, #tpu.memory_space<vmem>>[vector<16xi32>, vector<16xi32>], vector<16xf32>,
        %parallel_loop3A_238 = arith.constant 7 : i32
        %parallel_loop3A_239 = vector.broadcast %parallel_loop3A_238 : i32 to vector<16xi32>
        %parallel_loop3A_240 = tpu.vector_load_idx %arg6[%parallel_loop3A_239, %parallel_loop3A_192] : memref<64x1000xf32, #tpu.memory_space<vmem>>[vector<16xi32>, vector<16xi32>], vector<16xf32>,
        %parallel_loop3A_241 = arith.constant 0 : i32
        %parallel_loop3A_242 = arith.constant 4 : i32
        %parallel_loop3A_243 = arith.index_cast %parallel_loop3A_241 : i32 to index
        %parallel_loop3A_244 = arith.index_cast %parallel_loop3A_242 : i32 to index
        %parallel_loop3A_245 = arith.index_cast %parallel_loop3A_187 : i32 to index
        %parallel_loop3A_246 = tpu.vector_load %arg7[%parallel_loop3A_243, %parallel_loop3A_244, %parallel_loop3A_245] {strides = array<i32>} : memref<2x64x256xf32, #tpu.memory_space<vmem>>, vector<16xf32>,
        tpu.vector_store %arg7[%parallel_loop3A_243, %parallel_loop3A_244, %parallel_loop3A_245], %parallel_loop3A_231 {strides = array<i32>} : memref<2x64x256xf32, #tpu.memory_space<vmem>>, vector<16xf32>,
        %parallel_loop3A_247 = arith.constant 0 : i32
        %parallel_loop3A_248 = arith.constant 5 : i32
        %parallel_loop3A_249 = arith.index_cast %parallel_loop3A_247 : i32 to index
        %parallel_loop3A_250 = arith.index_cast %parallel_loop3A_248 : i32 to index
        %parallel_loop3A_251 = arith.index_cast %parallel_loop3A_187 : i32 to index
        %parallel_loop3A_252 = tpu.vector_load %arg7[%parallel_loop3A_249, %parallel_loop3A_250, %parallel_loop3A_251] {strides = array<i32>} : memref<2x64x256xf32, #tpu.memory_space<vmem>>, vector<16xf32>,
        tpu.vector_store %arg7[%parallel_loop3A_249, %parallel_loop3A_250, %parallel_loop3A_251], %parallel_loop3A_234 {strides = array<i32>} : memref<2x64x256xf32, #tpu.memory_space<vmem>>, vector<16xf32>,
        %parallel_loop3A_253 = arith.constant 0 : i32
        %parallel_loop3A_254 = arith.constant 6 : i32
        %parallel_loop3A_255 = arith.index_cast %parallel_loop3A_253 : i32 to index
        %parallel_loop3A_256 = arith.index_cast %parallel_loop3A_254 : i32 to index
        %parallel_loop3A_257 = arith.index_cast %parallel_loop3A_187 : i32 to index
        %parallel_loop3A_258 = tpu.vector_load %arg7[%parallel_loop3A_255, %parallel_loop3A_256, %parallel_loop3A_257] {strides = array<i32>} : memref<2x64x256xf32, #tpu.memory_space<vmem>>, vector<16xf32>,
        tpu.vector_store %arg7[%parallel_loop3A_255, %parallel_loop3A_256, %parallel_loop3A_257], %parallel_loop3A_237 {strides = array<i32>} : memref<2x64x256xf32, #tpu.memory_space<vmem>>, vector<16xf32>,
        %parallel_loop3A_259 = arith.constant 0 : i32
        %parallel_loop3A_260 = arith.constant 7 : i32
        %parallel_loop3A_261 = arith.index_cast %parallel_loop3A_259 : i32 to index
        %parallel_loop3A_262 = arith.index_cast %parallel_loop3A_260 : i32 to index
        %parallel_loop3A_263 = arith.index_cast %parallel_loop3A_187 : i32 to index
        %parallel_loop3A_264 = tpu.vector_load %arg7[%parallel_loop3A_261, %parallel_loop3A_262, %parallel_loop3A_263] {strides = array<i32>} : memref<2x64x256xf32, #tpu.memory_space<vmem>>, vector<16xf32>,
        tpu.vector_store %arg7[%parallel_loop3A_261, %parallel_loop3A_262, %parallel_loop3A_263], %parallel_loop3A_240 {strides = array<i32>} : memref<2x64x256xf32, #tpu.memory_space<vmem>>, vector<16xf32>,
        %parallel_loop3A_265 = arith.constant 8 : i32
        %parallel_loop3A_266 = vector.broadcast %parallel_loop3A_265 : i32 to vector<16xi32>
        %parallel_loop3A_267 = tpu.vector_load_idx %arg6[%parallel_loop3A_266, %parallel_loop3A_192] : memref<64x1000xf32, #tpu.memory_space<vmem>>[vector<16xi32>, vector<16xi32>], vector<16xf32>,
        %parallel_loop3A_268 = arith.constant 9 : i32
        %parallel_loop3A_269 = vector.broadcast %parallel_loop3A_268 : i32 to vector<16xi32>
        %parallel_loop3A_270 = tpu.vector_load_idx %arg6[%parallel_loop3A_269, %parallel_loop3A_192] : memref<64x1000xf32, #tpu.memory_space<vmem>>[vector<16xi32>, vector<16xi32>], vector<16xf32>,
        %parallel_loop3A_271 = arith.constant 10 : i32
        %parallel_loop3A_272 = vector.broadcast %parallel_loop3A_271 : i32 to vector<16xi32>
        %parallel_loop3A_273 = tpu.vector_load_idx %arg6[%parallel_loop3A_272, %parallel_loop3A_192] : memref<64x1000xf32, #tpu.memory_space<vmem>>[vector<16xi32>, vector<16xi32>], vector<16xf32>,
        %parallel_loop3A_274 = arith.constant 11 : i32
        %parallel_loop3A_275 = vector.broadcast %parallel_loop3A_274 : i32 to vector<16xi32>
        %parallel_loop3A_276 = tpu.vector_load_idx %arg6[%parallel_loop3A_275, %parallel_loop3A_192] : memref<64x1000xf32, #tpu.memory_space<vmem>>[vector<16xi32>, vector<16xi32>], vector<16xf32>,
        %parallel_loop3A_277 = arith.constant 0 : i32
        %parallel_loop3A_278 = arith.constant 8 : i32
        %parallel_loop3A_279 = arith.index_cast %parallel_loop3A_277 : i32 to index
        %parallel_loop3A_280 = arith.index_cast %parallel_loop3A_278 : i32 to index
        %parallel_loop3A_281 = arith.index_cast %parallel_loop3A_187 : i32 to index
        %parallel_loop3A_282 = tpu.vector_load %arg7[%parallel_loop3A_279, %parallel_loop3A_280, %parallel_loop3A_281] {strides = array<i32>} : memref<2x64x256xf32, #tpu.memory_space<vmem>>, vector<16xf32>,
        tpu.vector_store %arg7[%parallel_loop3A_279, %parallel_loop3A_280, %parallel_loop3A_281], %parallel_loop3A_267 {strides = array<i32>} : memref<2x64x256xf32, #tpu.memory_space<vmem>>, vector<16xf32>,
        %parallel_loop3A_283 = arith.constant 0 : i32
        %parallel_loop3A_284 = arith.constant 9 : i32
        %parallel_loop3A_285 = arith.index_cast %parallel_loop3A_283 : i32 to index
        %parallel_loop3A_286 = arith.index_cast %parallel_loop3A_284 : i32 to index
        %parallel_loop3A_287 = arith.index_cast %parallel_loop3A_187 : i32 to index
        %parallel_loop3A_288 = tpu.vector_load %arg7[%parallel_loop3A_285, %parallel_loop3A_286, %parallel_loop3A_287] {strides = array<i32>} : memref<2x64x256xf32, #tpu.memory_space<vmem>>, vector<16xf32>,
        tpu.vector_store %arg7[%parallel_loop3A_285, %parallel_loop3A_286, %parallel_loop3A_287], %parallel_loop3A_270 {strides = array<i32>} : memref<2x64x256xf32, #tpu.memory_space<vmem>>, vector<16xf32>,
        %parallel_loop3A_289 = arith.constant 0 : i32
        %parallel_loop3A_290 = arith.constant 10 : i32
        %parallel_loop3A_291 = arith.index_cast %parallel_loop3A_289 : i32 to index
        %parallel_loop3A_292 = arith.index_cast %parallel_loop3A_290 : i32 to index
        %parallel_loop3A_293 = arith.index_cast %parallel_loop3A_187 : i32 to index
        %parallel_loop3A_294 = tpu.vector_load %arg7[%parallel_loop3A_291, %parallel_loop3A_292, %parallel_loop3A_293] {strides = array<i32>} : memref<2x64x256xf32, #tpu.memory_space<vmem>>, vector<16xf32>,
        tpu.vector_store %arg7[%parallel_loop3A_291, %parallel_loop3A_292, %parallel_loop3A_293], %parallel_loop3A_273 {strides = array<i32>} : memref<2x64x256xf32, #tpu.memory_space<vmem>>, vector<16xf32>,
        %parallel_loop3A_295 = arith.constant 0 : i32
        %parallel_loop3A_296 = arith.constant 11 : i32
        %parallel_loop3A_297 = arith.index_cast %parallel_loop3A_295 : i32 to index
        %parallel_loop3A_298 = arith.index_cast %parallel_loop3A_296 : i32 to index
        %parallel_loop3A_299 = arith.index_cast %parallel_loop3A_187 : i32 to index
        %parallel_loop3A_300 = tpu.vector_load %arg7[%parallel_loop3A_297, %parallel_loop3A_298, %parallel_loop3A_299] {strides = array<i32>} : memref<2x64x256xf32, #tpu.memory_space<vmem>>, vector<16xf32>,
        tpu.vector_store %arg7[%parallel_loop3A_297, %parallel_loop3A_298, %parallel_loop3A_299], %parallel_loop3A_276 {strides = array<i32>} : memref<2x64x256xf32, #tpu.memory_space<vmem>>, vector<16xf32>,
        %parallel_loop3A_301 = arith.constant 12 : i32
        %parallel_loop3A_302 = vector.broadcast %parallel_loop3A_301 : i32 to vector<16xi32>
        %parallel_loop3A_303 = tpu.vector_load_idx %arg6[%parallel_loop3A_302, %parallel_loop3A_192] : memref<64x1000xf32, #tpu.memory_space<vmem>>[vector<16xi32>, vector<16xi32>], vector<16xf32>,
        %parallel_loop3A_304 = arith.constant 13 : i32
        %parallel_loop3A_305 = vector.broadcast %parallel_loop3A_304 : i32 to vector<16xi32>
        %parallel_loop3A_306 = tpu.vector_load_idx %arg6[%parallel_loop3A_305, %parallel_loop3A_192] : memref<64x1000xf32, #tpu.memory_space<vmem>>[vector<16xi32>, vector<16xi32>], vector<16xf32>,
        %parallel_loop3A_307 = arith.constant 14 : i32
        %parallel_loop3A_308 = vector.broadcast %parallel_loop3A_307 : i32 to vector<16xi32>
        %parallel_loop3A_309 = tpu.vector_load_idx %arg6[%parallel_loop3A_308, %parallel_loop3A_192] : memref<64x1000xf32, #tpu.memory_space<vmem>>[vector<16xi32>, vector<16xi32>], vector<16xf32>,
        %parallel_loop3A_310 = arith.constant 15 : i32
        %parallel_loop3A_311 = vector.broadcast %parallel_loop3A_310 : i32 to vector<16xi32>
        %parallel_loop3A_312 = tpu.vector_load_idx %arg6[%parallel_loop3A_311, %parallel_loop3A_192] : memref<64x1000xf32, #tpu.memory_space<vmem>>[vector<16xi32>, vector<16xi32>], vector<16xf32>,
        %parallel_loop3A_313 = arith.constant 0 : i32
        %parallel_loop3A_314 = arith.constant 12 : i32
        %parallel_loop3A_315 = arith.index_cast %parallel_loop3A_313 : i32 to index
        %parallel_loop3A_316 = arith.index_cast %parallel_loop3A_314 : i32 to index
        %parallel_loop3A_317 = arith.index_cast %parallel_loop3A_187 : i32 to index
        %parallel_loop3A_318 = tpu.vector_load %arg7[%parallel_loop3A_315, %parallel_loop3A_316, %parallel_loop3A_317] {strides = array<i32>} : memref<2x64x256xf32, #tpu.memory_space<vmem>>, vector<16xf32>,
        tpu.vector_store %arg7[%parallel_loop3A_315, %parallel_loop3A_316, %parallel_loop3A_317], %parallel_loop3A_303 {strides = array<i32>} : memref<2x64x256xf32, #tpu.memory_space<vmem>>, vector<16xf32>,
        %parallel_loop3A_319 = arith.constant 0 : i32
        %parallel_loop3A_320 = arith.constant 13 : i32
        %parallel_loop3A_321 = arith.index_cast %parallel_loop3A_319 : i32 to index
        %parallel_loop3A_322 = arith.index_cast %parallel_loop3A_320 : i32 to index
        %parallel_loop3A_323 = arith.index_cast %parallel_loop3A_187 : i32 to index
        %parallel_loop3A_324 = tpu.vector_load %arg7[%parallel_loop3A_321, %parallel_loop3A_322, %parallel_loop3A_323] {strides = array<i32>} : memref<2x64x256xf32, #tpu.memory_space<vmem>>, vector<16xf32>,
        tpu.vector_store %arg7[%parallel_loop3A_321, %parallel_loop3A_322, %parallel_loop3A_323], %parallel_loop3A_306 {strides = array<i32>} : memref<2x64x256xf32, #tpu.memory_space<vmem>>, vector<16xf32>,
        %parallel_loop3A_325 = arith.constant 0 : i32
        %parallel_loop3A_326 = arith.constant 14 : i32
        %parallel_loop3A_327 = arith.index_cast %parallel_loop3A_325 : i32 to index
        %parallel_loop3A_328 = arith.index_cast %parallel_loop3A_326 : i32 to index
        %parallel_loop3A_329 = arith.index_cast %parallel_loop3A_187 : i32 to index
        %parallel_loop3A_330 = tpu.vector_load %arg7[%parallel_loop3A_327, %parallel_loop3A_328, %parallel_loop3A_329] {strides = array<i32>} : memref<2x64x256xf32, #tpu.memory_space<vmem>>, vector<16xf32>,
        tpu.vector_store %arg7[%parallel_loop3A_327, %parallel_loop3A_328, %parallel_loop3A_329], %parallel_loop3A_309 {strides = array<i32>} : memref<2x64x256xf32, #tpu.memory_space<vmem>>, vector<16xf32>,
        %parallel_loop3A_331 = arith.constant 0 : i32
        %parallel_loop3A_332 = arith.constant 15 : i32
        %parallel_loop3A_333 = arith.index_cast %parallel_loop3A_331 : i32 to index
        %parallel_loop3A_334 = arith.index_cast %parallel_loop3A_332 : i32 to index
        %parallel_loop3A_335 = arith.index_cast %parallel_loop3A_187 : i32 to index
        %parallel_loop3A_336 = tpu.vector_load %arg7[%parallel_loop3A_333, %parallel_loop3A_334, %parallel_loop3A_335] {strides = array<i32>} : memref<2x64x256xf32, #tpu.memory_space<vmem>>, vector<16xf32>,
        tpu.vector_store %arg7[%parallel_loop3A_333, %parallel_loop3A_334, %parallel_loop3A_335], %parallel_loop3A_312 {strides = array<i32>} : memref<2x64x256xf32, #tpu.memory_space<vmem>>, vector<16xf32>,
        %parallel_loop3A_337 = arith.constant 16 : i32
        %parallel_loop3A_338 = vector.broadcast %parallel_loop3A_337 : i32 to vector<16xi32>
        %parallel_loop3A_339 = tpu.vector_load_idx %arg6[%parallel_loop3A_338, %parallel_loop3A_192] : memref<64x1000xf32, #tpu.memory_space<vmem>>[vector<16xi32>, vector<16xi32>], vector<16xf32>,
        %parallel_loop3A_340 = arith.constant 17 : i32
        %parallel_loop3A_341 = vector.broadcast %parallel_loop3A_340 : i32 to vector<16xi32>
        %parallel_loop3A_342 = tpu.vector_load_idx %arg6[%parallel_loop3A_341, %parallel_loop3A_192] : memref<64x1000xf32, #tpu.memory_space<vmem>>[vector<16xi32>, vector<16xi32>], vector<16xf32>,
        %parallel_loop3A_343 = arith.constant 18 : i32
        %parallel_loop3A_344 = vector.broadcast %parallel_loop3A_343 : i32 to vector<16xi32>
        %parallel_loop3A_345 = tpu.vector_load_idx %arg6[%parallel_loop3A_344, %parallel_loop3A_192] : memref<64x1000xf32, #tpu.memory_space<vmem>>[vector<16xi32>, vector<16xi32>], vector<16xf32>,
        %parallel_loop3A_346 = arith.constant 19 : i32
        %parallel_loop3A_347 = vector.broadcast %parallel_loop3A_346 : i32 to vector<16xi32>
        %parallel_loop3A_348 = tpu.vector_load_idx %arg6[%parallel_loop3A_347, %parallel_loop3A_192] : memref<64x1000xf32, #tpu.memory_space<vmem>>[vector<16xi32>, vector<16xi32>], vector<16xf32>,
        %parallel_loop3A_349 = arith.constant 0 : i32
        %parallel_loop3A_350 = arith.constant 16 : i32
        %parallel_loop3A_351 = arith.index_cast %parallel_loop3A_349 : i32 to index
        %parallel_loop3A_352 = arith.index_cast %parallel_loop3A_350 : i32 to index
        %parallel_loop3A_353 = arith.index_cast %parallel_loop3A_187 : i32 to index
        %parallel_loop3A_354 = tpu.vector_load %arg7[%parallel_loop3A_351, %parallel_loop3A_352, %parallel_loop3A_353] {strides = array<i32>} : memref<2x64x256xf32, #tpu.memory_space<vmem>>, vector<16xf32>,
        tpu.vector_store %arg7[%parallel_loop3A_351, %parallel_loop3A_352, %parallel_loop3A_353], %parallel_loop3A_339 {strides = array<i32>} : memref<2x64x256xf32, #tpu.memory_space<vmem>>, vector<16xf32>,
        %parallel_loop3A_355 = arith.constant 0 : i32
        %parallel_loop3A_356 = arith.constant 17 : i32
        %parallel_loop3A_357 = arith.index_cast %parallel_loop3A_355 : i32 to index
        %parallel_loop3A_358 = arith.index_cast %parallel_loop3A_356 : i32 to index
        %parallel_loop3A_359 = arith.index_cast %parallel_loop3A_187 : i32 to index
        %parallel_loop3A_360 = tpu.vector_load %arg7[%parallel_loop3A_357, %parallel_loop3A_358, %parallel_loop3A_359] {strides = array<i32>} : memref<2x64x256xf32, #tpu.memory_space<vmem>>, vector<16xf32>,
        tpu.vector_store %arg7[%parallel_loop3A_357, %parallel_loop3A_358, %parallel_loop3A_359], %parallel_loop3A_342 {strides = array<i32>} : memref<2x64x256xf32, #tpu.memory_space<vmem>>, vector<16xf32>,
        %parallel_loop3A_361 = arith.constant 0 : i32
        %parallel_loop3A_362 = arith.constant 18 : i32
        %parallel_loop3A_363 = arith.index_cast %parallel_loop3A_361 : i32 to index
        %parallel_loop3A_364 = arith.index_cast %parallel_loop3A_362 : i32 to index
        %parallel_loop3A_365 = arith.index_cast %parallel_loop3A_187 : i32 to index
        %parallel_loop3A_366 = tpu.vector_load %arg7[%parallel_loop3A_363, %parallel_loop3A_364, %parallel_loop3A_365] {strides = array<i32>} : memref<2x64x256xf32, #tpu.memory_space<vmem>>, vector<16xf32>,
        tpu.vector_store %arg7[%parallel_loop3A_363, %parallel_loop3A_364, %parallel_loop3A_365], %parallel_loop3A_345 {strides = array<i32>} : memref<2x64x256xf32, #tpu.memory_space<vmem>>, vector<16xf32>,
        %parallel_loop3A_367 = arith.constant 0 : i32
        %parallel_loop3A_368 = arith.constant 19 : i32
        %parallel_loop3A_369 = arith.index_cast %parallel_loop3A_367 : i32 to index
        %parallel_loop3A_370 = arith.index_cast %parallel_loop3A_368 : i32 to index
        %parallel_loop3A_371 = arith.index_cast %parallel_loop3A_187 : i32 to index
        %parallel_loop3A_372 = tpu.vector_load %arg7[%parallel_loop3A_369, %parallel_loop3A_370, %parallel_loop3A_371] {strides = array<i32>} : memref<2x64x256xf32, #tpu.memory_space<vmem>>, vector<16xf32>,
        tpu.vector_store %arg7[%parallel_loop3A_369, %parallel_loop3A_370, %parallel_loop3A_371], %parallel_loop3A_348 {strides = array<i32>} : memref<2x64x256xf32, #tpu.memory_space<vmem>>, vector<16xf32>,
        %parallel_loop3A_373 = arith.constant 20 : i32
        %parallel_loop3A_374 = vector.broadcast %parallel_loop3A_373 : i32 to vector<16xi32>
        %parallel_loop3A_375 = tpu.vector_load_idx %arg6[%parallel_loop3A_374, %parallel_loop3A_192] : memref<64x1000xf32, #tpu.memory_space<vmem>>[vector<16xi32>, vector<16xi32>], vector<16xf32>,
        %parallel_loop3A_376 = arith.constant 21 : i32
        %parallel_loop3A_377 = vector.broadcast %parallel_loop3A_376 : i32 to vector<16xi32>
        %parallel_loop3A_378 = tpu.vector_load_idx %arg6[%parallel_loop3A_377, %parallel_loop3A_192] : memref<64x1000xf32, #tpu.memory_space<vmem>>[vector<16xi32>, vector<16xi32>], vector<16xf32>,
        %parallel_loop3A_379 = arith.constant 22 : i32
        %parallel_loop3A_380 = vector.broadcast %parallel_loop3A_379 : i32 to vector<16xi32>
        %parallel_loop3A_381 = tpu.vector_load_idx %arg6[%parallel_loop3A_380, %parallel_loop3A_192] : memref<64x1000xf32, #tpu.memory_space<vmem>>[vector<16xi32>, vector<16xi32>], vector<16xf32>,
        %parallel_loop3A_382 = arith.constant 23 : i32
        %parallel_loop3A_383 = vector.broadcast %parallel_loop3A_382 : i32 to vector<16xi32>
        %parallel_loop3A_384 = tpu.vector_load_idx %arg6[%parallel_loop3A_383, %parallel_loop3A_192] : memref<64x1000xf32, #tpu.memory_space<vmem>>[vector<16xi32>, vector<16xi32>], vector<16xf32>,
        %parallel_loop3A_385 = arith.constant 0 : i32
        %parallel_loop3A_386 = arith.constant 20 : i32
        %parallel_loop3A_387 = arith.index_cast %parallel_loop3A_385 : i32 to index
        %parallel_loop3A_388 = arith.index_cast %parallel_loop3A_386 : i32 to index
        %parallel_loop3A_389 = arith.index_cast %parallel_loop3A_187 : i32 to index
        %parallel_loop3A_390 = tpu.vector_load %arg7[%parallel_loop3A_387, %parallel_loop3A_388, %parallel_loop3A_389] {strides = array<i32>} : memref<2x64x256xf32, #tpu.memory_space<vmem>>, vector<16xf32>,
        tpu.vector_store %arg7[%parallel_loop3A_387, %parallel_loop3A_388, %parallel_loop3A_389], %parallel_loop3A_375 {strides = array<i32>} : memref<2x64x256xf32, #tpu.memory_space<vmem>>, vector<16xf32>,
        %parallel_loop3A_391 = arith.constant 0 : i32
        %parallel_loop3A_392 = arith.constant 21 : i32
        %parallel_loop3A_393 = arith.index_cast %parallel_loop3A_391 : i32 to index
        %parallel_loop3A_394 = arith.index_cast %parallel_loop3A_392 : i32 to index
        %parallel_loop3A_395 = arith.index_cast %parallel_loop3A_187 : i32 to index
        %parallel_loop3A_396 = tpu.vector_load %arg7[%parallel_loop3A_393, %parallel_loop3A_394, %parallel_loop3A_395] {strides = array<i32>} : memref<2x64x256xf32, #tpu.memory_space<vmem>>, vector<16xf32>,
        tpu.vector_store %arg7[%parallel_loop3A_393, %parallel_loop3A_394, %parallel_loop3A_395], %parallel_loop3A_378 {strides = array<i32>} : memref<2x64x256xf32, #tpu.memory_space<vmem>>, vector<16xf32>,
        %parallel_loop3A_397 = arith.constant 0 : i32
        %parallel_loop3A_398 = arith.constant 22 : i32
        %parallel_loop3A_399 = arith.index_cast %parallel_loop3A_397 : i32 to index
        %parallel_loop3A_400 = arith.index_cast %parallel_loop3A_398 : i32 to index
        %parallel_loop3A_401 = arith.index_cast %parallel_loop3A_187 : i32 to index
        %parallel_loop3A_402 = tpu.vector_load %arg7[%parallel_loop3A_399, %parallel_loop3A_400, %parallel_loop3A_401] {strides = array<i32>} : memref<2x64x256xf32, #tpu.memory_space<vmem>>, vector<16xf32>,
        tpu.vector_store %arg7[%parallel_loop3A_399, %parallel_loop3A_400, %parallel_loop3A_401], %parallel_loop3A_381 {strides = array<i32>} : memref<2x64x256xf32, #tpu.memory_space<vmem>>, vector<16xf32>,
        %parallel_loop3A_403 = arith.constant 0 : i32
        %parallel_loop3A_404 = arith.constant 23 : i32
        %parallel_loop3A_405 = arith.index_cast %parallel_loop3A_403 : i32 to index
        %parallel_loop3A_406 = arith.index_cast %parallel_loop3A_404 : i32 to index
        %parallel_loop3A_407 = arith.index_cast %parallel_loop3A_187 : i32 to index
        %parallel_loop3A_408 = tpu.vector_load %arg7[%parallel_loop3A_405, %parallel_loop3A_406, %parallel_loop3A_407] {strides = array<i32>} : memref<2x64x256xf32, #tpu.memory_space<vmem>>, vector<16xf32>,
        tpu.vector_store %arg7[%parallel_loop3A_405, %parallel_loop3A_406, %parallel_loop3A_407], %parallel_loop3A_384 {strides = array<i32>} : memref<2x64x256xf32, #tpu.memory_space<vmem>>, vector<16xf32>,
        %parallel_loop3A_409 = arith.constant 24 : i32
        %parallel_loop3A_410 = vector.broadcast %parallel_loop3A_409 : i32 to vector<16xi32>
        %parallel_loop3A_411 = tpu.vector_load_idx %arg6[%parallel_loop3A_410, %parallel_loop3A_192] : memref<64x1000xf32, #tpu.memory_space<vmem>>[vector<16xi32>, vector<16xi32>], vector<16xf32>,
        %parallel_loop3A_412 = arith.constant 25 : i32
        %parallel_loop3A_413 = vector.broadcast %parallel_loop3A_412 : i32 to vector<16xi32>
        %parallel_loop3A_414 = tpu.vector_load_idx %arg6[%parallel_loop3A_413, %parallel_loop3A_192] : memref<64x1000xf32, #tpu.memory_space<vmem>>[vector<16xi32>, vector<16xi32>], vector<16xf32>,
        %parallel_loop3A_415 = arith.constant 26 : i32
        %parallel_loop3A_416 = vector.broadcast %parallel_loop3A_415 : i32 to vector<16xi32>
        %parallel_loop3A_417 = tpu.vector_load_idx %arg6[%parallel_loop3A_416, %parallel_loop3A_192] : memref<64x1000xf32, #tpu.memory_space<vmem>>[vector<16xi32>, vector<16xi32>], vector<16xf32>,
        %parallel_loop3A_418 = arith.constant 27 : i32
        %parallel_loop3A_419 = vector.broadcast %parallel_loop3A_418 : i32 to vector<16xi32>
        %parallel_loop3A_420 = tpu.vector_load_idx %arg6[%parallel_loop3A_419, %parallel_loop3A_192] : memref<64x1000xf32, #tpu.memory_space<vmem>>[vector<16xi32>, vector<16xi32>], vector<16xf32>,
        %parallel_loop3A_421 = arith.constant 0 : i32
        %parallel_loop3A_422 = arith.constant 24 : i32
        %parallel_loop3A_423 = arith.index_cast %parallel_loop3A_421 : i32 to index
        %parallel_loop3A_424 = arith.index_cast %parallel_loop3A_422 : i32 to index
        %parallel_loop3A_425 = arith.index_cast %parallel_loop3A_187 : i32 to index
        %parallel_loop3A_426 = tpu.vector_load %arg7[%parallel_loop3A_423, %parallel_loop3A_424, %parallel_loop3A_425] {strides = array<i32>} : memref<2x64x256xf32, #tpu.memory_space<vmem>>, vector<16xf32>,
        tpu.vector_store %arg7[%parallel_loop3A_423, %parallel_loop3A_424, %parallel_loop3A_425], %parallel_loop3A_411 {strides = array<i32>} : memref<2x64x256xf32, #tpu.memory_space<vmem>>, vector<16xf32>,
        %parallel_loop3A_427 = arith.constant 0 : i32
        %parallel_loop3A_428 = arith.constant 25 : i32
        %parallel_loop3A_429 = arith.index_cast %parallel_loop3A_427 : i32 to index
        %parallel_loop3A_430 = arith.index_cast %parallel_loop3A_428 : i32 to index
        %parallel_loop3A_431 = arith.index_cast %parallel_loop3A_187 : i32 to index
        %parallel_loop3A_432 = tpu.vector_load %arg7[%parallel_loop3A_429, %parallel_loop3A_430, %parallel_loop3A_431] {strides = array<i32>} : memref<2x64x256xf32, #tpu.memory_space<vmem>>, vector<16xf32>,
        tpu.vector_store %arg7[%parallel_loop3A_429, %parallel_loop3A_430, %parallel_loop3A_431], %parallel_loop3A_414 {strides = array<i32>} : memref<2x64x256xf32, #tpu.memory_space<vmem>>, vector<16xf32>,
        %parallel_loop3A_433 = arith.constant 0 : i32
        %parallel_loop3A_434 = arith.constant 26 : i32
        %parallel_loop3A_435 = arith.index_cast %parallel_loop3A_433 : i32 to index
        %parallel_loop3A_436 = arith.index_cast %parallel_loop3A_434 : i32 to index
        %parallel_loop3A_437 = arith.index_cast %parallel_loop3A_187 : i32 to index
        %parallel_loop3A_438 = tpu.vector_load %arg7[%parallel_loop3A_435, %parallel_loop3A_436, %parallel_loop3A_437] {strides = array<i32>} : memref<2x64x256xf32, #tpu.memory_space<vmem>>, vector<16xf32>,
        tpu.vector_store %arg7[%parallel_loop3A_435, %parallel_loop3A_436, %parallel_loop3A_437], %parallel_loop3A_417 {strides = array<i32>} : memref<2x64x256xf32, #tpu.memory_space<vmem>>, vector<16xf32>,
        %parallel_loop3A_439 = arith.constant 0 : i32
        %parallel_loop3A_440 = arith.constant 27 : i32
        %parallel_loop3A_441 = arith.index_cast %parallel_loop3A_439 : i32 to index
        %parallel_loop3A_442 = arith.index_cast %parallel_loop3A_440 : i32 to index
        %parallel_loop3A_443 = arith.index_cast %parallel_loop3A_187 : i32 to index
        %parallel_loop3A_444 = tpu.vector_load %arg7[%parallel_loop3A_441, %parallel_loop3A_442, %parallel_loop3A_443] {strides = array<i32>} : memref<2x64x256xf32, #tpu.memory_space<vmem>>, vector<16xf32>,
        tpu.vector_store %arg7[%parallel_loop3A_441, %parallel_loop3A_442, %parallel_loop3A_443], %parallel_loop3A_420 {strides = array<i32>} : memref<2x64x256xf32, #tpu.memory_space<vmem>>, vector<16xf32>,
        %parallel_loop3A_445 = arith.constant 28 : i32
        %parallel_loop3A_446 = vector.broadcast %parallel_loop3A_445 : i32 to vector<16xi32>
        %parallel_loop3A_447 = tpu.vector_load_idx %arg6[%parallel_loop3A_446, %parallel_loop3A_192] : memref<64x1000xf32, #tpu.memory_space<vmem>>[vector<16xi32>, vector<16xi32>], vector<16xf32>,
        %parallel_loop3A_448 = arith.constant 29 : i32
        %parallel_loop3A_449 = vector.broadcast %parallel_loop3A_448 : i32 to vector<16xi32>
        %parallel_loop3A_450 = tpu.vector_load_idx %arg6[%parallel_loop3A_449, %parallel_loop3A_192] : memref<64x1000xf32, #tpu.memory_space<vmem>>[vector<16xi32>, vector<16xi32>], vector<16xf32>,
        %parallel_loop3A_451 = arith.constant 30 : i32
        %parallel_loop3A_452 = vector.broadcast %parallel_loop3A_451 : i32 to vector<16xi32>
        %parallel_loop3A_453 = tpu.vector_load_idx %arg6[%parallel_loop3A_452, %parallel_loop3A_192] : memref<64x1000xf32, #tpu.memory_space<vmem>>[vector<16xi32>, vector<16xi32>], vector<16xf32>,
        %parallel_loop3A_454 = arith.constant 31 : i32
        %parallel_loop3A_455 = vector.broadcast %parallel_loop3A_454 : i32 to vector<16xi32>
        %parallel_loop3A_456 = tpu.vector_load_idx %arg6[%parallel_loop3A_455, %parallel_loop3A_192] : memref<64x1000xf32, #tpu.memory_space<vmem>>[vector<16xi32>, vector<16xi32>], vector<16xf32>,
        %parallel_loop3A_457 = arith.constant 0 : i32
        %parallel_loop3A_458 = arith.constant 28 : i32
        %parallel_loop3A_459 = arith.index_cast %parallel_loop3A_457 : i32 to index
        %parallel_loop3A_460 = arith.index_cast %parallel_loop3A_458 : i32 to index
        %parallel_loop3A_461 = arith.index_cast %parallel_loop3A_187 : i32 to index
        %parallel_loop3A_462 = tpu.vector_load %arg7[%parallel_loop3A_459, %parallel_loop3A_460, %parallel_loop3A_461] {strides = array<i32>} : memref<2x64x256xf32, #tpu.memory_space<vmem>>, vector<16xf32>,
        tpu.vector_store %arg7[%parallel_loop3A_459, %parallel_loop3A_460, %parallel_loop3A_461], %parallel_loop3A_447 {strides = array<i32>} : memref<2x64x256xf32, #tpu.memory_space<vmem>>, vector<16xf32>,
        %parallel_loop3A_463 = arith.constant 0 : i32
        %parallel_loop3A_464 = arith.constant 29 : i32
        %parallel_loop3A_465 = arith.index_cast %parallel_loop3A_463 : i32 to index
        %parallel_loop3A_466 = arith.index_cast %parallel_loop3A_464 : i32 to index
        %parallel_loop3A_467 = arith.index_cast %parallel_loop3A_187 : i32 to index
        %parallel_loop3A_468 = tpu.vector_load %arg7[%parallel_loop3A_465, %parallel_loop3A_466, %parallel_loop3A_467] {strides = array<i32>} : memref<2x64x256xf32, #tpu.memory_space<vmem>>, vector<16xf32>,
        tpu.vector_store %arg7[%parallel_loop3A_465, %parallel_loop3A_466, %parallel_loop3A_467], %parallel_loop3A_450 {strides = array<i32>} : memref<2x64x256xf32, #tpu.memory_space<vmem>>, vector<16xf32>,
        %parallel_loop3A_469 = arith.constant 0 : i32
        %parallel_loop3A_470 = arith.constant 30 : i32
        %parallel_loop3A_471 = arith.index_cast %parallel_loop3A_469 : i32 to index
        %parallel_loop3A_472 = arith.index_cast %parallel_loop3A_470 : i32 to index
        %parallel_loop3A_473 = arith.index_cast %parallel_loop3A_187 : i32 to index
        %parallel_loop3A_474 = tpu.vector_load %arg7[%parallel_loop3A_471, %parallel_loop3A_472, %parallel_loop3A_473] {strides = array<i32>} : memref<2x64x256xf32, #tpu.memory_space<vmem>>, vector<16xf32>,
        tpu.vector_store %arg7[%parallel_loop3A_471, %parallel_loop3A_472, %parallel_loop3A_473], %parallel_loop3A_453 {strides = array<i32>} : memref<2x64x256xf32, #tpu.memory_space<vmem>>, vector<16xf32>,
        %parallel_loop3A_475 = arith.constant 0 : i32
        %parallel_loop3A_476 = arith.constant 31 : i32
        %parallel_loop3A_477 = arith.index_cast %parallel_loop3A_475 : i32 to index
        %parallel_loop3A_478 = arith.index_cast %parallel_loop3A_476 : i32 to index
        %parallel_loop3A_479 = arith.index_cast %parallel_loop3A_187 : i32 to index
        %parallel_loop3A_480 = tpu.vector_load %arg7[%parallel_loop3A_477, %parallel_loop3A_478, %parallel_loop3A_479] {strides = array<i32>} : memref<2x64x256xf32, #tpu.memory_space<vmem>>, vector<16xf32>,
        tpu.vector_store %arg7[%parallel_loop3A_477, %parallel_loop3A_478, %parallel_loop3A_479], %parallel_loop3A_456 {strides = array<i32>} : memref<2x64x256xf32, #tpu.memory_space<vmem>>, vector<16xf32>,
        %parallel_loop3A_481 = arith.constant 32 : i32
        %parallel_loop3A_482 = vector.broadcast %parallel_loop3A_481 : i32 to vector<16xi32>
        %parallel_loop3A_483 = tpu.vector_load_idx %arg6[%parallel_loop3A_482, %parallel_loop3A_192] : memref<64x1000xf32, #tpu.memory_space<vmem>>[vector<16xi32>, vector<16xi32>], vector<16xf32>,
        %parallel_loop3A_484 = arith.constant 33 : i32
        %parallel_loop3A_485 = vector.broadcast %parallel_loop3A_484 : i32 to vector<16xi32>
        %parallel_loop3A_486 = tpu.vector_load_idx %arg6[%parallel_loop3A_485, %parallel_loop3A_192] : memref<64x1000xf32, #tpu.memory_space<vmem>>[vector<16xi32>, vector<16xi32>], vector<16xf32>,
        %parallel_loop3A_487 = arith.constant 34 : i32
        %parallel_loop3A_488 = vector.broadcast %parallel_loop3A_487 : i32 to vector<16xi32>
        %parallel_loop3A_489 = tpu.vector_load_idx %arg6[%parallel_loop3A_488, %parallel_loop3A_192] : memref<64x1000xf32, #tpu.memory_space<vmem>>[vector<16xi32>, vector<16xi32>], vector<16xf32>,
        %parallel_loop3A_490 = arith.constant 35 : i32
        %parallel_loop3A_491 = vector.broadcast %parallel_loop3A_490 : i32 to vector<16xi32>
        %parallel_loop3A_492 = tpu.vector_load_idx %arg6[%parallel_loop3A_491, %parallel_loop3A_192] : memref<64x1000xf32, #tpu.memory_space<vmem>>[vector<16xi32>, vector<16xi32>], vector<16xf32>,
        %parallel_loop3A_493 = arith.constant 0 : i32
        %parallel_loop3A_494 = arith.constant 32 : i32
        %parallel_loop3A_495 = arith.index_cast %parallel_loop3A_493 : i32 to index
        %parallel_loop3A_496 = arith.index_cast %parallel_loop3A_494 : i32 to index
        %parallel_loop3A_497 = arith.index_cast %parallel_loop3A_187 : i32 to index
        %parallel_loop3A_498 = tpu.vector_load %arg7[%parallel_loop3A_495, %parallel_loop3A_496, %parallel_loop3A_497] {strides = array<i32>} : memref<2x64x256xf32, #tpu.memory_space<vmem>>, vector<16xf32>,
        tpu.vector_store %arg7[%parallel_loop3A_495, %parallel_loop3A_496, %parallel_loop3A_497], %parallel_loop3A_483 {strides = array<i32>} : memref<2x64x256xf32, #tpu.memory_space<vmem>>, vector<16xf32>,
        %parallel_loop3A_499 = arith.constant 0 : i32
        %parallel_loop3A_500 = arith.constant 33 : i32
        %parallel_loop3A_501 = arith.index_cast %parallel_loop3A_499 : i32 to index
        %parallel_loop3A_502 = arith.index_cast %parallel_loop3A_500 : i32 to index
        %parallel_loop3A_503 = arith.index_cast %parallel_loop3A_187 : i32 to index
        %parallel_loop3A_504 = tpu.vector_load %arg7[%parallel_loop3A_501, %parallel_loop3A_502, %parallel_loop3A_503] {strides = array<i32>} : memref<2x64x256xf32, #tpu.memory_space<vmem>>, vector<16xf32>,
        tpu.vector_store %arg7[%parallel_loop3A_501, %parallel_loop3A_502, %parallel_loop3A_503], %parallel_loop3A_486 {strides = array<i32>} : memref<2x64x256xf32, #tpu.memory_space<vmem>>, vector<16xf32>,
        %parallel_loop3A_505 = arith.constant 0 : i32
        %parallel_loop3A_506 = arith.constant 34 : i32
        %parallel_loop3A_507 = arith.index_cast %parallel_loop3A_505 : i32 to index
        %parallel_loop3A_508 = arith.index_cast %parallel_loop3A_506 : i32 to index
        %parallel_loop3A_509 = arith.index_cast %parallel_loop3A_187 : i32 to index
        %parallel_loop3A_510 = tpu.vector_load %arg7[%parallel_loop3A_507, %parallel_loop3A_508, %parallel_loop3A_509] {strides = array<i32>} : memref<2x64x256xf32, #tpu.memory_space<vmem>>, vector<16xf32>,
        tpu.vector_store %arg7[%parallel_loop3A_507, %parallel_loop3A_508, %parallel_loop3A_509], %parallel_loop3A_489 {strides = array<i32>} : memref<2x64x256xf32, #tpu.memory_space<vmem>>, vector<16xf32>,
        %parallel_loop3A_511 = arith.constant 0 : i32
        %parallel_loop3A_512 = arith.constant 35 : i32
        %parallel_loop3A_513 = arith.index_cast %parallel_loop3A_511 : i32 to index
        %parallel_loop3A_514 = arith.index_cast %parallel_loop3A_512 : i32 to index
        %parallel_loop3A_515 = arith.index_cast %parallel_loop3A_187 : i32 to index
        %parallel_loop3A_516 = tpu.vector_load %arg7[%parallel_loop3A_513, %parallel_loop3A_514, %parallel_loop3A_515] {strides = array<i32>} : memref<2x64x256xf32, #tpu.memory_space<vmem>>, vector<16xf32>,
        tpu.vector_store %arg7[%parallel_loop3A_513, %parallel_loop3A_514, %parallel_loop3A_515], %parallel_loop3A_492 {strides = array<i32>} : memref<2x64x256xf32, #tpu.memory_space<vmem>>, vector<16xf32>,
        %parallel_loop3A_517 = arith.constant 36 : i32
        %parallel_loop3A_518 = vector.broadcast %parallel_loop3A_517 : i32 to vector<16xi32>
        %parallel_loop3A_519 = tpu.vector_load_idx %arg6[%parallel_loop3A_518, %parallel_loop3A_192] : memref<64x1000xf32, #tpu.memory_space<vmem>>[vector<16xi32>, vector<16xi32>], vector<16xf32>,
        %parallel_loop3A_520 = arith.constant 37 : i32
        %parallel_loop3A_521 = vector.broadcast %parallel_loop3A_520 : i32 to vector<16xi32>
        %parallel_loop3A_522 = tpu.vector_load_idx %arg6[%parallel_loop3A_521, %parallel_loop3A_192] : memref<64x1000xf32, #tpu.memory_space<vmem>>[vector<16xi32>, vector<16xi32>], vector<16xf32>,
        %parallel_loop3A_523 = arith.constant 38 : i32
        %parallel_loop3A_524 = vector.broadcast %parallel_loop3A_523 : i32 to vector<16xi32>
        %parallel_loop3A_525 = tpu.vector_load_idx %arg6[%parallel_loop3A_524, %parallel_loop3A_192] : memref<64x1000xf32, #tpu.memory_space<vmem>>[vector<16xi32>, vector<16xi32>], vector<16xf32>,
        %parallel_loop3A_526 = arith.constant 39 : i32
        %parallel_loop3A_527 = vector.broadcast %parallel_loop3A_526 : i32 to vector<16xi32>
        %parallel_loop3A_528 = tpu.vector_load_idx %arg6[%parallel_loop3A_527, %parallel_loop3A_192] : memref<64x1000xf32, #tpu.memory_space<vmem>>[vector<16xi32>, vector<16xi32>], vector<16xf32>,
        %parallel_loop3A_529 = arith.constant 0 : i32
        %parallel_loop3A_530 = arith.constant 36 : i32
        %parallel_loop3A_531 = arith.index_cast %parallel_loop3A_529 : i32 to index
        %parallel_loop3A_532 = arith.index_cast %parallel_loop3A_530 : i32 to index
        %parallel_loop3A_533 = arith.index_cast %parallel_loop3A_187 : i32 to index
        %parallel_loop3A_534 = tpu.vector_load %arg7[%parallel_loop3A_531, %parallel_loop3A_532, %parallel_loop3A_533] {strides = array<i32>} : memref<2x64x256xf32, #tpu.memory_space<vmem>>, vector<16xf32>,
        tpu.vector_store %arg7[%parallel_loop3A_531, %parallel_loop3A_532, %parallel_loop3A_533], %parallel_loop3A_519 {strides = array<i32>} : memref<2x64x256xf32, #tpu.memory_space<vmem>>, vector<16xf32>,
        %parallel_loop3A_535 = arith.constant 0 : i32
        %parallel_loop3A_536 = arith.constant 37 : i32
        %parallel_loop3A_537 = arith.index_cast %parallel_loop3A_535 : i32 to index
        %parallel_loop3A_538 = arith.index_cast %parallel_loop3A_536 : i32 to index
        %parallel_loop3A_539 = arith.index_cast %parallel_loop3A_187 : i32 to index
        %parallel_loop3A_540 = tpu.vector_load %arg7[%parallel_loop3A_537, %parallel_loop3A_538, %parallel_loop3A_539] {strides = array<i32>} : memref<2x64x256xf32, #tpu.memory_space<vmem>>, vector<16xf32>,
        tpu.vector_store %arg7[%parallel_loop3A_537, %parallel_loop3A_538, %parallel_loop3A_539], %parallel_loop3A_522 {strides = array<i32>} : memref<2x64x256xf32, #tpu.memory_space<vmem>>, vector<16xf32>,
        %parallel_loop3A_541 = arith.constant 0 : i32
        %parallel_loop3A_542 = arith.constant 38 : i32
        %parallel_loop3A_543 = arith.index_cast %parallel_loop3A_541 : i32 to index
        %parallel_loop3A_544 = arith.index_cast %parallel_loop3A_542 : i32 to index
        %parallel_loop3A_545 = arith.index_cast %parallel_loop3A_187 : i32 to index
        %parallel_loop3A_546 = tpu.vector_load %arg7[%parallel_loop3A_543, %parallel_loop3A_544, %parallel_loop3A_545] {strides = array<i32>} : memref<2x64x256xf32, #tpu.memory_space<vmem>>, vector<16xf32>,
        tpu.vector_store %arg7[%parallel_loop3A_543, %parallel_loop3A_544, %parallel_loop3A_545], %parallel_loop3A_525 {strides = array<i32>} : memref<2x64x256xf32, #tpu.memory_space<vmem>>, vector<16xf32>,
        %parallel_loop3A_547 = arith.constant 0 : i32
        %parallel_loop3A_548 = arith.constant 39 : i32
        %parallel_loop3A_549 = arith.index_cast %parallel_loop3A_547 : i32 to index
        %parallel_loop3A_550 = arith.index_cast %parallel_loop3A_548 : i32 to index
        %parallel_loop3A_551 = arith.index_cast %parallel_loop3A_187 : i32 to index
        %parallel_loop3A_552 = tpu.vector_load %arg7[%parallel_loop3A_549, %parallel_loop3A_550, %parallel_loop3A_551] {strides = array<i32>} : memref<2x64x256xf32, #tpu.memory_space<vmem>>, vector<16xf32>,
        tpu.vector_store %arg7[%parallel_loop3A_549, %parallel_loop3A_550, %parallel_loop3A_551], %parallel_loop3A_528 {strides = array<i32>} : memref<2x64x256xf32, #tpu.memory_space<vmem>>, vector<16xf32>,
        %parallel_loop3A_553 = arith.constant 40 : i32
        %parallel_loop3A_554 = vector.broadcast %parallel_loop3A_553 : i32 to vector<16xi32>
        %parallel_loop3A_555 = tpu.vector_load_idx %arg6[%parallel_loop3A_554, %parallel_loop3A_192] : memref<64x1000xf32, #tpu.memory_space<vmem>>[vector<16xi32>, vector<16xi32>], vector<16xf32>,
        %parallel_loop3A_556 = arith.constant 41 : i32
        %parallel_loop3A_557 = vector.broadcast %parallel_loop3A_556 : i32 to vector<16xi32>
        %parallel_loop3A_558 = tpu.vector_load_idx %arg6[%parallel_loop3A_557, %parallel_loop3A_192] : memref<64x1000xf32, #tpu.memory_space<vmem>>[vector<16xi32>, vector<16xi32>], vector<16xf32>,
        %parallel_loop3A_559 = arith.constant 42 : i32
        %parallel_loop3A_560 = vector.broadcast %parallel_loop3A_559 : i32 to vector<16xi32>
        %parallel_loop3A_561 = tpu.vector_load_idx %arg6[%parallel_loop3A_560, %parallel_loop3A_192] : memref<64x1000xf32, #tpu.memory_space<vmem>>[vector<16xi32>, vector<16xi32>], vector<16xf32>,
        %parallel_loop3A_562 = arith.constant 43 : i32
        %parallel_loop3A_563 = vector.broadcast %parallel_loop3A_562 : i32 to vector<16xi32>
        %parallel_loop3A_564 = tpu.vector_load_idx %arg6[%parallel_loop3A_563, %parallel_loop3A_192] : memref<64x1000xf32, #tpu.memory_space<vmem>>[vector<16xi32>, vector<16xi32>], vector<16xf32>,
        %parallel_loop3A_565 = arith.constant 0 : i32
        %parallel_loop3A_566 = arith.constant 40 : i32
        %parallel_loop3A_567 = arith.index_cast %parallel_loop3A_565 : i32 to index
        %parallel_loop3A_568 = arith.index_cast %parallel_loop3A_566 : i32 to index
        %parallel_loop3A_569 = arith.index_cast %parallel_loop3A_187 : i32 to index
        %parallel_loop3A_570 = tpu.vector_load %arg7[%parallel_loop3A_567, %parallel_loop3A_568, %parallel_loop3A_569] {strides = array<i32>} : memref<2x64x256xf32, #tpu.memory_space<vmem>>, vector<16xf32>,
        tpu.vector_store %arg7[%parallel_loop3A_567, %parallel_loop3A_568, %parallel_loop3A_569], %parallel_loop3A_555 {strides = array<i32>} : memref<2x64x256xf32, #tpu.memory_space<vmem>>, vector<16xf32>,
        %parallel_loop3A_571 = arith.constant 0 : i32
        %parallel_loop3A_572 = arith.constant 41 : i32
        %parallel_loop3A_573 = arith.index_cast %parallel_loop3A_571 : i32 to index
        %parallel_loop3A_574 = arith.index_cast %parallel_loop3A_572 : i32 to index
        %parallel_loop3A_575 = arith.index_cast %parallel_loop3A_187 : i32 to index
        %parallel_loop3A_576 = tpu.vector_load %arg7[%parallel_loop3A_573, %parallel_loop3A_574, %parallel_loop3A_575] {strides = array<i32>} : memref<2x64x256xf32, #tpu.memory_space<vmem>>, vector<16xf32>,
        tpu.vector_store %arg7[%parallel_loop3A_573, %parallel_loop3A_574, %parallel_loop3A_575], %parallel_loop3A_558 {strides = array<i32>} : memref<2x64x256xf32, #tpu.memory_space<vmem>>, vector<16xf32>,
        %parallel_loop3A_577 = arith.constant 0 : i32
        %parallel_loop3A_578 = arith.constant 42 : i32
        %parallel_loop3A_579 = arith.index_cast %parallel_loop3A_577 : i32 to index
        %parallel_loop3A_580 = arith.index_cast %parallel_loop3A_578 : i32 to index
        %parallel_loop3A_581 = arith.index_cast %parallel_loop3A_187 : i32 to index
        %parallel_loop3A_582 = tpu.vector_load %arg7[%parallel_loop3A_579, %parallel_loop3A_580, %parallel_loop3A_581] {strides = array<i32>} : memref<2x64x256xf32, #tpu.memory_space<vmem>>, vector<16xf32>,
        tpu.vector_store %arg7[%parallel_loop3A_579, %parallel_loop3A_580, %parallel_loop3A_581], %parallel_loop3A_561 {strides = array<i32>} : memref<2x64x256xf32, #tpu.memory_space<vmem>>, vector<16xf32>,
        %parallel_loop3A_583 = arith.constant 0 : i32
        %parallel_loop3A_584 = arith.constant 43 : i32
        %parallel_loop3A_585 = arith.index_cast %parallel_loop3A_583 : i32 to index
        %parallel_loop3A_586 = arith.index_cast %parallel_loop3A_584 : i32 to index
        %parallel_loop3A_587 = arith.index_cast %parallel_loop3A_187 : i32 to index
        %parallel_loop3A_588 = tpu.vector_load %arg7[%parallel_loop3A_585, %parallel_loop3A_586, %parallel_loop3A_587] {strides = array<i32>} : memref<2x64x256xf32, #tpu.memory_space<vmem>>, vector<16xf32>,
        tpu.vector_store %arg7[%parallel_loop3A_585, %parallel_loop3A_586, %parallel_loop3A_587], %parallel_loop3A_564 {strides = array<i32>} : memref<2x64x256xf32, #tpu.memory_space<vmem>>, vector<16xf32>,
        %parallel_loop3A_589 = arith.constant 44 : i32
        %parallel_loop3A_590 = vector.broadcast %parallel_loop3A_589 : i32 to vector<16xi32>
        %parallel_loop3A_591 = tpu.vector_load_idx %arg6[%parallel_loop3A_590, %parallel_loop3A_192] : memref<64x1000xf32, #tpu.memory_space<vmem>>[vector<16xi32>, vector<16xi32>], vector<16xf32>,
        %parallel_loop3A_592 = arith.constant 45 : i32
        %parallel_loop3A_593 = vector.broadcast %parallel_loop3A_592 : i32 to vector<16xi32>
        %parallel_loop3A_594 = tpu.vector_load_idx %arg6[%parallel_loop3A_593, %parallel_loop3A_192] : memref<64x1000xf32, #tpu.memory_space<vmem>>[vector<16xi32>, vector<16xi32>], vector<16xf32>,
        %parallel_loop3A_595 = arith.constant 46 : i32
        %parallel_loop3A_596 = vector.broadcast %parallel_loop3A_595 : i32 to vector<16xi32>
        %parallel_loop3A_597 = tpu.vector_load_idx %arg6[%parallel_loop3A_596, %parallel_loop3A_192] : memref<64x1000xf32, #tpu.memory_space<vmem>>[vector<16xi32>, vector<16xi32>], vector<16xf32>,
        %parallel_loop3A_598 = arith.constant 47 : i32
        %parallel_loop3A_599 = vector.broadcast %parallel_loop3A_598 : i32 to vector<16xi32>
        %parallel_loop3A_600 = tpu.vector_load_idx %arg6[%parallel_loop3A_599, %parallel_loop3A_192] : memref<64x1000xf32, #tpu.memory_space<vmem>>[vector<16xi32>, vector<16xi32>], vector<16xf32>,
        %parallel_loop3A_601 = arith.constant 0 : i32
        %parallel_loop3A_602 = arith.constant 44 : i32
        %parallel_loop3A_603 = arith.index_cast %parallel_loop3A_601 : i32 to index
        %parallel_loop3A_604 = arith.index_cast %parallel_loop3A_602 : i32 to index
        %parallel_loop3A_605 = arith.index_cast %parallel_loop3A_187 : i32 to index
        %parallel_loop3A_606 = tpu.vector_load %arg7[%parallel_loop3A_603, %parallel_loop3A_604, %parallel_loop3A_605] {strides = array<i32>} : memref<2x64x256xf32, #tpu.memory_space<vmem>>, vector<16xf32>,
        tpu.vector_store %arg7[%parallel_loop3A_603, %parallel_loop3A_604, %parallel_loop3A_605], %parallel_loop3A_591 {strides = array<i32>} : memref<2x64x256xf32, #tpu.memory_space<vmem>>, vector<16xf32>,
        %parallel_loop3A_607 = arith.constant 0 : i32
        %parallel_loop3A_608 = arith.constant 45 : i32
        %parallel_loop3A_609 = arith.index_cast %parallel_loop3A_607 : i32 to index
        %parallel_loop3A_610 = arith.index_cast %parallel_loop3A_608 : i32 to index
        %parallel_loop3A_611 = arith.index_cast %parallel_loop3A_187 : i32 to index
        %parallel_loop3A_612 = tpu.vector_load %arg7[%parallel_loop3A_609, %parallel_loop3A_610, %parallel_loop3A_611] {strides = array<i32>} : memref<2x64x256xf32, #tpu.memory_space<vmem>>, vector<16xf32>,
        tpu.vector_store %arg7[%parallel_loop3A_609, %parallel_loop3A_610, %parallel_loop3A_611], %parallel_loop3A_594 {strides = array<i32>} : memref<2x64x256xf32, #tpu.memory_space<vmem>>, vector<16xf32>,
        %parallel_loop3A_613 = arith.constant 0 : i32
        %parallel_loop3A_614 = arith.constant 46 : i32
        %parallel_loop3A_615 = arith.index_cast %parallel_loop3A_613 : i32 to index
        %parallel_loop3A_616 = arith.index_cast %parallel_loop3A_614 : i32 to index
        %parallel_loop3A_617 = arith.index_cast %parallel_loop3A_187 : i32 to index
        %parallel_loop3A_618 = tpu.vector_load %arg7[%parallel_loop3A_615, %parallel_loop3A_616, %parallel_loop3A_617] {strides = array<i32>} : memref<2x64x256xf32, #tpu.memory_space<vmem>>, vector<16xf32>,
        tpu.vector_store %arg7[%parallel_loop3A_615, %parallel_loop3A_616, %parallel_loop3A_617], %parallel_loop3A_597 {strides = array<i32>} : memref<2x64x256xf32, #tpu.memory_space<vmem>>, vector<16xf32>,
        %parallel_loop3A_619 = arith.constant 0 : i32
        %parallel_loop3A_620 = arith.constant 47 : i32
        %parallel_loop3A_621 = arith.index_cast %parallel_loop3A_619 : i32 to index
        %parallel_loop3A_622 = arith.index_cast %parallel_loop3A_620 : i32 to index
        %parallel_loop3A_623 = arith.index_cast %parallel_loop3A_187 : i32 to index
        %parallel_loop3A_624 = tpu.vector_load %arg7[%parallel_loop3A_621, %parallel_loop3A_622, %parallel_loop3A_623] {strides = array<i32>} : memref<2x64x256xf32, #tpu.memory_space<vmem>>, vector<16xf32>,
        tpu.vector_store %arg7[%parallel_loop3A_621, %parallel_loop3A_622, %parallel_loop3A_623], %parallel_loop3A_600 {strides = array<i32>} : memref<2x64x256xf32, #tpu.memory_space<vmem>>, vector<16xf32>,
        %parallel_loop3A_625 = arith.constant 48 : i32
        %parallel_loop3A_626 = vector.broadcast %parallel_loop3A_625 : i32 to vector<16xi32>
        %parallel_loop3A_627 = tpu.vector_load_idx %arg6[%parallel_loop3A_626, %parallel_loop3A_192] : memref<64x1000xf32, #tpu.memory_space<vmem>>[vector<16xi32>, vector<16xi32>], vector<16xf32>,
        %parallel_loop3A_628 = arith.constant 49 : i32
        %parallel_loop3A_629 = vector.broadcast %parallel_loop3A_628 : i32 to vector<16xi32>
        %parallel_loop3A_630 = tpu.vector_load_idx %arg6[%parallel_loop3A_629, %parallel_loop3A_192] : memref<64x1000xf32, #tpu.memory_space<vmem>>[vector<16xi32>, vector<16xi32>], vector<16xf32>,
        %parallel_loop3A_631 = arith.constant 50 : i32
        %parallel_loop3A_632 = vector.broadcast %parallel_loop3A_631 : i32 to vector<16xi32>
        %parallel_loop3A_633 = tpu.vector_load_idx %arg6[%parallel_loop3A_632, %parallel_loop3A_192] : memref<64x1000xf32, #tpu.memory_space<vmem>>[vector<16xi32>, vector<16xi32>], vector<16xf32>,
        %parallel_loop3A_634 = arith.constant 51 : i32
        %parallel_loop3A_635 = vector.broadcast %parallel_loop3A_634 : i32 to vector<16xi32>
        %parallel_loop3A_636 = tpu.vector_load_idx %arg6[%parallel_loop3A_635, %parallel_loop3A_192] : memref<64x1000xf32, #tpu.memory_space<vmem>>[vector<16xi32>, vector<16xi32>], vector<16xf32>,
        %parallel_loop3A_637 = arith.constant 0 : i32
        %parallel_loop3A_638 = arith.constant 48 : i32
        %parallel_loop3A_639 = arith.index_cast %parallel_loop3A_637 : i32 to index
        %parallel_loop3A_640 = arith.index_cast %parallel_loop3A_638 : i32 to index
        %parallel_loop3A_641 = arith.index_cast %parallel_loop3A_187 : i32 to index
        %parallel_loop3A_642 = tpu.vector_load %arg7[%parallel_loop3A_639, %parallel_loop3A_640, %parallel_loop3A_641] {strides = array<i32>} : memref<2x64x256xf32, #tpu.memory_space<vmem>>, vector<16xf32>,
        tpu.vector_store %arg7[%parallel_loop3A_639, %parallel_loop3A_640, %parallel_loop3A_641], %parallel_loop3A_627 {strides = array<i32>} : memref<2x64x256xf32, #tpu.memory_space<vmem>>, vector<16xf32>,
        %parallel_loop3A_643 = arith.constant 0 : i32
        %parallel_loop3A_644 = arith.constant 49 : i32
        %parallel_loop3A_645 = arith.index_cast %parallel_loop3A_643 : i32 to index
        %parallel_loop3A_646 = arith.index_cast %parallel_loop3A_644 : i32 to index
        %parallel_loop3A_647 = arith.index_cast %parallel_loop3A_187 : i32 to index
        %parallel_loop3A_648 = tpu.vector_load %arg7[%parallel_loop3A_645, %parallel_loop3A_646, %parallel_loop3A_647] {strides = array<i32>} : memref<2x64x256xf32, #tpu.memory_space<vmem>>, vector<16xf32>,
        tpu.vector_store %arg7[%parallel_loop3A_645, %parallel_loop3A_646, %parallel_loop3A_647], %parallel_loop3A_630 {strides = array<i32>} : memref<2x64x256xf32, #tpu.memory_space<vmem>>, vector<16xf32>,
        %parallel_loop3A_649 = arith.constant 0 : i32
        %parallel_loop3A_650 = arith.constant 50 : i32
        %parallel_loop3A_651 = arith.index_cast %parallel_loop3A_649 : i32 to index
        %parallel_loop3A_652 = arith.index_cast %parallel_loop3A_650 : i32 to index
        %parallel_loop3A_653 = arith.index_cast %parallel_loop3A_187 : i32 to index
        %parallel_loop3A_654 = tpu.vector_load %arg7[%parallel_loop3A_651, %parallel_loop3A_652, %parallel_loop3A_653] {strides = array<i32>} : memref<2x64x256xf32, #tpu.memory_space<vmem>>, vector<16xf32>,
        tpu.vector_store %arg7[%parallel_loop3A_651, %parallel_loop3A_652, %parallel_loop3A_653], %parallel_loop3A_633 {strides = array<i32>} : memref<2x64x256xf32, #tpu.memory_space<vmem>>, vector<16xf32>,
        %parallel_loop3A_655 = arith.constant 0 : i32
        %parallel_loop3A_656 = arith.constant 51 : i32
        %parallel_loop3A_657 = arith.index_cast %parallel_loop3A_655 : i32 to index
        %parallel_loop3A_658 = arith.index_cast %parallel_loop3A_656 : i32 to index
        %parallel_loop3A_659 = arith.index_cast %parallel_loop3A_187 : i32 to index
        %parallel_loop3A_660 = tpu.vector_load %arg7[%parallel_loop3A_657, %parallel_loop3A_658, %parallel_loop3A_659] {strides = array<i32>} : memref<2x64x256xf32, #tpu.memory_space<vmem>>, vector<16xf32>,
        tpu.vector_store %arg7[%parallel_loop3A_657, %parallel_loop3A_658, %parallel_loop3A_659], %parallel_loop3A_636 {strides = array<i32>} : memref<2x64x256xf32, #tpu.memory_space<vmem>>, vector<16xf32>,
        %parallel_loop3A_661 = arith.constant 52 : i32
        %parallel_loop3A_662 = vector.broadcast %parallel_loop3A_661 : i32 to vector<16xi32>
        %parallel_loop3A_663 = tpu.vector_load_idx %arg6[%parallel_loop3A_662, %parallel_loop3A_192] : memref<64x1000xf32, #tpu.memory_space<vmem>>[vector<16xi32>, vector<16xi32>], vector<16xf32>,
        %parallel_loop3A_664 = arith.constant 53 : i32
        %parallel_loop3A_665 = vector.broadcast %parallel_loop3A_664 : i32 to vector<16xi32>
        %parallel_loop3A_666 = tpu.vector_load_idx %arg6[%parallel_loop3A_665, %parallel_loop3A_192] : memref<64x1000xf32, #tpu.memory_space<vmem>>[vector<16xi32>, vector<16xi32>], vector<16xf32>,
        %parallel_loop3A_667 = arith.constant 54 : i32
        %parallel_loop3A_668 = vector.broadcast %parallel_loop3A_667 : i32 to vector<16xi32>
        %parallel_loop3A_669 = tpu.vector_load_idx %arg6[%parallel_loop3A_668, %parallel_loop3A_192] : memref<64x1000xf32, #tpu.memory_space<vmem>>[vector<16xi32>, vector<16xi32>], vector<16xf32>,
        %parallel_loop3A_670 = arith.constant 55 : i32
        %parallel_loop3A_671 = vector.broadcast %parallel_loop3A_670 : i32 to vector<16xi32>
        %parallel_loop3A_672 = tpu.vector_load_idx %arg6[%parallel_loop3A_671, %parallel_loop3A_192] : memref<64x1000xf32, #tpu.memory_space<vmem>>[vector<16xi32>, vector<16xi32>], vector<16xf32>,
        %parallel_loop3A_673 = arith.constant 0 : i32
        %parallel_loop3A_674 = arith.constant 52 : i32
        %parallel_loop3A_675 = arith.index_cast %parallel_loop3A_673 : i32 to index
        %parallel_loop3A_676 = arith.index_cast %parallel_loop3A_674 : i32 to index
        %parallel_loop3A_677 = arith.index_cast %parallel_loop3A_187 : i32 to index
        %parallel_loop3A_678 = tpu.vector_load %arg7[%parallel_loop3A_675, %parallel_loop3A_676, %parallel_loop3A_677] {strides = array<i32>} : memref<2x64x256xf32, #tpu.memory_space<vmem>>, vector<16xf32>,
        tpu.vector_store %arg7[%parallel_loop3A_675, %parallel_loop3A_676, %parallel_loop3A_677], %parallel_loop3A_663 {strides = array<i32>} : memref<2x64x256xf32, #tpu.memory_space<vmem>>, vector<16xf32>,
        %parallel_loop3A_679 = arith.constant 0 : i32
        %parallel_loop3A_680 = arith.constant 53 : i32
        %parallel_loop3A_681 = arith.index_cast %parallel_loop3A_679 : i32 to index
        %parallel_loop3A_682 = arith.index_cast %parallel_loop3A_680 : i32 to index
        %parallel_loop3A_683 = arith.index_cast %parallel_loop3A_187 : i32 to index
        %parallel_loop3A_684 = tpu.vector_load %arg7[%parallel_loop3A_681, %parallel_loop3A_682, %parallel_loop3A_683] {strides = array<i32>} : memref<2x64x256xf32, #tpu.memory_space<vmem>>, vector<16xf32>,
        tpu.vector_store %arg7[%parallel_loop3A_681, %parallel_loop3A_682, %parallel_loop3A_683], %parallel_loop3A_666 {strides = array<i32>} : memref<2x64x256xf32, #tpu.memory_space<vmem>>, vector<16xf32>,
        %parallel_loop3A_685 = arith.constant 0 : i32
        %parallel_loop3A_686 = arith.constant 54 : i32
        %parallel_loop3A_687 = arith.index_cast %parallel_loop3A_685 : i32 to index
        %parallel_loop3A_688 = arith.index_cast %parallel_loop3A_686 : i32 to index
        %parallel_loop3A_689 = arith.index_cast %parallel_loop3A_187 : i32 to index
        %parallel_loop3A_690 = tpu.vector_load %arg7[%parallel_loop3A_687, %parallel_loop3A_688, %parallel_loop3A_689] {strides = array<i32>} : memref<2x64x256xf32, #tpu.memory_space<vmem>>, vector<16xf32>,
        tpu.vector_store %arg7[%parallel_loop3A_687, %parallel_loop3A_688, %parallel_loop3A_689], %parallel_loop3A_669 {strides = array<i32>} : memref<2x64x256xf32, #tpu.memory_space<vmem>>, vector<16xf32>,
        %parallel_loop3A_691 = arith.constant 0 : i32
        %parallel_loop3A_692 = arith.constant 55 : i32
        %parallel_loop3A_693 = arith.index_cast %parallel_loop3A_691 : i32 to index
        %parallel_loop3A_694 = arith.index_cast %parallel_loop3A_692 : i32 to index
        %parallel_loop3A_695 = arith.index_cast %parallel_loop3A_187 : i32 to index
        %parallel_loop3A_696 = tpu.vector_load %arg7[%parallel_loop3A_693, %parallel_loop3A_694, %parallel_loop3A_695] {strides = array<i32>} : memref<2x64x256xf32, #tpu.memory_space<vmem>>, vector<16xf32>,
        tpu.vector_store %arg7[%parallel_loop3A_693, %parallel_loop3A_694, %parallel_loop3A_695], %parallel_loop3A_672 {strides = array<i32>} : memref<2x64x256xf32, #tpu.memory_space<vmem>>, vector<16xf32>,
        %parallel_loop3A_697 = arith.constant 56 : i32
        %parallel_loop3A_698 = vector.broadcast %parallel_loop3A_697 : i32 to vector<16xi32>
        %parallel_loop3A_699 = tpu.vector_load_idx %arg6[%parallel_loop3A_698, %parallel_loop3A_192] : memref<64x1000xf32, #tpu.memory_space<vmem>>[vector<16xi32>, vector<16xi32>], vector<16xf32>,
        %parallel_loop3A_700 = arith.constant 57 : i32
        %parallel_loop3A_701 = vector.broadcast %parallel_loop3A_700 : i32 to vector<16xi32>
        %parallel_loop3A_702 = tpu.vector_load_idx %arg6[%parallel_loop3A_701, %parallel_loop3A_192] : memref<64x1000xf32, #tpu.memory_space<vmem>>[vector<16xi32>, vector<16xi32>], vector<16xf32>,
        %parallel_loop3A_703 = arith.constant 58 : i32
        %parallel_loop3A_704 = vector.broadcast %parallel_loop3A_703 : i32 to vector<16xi32>
        %parallel_loop3A_705 = tpu.vector_load_idx %arg6[%parallel_loop3A_704, %parallel_loop3A_192] : memref<64x1000xf32, #tpu.memory_space<vmem>>[vector<16xi32>, vector<16xi32>], vector<16xf32>,
        %parallel_loop3A_706 = arith.constant 59 : i32
        %parallel_loop3A_707 = vector.broadcast %parallel_loop3A_706 : i32 to vector<16xi32>
        %parallel_loop3A_708 = tpu.vector_load_idx %arg6[%parallel_loop3A_707, %parallel_loop3A_192] : memref<64x1000xf32, #tpu.memory_space<vmem>>[vector<16xi32>, vector<16xi32>], vector<16xf32>,
        %parallel_loop3A_709 = arith.constant 0 : i32
        %parallel_loop3A_710 = arith.constant 56 : i32
        %parallel_loop3A_711 = arith.index_cast %parallel_loop3A_709 : i32 to index
        %parallel_loop3A_712 = arith.index_cast %parallel_loop3A_710 : i32 to index
        %parallel_loop3A_713 = arith.index_cast %parallel_loop3A_187 : i32 to index
        %parallel_loop3A_714 = tpu.vector_load %arg7[%parallel_loop3A_711, %parallel_loop3A_712, %parallel_loop3A_713] {strides = array<i32>} : memref<2x64x256xf32, #tpu.memory_space<vmem>>, vector<16xf32>,
        tpu.vector_store %arg7[%parallel_loop3A_711, %parallel_loop3A_712, %parallel_loop3A_713], %parallel_loop3A_699 {strides = array<i32>} : memref<2x64x256xf32, #tpu.memory_space<vmem>>, vector<16xf32>,
        %parallel_loop3A_715 = arith.constant 0 : i32
        %parallel_loop3A_716 = arith.constant 57 : i32
        %parallel_loop3A_717 = arith.index_cast %parallel_loop3A_715 : i32 to index
        %parallel_loop3A_718 = arith.index_cast %parallel_loop3A_716 : i32 to index
        %parallel_loop3A_719 = arith.index_cast %parallel_loop3A_187 : i32 to index
        %parallel_loop3A_720 = tpu.vector_load %arg7[%parallel_loop3A_717, %parallel_loop3A_718, %parallel_loop3A_719] {strides = array<i32>} : memref<2x64x256xf32, #tpu.memory_space<vmem>>, vector<16xf32>,
        tpu.vector_store %arg7[%parallel_loop3A_717, %parallel_loop3A_718, %parallel_loop3A_719], %parallel_loop3A_702 {strides = array<i32>} : memref<2x64x256xf32, #tpu.memory_space<vmem>>, vector<16xf32>,
        %parallel_loop3A_721 = arith.constant 0 : i32
        %parallel_loop3A_722 = arith.constant 58 : i32
        %parallel_loop3A_723 = arith.index_cast %parallel_loop3A_721 : i32 to index
        %parallel_loop3A_724 = arith.index_cast %parallel_loop3A_722 : i32 to index
        %parallel_loop3A_725 = arith.index_cast %parallel_loop3A_187 : i32 to index
        %parallel_loop3A_726 = tpu.vector_load %arg7[%parallel_loop3A_723, %parallel_loop3A_724, %parallel_loop3A_725] {strides = array<i32>} : memref<2x64x256xf32, #tpu.memory_space<vmem>>, vector<16xf32>,
        tpu.vector_store %arg7[%parallel_loop3A_723, %parallel_loop3A_724, %parallel_loop3A_725], %parallel_loop3A_705 {strides = array<i32>} : memref<2x64x256xf32, #tpu.memory_space<vmem>>, vector<16xf32>,
        %parallel_loop3A_727 = arith.constant 0 : i32
        %parallel_loop3A_728 = arith.constant 59 : i32
        %parallel_loop3A_729 = arith.index_cast %parallel_loop3A_727 : i32 to index
        %parallel_loop3A_730 = arith.index_cast %parallel_loop3A_728 : i32 to index
        %parallel_loop3A_731 = arith.index_cast %parallel_loop3A_187 : i32 to index
        %parallel_loop3A_732 = tpu.vector_load %arg7[%parallel_loop3A_729, %parallel_loop3A_730, %parallel_loop3A_731] {strides = array<i32>} : memref<2x64x256xf32, #tpu.memory_space<vmem>>, vector<16xf32>,
        tpu.vector_store %arg7[%parallel_loop3A_729, %parallel_loop3A_730, %parallel_loop3A_731], %parallel_loop3A_708 {strides = array<i32>} : memref<2x64x256xf32, #tpu.memory_space<vmem>>, vector<16xf32>,
        %parallel_loop3A_733 = arith.constant 60 : i32
        %parallel_loop3A_734 = vector.broadcast %parallel_loop3A_733 : i32 to vector<16xi32>
        %parallel_loop3A_735 = tpu.vector_load_idx %arg6[%parallel_loop3A_734, %parallel_loop3A_192] : memref<64x1000xf32, #tpu.memory_space<vmem>>[vector<16xi32>, vector<16xi32>], vector<16xf32>,
        %parallel_loop3A_736 = arith.constant 61 : i32
        %parallel_loop3A_737 = vector.broadcast %parallel_loop3A_736 : i32 to vector<16xi32>
        %parallel_loop3A_738 = tpu.vector_load_idx %arg6[%parallel_loop3A_737, %parallel_loop3A_192] : memref<64x1000xf32, #tpu.memory_space<vmem>>[vector<16xi32>, vector<16xi32>], vector<16xf32>,
        %parallel_loop3A_739 = arith.constant 62 : i32
        %parallel_loop3A_740 = vector.broadcast %parallel_loop3A_739 : i32 to vector<16xi32>
        %parallel_loop3A_741 = tpu.vector_load_idx %arg6[%parallel_loop3A_740, %parallel_loop3A_192] : memref<64x1000xf32, #tpu.memory_space<vmem>>[vector<16xi32>, vector<16xi32>], vector<16xf32>,
        %parallel_loop3A_742 = arith.constant 63 : i32
        %parallel_loop3A_743 = vector.broadcast %parallel_loop3A_742 : i32 to vector<16xi32>
        %parallel_loop3A_744 = tpu.vector_load_idx %arg6[%parallel_loop3A_743, %parallel_loop3A_192] : memref<64x1000xf32, #tpu.memory_space<vmem>>[vector<16xi32>, vector<16xi32>], vector<16xf32>,
        %parallel_loop3A_745 = arith.constant 0 : i32
        %parallel_loop3A_746 = arith.constant 60 : i32
        %parallel_loop3A_747 = arith.index_cast %parallel_loop3A_745 : i32 to index
        %parallel_loop3A_748 = arith.index_cast %parallel_loop3A_746 : i32 to index
        %parallel_loop3A_749 = arith.index_cast %parallel_loop3A_187 : i32 to index
        %parallel_loop3A_750 = tpu.vector_load %arg7[%parallel_loop3A_747, %parallel_loop3A_748, %parallel_loop3A_749] {strides = array<i32>} : memref<2x64x256xf32, #tpu.memory_space<vmem>>, vector<16xf32>,
        tpu.vector_store %arg7[%parallel_loop3A_747, %parallel_loop3A_748, %parallel_loop3A_749], %parallel_loop3A_735 {strides = array<i32>} : memref<2x64x256xf32, #tpu.memory_space<vmem>>, vector<16xf32>,
        %parallel_loop3A_751 = arith.constant 0 : i32
        %parallel_loop3A_752 = arith.constant 61 : i32
        %parallel_loop3A_753 = arith.index_cast %parallel_loop3A_751 : i32 to index
        %parallel_loop3A_754 = arith.index_cast %parallel_loop3A_752 : i32 to index
        %parallel_loop3A_755 = arith.index_cast %parallel_loop3A_187 : i32 to index
        %parallel_loop3A_756 = tpu.vector_load %arg7[%parallel_loop3A_753, %parallel_loop3A_754, %parallel_loop3A_755] {strides = array<i32>} : memref<2x64x256xf32, #tpu.memory_space<vmem>>, vector<16xf32>,
        tpu.vector_store %arg7[%parallel_loop3A_753, %parallel_loop3A_754, %parallel_loop3A_755], %parallel_loop3A_738 {strides = array<i32>} : memref<2x64x256xf32, #tpu.memory_space<vmem>>, vector<16xf32>,
        %parallel_loop3A_757 = arith.constant 0 : i32
        %parallel_loop3A_758 = arith.constant 62 : i32
        %parallel_loop3A_759 = arith.index_cast %parallel_loop3A_757 : i32 to index
        %parallel_loop3A_760 = arith.index_cast %parallel_loop3A_758 : i32 to index
        %parallel_loop3A_761 = arith.index_cast %parallel_loop3A_187 : i32 to index
        %parallel_loop3A_762 = tpu.vector_load %arg7[%parallel_loop3A_759, %parallel_loop3A_760, %parallel_loop3A_761] {strides = array<i32>} : memref<2x64x256xf32, #tpu.memory_space<vmem>>, vector<16xf32>,
        tpu.vector_store %arg7[%parallel_loop3A_759, %parallel_loop3A_760, %parallel_loop3A_761], %parallel_loop3A_741 {strides = array<i32>} : memref<2x64x256xf32, #tpu.memory_space<vmem>>, vector<16xf32>,
        %parallel_loop3A_763 = arith.constant 0 : i32
        %parallel_loop3A_764 = arith.constant 63 : i32
        %parallel_loop3A_765 = arith.index_cast %parallel_loop3A_763 : i32 to index
        %parallel_loop3A_766 = arith.index_cast %parallel_loop3A_764 : i32 to index
        %parallel_loop3A_767 = arith.index_cast %parallel_loop3A_187 : i32 to index
        %parallel_loop3A_768 = tpu.vector_load %arg7[%parallel_loop3A_765, %parallel_loop3A_766, %parallel_loop3A_767] {strides = array<i32>} : memref<2x64x256xf32, #tpu.memory_space<vmem>>, vector<16xf32>,
        tpu.vector_store %arg7[%parallel_loop3A_765, %parallel_loop3A_766, %parallel_loop3A_767], %parallel_loop3A_744 {strides = array<i32>} : memref<2x64x256xf32, #tpu.memory_space<vmem>>, vector<16xf32>,
      } {sc.loop_unroll_factor = 4 : i64, sc.parallel_access}
      %add3A_120 = arith.constant 0 : i32
      %add3A_121 = arith.addi %mul3A_2, %add3A_120 : i32
      %dma_start3A_122 = arith.constant 0 : i32
      %dma_start3A_123 = arith.constant 0 : i32
      %dma_start3A_124 = arith.constant 0 : i32
      %dma_start3A_125 = arith.constant 0 : i32
      %dma_start3A_126 = tpu.memref_slice %arg7[%dma_start3A_122, %dma_start3A_124, %dma_start3A_125] : memref<2x64x256xf32, #tpu.memory_space<vmem>> -> memref<1x64x256xf32, #tpu.memory_space<vmem>>
      %dma_start3A_127 = tpu.memref_squeeze %dma_start3A_126 : memref<1x64x256xf32, #tpu.memory_space<vmem>> -> memref<64x256xf32, #tpu.memory_space<vmem>>
      %dma_start3A_128 = arith.constant 0 : i32
      %dma_start3A_129 = tpu.memref_slice %arg4[%scan3A_95, %dma_start3A_128, %add3A_121] : memref<50x64x16384xf32, #tpu.memory_space<hbm>> -> memref<1x64x256xf32, #tpu.memory_space<hbm>>
      %dma_start3A_130 = tpu.memref_squeeze %dma_start3A_129 : memref<1x64x256xf32, #tpu.memory_space<hbm>> -> memref<64x256xf32, #tpu.memory_space<hbm>>
      %dma_start3A_131 = tpu.memref_slice %arg8[%dma_start3A_123] : memref<2x!tpu.dma_semaphore, #tpu.memory_space<semaphore_mem>> -> memref<1x!tpu.dma_semaphore, #tpu.memory_space<semaphore_mem>>
      %dma_start3A_132 = tpu.memref_squeeze %dma_start3A_131 : memref<1x!tpu.dma_semaphore, #tpu.memory_space<semaphore_mem>> -> memref<!tpu.dma_semaphore, #tpu.memory_space<semaphore_mem>>
      %dma_start3A_133 = arith.constant 0 : i32
      %dma_start3A_134 = tpu.memref_slice %arg4[%scan3A_95, %dma_start3A_133, %add3A_121] : memref<50x64x16384xf32, #tpu.memory_space<hbm>> -> memref<1x64x256xf32, #tpu.memory_space<hbm>>
      %dma_start3A_135 = tpu.memref_squeeze %dma_start3A_134 : memref<1x64x256xf32, #tpu.memory_space<hbm>> -> memref<64x256xf32, #tpu.memory_space<hbm>>
      %dma_start3A_136 = arith.constant 0 : i32
      %dma_start3A_137 = arith.constant 0 : i32
      %dma_start3A_138 = tpu.memref_slice %arg7[%dma_start3A_122, %dma_start3A_136, %dma_start3A_137] : memref<2x64x256xf32, #tpu.memory_space<vmem>> -> memref<1x64x256xf32, #tpu.memory_space<vmem>>
      %dma_start3A_139 = tpu.memref_squeeze %dma_start3A_138 : memref<1x64x256xf32, #tpu.memory_space<vmem>> -> memref<64x256xf32, #tpu.memory_space<vmem>>
      tpu.enqueue_dma source(%dma_start3A_139 : memref<64x256xf32, #tpu.memory_space<vmem>>) target(%dma_start3A_135 : memref<64x256xf32, #tpu.memory_space<hbm>>) target_semaphore(%dma_start3A_132 : memref<!tpu.dma_semaphore, #tpu.memory_space<semaphore_mem>>)
      %sub3A_140 = arith.constant 1 : i32
      %sub3A_141 = arith.subi %scan3A_95, %sub3A_140 : i32
      %add3A_142 = arith.constant 256 : i32
      %add3A_143 = arith.addi %mul3A_2, %add3A_142 : i32
      %dma_wait3A_144 = arith.constant 1 : i32
      %dma_wait3A_145 = arith.constant 1 : i32
      %dma_wait3A_146 = arith.constant 0 : i32
      %dma_wait3A_147 = arith.constant 0 : i32
      %dma_wait3A_148 = tpu.memref_slice %arg7[%dma_wait3A_144, %dma_wait3A_146, %dma_wait3A_147] : memref<2x64x256xf32, #tpu.memory_space<vmem>> -> memref<1x64x256xf32, #tpu.memory_space<vmem>>
      %dma_wait3A_149 = tpu.memref_squeeze %dma_wait3A_148 : memref<1x64x256xf32, #tpu.memory_space<vmem>> -> memref<64x256xf32, #tpu.memory_space<vmem>>
      %dma_wait3A_150 = arith.constant 0 : i32
      %dma_wait3A_151 = tpu.memref_slice %arg4[%sub3A_141, %dma_wait3A_150, %add3A_143] : memref<50x64x16384xf32, #tpu.memory_space<hbm>> -> memref<1x64x256xf32, #tpu.memory_space<hbm>>
      %dma_wait3A_152 = tpu.memref_squeeze %dma_wait3A_151 : memref<1x64x256xf32, #tpu.memory_space<hbm>> -> memref<64x256xf32, #tpu.memory_space<hbm>>
      %dma_wait3A_153 = tpu.memref_slice %arg8[%dma_wait3A_145] : memref<2x!tpu.dma_semaphore, #tpu.memory_space<semaphore_mem>> -> memref<1x!tpu.dma_semaphore, #tpu.memory_space<semaphore_mem>>
      %dma_wait3A_154 = tpu.memref_squeeze %dma_wait3A_153 : memref<1x!tpu.dma_semaphore, #tpu.memory_space<semaphore_mem>> -> memref<!tpu.dma_semaphore, #tpu.memory_space<semaphore_mem>>
      %dma_wait3A_155 = arith.constant 0 : i32
      %dma_wait3A_156 = tpu.memref_slice %arg4[%sub3A_141, %dma_wait3A_155, %add3A_143] : memref<50x64x16384xf32, #tpu.memory_space<hbm>> -> memref<1x64x256xf32, #tpu.memory_space<hbm>>
      %dma_wait3A_157 = tpu.memref_squeeze %dma_wait3A_156 : memref<1x64x256xf32, #tpu.memory_space<hbm>> -> memref<64x256xf32, #tpu.memory_space<hbm>>
      %dma_wait3A_158 = arith.constant 0 : i32
      %dma_wait3A_159 = arith.constant 0 : i32
      %dma_wait3A_160 = tpu.memref_slice %arg7[%dma_wait3A_144, %dma_wait3A_158, %dma_wait3A_159] : memref<2x64x256xf32, #tpu.memory_space<vmem>> -> memref<1x64x256xf32, #tpu.memory_space<vmem>>
      %dma_wait3A_161 = tpu.memref_squeeze %dma_wait3A_160 : memref<1x64x256xf32, #tpu.memory_space<vmem>> -> memref<64x256xf32, #tpu.memory_space<vmem>>
      tpu.wait_dma2 semaphore(%dma_wait3A_154 : memref<!tpu.dma_semaphore, #tpu.memory_space<semaphore_mem>>) src(%dma_wait3A_161 : memref<64x256xf32, #tpu.memory_space<vmem>>) dst(%dma_wait3A_157 : memref<64x256xf32, #tpu.memory_space<hbm>>)
      %parallel_loop3A_162 = arith.constant 0 : i32
      %parallel_loop3A_163 = arith.constant 16 : i32
      %parallel_loop3A_164 = arith.constant 1 : i32
      scf.for %parallel_loop3A_185 = %parallel_loop3A_162 to %parallel_loop3A_163 step %parallel_loop3A_164  : i32 {
        %parallel_loop3A_186 = arith.constant 16 : i32
        %parallel_loop3A_187 = arith.muli %parallel_loop3A_185, %parallel_loop3A_186 : i32
        %parallel_loop3A_188 = arith.constant 256 : i32
        %parallel_loop3A_189 = arith.addi %parallel_loop3A_188, %parallel_loop3A_187 : i32
        %parallel_loop3A_190 = arith.index_cast %scan3A_95 : i32 to index
        %parallel_loop3A_191 = arith.index_cast %parallel_loop3A_189 : i32 to index
        %parallel_loop3A_192 = tpu.vector_load %arg5[%parallel_loop3A_190, %parallel_loop3A_191] {strides = array<i32>} : memref<50x512xi32, #tpu.memory_space<vmem>>, vector<16xi32>,
        %parallel_loop3A_193 = arith.constant 0 : i32
        %parallel_loop3A_194 = vector.broadcast %parallel_loop3A_193 : i32 to vector<16xi32>
        %parallel_loop3A_195 = tpu.vector_load_idx %arg6[%parallel_loop3A_194, %parallel_loop3A_192] : memref<64x1000xf32, #tpu.memory_space<vmem>>[vector<16xi32>, vector<16xi32>], vector<16xf32>,
        %parallel_loop3A_196 = arith.constant 1 : i32
        %parallel_loop3A_197 = vector.broadcast %parallel_loop3A_196 : i32 to vector<16xi32>
        %parallel_loop3A_198 = tpu.vector_load_idx %arg6[%parallel_loop3A_197, %parallel_loop3A_192] : memref<64x1000xf32, #tpu.memory_space<vmem>>[vector<16xi32>, vector<16xi32>], vector<16xf32>,
        %parallel_loop3A_199 = arith.constant 2 : i32
        %parallel_loop3A_200 = vector.broadcast %parallel_loop3A_199 : i32 to vector<16xi32>
        %parallel_loop3A_201 = tpu.vector_load_idx %arg6[%parallel_loop3A_200, %parallel_loop3A_192] : memref<64x1000xf32, #tpu.memory_space<vmem>>[vector<16xi32>, vector<16xi32>], vector<16xf32>,
        %parallel_loop3A_202 = arith.constant 3 : i32
        %parallel_loop3A_203 = vector.broadcast %parallel_loop3A_202 : i32 to vector<16xi32>
        %parallel_loop3A_204 = tpu.vector_load_idx %arg6[%parallel_loop3A_203, %parallel_loop3A_192] : memref<64x1000xf32, #tpu.memory_space<vmem>>[vector<16xi32>, vector<16xi32>], vector<16xf32>,
        %parallel_loop3A_205 = arith.constant 1 : i32
        %parallel_loop3A_206 = arith.constant 0 : i32
        %parallel_loop3A_207 = arith.index_cast %parallel_loop3A_205 : i32 to index
        %parallel_loop3A_208 = arith.index_cast %parallel_loop3A_206 : i32 to index
        %parallel_loop3A_209 = arith.index_cast %parallel_loop3A_187 : i32 to index
        %parallel_loop3A_210 = tpu.vector_load %arg7[%parallel_loop3A_207, %parallel_loop3A_208, %parallel_loop3A_209] {strides = array<i32>} : memref<2x64x256xf32, #tpu.memory_space<vmem>>, vector<16xf32>,
        tpu.vector_store %arg7[%parallel_loop3A_207, %parallel_loop3A_208, %parallel_loop3A_209], %parallel_loop3A_195 {strides = array<i32>} : memref<2x64x256xf32, #tpu.memory_space<vmem>>, vector<16xf32>,
        %parallel_loop3A_211 = arith.constant 1 : i32
        %parallel_loop3A_212 = arith.constant 1 : i32
        %parallel_loop3A_213 = arith.index_cast %parallel_loop3A_211 : i32 to index
        %parallel_loop3A_214 = arith.index_cast %parallel_loop3A_212 : i32 to index
        %parallel_loop3A_215 = arith.index_cast %parallel_loop3A_187 : i32 to index
        %parallel_loop3A_216 = tpu.vector_load %arg7[%parallel_loop3A_213, %parallel_loop3A_214, %parallel_loop3A_215] {strides = array<i32>} : memref<2x64x256xf32, #tpu.memory_space<vmem>>, vector<16xf32>,
        tpu.vector_store %arg7[%parallel_loop3A_213, %parallel_loop3A_214, %parallel_loop3A_215], %parallel_loop3A_198 {strides = array<i32>} : memref<2x64x256xf32, #tpu.memory_space<vmem>>, vector<16xf32>,
        %parallel_loop3A_217 = arith.constant 1 : i32
        %parallel_loop3A_218 = arith.constant 2 : i32
        %parallel_loop3A_219 = arith.index_cast %parallel_loop3A_217 : i32 to index
        %parallel_loop3A_220 = arith.index_cast %parallel_loop3A_218 : i32 to index
        %parallel_loop3A_221 = arith.index_cast %parallel_loop3A_187 : i32 to index
        %parallel_loop3A_222 = tpu.vector_load %arg7[%parallel_loop3A_219, %parallel_loop3A_220, %parallel_loop3A_221] {strides = array<i32>} : memref<2x64x256xf32, #tpu.memory_space<vmem>>, vector<16xf32>,
        tpu.vector_store %arg7[%parallel_loop3A_219, %parallel_loop3A_220, %parallel_loop3A_221], %parallel_loop3A_201 {strides = array<i32>} : memref<2x64x256xf32, #tpu.memory_space<vmem>>, vector<16xf32>,
        %parallel_loop3A_223 = arith.constant 1 : i32
        %parallel_loop3A_224 = arith.constant 3 : i32
        %parallel_loop3A_225 = arith.index_cast %parallel_loop3A_223 : i32 to index
        %parallel_loop3A_226 = arith.index_cast %parallel_loop3A_224 : i32 to index
        %parallel_loop3A_227 = arith.index_cast %parallel_loop3A_187 : i32 to index
        %parallel_loop3A_228 = tpu.vector_load %arg7[%parallel_loop3A_225, %parallel_loop3A_226, %parallel_loop3A_227] {strides = array<i32>} : memref<2x64x256xf32, #tpu.memory_space<vmem>>, vector<16xf32>,
        tpu.vector_store %arg7[%parallel_loop3A_225, %parallel_loop3A_226, %parallel_loop3A_227], %parallel_loop3A_204 {strides = array<i32>} : memref<2x64x256xf32, #tpu.memory_space<vmem>>, vector<16xf32>,
        %parallel_loop3A_229 = arith.constant 4 : i32
        %parallel_loop3A_230 = vector.broadcast %parallel_loop3A_229 : i32 to vector<16xi32>
        %parallel_loop3A_231 = tpu.vector_load_idx %arg6[%parallel_loop3A_230, %parallel_loop3A_192] : memref<64x1000xf32, #tpu.memory_space<vmem>>[vector<16xi32>, vector<16xi32>], vector<16xf32>,
        %parallel_loop3A_232 = arith.constant 5 : i32
        %parallel_loop3A_233 = vector.broadcast %parallel_loop3A_232 : i32 to vector<16xi32>
        %parallel_loop3A_234 = tpu.vector_load_idx %arg6[%parallel_loop3A_233, %parallel_loop3A_192] : memref<64x1000xf32, #tpu.memory_space<vmem>>[vector<16xi32>, vector<16xi32>], vector<16xf32>,
        %parallel_loop3A_235 = arith.constant 6 : i32
        %parallel_loop3A_236 = vector.broadcast %parallel_loop3A_235 : i32 to vector<16xi32>
        %parallel_loop3A_237 = tpu.vector_load_idx %arg6[%parallel_loop3A_236, %parallel_loop3A_192] : memref<64x1000xf32, #tpu.memory_space<vmem>>[vector<16xi32>, vector<16xi32>], vector<16xf32>,
        %parallel_loop3A_238 = arith.constant 7 : i32
        %parallel_loop3A_239 = vector.broadcast %parallel_loop3A_238 : i32 to vector<16xi32>
        %parallel_loop3A_240 = tpu.vector_load_idx %arg6[%parallel_loop3A_239, %parallel_loop3A_192] : memref<64x1000xf32, #tpu.memory_space<vmem>>[vector<16xi32>, vector<16xi32>], vector<16xf32>,
        %parallel_loop3A_241 = arith.constant 1 : i32
        %parallel_loop3A_242 = arith.constant 4 : i32
        %parallel_loop3A_243 = arith.index_cast %parallel_loop3A_241 : i32 to index
        %parallel_loop3A_244 = arith.index_cast %parallel_loop3A_242 : i32 to index
        %parallel_loop3A_245 = arith.index_cast %parallel_loop3A_187 : i32 to index
        %parallel_loop3A_246 = tpu.vector_load %arg7[%parallel_loop3A_243, %parallel_loop3A_244, %parallel_loop3A_245] {strides = array<i32>} : memref<2x64x256xf32, #tpu.memory_space<vmem>>, vector<16xf32>,
        tpu.vector_store %arg7[%parallel_loop3A_243, %parallel_loop3A_244, %parallel_loop3A_245], %parallel_loop3A_231 {strides = array<i32>} : memref<2x64x256xf32, #tpu.memory_space<vmem>>, vector<16xf32>,
        %parallel_loop3A_247 = arith.constant 1 : i32
        %parallel_loop3A_248 = arith.constant 5 : i32
        %parallel_loop3A_249 = arith.index_cast %parallel_loop3A_247 : i32 to index
        %parallel_loop3A_250 = arith.index_cast %parallel_loop3A_248 : i32 to index
        %parallel_loop3A_251 = arith.index_cast %parallel_loop3A_187 : i32 to index
        %parallel_loop3A_252 = tpu.vector_load %arg7[%parallel_loop3A_249, %parallel_loop3A_250, %parallel_loop3A_251] {strides = array<i32>} : memref<2x64x256xf32, #tpu.memory_space<vmem>>, vector<16xf32>,
        tpu.vector_store %arg7[%parallel_loop3A_249, %parallel_loop3A_250, %parallel_loop3A_251], %parallel_loop3A_234 {strides = array<i32>} : memref<2x64x256xf32, #tpu.memory_space<vmem>>, vector<16xf32>,
        %parallel_loop3A_253 = arith.constant 1 : i32
        %parallel_loop3A_254 = arith.constant 6 : i32
        %parallel_loop3A_255 = arith.index_cast %parallel_loop3A_253 : i32 to index
        %parallel_loop3A_256 = arith.index_cast %parallel_loop3A_254 : i32 to index
        %parallel_loop3A_257 = arith.index_cast %parallel_loop3A_187 : i32 to index
        %parallel_loop3A_258 = tpu.vector_load %arg7[%parallel_loop3A_255, %parallel_loop3A_256, %parallel_loop3A_257] {strides = array<i32>} : memref<2x64x256xf32, #tpu.memory_space<vmem>>, vector<16xf32>,
        tpu.vector_store %arg7[%parallel_loop3A_255, %parallel_loop3A_256, %parallel_loop3A_257], %parallel_loop3A_237 {strides = array<i32>} : memref<2x64x256xf32, #tpu.memory_space<vmem>>, vector<16xf32>,
        %parallel_loop3A_259 = arith.constant 1 : i32
        %parallel_loop3A_260 = arith.constant 7 : i32
        %parallel_loop3A_261 = arith.index_cast %parallel_loop3A_259 : i32 to index
        %parallel_loop3A_262 = arith.index_cast %parallel_loop3A_260 : i32 to index
        %parallel_loop3A_263 = arith.index_cast %parallel_loop3A_187 : i32 to index
        %parallel_loop3A_264 = tpu.vector_load %arg7[%parallel_loop3A_261, %parallel_loop3A_262, %parallel_loop3A_263] {strides = array<i32>} : memref<2x64x256xf32, #tpu.memory_space<vmem>>, vector<16xf32>,
        tpu.vector_store %arg7[%parallel_loop3A_261, %parallel_loop3A_262, %parallel_loop3A_263], %parallel_loop3A_240 {strides = array<i32>} : memref<2x64x256xf32, #tpu.memory_space<vmem>>, vector<16xf32>,
        %parallel_loop3A_265 = arith.constant 8 : i32
        %parallel_loop3A_266 = vector.broadcast %parallel_loop3A_265 : i32 to vector<16xi32>
        %parallel_loop3A_267 = tpu.vector_load_idx %arg6[%parallel_loop3A_266, %parallel_loop3A_192] : memref<64x1000xf32, #tpu.memory_space<vmem>>[vector<16xi32>, vector<16xi32>], vector<16xf32>,
        %parallel_loop3A_268 = arith.constant 9 : i32
        %parallel_loop3A_269 = vector.broadcast %parallel_loop3A_268 : i32 to vector<16xi32>
        %parallel_loop3A_270 = tpu.vector_load_idx %arg6[%parallel_loop3A_269, %parallel_loop3A_192] : memref<64x1000xf32, #tpu.memory_space<vmem>>[vector<16xi32>, vector<16xi32>], vector<16xf32>,
        %parallel_loop3A_271 = arith.constant 10 : i32
        %parallel_loop3A_272 = vector.broadcast %parallel_loop3A_271 : i32 to vector<16xi32>
        %parallel_loop3A_273 = tpu.vector_load_idx %arg6[%parallel_loop3A_272, %parallel_loop3A_192] : memref<64x1000xf32, #tpu.memory_space<vmem>>[vector<16xi32>, vector<16xi32>], vector<16xf32>,
        %parallel_loop3A_274 = arith.constant 11 : i32
        %parallel_loop3A_275 = vector.broadcast %parallel_loop3A_274 : i32 to vector<16xi32>
        %parallel_loop3A_276 = tpu.vector_load_idx %arg6[%parallel_loop3A_275, %parallel_loop3A_192] : memref<64x1000xf32, #tpu.memory_space<vmem>>[vector<16xi32>, vector<16xi32>], vector<16xf32>,
        %parallel_loop3A_277 = arith.constant 1 : i32
        %parallel_loop3A_278 = arith.constant 8 : i32
        %parallel_loop3A_279 = arith.index_cast %parallel_loop3A_277 : i32 to index
        %parallel_loop3A_280 = arith.index_cast %parallel_loop3A_278 : i32 to index
        %parallel_loop3A_281 = arith.index_cast %parallel_loop3A_187 : i32 to index
        %parallel_loop3A_282 = tpu.vector_load %arg7[%parallel_loop3A_279, %parallel_loop3A_280, %parallel_loop3A_281] {strides = array<i32>} : memref<2x64x256xf32, #tpu.memory_space<vmem>>, vector<16xf32>,
        tpu.vector_store %arg7[%parallel_loop3A_279, %parallel_loop3A_280, %parallel_loop3A_281], %parallel_loop3A_267 {strides = array<i32>} : memref<2x64x256xf32, #tpu.memory_space<vmem>>, vector<16xf32>,
        %parallel_loop3A_283 = arith.constant 1 : i32
        %parallel_loop3A_284 = arith.constant 9 : i32
        %parallel_loop3A_285 = arith.index_cast %parallel_loop3A_283 : i32 to index
        %parallel_loop3A_286 = arith.index_cast %parallel_loop3A_284 : i32 to index
        %parallel_loop3A_287 = arith.index_cast %parallel_loop3A_187 : i32 to index
        %parallel_loop3A_288 = tpu.vector_load %arg7[%parallel_loop3A_285, %parallel_loop3A_286, %parallel_loop3A_287] {strides = array<i32>} : memref<2x64x256xf32, #tpu.memory_space<vmem>>, vector<16xf32>,
        tpu.vector_store %arg7[%parallel_loop3A_285, %parallel_loop3A_286, %parallel_loop3A_287], %parallel_loop3A_270 {strides = array<i32>} : memref<2x64x256xf32, #tpu.memory_space<vmem>>, vector<16xf32>,
        %parallel_loop3A_289 = arith.constant 1 : i32
        %parallel_loop3A_290 = arith.constant 10 : i32
        %parallel_loop3A_291 = arith.index_cast %parallel_loop3A_289 : i32 to index
        %parallel_loop3A_292 = arith.index_cast %parallel_loop3A_290 : i32 to index
        %parallel_loop3A_293 = arith.index_cast %parallel_loop3A_187 : i32 to index
        %parallel_loop3A_294 = tpu.vector_load %arg7[%parallel_loop3A_291, %parallel_loop3A_292, %parallel_loop3A_293] {strides = array<i32>} : memref<2x64x256xf32, #tpu.memory_space<vmem>>, vector<16xf32>,
        tpu.vector_store %arg7[%parallel_loop3A_291, %parallel_loop3A_292, %parallel_loop3A_293], %parallel_loop3A_273 {strides = array<i32>} : memref<2x64x256xf32, #tpu.memory_space<vmem>>, vector<16xf32>,
        %parallel_loop3A_295 = arith.constant 1 : i32
        %parallel_loop3A_296 = arith.constant 11 : i32
        %parallel_loop3A_297 = arith.index_cast %parallel_loop3A_295 : i32 to index
        %parallel_loop3A_298 = arith.index_cast %parallel_loop3A_296 : i32 to index
        %parallel_loop3A_299 = arith.index_cast %parallel_loop3A_187 : i32 to index
        %parallel_loop3A_300 = tpu.vector_load %arg7[%parallel_loop3A_297, %parallel_loop3A_298, %parallel_loop3A_299] {strides = array<i32>} : memref<2x64x256xf32, #tpu.memory_space<vmem>>, vector<16xf32>,
        tpu.vector_store %arg7[%parallel_loop3A_297, %parallel_loop3A_298, %parallel_loop3A_299], %parallel_loop3A_276 {strides = array<i32>} : memref<2x64x256xf32, #tpu.memory_space<vmem>>, vector<16xf32>,
        %parallel_loop3A_301 = arith.constant 12 : i32
        %parallel_loop3A_302 = vector.broadcast %parallel_loop3A_301 : i32 to vector<16xi32>
        %parallel_loop3A_303 = tpu.vector_load_idx %arg6[%parallel_loop3A_302, %parallel_loop3A_192] : memref<64x1000xf32, #tpu.memory_space<vmem>>[vector<16xi32>, vector<16xi32>], vector<16xf32>,
        %parallel_loop3A_304 = arith.constant 13 : i32
        %parallel_loop3A_305 = vector.broadcast %parallel_loop3A_304 : i32 to vector<16xi32>
        %parallel_loop3A_306 = tpu.vector_load_idx %arg6[%parallel_loop3A_305, %parallel_loop3A_192] : memref<64x1000xf32, #tpu.memory_space<vmem>>[vector<16xi32>, vector<16xi32>], vector<16xf32>,
        %parallel_loop3A_307 = arith.constant 14 : i32
        %parallel_loop3A_308 = vector.broadcast %parallel_loop3A_307 : i32 to vector<16xi32>
        %parallel_loop3A_309 = tpu.vector_load_idx %arg6[%parallel_loop3A_308, %parallel_loop3A_192] : memref<64x1000xf32, #tpu.memory_space<vmem>>[vector<16xi32>, vector<16xi32>], vector<16xf32>,
        %parallel_loop3A_310 = arith.constant 15 : i32
        %parallel_loop3A_311 = vector.broadcast %parallel_loop3A_310 : i32 to vector<16xi32>
        %parallel_loop3A_312 = tpu.vector_load_idx %arg6[%parallel_loop3A_311, %parallel_loop3A_192] : memref<64x1000xf32, #tpu.memory_space<vmem>>[vector<16xi32>, vector<16xi32>], vector<16xf32>,
        %parallel_loop3A_313 = arith.constant 1 : i32
        %parallel_loop3A_314 = arith.constant 12 : i32
        %parallel_loop3A_315 = arith.index_cast %parallel_loop3A_313 : i32 to index
        %parallel_loop3A_316 = arith.index_cast %parallel_loop3A_314 : i32 to index
        %parallel_loop3A_317 = arith.index_cast %parallel_loop3A_187 : i32 to index
        %parallel_loop3A_318 = tpu.vector_load %arg7[%parallel_loop3A_315, %parallel_loop3A_316, %parallel_loop3A_317] {strides = array<i32>} : memref<2x64x256xf32, #tpu.memory_space<vmem>>, vector<16xf32>,
        tpu.vector_store %arg7[%parallel_loop3A_315, %parallel_loop3A_316, %parallel_loop3A_317], %parallel_loop3A_303 {strides = array<i32>} : memref<2x64x256xf32, #tpu.memory_space<vmem>>, vector<16xf32>,
        %parallel_loop3A_319 = arith.constant 1 : i32
        %parallel_loop3A_320 = arith.constant 13 : i32
        %parallel_loop3A_321 = arith.index_cast %parallel_loop3A_319 : i32 to index
        %parallel_loop3A_322 = arith.index_cast %parallel_loop3A_320 : i32 to index
        %parallel_loop3A_323 = arith.index_cast %parallel_loop3A_187 : i32 to index
        %parallel_loop3A_324 = tpu.vector_load %arg7[%parallel_loop3A_321, %parallel_loop3A_322, %parallel_loop3A_323] {strides = array<i32>} : memref<2x64x256xf32, #tpu.memory_space<vmem>>, vector<16xf32>,
        tpu.vector_store %arg7[%parallel_loop3A_321, %parallel_loop3A_322, %parallel_loop3A_323], %parallel_loop3A_306 {strides = array<i32>} : memref<2x64x256xf32, #tpu.memory_space<vmem>>, vector<16xf32>,
        %parallel_loop3A_325 = arith.constant 1 : i32
        %parallel_loop3A_326 = arith.constant 14 : i32
        %parallel_loop3A_327 = arith.index_cast %parallel_loop3A_325 : i32 to index
        %parallel_loop3A_328 = arith.index_cast %parallel_loop3A_326 : i32 to index
        %parallel_loop3A_329 = arith.index_cast %parallel_loop3A_187 : i32 to index
        %parallel_loop3A_330 = tpu.vector_load %arg7[%parallel_loop3A_327, %parallel_loop3A_328, %parallel_loop3A_329] {strides = array<i32>} : memref<2x64x256xf32, #tpu.memory_space<vmem>>, vector<16xf32>,
        tpu.vector_store %arg7[%parallel_loop3A_327, %parallel_loop3A_328, %parallel_loop3A_329], %parallel_loop3A_309 {strides = array<i32>} : memref<2x64x256xf32, #tpu.memory_space<vmem>>, vector<16xf32>,
        %parallel_loop3A_331 = arith.constant 1 : i32
        %parallel_loop3A_332 = arith.constant 15 : i32
        %parallel_loop3A_333 = arith.index_cast %parallel_loop3A_331 : i32 to index
        %parallel_loop3A_334 = arith.index_cast %parallel_loop3A_332 : i32 to index
        %parallel_loop3A_335 = arith.index_cast %parallel_loop3A_187 : i32 to index
        %parallel_loop3A_336 = tpu.vector_load %arg7[%parallel_loop3A_333, %parallel_loop3A_334, %parallel_loop3A_335] {strides = array<i32>} : memref<2x64x256xf32, #tpu.memory_space<vmem>>, vector<16xf32>,
        tpu.vector_store %arg7[%parallel_loop3A_333, %parallel_loop3A_334, %parallel_loop3A_335], %parallel_loop3A_312 {strides = array<i32>} : memref<2x64x256xf32, #tpu.memory_space<vmem>>, vector<16xf32>,
        %parallel_loop3A_337 = arith.constant 16 : i32
        %parallel_loop3A_338 = vector.broadcast %parallel_loop3A_337 : i32 to vector<16xi32>
        %parallel_loop3A_339 = tpu.vector_load_idx %arg6[%parallel_loop3A_338, %parallel_loop3A_192] : memref<64x1000xf32, #tpu.memory_space<vmem>>[vector<16xi32>, vector<16xi32>], vector<16xf32>,
        %parallel_loop3A_340 = arith.constant 17 : i32
        %parallel_loop3A_341 = vector.broadcast %parallel_loop3A_340 : i32 to vector<16xi32>
        %parallel_loop3A_342 = tpu.vector_load_idx %arg6[%parallel_loop3A_341, %parallel_loop3A_192] : memref<64x1000xf32, #tpu.memory_space<vmem>>[vector<16xi32>, vector<16xi32>], vector<16xf32>,
        %parallel_loop3A_343 = arith.constant 18 : i32
        %parallel_loop3A_344 = vector.broadcast %parallel_loop3A_343 : i32 to vector<16xi32>
        %parallel_loop3A_345 = tpu.vector_load_idx %arg6[%parallel_loop3A_344, %parallel_loop3A_192] : memref<64x1000xf32, #tpu.memory_space<vmem>>[vector<16xi32>, vector<16xi32>], vector<16xf32>,
        %parallel_loop3A_346 = arith.constant 19 : i32
        %parallel_loop3A_347 = vector.broadcast %parallel_loop3A_346 : i32 to vector<16xi32>
        %parallel_loop3A_348 = tpu.vector_load_idx %arg6[%parallel_loop3A_347, %parallel_loop3A_192] : memref<64x1000xf32, #tpu.memory_space<vmem>>[vector<16xi32>, vector<16xi32>], vector<16xf32>,
        %parallel_loop3A_349 = arith.constant 1 : i32
        %parallel_loop3A_350 = arith.constant 16 : i32
        %parallel_loop3A_351 = arith.index_cast %parallel_loop3A_349 : i32 to index
        %parallel_loop3A_352 = arith.index_cast %parallel_loop3A_350 : i32 to index
        %parallel_loop3A_353 = arith.index_cast %parallel_loop3A_187 : i32 to index
        %parallel_loop3A_354 = tpu.vector_load %arg7[%parallel_loop3A_351, %parallel_loop3A_352, %parallel_loop3A_353] {strides = array<i32>} : memref<2x64x256xf32, #tpu.memory_space<vmem>>, vector<16xf32>,
        tpu.vector_store %arg7[%parallel_loop3A_351, %parallel_loop3A_352, %parallel_loop3A_353], %parallel_loop3A_339 {strides = array<i32>} : memref<2x64x256xf32, #tpu.memory_space<vmem>>, vector<16xf32>,
        %parallel_loop3A_355 = arith.constant 1 : i32
        %parallel_loop3A_356 = arith.constant 17 : i32
        %parallel_loop3A_357 = arith.index_cast %parallel_loop3A_355 : i32 to index
        %parallel_loop3A_358 = arith.index_cast %parallel_loop3A_356 : i32 to index
        %parallel_loop3A_359 = arith.index_cast %parallel_loop3A_187 : i32 to index
        %parallel_loop3A_360 = tpu.vector_load %arg7[%parallel_loop3A_357, %parallel_loop3A_358, %parallel_loop3A_359] {strides = array<i32>} : memref<2x64x256xf32, #tpu.memory_space<vmem>>, vector<16xf32>,
        tpu.vector_store %arg7[%parallel_loop3A_357, %parallel_loop3A_358, %parallel_loop3A_359], %parallel_loop3A_342 {strides = array<i32>} : memref<2x64x256xf32, #tpu.memory_space<vmem>>, vector<16xf32>,
        %parallel_loop3A_361 = arith.constant 1 : i32
        %parallel_loop3A_362 = arith.constant 18 : i32
        %parallel_loop3A_363 = arith.index_cast %parallel_loop3A_361 : i32 to index
        %parallel_loop3A_364 = arith.index_cast %parallel_loop3A_362 : i32 to index
        %parallel_loop3A_365 = arith.index_cast %parallel_loop3A_187 : i32 to index
        %parallel_loop3A_366 = tpu.vector_load %arg7[%parallel_loop3A_363, %parallel_loop3A_364, %parallel_loop3A_365] {strides = array<i32>} : memref<2x64x256xf32, #tpu.memory_space<vmem>>, vector<16xf32>,
        tpu.vector_store %arg7[%parallel_loop3A_363, %parallel_loop3A_364, %parallel_loop3A_365], %parallel_loop3A_345 {strides = array<i32>} : memref<2x64x256xf32, #tpu.memory_space<vmem>>, vector<16xf32>,
        %parallel_loop3A_367 = arith.constant 1 : i32
        %parallel_loop3A_368 = arith.constant 19 : i32
        %parallel_loop3A_369 = arith.index_cast %parallel_loop3A_367 : i32 to index
        %parallel_loop3A_370 = arith.index_cast %parallel_loop3A_368 : i32 to index
        %parallel_loop3A_371 = arith.index_cast %parallel_loop3A_187 : i32 to index
        %parallel_loop3A_372 = tpu.vector_load %arg7[%parallel_loop3A_369, %parallel_loop3A_370, %parallel_loop3A_371] {strides = array<i32>} : memref<2x64x256xf32, #tpu.memory_space<vmem>>, vector<16xf32>,
        tpu.vector_store %arg7[%parallel_loop3A_369, %parallel_loop3A_370, %parallel_loop3A_371], %parallel_loop3A_348 {strides = array<i32>} : memref<2x64x256xf32, #tpu.memory_space<vmem>>, vector<16xf32>,
        %parallel_loop3A_373 = arith.constant 20 : i32
        %parallel_loop3A_374 = vector.broadcast %parallel_loop3A_373 : i32 to vector<16xi32>
        %parallel_loop3A_375 = tpu.vector_load_idx %arg6[%parallel_loop3A_374, %parallel_loop3A_192] : memref<64x1000xf32, #tpu.memory_space<vmem>>[vector<16xi32>, vector<16xi32>], vector<16xf32>,
        %parallel_loop3A_376 = arith.constant 21 : i32
        %parallel_loop3A_377 = vector.broadcast %parallel_loop3A_376 : i32 to vector<16xi32>
        %parallel_loop3A_378 = tpu.vector_load_idx %arg6[%parallel_loop3A_377, %parallel_loop3A_192] : memref<64x1000xf32, #tpu.memory_space<vmem>>[vector<16xi32>, vector<16xi32>], vector<16xf32>,
        %parallel_loop3A_379 = arith.constant 22 : i32
        %parallel_loop3A_380 = vector.broadcast %parallel_loop3A_379 : i32 to vector<16xi32>
        %parallel_loop3A_381 = tpu.vector_load_idx %arg6[%parallel_loop3A_380, %parallel_loop3A_192] : memref<64x1000xf32, #tpu.memory_space<vmem>>[vector<16xi32>, vector<16xi32>], vector<16xf32>,
        %parallel_loop3A_382 = arith.constant 23 : i32
        %parallel_loop3A_383 = vector.broadcast %parallel_loop3A_382 : i32 to vector<16xi32>
        %parallel_loop3A_384 = tpu.vector_load_idx %arg6[%parallel_loop3A_383, %parallel_loop3A_192] : memref<64x1000xf32, #tpu.memory_space<vmem>>[vector<16xi32>, vector<16xi32>], vector<16xf32>,
        %parallel_loop3A_385 = arith.constant 1 : i32
        %parallel_loop3A_386 = arith.constant 20 : i32
        %parallel_loop3A_387 = arith.index_cast %parallel_loop3A_385 : i32 to index
        %parallel_loop3A_388 = arith.index_cast %parallel_loop3A_386 : i32 to index
        %parallel_loop3A_389 = arith.index_cast %parallel_loop3A_187 : i32 to index
        %parallel_loop3A_390 = tpu.vector_load %arg7[%parallel_loop3A_387, %parallel_loop3A_388, %parallel_loop3A_389] {strides = array<i32>} : memref<2x64x256xf32, #tpu.memory_space<vmem>>, vector<16xf32>,
        tpu.vector_store %arg7[%parallel_loop3A_387, %parallel_loop3A_388, %parallel_loop3A_389], %parallel_loop3A_375 {strides = array<i32>} : memref<2x64x256xf32, #tpu.memory_space<vmem>>, vector<16xf32>,
        %parallel_loop3A_391 = arith.constant 1 : i32
        %parallel_loop3A_392 = arith.constant 21 : i32
        %parallel_loop3A_393 = arith.index_cast %parallel_loop3A_391 : i32 to index
        %parallel_loop3A_394 = arith.index_cast %parallel_loop3A_392 : i32 to index
        %parallel_loop3A_395 = arith.index_cast %parallel_loop3A_187 : i32 to index
        %parallel_loop3A_396 = tpu.vector_load %arg7[%parallel_loop3A_393, %parallel_loop3A_394, %parallel_loop3A_395] {strides = array<i32>} : memref<2x64x256xf32, #tpu.memory_space<vmem>>, vector<16xf32>,
        tpu.vector_store %arg7[%parallel_loop3A_393, %parallel_loop3A_394, %parallel_loop3A_395], %parallel_loop3A_378 {strides = array<i32>} : memref<2x64x256xf32, #tpu.memory_space<vmem>>, vector<16xf32>,
        %parallel_loop3A_397 = arith.constant 1 : i32
        %parallel_loop3A_398 = arith.constant 22 : i32
        %parallel_loop3A_399 = arith.index_cast %parallel_loop3A_397 : i32 to index
        %parallel_loop3A_400 = arith.index_cast %parallel_loop3A_398 : i32 to index
        %parallel_loop3A_401 = arith.index_cast %parallel_loop3A_187 : i32 to index
        %parallel_loop3A_402 = tpu.vector_load %arg7[%parallel_loop3A_399, %parallel_loop3A_400, %parallel_loop3A_401] {strides = array<i32>} : memref<2x64x256xf32, #tpu.memory_space<vmem>>, vector<16xf32>,
        tpu.vector_store %arg7[%parallel_loop3A_399, %parallel_loop3A_400, %parallel_loop3A_401], %parallel_loop3A_381 {strides = array<i32>} : memref<2x64x256xf32, #tpu.memory_space<vmem>>, vector<16xf32>,
        %parallel_loop3A_403 = arith.constant 1 : i32
        %parallel_loop3A_404 = arith.constant 23 : i32
        %parallel_loop3A_405 = arith.index_cast %parallel_loop3A_403 : i32 to index
        %parallel_loop3A_406 = arith.index_cast %parallel_loop3A_404 : i32 to index
        %parallel_loop3A_407 = arith.index_cast %parallel_loop3A_187 : i32 to index
        %parallel_loop3A_408 = tpu.vector_load %arg7[%parallel_loop3A_405, %parallel_loop3A_406, %parallel_loop3A_407] {strides = array<i32>} : memref<2x64x256xf32, #tpu.memory_space<vmem>>, vector<16xf32>,
        tpu.vector_store %arg7[%parallel_loop3A_405, %parallel_loop3A_406, %parallel_loop3A_407], %parallel_loop3A_384 {strides = array<i32>} : memref<2x64x256xf32, #tpu.memory_space<vmem>>, vector<16xf32>,
        %parallel_loop3A_409 = arith.constant 24 : i32
        %parallel_loop3A_410 = vector.broadcast %parallel_loop3A_409 : i32 to vector<16xi32>
        %parallel_loop3A_411 = tpu.vector_load_idx %arg6[%parallel_loop3A_410, %parallel_loop3A_192] : memref<64x1000xf32, #tpu.memory_space<vmem>>[vector<16xi32>, vector<16xi32>], vector<16xf32>,
        %parallel_loop3A_412 = arith.constant 25 : i32
        %parallel_loop3A_413 = vector.broadcast %parallel_loop3A_412 : i32 to vector<16xi32>
        %parallel_loop3A_414 = tpu.vector_load_idx %arg6[%parallel_loop3A_413, %parallel_loop3A_192] : memref<64x1000xf32, #tpu.memory_space<vmem>>[vector<16xi32>, vector<16xi32>], vector<16xf32>,
        %parallel_loop3A_415 = arith.constant 26 : i32
        %parallel_loop3A_416 = vector.broadcast %parallel_loop3A_415 : i32 to vector<16xi32>
        %parallel_loop3A_417 = tpu.vector_load_idx %arg6[%parallel_loop3A_416, %parallel_loop3A_192] : memref<64x1000xf32, #tpu.memory_space<vmem>>[vector<16xi32>, vector<16xi32>], vector<16xf32>,
        %parallel_loop3A_418 = arith.constant 27 : i32
        %parallel_loop3A_419 = vector.broadcast %parallel_loop3A_418 : i32 to vector<16xi32>
        %parallel_loop3A_420 = tpu.vector_load_idx %arg6[%parallel_loop3A_419, %parallel_loop3A_192] : memref<64x1000xf32, #tpu.memory_space<vmem>>[vector<16xi32>, vector<16xi32>], vector<16xf32>,
        %parallel_loop3A_421 = arith.constant 1 : i32
        %parallel_loop3A_422 = arith.constant 24 : i32
        %parallel_loop3A_423 = arith.index_cast %parallel_loop3A_421 : i32 to index
        %parallel_loop3A_424 = arith.index_cast %parallel_loop3A_422 : i32 to index
        %parallel_loop3A_425 = arith.index_cast %parallel_loop3A_187 : i32 to index
        %parallel_loop3A_426 = tpu.vector_load %arg7[%parallel_loop3A_423, %parallel_loop3A_424, %parallel_loop3A_425] {strides = array<i32>} : memref<2x64x256xf32, #tpu.memory_space<vmem>>, vector<16xf32>,
        tpu.vector_store %arg7[%parallel_loop3A_423, %parallel_loop3A_424, %parallel_loop3A_425], %parallel_loop3A_411 {strides = array<i32>} : memref<2x64x256xf32, #tpu.memory_space<vmem>>, vector<16xf32>,
        %parallel_loop3A_427 = arith.constant 1 : i32
        %parallel_loop3A_428 = arith.constant 25 : i32
        %parallel_loop3A_429 = arith.index_cast %parallel_loop3A_427 : i32 to index
        %parallel_loop3A_430 = arith.index_cast %parallel_loop3A_428 : i32 to index
        %parallel_loop3A_431 = arith.index_cast %parallel_loop3A_187 : i32 to index
        %parallel_loop3A_432 = tpu.vector_load %arg7[%parallel_loop3A_429, %parallel_loop3A_430, %parallel_loop3A_431] {strides = array<i32>} : memref<2x64x256xf32, #tpu.memory_space<vmem>>, vector<16xf32>,
        tpu.vector_store %arg7[%parallel_loop3A_429, %parallel_loop3A_430, %parallel_loop3A_431], %parallel_loop3A_414 {strides = array<i32>} : memref<2x64x256xf32, #tpu.memory_space<vmem>>, vector<16xf32>,
        %parallel_loop3A_433 = arith.constant 1 : i32
        %parallel_loop3A_434 = arith.constant 26 : i32
        %parallel_loop3A_435 = arith.index_cast %parallel_loop3A_433 : i32 to index
        %parallel_loop3A_436 = arith.index_cast %parallel_loop3A_434 : i32 to index
        %parallel_loop3A_437 = arith.index_cast %parallel_loop3A_187 : i32 to index
        %parallel_loop3A_438 = tpu.vector_load %arg7[%parallel_loop3A_435, %parallel_loop3A_436, %parallel_loop3A_437] {strides = array<i32>} : memref<2x64x256xf32, #tpu.memory_space<vmem>>, vector<16xf32>,
        tpu.vector_store %arg7[%parallel_loop3A_435, %parallel_loop3A_436, %parallel_loop3A_437], %parallel_loop3A_417 {strides = array<i32>} : memref<2x64x256xf32, #tpu.memory_space<vmem>>, vector<16xf32>,
        %parallel_loop3A_439 = arith.constant 1 : i32
        %parallel_loop3A_440 = arith.constant 27 : i32
        %parallel_loop3A_441 = arith.index_cast %parallel_loop3A_439 : i32 to index
        %parallel_loop3A_442 = arith.index_cast %parallel_loop3A_440 : i32 to index
        %parallel_loop3A_443 = arith.index_cast %parallel_loop3A_187 : i32 to index
        %parallel_loop3A_444 = tpu.vector_load %arg7[%parallel_loop3A_441, %parallel_loop3A_442, %parallel_loop3A_443] {strides = array<i32>} : memref<2x64x256xf32, #tpu.memory_space<vmem>>, vector<16xf32>,
        tpu.vector_store %arg7[%parallel_loop3A_441, %parallel_loop3A_442, %parallel_loop3A_443], %parallel_loop3A_420 {strides = array<i32>} : memref<2x64x256xf32, #tpu.memory_space<vmem>>, vector<16xf32>,
        %parallel_loop3A_445 = arith.constant 28 : i32
        %parallel_loop3A_446 = vector.broadcast %parallel_loop3A_445 : i32 to vector<16xi32>
        %parallel_loop3A_447 = tpu.vector_load_idx %arg6[%parallel_loop3A_446, %parallel_loop3A_192] : memref<64x1000xf32, #tpu.memory_space<vmem>>[vector<16xi32>, vector<16xi32>], vector<16xf32>,
        %parallel_loop3A_448 = arith.constant 29 : i32
        %parallel_loop3A_449 = vector.broadcast %parallel_loop3A_448 : i32 to vector<16xi32>
        %parallel_loop3A_450 = tpu.vector_load_idx %arg6[%parallel_loop3A_449, %parallel_loop3A_192] : memref<64x1000xf32, #tpu.memory_space<vmem>>[vector<16xi32>, vector<16xi32>], vector<16xf32>,
        %parallel_loop3A_451 = arith.constant 30 : i32
        %parallel_loop3A_452 = vector.broadcast %parallel_loop3A_451 : i32 to vector<16xi32>
        %parallel_loop3A_453 = tpu.vector_load_idx %arg6[%parallel_loop3A_452, %parallel_loop3A_192] : memref<64x1000xf32, #tpu.memory_space<vmem>>[vector<16xi32>, vector<16xi32>], vector<16xf32>,
        %parallel_loop3A_454 = arith.constant 31 : i32
        %parallel_loop3A_455 = vector.broadcast %parallel_loop3A_454 : i32 to vector<16xi32>
        %parallel_loop3A_456 = tpu.vector_load_idx %arg6[%parallel_loop3A_455, %parallel_loop3A_192] : memref<64x1000xf32, #tpu.memory_space<vmem>>[vector<16xi32>, vector<16xi32>], vector<16xf32>,
        %parallel_loop3A_457 = arith.constant 1 : i32
        %parallel_loop3A_458 = arith.constant 28 : i32
        %parallel_loop3A_459 = arith.index_cast %parallel_loop3A_457 : i32 to index
        %parallel_loop3A_460 = arith.index_cast %parallel_loop3A_458 : i32 to index
        %parallel_loop3A_461 = arith.index_cast %parallel_loop3A_187 : i32 to index
        %parallel_loop3A_462 = tpu.vector_load %arg7[%parallel_loop3A_459, %parallel_loop3A_460, %parallel_loop3A_461] {strides = array<i32>} : memref<2x64x256xf32, #tpu.memory_space<vmem>>, vector<16xf32>,
        tpu.vector_store %arg7[%parallel_loop3A_459, %parallel_loop3A_460, %parallel_loop3A_461], %parallel_loop3A_447 {strides = array<i32>} : memref<2x64x256xf32, #tpu.memory_space<vmem>>, vector<16xf32>,
        %parallel_loop3A_463 = arith.constant 1 : i32
        %parallel_loop3A_464 = arith.constant 29 : i32
        %parallel_loop3A_465 = arith.index_cast %parallel_loop3A_463 : i32 to index
        %parallel_loop3A_466 = arith.index_cast %parallel_loop3A_464 : i32 to index
        %parallel_loop3A_467 = arith.index_cast %parallel_loop3A_187 : i32 to index
        %parallel_loop3A_468 = tpu.vector_load %arg7[%parallel_loop3A_465, %parallel_loop3A_466, %parallel_loop3A_467] {strides = array<i32>} : memref<2x64x256xf32, #tpu.memory_space<vmem>>, vector<16xf32>,
        tpu.vector_store %arg7[%parallel_loop3A_465, %parallel_loop3A_466, %parallel_loop3A_467], %parallel_loop3A_450 {strides = array<i32>} : memref<2x64x256xf32, #tpu.memory_space<vmem>>, vector<16xf32>,
        %parallel_loop3A_469 = arith.constant 1 : i32
        %parallel_loop3A_470 = arith.constant 30 : i32
        %parallel_loop3A_471 = arith.index_cast %parallel_loop3A_469 : i32 to index
        %parallel_loop3A_472 = arith.index_cast %parallel_loop3A_470 : i32 to index
        %parallel_loop3A_473 = arith.index_cast %parallel_loop3A_187 : i32 to index
        %parallel_loop3A_474 = tpu.vector_load %arg7[%parallel_loop3A_471, %parallel_loop3A_472, %parallel_loop3A_473] {strides = array<i32>} : memref<2x64x256xf32, #tpu.memory_space<vmem>>, vector<16xf32>,
        tpu.vector_store %arg7[%parallel_loop3A_471, %parallel_loop3A_472, %parallel_loop3A_473], %parallel_loop3A_453 {strides = array<i32>} : memref<2x64x256xf32, #tpu.memory_space<vmem>>, vector<16xf32>,
        %parallel_loop3A_475 = arith.constant 1 : i32
        %parallel_loop3A_476 = arith.constant 31 : i32
        %parallel_loop3A_477 = arith.index_cast %parallel_loop3A_475 : i32 to index
        %parallel_loop3A_478 = arith.index_cast %parallel_loop3A_476 : i32 to index
        %parallel_loop3A_479 = arith.index_cast %parallel_loop3A_187 : i32 to index
        %parallel_loop3A_480 = tpu.vector_load %arg7[%parallel_loop3A_477, %parallel_loop3A_478, %parallel_loop3A_479] {strides = array<i32>} : memref<2x64x256xf32, #tpu.memory_space<vmem>>, vector<16xf32>,
        tpu.vector_store %arg7[%parallel_loop3A_477, %parallel_loop3A_478, %parallel_loop3A_479], %parallel_loop3A_456 {strides = array<i32>} : memref<2x64x256xf32, #tpu.memory_space<vmem>>, vector<16xf32>,
        %parallel_loop3A_481 = arith.constant 32 : i32
        %parallel_loop3A_482 = vector.broadcast %parallel_loop3A_481 : i32 to vector<16xi32>
        %parallel_loop3A_483 = tpu.vector_load_idx %arg6[%parallel_loop3A_482, %parallel_loop3A_192] : memref<64x1000xf32, #tpu.memory_space<vmem>>[vector<16xi32>, vector<16xi32>], vector<16xf32>,
        %parallel_loop3A_484 = arith.constant 33 : i32
        %parallel_loop3A_485 = vector.broadcast %parallel_loop3A_484 : i32 to vector<16xi32>
        %parallel_loop3A_486 = tpu.vector_load_idx %arg6[%parallel_loop3A_485, %parallel_loop3A_192] : memref<64x1000xf32, #tpu.memory_space<vmem>>[vector<16xi32>, vector<16xi32>], vector<16xf32>,
        %parallel_loop3A_487 = arith.constant 34 : i32
        %parallel_loop3A_488 = vector.broadcast %parallel_loop3A_487 : i32 to vector<16xi32>
        %parallel_loop3A_489 = tpu.vector_load_idx %arg6[%parallel_loop3A_488, %parallel_loop3A_192] : memref<64x1000xf32, #tpu.memory_space<vmem>>[vector<16xi32>, vector<16xi32>], vector<16xf32>,
        %parallel_loop3A_490 = arith.constant 35 : i32
        %parallel_loop3A_491 = vector.broadcast %parallel_loop3A_490 : i32 to vector<16xi32>
        %parallel_loop3A_492 = tpu.vector_load_idx %arg6[%parallel_loop3A_491, %parallel_loop3A_192] : memref<64x1000xf32, #tpu.memory_space<vmem>>[vector<16xi32>, vector<16xi32>], vector<16xf32>,
        %parallel_loop3A_493 = arith.constant 1 : i32
        %parallel_loop3A_494 = arith.constant 32 : i32
        %parallel_loop3A_495 = arith.index_cast %parallel_loop3A_493 : i32 to index
        %parallel_loop3A_496 = arith.index_cast %parallel_loop3A_494 : i32 to index
        %parallel_loop3A_497 = arith.index_cast %parallel_loop3A_187 : i32 to index
        %parallel_loop3A_498 = tpu.vector_load %arg7[%parallel_loop3A_495, %parallel_loop3A_496, %parallel_loop3A_497] {strides = array<i32>} : memref<2x64x256xf32, #tpu.memory_space<vmem>>, vector<16xf32>,
        tpu.vector_store %arg7[%parallel_loop3A_495, %parallel_loop3A_496, %parallel_loop3A_497], %parallel_loop3A_483 {strides = array<i32>} : memref<2x64x256xf32, #tpu.memory_space<vmem>>, vector<16xf32>,
        %parallel_loop3A_499 = arith.constant 1 : i32
        %parallel_loop3A_500 = arith.constant 33 : i32
        %parallel_loop3A_501 = arith.index_cast %parallel_loop3A_499 : i32 to index
        %parallel_loop3A_502 = arith.index_cast %parallel_loop3A_500 : i32 to index
        %parallel_loop3A_503 = arith.index_cast %parallel_loop3A_187 : i32 to index
        %parallel_loop3A_504 = tpu.vector_load %arg7[%parallel_loop3A_501, %parallel_loop3A_502, %parallel_loop3A_503] {strides = array<i32>} : memref<2x64x256xf32, #tpu.memory_space<vmem>>, vector<16xf32>,
        tpu.vector_store %arg7[%parallel_loop3A_501, %parallel_loop3A_502, %parallel_loop3A_503], %parallel_loop3A_486 {strides = array<i32>} : memref<2x64x256xf32, #tpu.memory_space<vmem>>, vector<16xf32>,
        %parallel_loop3A_505 = arith.constant 1 : i32
        %parallel_loop3A_506 = arith.constant 34 : i32
        %parallel_loop3A_507 = arith.index_cast %parallel_loop3A_505 : i32 to index
        %parallel_loop3A_508 = arith.index_cast %parallel_loop3A_506 : i32 to index
        %parallel_loop3A_509 = arith.index_cast %parallel_loop3A_187 : i32 to index
        %parallel_loop3A_510 = tpu.vector_load %arg7[%parallel_loop3A_507, %parallel_loop3A_508, %parallel_loop3A_509] {strides = array<i32>} : memref<2x64x256xf32, #tpu.memory_space<vmem>>, vector<16xf32>,
        tpu.vector_store %arg7[%parallel_loop3A_507, %parallel_loop3A_508, %parallel_loop3A_509], %parallel_loop3A_489 {strides = array<i32>} : memref<2x64x256xf32, #tpu.memory_space<vmem>>, vector<16xf32>,
        %parallel_loop3A_511 = arith.constant 1 : i32
        %parallel_loop3A_512 = arith.constant 35 : i32
        %parallel_loop3A_513 = arith.index_cast %parallel_loop3A_511 : i32 to index
        %parallel_loop3A_514 = arith.index_cast %parallel_loop3A_512 : i32 to index
        %parallel_loop3A_515 = arith.index_cast %parallel_loop3A_187 : i32 to index
        %parallel_loop3A_516 = tpu.vector_load %arg7[%parallel_loop3A_513, %parallel_loop3A_514, %parallel_loop3A_515] {strides = array<i32>} : memref<2x64x256xf32, #tpu.memory_space<vmem>>, vector<16xf32>,
        tpu.vector_store %arg7[%parallel_loop3A_513, %parallel_loop3A_514, %parallel_loop3A_515], %parallel_loop3A_492 {strides = array<i32>} : memref<2x64x256xf32, #tpu.memory_space<vmem>>, vector<16xf32>,
        %parallel_loop3A_517 = arith.constant 36 : i32
        %parallel_loop3A_518 = vector.broadcast %parallel_loop3A_517 : i32 to vector<16xi32>
        %parallel_loop3A_519 = tpu.vector_load_idx %arg6[%parallel_loop3A_518, %parallel_loop3A_192] : memref<64x1000xf32, #tpu.memory_space<vmem>>[vector<16xi32>, vector<16xi32>], vector<16xf32>,
        %parallel_loop3A_520 = arith.constant 37 : i32
        %parallel_loop3A_521 = vector.broadcast %parallel_loop3A_520 : i32 to vector<16xi32>
        %parallel_loop3A_522 = tpu.vector_load_idx %arg6[%parallel_loop3A_521, %parallel_loop3A_192] : memref<64x1000xf32, #tpu.memory_space<vmem>>[vector<16xi32>, vector<16xi32>], vector<16xf32>,
        %parallel_loop3A_523 = arith.constant 38 : i32
        %parallel_loop3A_524 = vector.broadcast %parallel_loop3A_523 : i32 to vector<16xi32>
        %parallel_loop3A_525 = tpu.vector_load_idx %arg6[%parallel_loop3A_524, %parallel_loop3A_192] : memref<64x1000xf32, #tpu.memory_space<vmem>>[vector<16xi32>, vector<16xi32>], vector<16xf32>,
        %parallel_loop3A_526 = arith.constant 39 : i32
        %parallel_loop3A_527 = vector.broadcast %parallel_loop3A_526 : i32 to vector<16xi32>
        %parallel_loop3A_528 = tpu.vector_load_idx %arg6[%parallel_loop3A_527, %parallel_loop3A_192] : memref<64x1000xf32, #tpu.memory_space<vmem>>[vector<16xi32>, vector<16xi32>], vector<16xf32>,
        %parallel_loop3A_529 = arith.constant 1 : i32
        %parallel_loop3A_530 = arith.constant 36 : i32
        %parallel_loop3A_531 = arith.index_cast %parallel_loop3A_529 : i32 to index
        %parallel_loop3A_532 = arith.index_cast %parallel_loop3A_530 : i32 to index
        %parallel_loop3A_533 = arith.index_cast %parallel_loop3A_187 : i32 to index
        %parallel_loop3A_534 = tpu.vector_load %arg7[%parallel_loop3A_531, %parallel_loop3A_532, %parallel_loop3A_533] {strides = array<i32>} : memref<2x64x256xf32, #tpu.memory_space<vmem>>, vector<16xf32>,
        tpu.vector_store %arg7[%parallel_loop3A_531, %parallel_loop3A_532, %parallel_loop3A_533], %parallel_loop3A_519 {strides = array<i32>} : memref<2x64x256xf32, #tpu.memory_space<vmem>>, vector<16xf32>,
        %parallel_loop3A_535 = arith.constant 1 : i32
        %parallel_loop3A_536 = arith.constant 37 : i32
        %parallel_loop3A_537 = arith.index_cast %parallel_loop3A_535 : i32 to index
        %parallel_loop3A_538 = arith.index_cast %parallel_loop3A_536 : i32 to index
        %parallel_loop3A_539 = arith.index_cast %parallel_loop3A_187 : i32 to index
        %parallel_loop3A_540 = tpu.vector_load %arg7[%parallel_loop3A_537, %parallel_loop3A_538, %parallel_loop3A_539] {strides = array<i32>} : memref<2x64x256xf32, #tpu.memory_space<vmem>>, vector<16xf32>,
        tpu.vector_store %arg7[%parallel_loop3A_537, %parallel_loop3A_538, %parallel_loop3A_539], %parallel_loop3A_522 {strides = array<i32>} : memref<2x64x256xf32, #tpu.memory_space<vmem>>, vector<16xf32>,
        %parallel_loop3A_541 = arith.constant 1 : i32
        %parallel_loop3A_542 = arith.constant 38 : i32
        %parallel_loop3A_543 = arith.index_cast %parallel_loop3A_541 : i32 to index
        %parallel_loop3A_544 = arith.index_cast %parallel_loop3A_542 : i32 to index
        %parallel_loop3A_545 = arith.index_cast %parallel_loop3A_187 : i32 to index
        %parallel_loop3A_546 = tpu.vector_load %arg7[%parallel_loop3A_543, %parallel_loop3A_544, %parallel_loop3A_545] {strides = array<i32>} : memref<2x64x256xf32, #tpu.memory_space<vmem>>, vector<16xf32>,
        tpu.vector_store %arg7[%parallel_loop3A_543, %parallel_loop3A_544, %parallel_loop3A_545], %parallel_loop3A_525 {strides = array<i32>} : memref<2x64x256xf32, #tpu.memory_space<vmem>>, vector<16xf32>,
        %parallel_loop3A_547 = arith.constant 1 : i32
        %parallel_loop3A_548 = arith.constant 39 : i32
        %parallel_loop3A_549 = arith.index_cast %parallel_loop3A_547 : i32 to index
        %parallel_loop3A_550 = arith.index_cast %parallel_loop3A_548 : i32 to index
        %parallel_loop3A_551 = arith.index_cast %parallel_loop3A_187 : i32 to index
        %parallel_loop3A_552 = tpu.vector_load %arg7[%parallel_loop3A_549, %parallel_loop3A_550, %parallel_loop3A_551] {strides = array<i32>} : memref<2x64x256xf32, #tpu.memory_space<vmem>>, vector<16xf32>,
        tpu.vector_store %arg7[%parallel_loop3A_549, %parallel_loop3A_550, %parallel_loop3A_551], %parallel_loop3A_528 {strides = array<i32>} : memref<2x64x256xf32, #tpu.memory_space<vmem>>, vector<16xf32>,
        %parallel_loop3A_553 = arith.constant 40 : i32
        %parallel_loop3A_554 = vector.broadcast %parallel_loop3A_553 : i32 to vector<16xi32>
        %parallel_loop3A_555 = tpu.vector_load_idx %arg6[%parallel_loop3A_554, %parallel_loop3A_192] : memref<64x1000xf32, #tpu.memory_space<vmem>>[vector<16xi32>, vector<16xi32>], vector<16xf32>,
        %parallel_loop3A_556 = arith.constant 41 : i32
        %parallel_loop3A_557 = vector.broadcast %parallel_loop3A_556 : i32 to vector<16xi32>
        %parallel_loop3A_558 = tpu.vector_load_idx %arg6[%parallel_loop3A_557, %parallel_loop3A_192] : memref<64x1000xf32, #tpu.memory_space<vmem>>[vector<16xi32>, vector<16xi32>], vector<16xf32>,
        %parallel_loop3A_559 = arith.constant 42 : i32
        %parallel_loop3A_560 = vector.broadcast %parallel_loop3A_559 : i32 to vector<16xi32>
        %parallel_loop3A_561 = tpu.vector_load_idx %arg6[%parallel_loop3A_560, %parallel_loop3A_192] : memref<64x1000xf32, #tpu.memory_space<vmem>>[vector<16xi32>, vector<16xi32>], vector<16xf32>,
        %parallel_loop3A_562 = arith.constant 43 : i32
        %parallel_loop3A_563 = vector.broadcast %parallel_loop3A_562 : i32 to vector<16xi32>
        %parallel_loop3A_564 = tpu.vector_load_idx %arg6[%parallel_loop3A_563, %parallel_loop3A_192] : memref<64x1000xf32, #tpu.memory_space<vmem>>[vector<16xi32>, vector<16xi32>], vector<16xf32>,
        %parallel_loop3A_565 = arith.constant 1 : i32
        %parallel_loop3A_566 = arith.constant 40 : i32
        %parallel_loop3A_567 = arith.index_cast %parallel_loop3A_565 : i32 to index
        %parallel_loop3A_568 = arith.index_cast %parallel_loop3A_566 : i32 to index
        %parallel_loop3A_569 = arith.index_cast %parallel_loop3A_187 : i32 to index
        %parallel_loop3A_570 = tpu.vector_load %arg7[%parallel_loop3A_567, %parallel_loop3A_568, %parallel_loop3A_569] {strides = array<i32>} : memref<2x64x256xf32, #tpu.memory_space<vmem>>, vector<16xf32>,
        tpu.vector_store %arg7[%parallel_loop3A_567, %parallel_loop3A_568, %parallel_loop3A_569], %parallel_loop3A_555 {strides = array<i32>} : memref<2x64x256xf32, #tpu.memory_space<vmem>>, vector<16xf32>,
        %parallel_loop3A_571 = arith.constant 1 : i32
        %parallel_loop3A_572 = arith.constant 41 : i32
        %parallel_loop3A_573 = arith.index_cast %parallel_loop3A_571 : i32 to index
        %parallel_loop3A_574 = arith.index_cast %parallel_loop3A_572 : i32 to index
        %parallel_loop3A_575 = arith.index_cast %parallel_loop3A_187 : i32 to index
        %parallel_loop3A_576 = tpu.vector_load %arg7[%parallel_loop3A_573, %parallel_loop3A_574, %parallel_loop3A_575] {strides = array<i32>} : memref<2x64x256xf32, #tpu.memory_space<vmem>>, vector<16xf32>,
        tpu.vector_store %arg7[%parallel_loop3A_573, %parallel_loop3A_574, %parallel_loop3A_575], %parallel_loop3A_558 {strides = array<i32>} : memref<2x64x256xf32, #tpu.memory_space<vmem>>, vector<16xf32>,
        %parallel_loop3A_577 = arith.constant 1 : i32
        %parallel_loop3A_578 = arith.constant 42 : i32
        %parallel_loop3A_579 = arith.index_cast %parallel_loop3A_577 : i32 to index
        %parallel_loop3A_580 = arith.index_cast %parallel_loop3A_578 : i32 to index
        %parallel_loop3A_581 = arith.index_cast %parallel_loop3A_187 : i32 to index
        %parallel_loop3A_582 = tpu.vector_load %arg7[%parallel_loop3A_579, %parallel_loop3A_580, %parallel_loop3A_581] {strides = array<i32>} : memref<2x64x256xf32, #tpu.memory_space<vmem>>, vector<16xf32>,
        tpu.vector_store %arg7[%parallel_loop3A_579, %parallel_loop3A_580, %parallel_loop3A_581], %parallel_loop3A_561 {strides = array<i32>} : memref<2x64x256xf32, #tpu.memory_space<vmem>>, vector<16xf32>,
        %parallel_loop3A_583 = arith.constant 1 : i32
        %parallel_loop3A_584 = arith.constant 43 : i32
        %parallel_loop3A_585 = arith.index_cast %parallel_loop3A_583 : i32 to index
        %parallel_loop3A_586 = arith.index_cast %parallel_loop3A_584 : i32 to index
        %parallel_loop3A_587 = arith.index_cast %parallel_loop3A_187 : i32 to index
        %parallel_loop3A_588 = tpu.vector_load %arg7[%parallel_loop3A_585, %parallel_loop3A_586, %parallel_loop3A_587] {strides = array<i32>} : memref<2x64x256xf32, #tpu.memory_space<vmem>>, vector<16xf32>,
        tpu.vector_store %arg7[%parallel_loop3A_585, %parallel_loop3A_586, %parallel_loop3A_587], %parallel_loop3A_564 {strides = array<i32>} : memref<2x64x256xf32, #tpu.memory_space<vmem>>, vector<16xf32>,
        %parallel_loop3A_589 = arith.constant 44 : i32
        %parallel_loop3A_590 = vector.broadcast %parallel_loop3A_589 : i32 to vector<16xi32>
        %parallel_loop3A_591 = tpu.vector_load_idx %arg6[%parallel_loop3A_590, %parallel_loop3A_192] : memref<64x1000xf32, #tpu.memory_space<vmem>>[vector<16xi32>, vector<16xi32>], vector<16xf32>,
        %parallel_loop3A_592 = arith.constant 45 : i32
        %parallel_loop3A_593 = vector.broadcast %parallel_loop3A_592 : i32 to vector<16xi32>
        %parallel_loop3A_594 = tpu.vector_load_idx %arg6[%parallel_loop3A_593, %parallel_loop3A_192] : memref<64x1000xf32, #tpu.memory_space<vmem>>[vector<16xi32>, vector<16xi32>], vector<16xf32>,
        %parallel_loop3A_595 = arith.constant 46 : i32
        %parallel_loop3A_596 = vector.broadcast %parallel_loop3A_595 : i32 to vector<16xi32>
        %parallel_loop3A_597 = tpu.vector_load_idx %arg6[%parallel_loop3A_596, %parallel_loop3A_192] : memref<64x1000xf32, #tpu.memory_space<vmem>>[vector<16xi32>, vector<16xi32>], vector<16xf32>,
        %parallel_loop3A_598 = arith.constant 47 : i32
        %parallel_loop3A_599 = vector.broadcast %parallel_loop3A_598 : i32 to vector<16xi32>
        %parallel_loop3A_600 = tpu.vector_load_idx %arg6[%parallel_loop3A_599, %parallel_loop3A_192] : memref<64x1000xf32, #tpu.memory_space<vmem>>[vector<16xi32>, vector<16xi32>], vector<16xf32>,
        %parallel_loop3A_601 = arith.constant 1 : i32
        %parallel_loop3A_602 = arith.constant 44 : i32
        %parallel_loop3A_603 = arith.index_cast %parallel_loop3A_601 : i32 to index
        %parallel_loop3A_604 = arith.index_cast %parallel_loop3A_602 : i32 to index
        %parallel_loop3A_605 = arith.index_cast %parallel_loop3A_187 : i32 to index
        %parallel_loop3A_606 = tpu.vector_load %arg7[%parallel_loop3A_603, %parallel_loop3A_604, %parallel_loop3A_605] {strides = array<i32>} : memref<2x64x256xf32, #tpu.memory_space<vmem>>, vector<16xf32>,
        tpu.vector_store %arg7[%parallel_loop3A_603, %parallel_loop3A_604, %parallel_loop3A_605], %parallel_loop3A_591 {strides = array<i32>} : memref<2x64x256xf32, #tpu.memory_space<vmem>>, vector<16xf32>,
        %parallel_loop3A_607 = arith.constant 1 : i32
        %parallel_loop3A_608 = arith.constant 45 : i32
        %parallel_loop3A_609 = arith.index_cast %parallel_loop3A_607 : i32 to index
        %parallel_loop3A_610 = arith.index_cast %parallel_loop3A_608 : i32 to index
        %parallel_loop3A_611 = arith.index_cast %parallel_loop3A_187 : i32 to index
        %parallel_loop3A_612 = tpu.vector_load %arg7[%parallel_loop3A_609, %parallel_loop3A_610, %parallel_loop3A_611] {strides = array<i32>} : memref<2x64x256xf32, #tpu.memory_space<vmem>>, vector<16xf32>,
        tpu.vector_store %arg7[%parallel_loop3A_609, %parallel_loop3A_610, %parallel_loop3A_611], %parallel_loop3A_594 {strides = array<i32>} : memref<2x64x256xf32, #tpu.memory_space<vmem>>, vector<16xf32>,
        %parallel_loop3A_613 = arith.constant 1 : i32
        %parallel_loop3A_614 = arith.constant 46 : i32
        %parallel_loop3A_615 = arith.index_cast %parallel_loop3A_613 : i32 to index
        %parallel_loop3A_616 = arith.index_cast %parallel_loop3A_614 : i32 to index
        %parallel_loop3A_617 = arith.index_cast %parallel_loop3A_187 : i32 to index
        %parallel_loop3A_618 = tpu.vector_load %arg7[%parallel_loop3A_615, %parallel_loop3A_616, %parallel_loop3A_617] {strides = array<i32>} : memref<2x64x256xf32, #tpu.memory_space<vmem>>, vector<16xf32>,
        tpu.vector_store %arg7[%parallel_loop3A_615, %parallel_loop3A_616, %parallel_loop3A_617], %parallel_loop3A_597 {strides = array<i32>} : memref<2x64x256xf32, #tpu.memory_space<vmem>>, vector<16xf32>,
        %parallel_loop3A_619 = arith.constant 1 : i32
        %parallel_loop3A_620 = arith.constant 47 : i32
        %parallel_loop3A_621 = arith.index_cast %parallel_loop3A_619 : i32 to index
        %parallel_loop3A_622 = arith.index_cast %parallel_loop3A_620 : i32 to index
        %parallel_loop3A_623 = arith.index_cast %parallel_loop3A_187 : i32 to index
        %parallel_loop3A_624 = tpu.vector_load %arg7[%parallel_loop3A_621, %parallel_loop3A_622, %parallel_loop3A_623] {strides = array<i32>} : memref<2x64x256xf32, #tpu.memory_space<vmem>>, vector<16xf32>,
        tpu.vector_store %arg7[%parallel_loop3A_621, %parallel_loop3A_622, %parallel_loop3A_623], %parallel_loop3A_600 {strides = array<i32>} : memref<2x64x256xf32, #tpu.memory_space<vmem>>, vector<16xf32>,
        %parallel_loop3A_625 = arith.constant 48 : i32
        %parallel_loop3A_626 = vector.broadcast %parallel_loop3A_625 : i32 to vector<16xi32>
        %parallel_loop3A_627 = tpu.vector_load_idx %arg6[%parallel_loop3A_626, %parallel_loop3A_192] : memref<64x1000xf32, #tpu.memory_space<vmem>>[vector<16xi32>, vector<16xi32>], vector<16xf32>,
        %parallel_loop3A_628 = arith.constant 49 : i32
        %parallel_loop3A_629 = vector.broadcast %parallel_loop3A_628 : i32 to vector<16xi32>
        %parallel_loop3A_630 = tpu.vector_load_idx %arg6[%parallel_loop3A_629, %parallel_loop3A_192] : memref<64x1000xf32, #tpu.memory_space<vmem>>[vector<16xi32>, vector<16xi32>], vector<16xf32>,
        %parallel_loop3A_631 = arith.constant 50 : i32
        %parallel_loop3A_632 = vector.broadcast %parallel_loop3A_631 : i32 to vector<16xi32>
        %parallel_loop3A_633 = tpu.vector_load_idx %arg6[%parallel_loop3A_632, %parallel_loop3A_192] : memref<64x1000xf32, #tpu.memory_space<vmem>>[vector<16xi32>, vector<16xi32>], vector<16xf32>,
        %parallel_loop3A_634 = arith.constant 51 : i32
        %parallel_loop3A_635 = vector.broadcast %parallel_loop3A_634 : i32 to vector<16xi32>
        %parallel_loop3A_636 = tpu.vector_load_idx %arg6[%parallel_loop3A_635, %parallel_loop3A_192] : memref<64x1000xf32, #tpu.memory_space<vmem>>[vector<16xi32>, vector<16xi32>], vector<16xf32>,
        %parallel_loop3A_637 = arith.constant 1 : i32
        %parallel_loop3A_638 = arith.constant 48 : i32
        %parallel_loop3A_639 = arith.index_cast %parallel_loop3A_637 : i32 to index
        %parallel_loop3A_640 = arith.index_cast %parallel_loop3A_638 : i32 to index
        %parallel_loop3A_641 = arith.index_cast %parallel_loop3A_187 : i32 to index
        %parallel_loop3A_642 = tpu.vector_load %arg7[%parallel_loop3A_639, %parallel_loop3A_640, %parallel_loop3A_641] {strides = array<i32>} : memref<2x64x256xf32, #tpu.memory_space<vmem>>, vector<16xf32>,
        tpu.vector_store %arg7[%parallel_loop3A_639, %parallel_loop3A_640, %parallel_loop3A_641], %parallel_loop3A_627 {strides = array<i32>} : memref<2x64x256xf32, #tpu.memory_space<vmem>>, vector<16xf32>,
        %parallel_loop3A_643 = arith.constant 1 : i32
        %parallel_loop3A_644 = arith.constant 49 : i32
        %parallel_loop3A_645 = arith.index_cast %parallel_loop3A_643 : i32 to index
        %parallel_loop3A_646 = arith.index_cast %parallel_loop3A_644 : i32 to index
        %parallel_loop3A_647 = arith.index_cast %parallel_loop3A_187 : i32 to index
        %parallel_loop3A_648 = tpu.vector_load %arg7[%parallel_loop3A_645, %parallel_loop3A_646, %parallel_loop3A_647] {strides = array<i32>} : memref<2x64x256xf32, #tpu.memory_space<vmem>>, vector<16xf32>,
        tpu.vector_store %arg7[%parallel_loop3A_645, %parallel_loop3A_646, %parallel_loop3A_647], %parallel_loop3A_630 {strides = array<i32>} : memref<2x64x256xf32, #tpu.memory_space<vmem>>, vector<16xf32>,
        %parallel_loop3A_649 = arith.constant 1 : i32
        %parallel_loop3A_650 = arith.constant 50 : i32
        %parallel_loop3A_651 = arith.index_cast %parallel_loop3A_649 : i32 to index
        %parallel_loop3A_652 = arith.index_cast %parallel_loop3A_650 : i32 to index
        %parallel_loop3A_653 = arith.index_cast %parallel_loop3A_187 : i32 to index
        %parallel_loop3A_654 = tpu.vector_load %arg7[%parallel_loop3A_651, %parallel_loop3A_652, %parallel_loop3A_653] {strides = array<i32>} : memref<2x64x256xf32, #tpu.memory_space<vmem>>, vector<16xf32>,
        tpu.vector_store %arg7[%parallel_loop3A_651, %parallel_loop3A_652, %parallel_loop3A_653], %parallel_loop3A_633 {strides = array<i32>} : memref<2x64x256xf32, #tpu.memory_space<vmem>>, vector<16xf32>,
        %parallel_loop3A_655 = arith.constant 1 : i32
        %parallel_loop3A_656 = arith.constant 51 : i32
        %parallel_loop3A_657 = arith.index_cast %parallel_loop3A_655 : i32 to index
        %parallel_loop3A_658 = arith.index_cast %parallel_loop3A_656 : i32 to index
        %parallel_loop3A_659 = arith.index_cast %parallel_loop3A_187 : i32 to index
        %parallel_loop3A_660 = tpu.vector_load %arg7[%parallel_loop3A_657, %parallel_loop3A_658, %parallel_loop3A_659] {strides = array<i32>} : memref<2x64x256xf32, #tpu.memory_space<vmem>>, vector<16xf32>,
        tpu.vector_store %arg7[%parallel_loop3A_657, %parallel_loop3A_658, %parallel_loop3A_659], %parallel_loop3A_636 {strides = array<i32>} : memref<2x64x256xf32, #tpu.memory_space<vmem>>, vector<16xf32>,
        %parallel_loop3A_661 = arith.constant 52 : i32
        %parallel_loop3A_662 = vector.broadcast %parallel_loop3A_661 : i32 to vector<16xi32>
        %parallel_loop3A_663 = tpu.vector_load_idx %arg6[%parallel_loop3A_662, %parallel_loop3A_192] : memref<64x1000xf32, #tpu.memory_space<vmem>>[vector<16xi32>, vector<16xi32>], vector<16xf32>,
        %parallel_loop3A_664 = arith.constant 53 : i32
        %parallel_loop3A_665 = vector.broadcast %parallel_loop3A_664 : i32 to vector<16xi32>
        %parallel_loop3A_666 = tpu.vector_load_idx %arg6[%parallel_loop3A_665, %parallel_loop3A_192] : memref<64x1000xf32, #tpu.memory_space<vmem>>[vector<16xi32>, vector<16xi32>], vector<16xf32>,
        %parallel_loop3A_667 = arith.constant 54 : i32
        %parallel_loop3A_668 = vector.broadcast %parallel_loop3A_667 : i32 to vector<16xi32>
        %parallel_loop3A_669 = tpu.vector_load_idx %arg6[%parallel_loop3A_668, %parallel_loop3A_192] : memref<64x1000xf32, #tpu.memory_space<vmem>>[vector<16xi32>, vector<16xi32>], vector<16xf32>,
        %parallel_loop3A_670 = arith.constant 55 : i32
        %parallel_loop3A_671 = vector.broadcast %parallel_loop3A_670 : i32 to vector<16xi32>
        %parallel_loop3A_672 = tpu.vector_load_idx %arg6[%parallel_loop3A_671, %parallel_loop3A_192] : memref<64x1000xf32, #tpu.memory_space<vmem>>[vector<16xi32>, vector<16xi32>], vector<16xf32>,
        %parallel_loop3A_673 = arith.constant 1 : i32
        %parallel_loop3A_674 = arith.constant 52 : i32
        %parallel_loop3A_675 = arith.index_cast %parallel_loop3A_673 : i32 to index
        %parallel_loop3A_676 = arith.index_cast %parallel_loop3A_674 : i32 to index
        %parallel_loop3A_677 = arith.index_cast %parallel_loop3A_187 : i32 to index
        %parallel_loop3A_678 = tpu.vector_load %arg7[%parallel_loop3A_675, %parallel_loop3A_676, %parallel_loop3A_677] {strides = array<i32>} : memref<2x64x256xf32, #tpu.memory_space<vmem>>, vector<16xf32>,
        tpu.vector_store %arg7[%parallel_loop3A_675, %parallel_loop3A_676, %parallel_loop3A_677], %parallel_loop3A_663 {strides = array<i32>} : memref<2x64x256xf32, #tpu.memory_space<vmem>>, vector<16xf32>,
        %parallel_loop3A_679 = arith.constant 1 : i32
        %parallel_loop3A_680 = arith.constant 53 : i32
        %parallel_loop3A_681 = arith.index_cast %parallel_loop3A_679 : i32 to index
        %parallel_loop3A_682 = arith.index_cast %parallel_loop3A_680 : i32 to index
        %parallel_loop3A_683 = arith.index_cast %parallel_loop3A_187 : i32 to index
        %parallel_loop3A_684 = tpu.vector_load %arg7[%parallel_loop3A_681, %parallel_loop3A_682, %parallel_loop3A_683] {strides = array<i32>} : memref<2x64x256xf32, #tpu.memory_space<vmem>>, vector<16xf32>,
        tpu.vector_store %arg7[%parallel_loop3A_681, %parallel_loop3A_682, %parallel_loop3A_683], %parallel_loop3A_666 {strides = array<i32>} : memref<2x64x256xf32, #tpu.memory_space<vmem>>, vector<16xf32>,
        %parallel_loop3A_685 = arith.constant 1 : i32
        %parallel_loop3A_686 = arith.constant 54 : i32
        %parallel_loop3A_687 = arith.index_cast %parallel_loop3A_685 : i32 to index
        %parallel_loop3A_688 = arith.index_cast %parallel_loop3A_686 : i32 to index
        %parallel_loop3A_689 = arith.index_cast %parallel_loop3A_187 : i32 to index
        %parallel_loop3A_690 = tpu.vector_load %arg7[%parallel_loop3A_687, %parallel_loop3A_688, %parallel_loop3A_689] {strides = array<i32>} : memref<2x64x256xf32, #tpu.memory_space<vmem>>, vector<16xf32>,
        tpu.vector_store %arg7[%parallel_loop3A_687, %parallel_loop3A_688, %parallel_loop3A_689], %parallel_loop3A_669 {strides = array<i32>} : memref<2x64x256xf32, #tpu.memory_space<vmem>>, vector<16xf32>,
        %parallel_loop3A_691 = arith.constant 1 : i32
        %parallel_loop3A_692 = arith.constant 55 : i32
        %parallel_loop3A_693 = arith.index_cast %parallel_loop3A_691 : i32 to index
        %parallel_loop3A_694 = arith.index_cast %parallel_loop3A_692 : i32 to index
        %parallel_loop3A_695 = arith.index_cast %parallel_loop3A_187 : i32 to index
        %parallel_loop3A_696 = tpu.vector_load %arg7[%parallel_loop3A_693, %parallel_loop3A_694, %parallel_loop3A_695] {strides = array<i32>} : memref<2x64x256xf32, #tpu.memory_space<vmem>>, vector<16xf32>,
        tpu.vector_store %arg7[%parallel_loop3A_693, %parallel_loop3A_694, %parallel_loop3A_695], %parallel_loop3A_672 {strides = array<i32>} : memref<2x64x256xf32, #tpu.memory_space<vmem>>, vector<16xf32>,
        %parallel_loop3A_697 = arith.constant 56 : i32
        %parallel_loop3A_698 = vector.broadcast %parallel_loop3A_697 : i32 to vector<16xi32>
        %parallel_loop3A_699 = tpu.vector_load_idx %arg6[%parallel_loop3A_698, %parallel_loop3A_192] : memref<64x1000xf32, #tpu.memory_space<vmem>>[vector<16xi32>, vector<16xi32>], vector<16xf32>,
        %parallel_loop3A_700 = arith.constant 57 : i32
        %parallel_loop3A_701 = vector.broadcast %parallel_loop3A_700 : i32 to vector<16xi32>
        %parallel_loop3A_702 = tpu.vector_load_idx %arg6[%parallel_loop3A_701, %parallel_loop3A_192] : memref<64x1000xf32, #tpu.memory_space<vmem>>[vector<16xi32>, vector<16xi32>], vector<16xf32>,
        %parallel_loop3A_703 = arith.constant 58 : i32
        %parallel_loop3A_704 = vector.broadcast %parallel_loop3A_703 : i32 to vector<16xi32>
        %parallel_loop3A_705 = tpu.vector_load_idx %arg6[%parallel_loop3A_704, %parallel_loop3A_192] : memref<64x1000xf32, #tpu.memory_space<vmem>>[vector<16xi32>, vector<16xi32>], vector<16xf32>,
        %parallel_loop3A_706 = arith.constant 59 : i32
        %parallel_loop3A_707 = vector.broadcast %parallel_loop3A_706 : i32 to vector<16xi32>
        %parallel_loop3A_708 = tpu.vector_load_idx %arg6[%parallel_loop3A_707, %parallel_loop3A_192] : memref<64x1000xf32, #tpu.memory_space<vmem>>[vector<16xi32>, vector<16xi32>], vector<16xf32>,
        %parallel_loop3A_709 = arith.constant 1 : i32
        %parallel_loop3A_710 = arith.constant 56 : i32
        %parallel_loop3A_711 = arith.index_cast %parallel_loop3A_709 : i32 to index
        %parallel_loop3A_712 = arith.index_cast %parallel_loop3A_710 : i32 to index
        %parallel_loop3A_713 = arith.index_cast %parallel_loop3A_187 : i32 to index
        %parallel_loop3A_714 = tpu.vector_load %arg7[%parallel_loop3A_711, %parallel_loop3A_712, %parallel_loop3A_713] {strides = array<i32>} : memref<2x64x256xf32, #tpu.memory_space<vmem>>, vector<16xf32>,
        tpu.vector_store %arg7[%parallel_loop3A_711, %parallel_loop3A_712, %parallel_loop3A_713], %parallel_loop3A_699 {strides = array<i32>} : memref<2x64x256xf32, #tpu.memory_space<vmem>>, vector<16xf32>,
        %parallel_loop3A_715 = arith.constant 1 : i32
        %parallel_loop3A_716 = arith.constant 57 : i32
        %parallel_loop3A_717 = arith.index_cast %parallel_loop3A_715 : i32 to index
        %parallel_loop3A_718 = arith.index_cast %parallel_loop3A_716 : i32 to index
        %parallel_loop3A_719 = arith.index_cast %parallel_loop3A_187 : i32 to index
        %parallel_loop3A_720 = tpu.vector_load %arg7[%parallel_loop3A_717, %parallel_loop3A_718, %parallel_loop3A_719] {strides = array<i32>} : memref<2x64x256xf32, #tpu.memory_space<vmem>>, vector<16xf32>,
        tpu.vector_store %arg7[%parallel_loop3A_717, %parallel_loop3A_718, %parallel_loop3A_719], %parallel_loop3A_702 {strides = array<i32>} : memref<2x64x256xf32, #tpu.memory_space<vmem>>, vector<16xf32>,
        %parallel_loop3A_721 = arith.constant 1 : i32
        %parallel_loop3A_722 = arith.constant 58 : i32
        %parallel_loop3A_723 = arith.index_cast %parallel_loop3A_721 : i32 to index
        %parallel_loop3A_724 = arith.index_cast %parallel_loop3A_722 : i32 to index
        %parallel_loop3A_725 = arith.index_cast %parallel_loop3A_187 : i32 to index
        %parallel_loop3A_726 = tpu.vector_load %arg7[%parallel_loop3A_723, %parallel_loop3A_724, %parallel_loop3A_725] {strides = array<i32>} : memref<2x64x256xf32, #tpu.memory_space<vmem>>, vector<16xf32>,
        tpu.vector_store %arg7[%parallel_loop3A_723, %parallel_loop3A_724, %parallel_loop3A_725], %parallel_loop3A_705 {strides = array<i32>} : memref<2x64x256xf32, #tpu.memory_space<vmem>>, vector<16xf32>,
        %parallel_loop3A_727 = arith.constant 1 : i32
        %parallel_loop3A_728 = arith.constant 59 : i32
        %parallel_loop3A_729 = arith.index_cast %parallel_loop3A_727 : i32 to index
        %parallel_loop3A_730 = arith.index_cast %parallel_loop3A_728 : i32 to index
        %parallel_loop3A_731 = arith.index_cast %parallel_loop3A_187 : i32 to index
        %parallel_loop3A_732 = tpu.vector_load %arg7[%parallel_loop3A_729, %parallel_loop3A_730, %parallel_loop3A_731] {strides = array<i32>} : memref<2x64x256xf32, #tpu.memory_space<vmem>>, vector<16xf32>,
        tpu.vector_store %arg7[%parallel_loop3A_729, %parallel_loop3A_730, %parallel_loop3A_731], %parallel_loop3A_708 {strides = array<i32>} : memref<2x64x256xf32, #tpu.memory_space<vmem>>, vector<16xf32>,
        %parallel_loop3A_733 = arith.constant 60 : i32
        %parallel_loop3A_734 = vector.broadcast %parallel_loop3A_733 : i32 to vector<16xi32>
        %parallel_loop3A_735 = tpu.vector_load_idx %arg6[%parallel_loop3A_734, %parallel_loop3A_192] : memref<64x1000xf32, #tpu.memory_space<vmem>>[vector<16xi32>, vector<16xi32>], vector<16xf32>,
        %parallel_loop3A_736 = arith.constant 61 : i32
        %parallel_loop3A_737 = vector.broadcast %parallel_loop3A_736 : i32 to vector<16xi32>
        %parallel_loop3A_738 = tpu.vector_load_idx %arg6[%parallel_loop3A_737, %parallel_loop3A_192] : memref<64x1000xf32, #tpu.memory_space<vmem>>[vector<16xi32>, vector<16xi32>], vector<16xf32>,
        %parallel_loop3A_739 = arith.constant 62 : i32
        %parallel_loop3A_740 = vector.broadcast %parallel_loop3A_739 : i32 to vector<16xi32>
        %parallel_loop3A_741 = tpu.vector_load_idx %arg6[%parallel_loop3A_740, %parallel_loop3A_192] : memref<64x1000xf32, #tpu.memory_space<vmem>>[vector<16xi32>, vector<16xi32>], vector<16xf32>,
        %parallel_loop3A_742 = arith.constant 63 : i32
        %parallel_loop3A_743 = vector.broadcast %parallel_loop3A_742 : i32 to vector<16xi32>
        %parallel_loop3A_744 = tpu.vector_load_idx %arg6[%parallel_loop3A_743, %parallel_loop3A_192] : memref<64x1000xf32, #tpu.memory_space<vmem>>[vector<16xi32>, vector<16xi32>], vector<16xf32>,
        %parallel_loop3A_745 = arith.constant 1 : i32
        %parallel_loop3A_746 = arith.constant 60 : i32
        %parallel_loop3A_747 = arith.index_cast %parallel_loop3A_745 : i32 to index
        %parallel_loop3A_748 = arith.index_cast %parallel_loop3A_746 : i32 to index
        %parallel_loop3A_749 = arith.index_cast %parallel_loop3A_187 : i32 to index
        %parallel_loop3A_750 = tpu.vector_load %arg7[%parallel_loop3A_747, %parallel_loop3A_748, %parallel_loop3A_749] {strides = array<i32>} : memref<2x64x256xf32, #tpu.memory_space<vmem>>, vector<16xf32>,
        tpu.vector_store %arg7[%parallel_loop3A_747, %parallel_loop3A_748, %parallel_loop3A_749], %parallel_loop3A_735 {strides = array<i32>} : memref<2x64x256xf32, #tpu.memory_space<vmem>>, vector<16xf32>,
        %parallel_loop3A_751 = arith.constant 1 : i32
        %parallel_loop3A_752 = arith.constant 61 : i32
        %parallel_loop3A_753 = arith.index_cast %parallel_loop3A_751 : i32 to index
        %parallel_loop3A_754 = arith.index_cast %parallel_loop3A_752 : i32 to index
        %parallel_loop3A_755 = arith.index_cast %parallel_loop3A_187 : i32 to index
        %parallel_loop3A_756 = tpu.vector_load %arg7[%parallel_loop3A_753, %parallel_loop3A_754, %parallel_loop3A_755] {strides = array<i32>} : memref<2x64x256xf32, #tpu.memory_space<vmem>>, vector<16xf32>,
        tpu.vector_store %arg7[%parallel_loop3A_753, %parallel_loop3A_754, %parallel_loop3A_755], %parallel_loop3A_738 {strides = array<i32>} : memref<2x64x256xf32, #tpu.memory_space<vmem>>, vector<16xf32>,
        %parallel_loop3A_757 = arith.constant 1 : i32
        %parallel_loop3A_758 = arith.constant 62 : i32
        %parallel_loop3A_759 = arith.index_cast %parallel_loop3A_757 : i32 to index
        %parallel_loop3A_760 = arith.index_cast %parallel_loop3A_758 : i32 to index
        %parallel_loop3A_761 = arith.index_cast %parallel_loop3A_187 : i32 to index
        %parallel_loop3A_762 = tpu.vector_load %arg7[%parallel_loop3A_759, %parallel_loop3A_760, %parallel_loop3A_761] {strides = array<i32>} : memref<2x64x256xf32, #tpu.memory_space<vmem>>, vector<16xf32>,
        tpu.vector_store %arg7[%parallel_loop3A_759, %parallel_loop3A_760, %parallel_loop3A_761], %parallel_loop3A_741 {strides = array<i32>} : memref<2x64x256xf32, #tpu.memory_space<vmem>>, vector<16xf32>,
        %parallel_loop3A_763 = arith.constant 1 : i32
        %parallel_loop3A_764 = arith.constant 63 : i32
        %parallel_loop3A_765 = arith.index_cast %parallel_loop3A_763 : i32 to index
        %parallel_loop3A_766 = arith.index_cast %parallel_loop3A_764 : i32 to index
        %parallel_loop3A_767 = arith.index_cast %parallel_loop3A_187 : i32 to index
        %parallel_loop3A_768 = tpu.vector_load %arg7[%parallel_loop3A_765, %parallel_loop3A_766, %parallel_loop3A_767] {strides = array<i32>} : memref<2x64x256xf32, #tpu.memory_space<vmem>>, vector<16xf32>,
        tpu.vector_store %arg7[%parallel_loop3A_765, %parallel_loop3A_766, %parallel_loop3A_767], %parallel_loop3A_744 {strides = array<i32>} : memref<2x64x256xf32, #tpu.memory_space<vmem>>, vector<16xf32>,
      } {sc.loop_unroll_factor = 4 : i64, sc.parallel_access}
      %add3A_165 = arith.constant 256 : i32
      %add3A_166 = arith.addi %mul3A_2, %add3A_165 : i32
      %dma_start3A_167 = arith.constant 1 : i32
      %dma_start3A_168 = arith.constant 1 : i32
      %dma_start3A_169 = arith.constant 0 : i32
      %dma_start3A_170 = arith.constant 0 : i32
      %dma_start3A_171 = tpu.memref_slice %arg7[%dma_start3A_167, %dma_start3A_169, %dma_start3A_170] : memref<2x64x256xf32, #tpu.memory_space<vmem>> -> memref<1x64x256xf32, #tpu.memory_space<vmem>>
      %dma_start3A_172 = tpu.memref_squeeze %dma_start3A_171 : memref<1x64x256xf32, #tpu.memory_space<vmem>> -> memref<64x256xf32, #tpu.memory_space<vmem>>
      %dma_start3A_173 = arith.constant 0 : i32
      %dma_start3A_174 = tpu.memref_slice %arg4[%scan3A_95, %dma_start3A_173, %add3A_166] : memref<50x64x16384xf32, #tpu.memory_space<hbm>> -> memref<1x64x256xf32, #tpu.memory_space<hbm>>
      %dma_start3A_175 = tpu.memref_squeeze %dma_start3A_174 : memref<1x64x256xf32, #tpu.memory_space<hbm>> -> memref<64x256xf32, #tpu.memory_space<hbm>>
      %dma_start3A_176 = tpu.memref_slice %arg8[%dma_start3A_168] : memref<2x!tpu.dma_semaphore, #tpu.memory_space<semaphore_mem>> -> memref<1x!tpu.dma_semaphore, #tpu.memory_space<semaphore_mem>>
      %dma_start3A_177 = tpu.memref_squeeze %dma_start3A_176 : memref<1x!tpu.dma_semaphore, #tpu.memory_space<semaphore_mem>> -> memref<!tpu.dma_semaphore, #tpu.memory_space<semaphore_mem>>
      %dma_start3A_178 = arith.constant 0 : i32
      %dma_start3A_179 = tpu.memref_slice %arg4[%scan3A_95, %dma_start3A_178, %add3A_166] : memref<50x64x16384xf32, #tpu.memory_space<hbm>> -> memref<1x64x256xf32, #tpu.memory_space<hbm>>
      %dma_start3A_180 = tpu.memref_squeeze %dma_start3A_179 : memref<1x64x256xf32, #tpu.memory_space<hbm>> -> memref<64x256xf32, #tpu.memory_space<hbm>>
      %dma_start3A_181 = arith.constant 0 : i32
      %dma_start3A_182 = arith.constant 0 : i32
      %dma_start3A_183 = tpu.memref_slice %arg7[%dma_start3A_167, %dma_start3A_181, %dma_start3A_182] : memref<2x64x256xf32, #tpu.memory_space<vmem>> -> memref<1x64x256xf32, #tpu.memory_space<vmem>>
      %dma_start3A_184 = tpu.memref_squeeze %dma_start3A_183 : memref<1x64x256xf32, #tpu.memory_space<vmem>> -> memref<64x256xf32, #tpu.memory_space<vmem>>
      tpu.enqueue_dma source(%dma_start3A_184 : memref<64x256xf32, #tpu.memory_space<vmem>>) target(%dma_start3A_180 : memref<64x256xf32, #tpu.memory_space<hbm>>) target_semaphore(%dma_start3A_177 : memref<!tpu.dma_semaphore, #tpu.memory_space<semaphore_mem>>)
    }
    %scan3A_53 = arith.constant 49 : i32
    %add3A_54 = arith.constant 0 : i32
    %add3A_55 = arith.addi %mul3A_2, %add3A_54 : i32
    %dma_wait3A = arith.constant 0 : i32
    %dma_wait3A_56 = arith.constant 49 : i32
    %dma_wait3A_57 = arith.constant 0 : i32
    %dma_wait3A_58 = arith.constant 0 : i32
    %dma_wait3A_59 = arith.constant 0 : i32
    %dma_wait3A_60 = tpu.memref_slice %arg7[%dma_wait3A, %dma_wait3A_58, %dma_wait3A_59] : memref<2x64x256xf32, #tpu.memory_space<vmem>> -> memref<1x64x256xf32, #tpu.memory_space<vmem>>
    %dma_wait3A_61 = tpu.memref_squeeze %dma_wait3A_60 : memref<1x64x256xf32, #tpu.memory_space<vmem>> -> memref<64x256xf32, #tpu.memory_space<vmem>>
    %dma_wait3A_62 = arith.constant 0 : i32
    %dma_wait3A_63 = tpu.memref_slice %arg4[%dma_wait3A_56, %dma_wait3A_62, %add3A_55] : memref<50x64x16384xf32, #tpu.memory_space<hbm>> -> memref<1x64x256xf32, #tpu.memory_space<hbm>>
    %dma_wait3A_64 = tpu.memref_squeeze %dma_wait3A_63 : memref<1x64x256xf32, #tpu.memory_space<hbm>> -> memref<64x256xf32, #tpu.memory_space<hbm>>
    %dma_wait3A_65 = tpu.memref_slice %arg8[%dma_wait3A_57] : memref<2x!tpu.dma_semaphore, #tpu.memory_space<semaphore_mem>> -> memref<1x!tpu.dma_semaphore, #tpu.memory_space<semaphore_mem>>
    %dma_wait3A_66 = tpu.memref_squeeze %dma_wait3A_65 : memref<1x!tpu.dma_semaphore, #tpu.memory_space<semaphore_mem>> -> memref<!tpu.dma_semaphore, #tpu.memory_space<semaphore_mem>>
    %dma_wait3A_67 = arith.constant 0 : i32
    %dma_wait3A_68 = tpu.memref_slice %arg4[%dma_wait3A_56, %dma_wait3A_67, %add3A_55] : memref<50x64x16384xf32, #tpu.memory_space<hbm>> -> memref<1x64x256xf32, #tpu.memory_space<hbm>>
    %dma_wait3A_69 = tpu.memref_squeeze %dma_wait3A_68 : memref<1x64x256xf32, #tpu.memory_space<hbm>> -> memref<64x256xf32, #tpu.memory_space<hbm>>
    %dma_wait3A_70 = arith.constant 0 : i32
    %dma_wait3A_71 = arith.constant 0 : i32
    %dma_wait3A_72 = tpu.memref_slice %arg7[%dma_wait3A, %dma_wait3A_70, %dma_wait3A_71] : memref<2x64x256xf32, #tpu.memory_space<vmem>> -> memref<1x64x256xf32, #tpu.memory_space<vmem>>
    %dma_wait3A_73 = tpu.memref_squeeze %dma_wait3A_72 : memref<1x64x256xf32, #tpu.memory_space<vmem>> -> memref<64x256xf32, #tpu.memory_space<vmem>>
    tpu.wait_dma2 semaphore(%dma_wait3A_66 : memref<!tpu.dma_semaphore, #tpu.memory_space<semaphore_mem>>) src(%dma_wait3A_73 : memref<64x256xf32, #tpu.memory_space<vmem>>) dst(%dma_wait3A_69 : memref<64x256xf32, #tpu.memory_space<hbm>>)
    %add3A_74 = arith.constant 256 : i32
    %add3A_75 = arith.addi %mul3A_2, %add3A_74 : i32
    %dma_wait3A_76 = arith.constant 1 : i32
    %dma_wait3A_77 = arith.constant 49 : i32
    %dma_wait3A_78 = arith.constant 1 : i32
    %dma_wait3A_79 = arith.constant 0 : i32
    %dma_wait3A_80 = arith.constant 0 : i32
    %dma_wait3A_81 = tpu.memref_slice %arg7[%dma_wait3A_76, %dma_wait3A_79, %dma_wait3A_80] : memref<2x64x256xf32, #tpu.memory_space<vmem>> -> memref<1x64x256xf32, #tpu.memory_space<vmem>>
    %dma_wait3A_82 = tpu.memref_squeeze %dma_wait3A_81 : memref<1x64x256xf32, #tpu.memory_space<vmem>> -> memref<64x256xf32, #tpu.memory_space<vmem>>
    %dma_wait3A_83 = arith.constant 0 : i32
    %dma_wait3A_84 = tpu.memref_slice %arg4[%dma_wait3A_77, %dma_wait3A_83, %add3A_75] : memref<50x64x16384xf32, #tpu.memory_space<hbm>> -> memref<1x64x256xf32, #tpu.memory_space<hbm>>
    %dma_wait3A_85 = tpu.memref_squeeze %dma_wait3A_84 : memref<1x64x256xf32, #tpu.memory_space<hbm>> -> memref<64x256xf32, #tpu.memory_space<hbm>>
    %dma_wait3A_86 = tpu.memref_slice %arg8[%dma_wait3A_78] : memref<2x!tpu.dma_semaphore, #tpu.memory_space<semaphore_mem>> -> memref<1x!tpu.dma_semaphore, #tpu.memory_space<semaphore_mem>>
    %dma_wait3A_87 = tpu.memref_squeeze %dma_wait3A_86 : memref<1x!tpu.dma_semaphore, #tpu.memory_space<semaphore_mem>> -> memref<!tpu.dma_semaphore, #tpu.memory_space<semaphore_mem>>
    %dma_wait3A_88 = arith.constant 0 : i32
    %dma_wait3A_89 = tpu.memref_slice %arg4[%dma_wait3A_77, %dma_wait3A_88, %add3A_75] : memref<50x64x16384xf32, #tpu.memory_space<hbm>> -> memref<1x64x256xf32, #tpu.memory_space<hbm>>
    %dma_wait3A_90 = tpu.memref_squeeze %dma_wait3A_89 : memref<1x64x256xf32, #tpu.memory_space<hbm>> -> memref<64x256xf32, #tpu.memory_space<hbm>>
    %dma_wait3A_91 = arith.constant 0 : i32
    %dma_wait3A_92 = arith.constant 0 : i32
    %dma_wait3A_93 = tpu.memref_slice %arg7[%dma_wait3A_76, %dma_wait3A_91, %dma_wait3A_92] : memref<2x64x256xf32, #tpu.memory_space<vmem>> -> memref<1x64x256xf32, #tpu.memory_space<vmem>>
    %dma_wait3A_94 = tpu.memref_squeeze %dma_wait3A_93 : memref<1x64x256xf32, #tpu.memory_space<vmem>> -> memref<64x256xf32, #tpu.memory_space<vmem>>
    tpu.wait_dma2 semaphore(%dma_wait3A_87 : memref<!tpu.dma_semaphore, #tpu.memory_space<semaphore_mem>>) src(%dma_wait3A_94 : memref<64x256xf32, #tpu.memory_space<vmem>>) dst(%dma_wait3A_90 : memref<64x256xf32, #tpu.memory_space<hbm>>)
    return
  }
}

</mosaic_0001>

<sc_bundles>
// kernel: kernel.3.cloned.1.call-start
scs
__scs_entry_jumppad:
0x0: {  	(pc) =	sbr.rel $0x88, $3  }
0x1: {  	(tag) =	ssettag $0x0;
	lr =	simm.s32 $0x1  }
0x2: {  	[smem:$0x3F9F] =	sst lr;
	_ =	strace $0xD0000000  }
0x3: {  	_ = 	snop  }
0x4: {  	_ = 	snop  }
0x5: {  	_ = 	snop  }
0x6: {  	_ = 	snop  }
0x7: {  	_ = 	snop  }
__scs_overlays_trampoline_lowered:
0x8: {  	[smem:$0x3FAE] =	sst s0  }
0x9: {  	[smem:$0x3FAF] =	sst s1  }
0xa: {  	[smem:$0x3FB0] =	sst s2  }
0xb: {  	[smem:$0x3FB1] =	sst s3  }
0xc: {  	[smem:$0x3FB2] =	sst s4  }
0xd: {  	[smem:$0x3FB3] =	sst s5  }
0xe: {  	[smem:$0x3FB4] =	sst s6  }
0xf: {  	[smem:$0x3FB5] =	sst s7  }
0x10: {  	[smem:$0x3FB6] =	sst s8  }
0x11: {  	[smem:$0x3FB7] =	sst s9;
	s0 =	simm.s32 @!p0 $0x0  }
0x12: {  	s1 =	sld [smem:$0x3F9D];
	s0 =	simm.s32 @p0 $0x1  }
0x13: {  	[smem:$0x3FB8] =	sst s0;
	s0 =	simm.s32 @!p1 $0x0  }
0x14: {  	s2 =	sld [smem:$0x3F9C];
	s0 =	simm.s32 @p1 $0x1  }
0x15: {  	[smem:$0x3FB9] =	sst s0;
	s0 =	simm.s32 @!p2 $0x0  }
0x16: {  	s3 =	sld [smem:$0x3FDB];
	s0 =	simm.s32 @p2 $0x1  }
0x17: {  	s4 =	simm.s32 $0x1BF5;
	[smem:$0x3FBB] =	sst s0  }
0x18: {  	s0 =	sld [smem:$0x3F9E];
	_ =	swait.ge [sflag:s4], $0x0  }
0x19: {  	s7 =	sld [smem:$0x3F9F]  }
0x1a: {  	s8 =	sadd.s32 $0xFFFFE003, lr  }
0x1b: {  	s9 =	sadd.s32 $0xFFFFFEF7, lr;
	s5 =	simm.s32 $0xFFFFFFFF;
	p2 =	slt.u32 s8, $0xFFFFF086  }
0x1c: {  	p1 =	slt.u32 s9, $0xF7A;
	s5 =	simm.s32 @!p2 $0x0  }
0x1d: {  	s5 =	simm.s32 @p1 $0x1;
	p0 =	seq.s32 s7, s2  }
0x1e: {  	s7 =	smul.u32 @!p0 $0xF7A, s2;
	p2 =	seq.s32 @!p0 s5, $0x0  }
0x1f: {  	s9 =	smul.u32 $0xF7A, s1;
	s8 =	simm.s32 @!p0 $0x1BF5;
	p2 =	por !p2, p0  }
0x20: {  	[sflag:s8] =	ssyncset.s32 @!p0 $0xFFFFF086;
	s6 =	sadd.s32 @!p0 s3, s7;
	s7 =	simm.s32 @!p0 $0x108  }
0x21: {  	s3 =	sadd.s32 s3, s9;
	s6 =	sadd.s32 @!p0 $0x88, s6;
	s7 =	simm.s32 @p2 $0x1082  }
0x22: {  	[simem:s7], [sflag:s8] =	dma.local @!p0 [hbm:s6], $0xF7A  }
0x23: {  	s9 =	sor.u32 $0xD0000000, s2;
	s6 =	simm.s32 $0x108;
	_ =	swait.ge @!p0 [sflag:s8], $0x0  }
0x24: {  	s3 =	sadd.s32 $0x88, s3;
	s6 =	simm.s32 @!p1 $0x1082;
	[sflag:s4] =	ssyncset.s32 $0xFFFFF086  }
0x25: {  	[simem:s6], [sflag:s4] =	dma.local [hbm:s3], $0xF7A  }
0x26: {  	[smem:$0x3F9F] =	sst s1;
	(tag) =	ssettag s2;
	_ =	strace s9  }
0x27: {  	s1 =	sld [smem:$0x3FAF]  }
0x28: {  	s2 =	sld [smem:$0x3FB0]  }
0x29: {  	s4 =	sld [smem:$0x3FB2]  }
0x2a: {  	p0 =	seq.s32 s5, $0x0;
	s5 =	sld [smem:$0x3FB3]  }
0x2b: {  	s6 =	sld [smem:$0x3FB4]  }
0x2c: {  	s7 =	sld [smem:$0x3FB5]  }
0x2d: {  	s3 =	simm.s32 $0x108;
	s8 =	sld [smem:$0x3FB6]  }
0x2e: {  	s3 =	simm.s32 @!p0 $0x1082;
	s9 =	sld [smem:$0x3FB7]  }
0x2f: {  	lr =	sadd.s32 s0, s3;
	s0 =	sld [smem:$0x3FAE]  }
0x30: {  	s3 =	sld [smem:$0x3FB1]  }
0x31: {  	[smem:$0x3FBA] =	sst s10  }
0x32: {  	s10 =	sld [smem:$0x3FB8];
	_ =	sdelay $0x3  }
0x33: {  	p0 =	seq.s32 s10, $0x1;
	s10 =	sld [smem:$0x3FBA];
	_ =	sdelay $0x3  }
0x34: {  	[smem:$0x3FBA] =	sst s10  }
0x35: {  	s10 =	sld [smem:$0x3FB9];
	_ =	sdelay $0x3  }
0x36: {  	p1 =	seq.s32 s10, $0x1;
	s10 =	sld [smem:$0x3FBA];
	_ =	sdelay $0x3  }
0x37: {  	[smem:$0x3FBA] =	sst s10  }
0x38: {  	s10 =	sld [smem:$0x3FBB]  }
0x39: {  	_ = 	snop;
	(pc) =	sbr.ind lr, $3  }
0x3a: {  	_ = 	snop  }
0x3b: {  	_ = 	snop  }
0x3c: {  	p2 =	seq.s32 s10, $0x1;
	s10 =	sld [smem:$0x3FBA]  }
0x3d: {  	_ =	shalt  }
0x3e: {  	_ =	shalt  }
0x3f: {  	_ =	shalt  }
0x40: {  	_ =	shalt  }
0x41: {  	_ =	shalt  }
0x42: {  	_ =	shalt  }
0x43: {  	_ =	shalt  }
0x44: {  	_ =	shalt  }
0x45: {  	_ =	shalt  }
0x46: {  	_ =	shalt  }
0x47: {  	_ =	shalt  }
0x48: {  	_ =	shalt  }
0x49: {  	_ =	shalt  }
0x4a: {  	_ =	shalt  }
0x4b: {  	_ =	shalt  }
0x4c: {  	_ =	shalt  }
0x4d: {  	_ =	shalt  }
0x4e: {  	_ =	shalt  }
0x4f: {  	_ =	shalt  }
0x50: {  	_ =	shalt  }
0x51: {  	_ =	shalt  }
0x52: {  	_ =	shalt  }
0x53: {  	_ =	shalt  }
0x54: {  	_ =	shalt  }
0x55: {  	_ =	shalt  }
0x56: {  	_ =	shalt  }
0x57: {  	_ =	shalt  }
0x58: {  	_ =	shalt  }
0x59: {  	_ =	shalt  }
0x5a: {  	_ =	shalt  }
0x5b: {  	_ =	shalt  }
0x5c: {  	_ =	shalt  }
0x5d: {  	_ =	shalt  }
0x5e: {  	_ =	shalt  }
0x5f: {  	_ =	shalt  }
0x60: {  	_ =	shalt  }
0x61: {  	_ =	shalt  }
0x62: {  	_ =	shalt  }
0x63: {  	_ =	shalt  }
0x64: {  	_ =	shalt  }
0x65: {  	_ =	shalt  }
0x66: {  	_ =	shalt  }
0x67: {  	_ =	shalt  }
0x68: {  	_ =	shalt  }
0x69: {  	_ =	shalt  }
0x6a: {  	_ =	shalt  }
0x6b: {  	_ =	shalt  }
0x6c: {  	_ =	shalt  }
0x6d: {  	_ =	shalt  }
0x6e: {  	_ =	shalt  }
0x6f: {  	_ =	shalt  }
0x70: {  	_ =	shalt  }
0x71: {  	_ =	shalt  }
0x72: {  	_ =	shalt  }
0x73: {  	_ =	shalt  }
0x74: {  	_ =	shalt  }
0x75: {  	_ =	shalt  }
0x76: {  	_ =	shalt  }
0x77: {  	_ =	shalt  }
0x78: {  	_ =	shalt  }
0x79: {  	_ =	shalt  }
0x7a: {  	_ =	shalt  }
0x7b: {  	_ =	shalt  }
0x7c: {  	_ =	shalt  }
0x7d: {  	_ =	shalt  }
0x7e: {  	_ =	shalt  }
0x7f: {  	_ =	shalt  }
0x80: {  	_ =	shalt  }
0x81: {  	_ =	shalt  }
0x82: {  	_ =	shalt  }
0x83: {  	_ =	shalt  }
0x84: {  	_ =	shalt  }
0x85: {  	_ =	shalt  }
0x86: {  	_ =	shalt  }
0x87: {  	_ =	shalt  }
.Lfunc_end0:
.L_simem_size_0:
called_computation_lowered:
.L_overlay_start_0:
0x88: {  	s2 =	sld [smem:$0x3FD9]  }
0x89: {  	s3 =	sld [smem:$0x3FFE];
	_ =	sdelay $0x1  }
0x8a: {  	s1 =	srdreg.scid  }
0x8b: {  	s0 =	sand.u32 $0x1, s1  }
0x8c: {  	s18 =	sshll.u32 s0, $0xA;
	s2 =	sadd.s32 s3, s2  }
0x8d: {  	s2 =	sadd.s32 s2, s18  }
0x8e: {  	[smem:$0x3FC6] =	sst s2  }
0x8f: {  	_ = 	snop  }
0x90: {  	s2 =	sld [smem:$0x3FC9]  }
0x91: {  	s19 =	sld [smem:$0x3FC8]  }
0x92: {  	s4 =	sld [smem:$0x3FD0];
	(tm) =	ssettm $0x1  }
0x93: {  	s5 =	sld [smem:$0x3FFB];
	_ =	sdelay $0x3  }
0x94: {  	_ =	strace s5  }
0x95: {  	s5 =	sld [smem:$0x3FFC];
	_ =	sdelay $0x3  }
0x96: {  	_ =	strace s5  }
0x97: {  	s5 =	sld [smem:$0x3FFD];
	_ =	sdelay $0x3  }
0x98: {  	_ =	strace s5  }
0x99: {  	_ =	strace $0x8FFFFFFF  }
0x9a: {  	s20 =	sld [smem:$0x3FDB];
	_ =	sdelay $0x1  }
0x9b: {  	s6 =	simm.s32 $_scs_section_size  }
0x9c: {  	s7 =	simm.s32 $_size__tile_overlayer_lowered;
	s8 =	simm.s32 $_tile_overlayer_lowered  }
0x9d: {  	s23 =	simm.s32 $0x1BFF;
	s22 =	sshll.u32 s8, $0x1;
	s5 =	sadd.s32 s6, s20  }
0x9e: {  	s9 =	simm.s32 $0x0;
	s21 =	sshll.u32 s7, $0x1;
	s7 =	sadd.s32 s22, s5  }
0x9f: {  	[timem:s9], [sflag:s23] =	dma.local [hbm:s7], s21  }
0xa0: {  	_ =	swait.ge [sflag:s23], s21  }
0xa1: {  	s6 =	ssub.s32 $0x0, s21;
	[sflag:s23] =	ssyncset.done $0x0  }
0xa2: {  	[sflag:s23] =	ssyncadd.s32 s6;
	_ =	sdelay $0x1  }
0xa3: {  	s24 =	simm.s32 $0x1B8B  }
0xa4: {  	_ =	swait.ge [sflag:s24], $0x1  }
0xa5: {  	[sflag:s24] =	ssyncset.done $0x0  }
0xa6: {  	s25 =	simm.s32 $0x1B8E;
	[sflag:s24] =	ssyncadd.s32 $0xFFFFFFFF  }
0xa7: {  	s26 =	simm.s32 $execute0_lowered;
	[smem:$0x3FD2] =	sst s25  }
0xa8: {  	s6 =	sshll.u32 s26, $0x1;
	_ =	strace $0x80000046;
	[dreg:$0x1] =	wrdreg $0xFFFFFFFF  }
0xa9: {  	s28 =	simm.s32 $_size_execute0_lowered;
	s5 =	sadd.s32 s5, s6;
	[dreg:$0x0] =	wrdreg $0x0  }
0xaa: {  	s6 =	sshll.u32 s28, $0x1;
	[dreg:$0x2] =	wrdreg s5  }
0xab: {  	[dreg:$0x3] =	wrdreg s6  }
0xac: {  	[dreg:$0x4] =	wrdreg $0xC0  }
0xad: {  	_ =	task [dreg:s9], $0x5FFFF  }
0xae: {  	[dreg:$0x1] =	wrdreg $0xFFFFFFFF  }
0xaf: {  	[dreg:$0x0] =	wrdreg $0x60  }
0xb0: {  	[dreg:$0x2] =	wrdreg s2  }
0xb1: {  	[dreg:$0x3] =	wrdreg s19  }
0xb2: {  	[dreg:$0x4] =	wrdreg s4  }
0xb3: {  	[dreg:$0x5] =	wrdreg $0x9  }
0xb4: {  	_ =	task.clear_ibuf [dreg:s9], $0x6FFFF;
	_ =	strace $0x90000046  }
0xb5: {  	s29 =	simm.s32 $0x9;
	_ =	strace $0x80000048  }
0xb6: {  	_ =	swait.ge [sflag:s29], $0x1  }
0xb7: {  	[sflag:s29] =	ssyncadd.s32 $0xFFFFFFFF  }
0xb8: {  	_ =	strace $0x90000048  }
0xb9: {  	_ =	sfence  }
0xba: {  	s30 =	sld [smem:$0x0];
	_ =	sdelay $0x2  }
0xbb: {  	s31 =	sshll.u32 s1, $0xD;
	s1 =	sshrl.u32 s1, $0x2  }
0xbc: {  	s3 =	sand.u32 $0x4000, s31;
	s1 =	sadd.s32 s1, s30  }
0xbd: {  	s0 =	sor.u32 s3, s0;
	s1 =	sshll.u32 s1, $0x11  }
0xbe: {  	s0 =	sor.u32 s1, s0  }
0xbf: {  	s0 =	sadd.s32 $0x8F2B, s0  }
0xc0: {  	[sflag:s0] =	ssyncadd.remote.s32 $0x1  }
0xc1: {  	_ =	sfence.sel $0xFFFF  }
0xc2: {  	[dreg:$0x0] =	wrdreg $0xFFFFFFFF;
	(pc) =	sbr.abs _section_cstart, $3  }
0xc3: {  	[dreg:$0x1] =	wrdreg $0xFFFFFFFF  }
0xc4: {  	_ =	task.clear_ibuf [dreg:s9], $0x2FFFF;
	_ =	strace $0x9FFFFFFF  }
0xc5: {  	(tm) =	ssettm $0x7FFFFFFF  }
tec
execute0_lowered:
.L_overlay_start_1:
0x0: {  	(tag) =	ssettag $0x1  }
0x1: {  	s0 =	rddreg [dreg:$0x0];
	s1 =	srdreg.scid  }
0x2: {  	s5 =	rddreg [dreg:$0x2];
	s2 =	stileid.u32;
	s1 =	sand.u32 $0x1, s1  }
0x3: {  	s4 =	simm.s32 $0x0;
	s2 =	sshll.u32 s2, $0xA;
	s3 =	sshll.u32 s1, $0x9  }
0x4: {  	[smem:$0x7FF] =	sst s4;
	s1 =	ssub.s32 $0x2, s1;
	s2 =	sor.u32 s3, s2  }
0x5: {  	_ =	strace $0x80000047;
	s25 =	sshrl.u32 s1, $0x1;
	s0 =	sadd.s32 s0, s2  }
0x6: {  	s26 =	sshll.u32 s2, $0x3;
	s29 =	sadd.s32 s5, s2;
	[dreg:$0x6] =	wrdreg s0  }
0x7: {  	s1 =	ssub.s32 s1, s25;
	s28 =	sor.u32 $0x800, s26;
	[dreg:$0x7] =	wrdreg s29  }
0x8: {  	s31 =	smax.u32 s1, $0x1;
	[dreg:$0x5] =	wrdreg s28;
	s30 =	sshrl.u32 s28, $0x3  }
0x9: {  	[dreg:$0x9] =	wrdreg s31;
	s0 =	sadd.s32 s5, s30  }
0xa: {  	s13 =	simm.s32 $0x7000;
	s2 =	simm.s32 $0x0;
	[dreg:$0x8] =	wrdreg s0  }
.LBB2_1:
0xb: {  	[dreg:$0xa] =	wrdreg s2  }
0xc: {  	s1 =	simm.s32 $0x0;
	s0 =	rddreg [dreg:$0x6]  }
0xd: {  	s29 =	simm.s32 $0x1000;
	s3 =	simm.s32 $0x20000;
	s30 =	simm.s32 $0x3  }
0xe: {  	[tilespmem:s1], [sflag:$0x3] =	stream.strided.gather [hbm4b:s0+s29], $0x7000, s3, s29, $0x38;
	[tilespmem:$0x1F000] =	vst v63  }
0xf: {  	_ =	swait.ge [sflag:s30], $0x7000  }
0x10: {  	[sflag:s30] =	ssyncset.done $0x0  }
0x11: {  	[sflag:s30] =	ssyncadd.s32 $0xFFFF9000  }
0x12: {  	s31 =	rddreg [dreg:$0x1]  }
0x13: {  	[tilespmem:s13], [sflag:$0x3] =	stream.linear.gather [hbm4b:s31+s1], $0x10000, $0x38;
	[tilespmem:$0x1F000] =	vst v63  }
0x14: {  	s2 =	simm.s32 $0xFFFFFFFC;
	_ =	swait.ge [sflag:s30], $0x10000  }
0x15: {  	p0 =	por $0x0, $0x0;
	s0 =	simm.s32 $0x0;
	[sflag:s30] =	ssyncset.done $0x0  }
0x16: {  	s3 =	simm.s32 $0x0;
	s1 =	simm.s32 $0x0;
	[sflag:s30] =	ssyncadd.s32 $0xFFFF0000  }
.LBB2_2:
0x17: {  	s25 =	sand.u32 $0x40, s0;
	s26 =	sand.u32 $0x400, s3  }
0x18: {  	[dreg:$0x14] =	wrdreg s0;
	s0 =	sor.u32 s25, s26  }
0x19: {  	v0 =	vld [tilespmem:s0+$0x0];
	_ =	sdelay $0x4  }
0x1a: {  	v1 =	vshll.u32 v0, $0x3  }
0x1b: {  	v0 =	vand.u32 $0x7F, v0;
	v1 =	vand.u32 $0xFFFFFC00, v1  }
0x1c: {  	v1 =	vor.u32 v0, v1  }
0x1d: {  	v0 =	vor.u32 $0x80, v1  }
0x1e: {  	v2 =	vor.u32 $0x100, v1  }
0x1f: {  	v3 =	vor.u32 $0x180, v1;
	_ =	sdelay $0x1  }
0x20: {  	v4 =	vld.idx.msk [tilespmem:v1+s13+$0x0], $0xffff  }
0x21: {  	v0 =	vld.idx.msk [tilespmem:v0+s13+$0x0], $0xffff  }
0x22: {  	v2 =	vld.idx.msk [tilespmem:v2+s13+$0x0], $0xffff  }
0x23: {  	v3 =	vld.idx.msk [tilespmem:v3+s13+$0x0], $0xffff  }
0x24: {  	s19 =	sor.u32 $0x17000, s26;
	v5 =	vor.u32 $0x200, v1  }
0x25: {  	s14 =	sor.u32 s25, s19;
	v35 =	vor.u32 $0x280, v1;
	[tilespmem:s0+$0x17000] =	vst v4  }
0x26: {  	s24 =	sor.u32 $0x10, s25;
	v36 =	vor.u32 $0x300, v1;
	[tilespmem:s14+$0x80] =	vst v0  }
0x27: {  	s18 =	sor.u32 s26, s24;
	v37 =	vor.u32 $0x380, v1;
	[tilespmem:s14+$0x100] =	vst v2  }
0x28: {  	v38 =	vld [tilespmem:s18+$0x0];
	[tilespmem:s14+$0x180] =	vst v3  }
0x29: {  	s0 =	simm.s32 $0x1;
	v3 =	vld.idx.msk [tilespmem:v5+s13+$0x0], $0xffff  }
0x2a: {  	s0 =	simm.s32 @!p0 $0x0;
	v4 =	vld.idx.msk [tilespmem:v35+s13+$0x0], $0xffff  }
0x2b: {  	s0 =	sshll.u32 s0, $0x6;
	v0 =	vld.idx.msk [tilespmem:v36+s13+$0x0], $0xffff  }
0x2c: {  	v2 =	vld.idx.msk [tilespmem:v37+s13+$0x0], $0xffff;
	s7 =	sadd.s32 s0, s3  }
0x2d: {  	v39 =	vadd.s32 $0x2000, v1;
	s0 =	sor.u32 $0x200, s7  }
0x2e: {  	s15 =	sor.u32 $0x280, s1;
	v40 =	vadd.s32 $0x2080, v1;
	[tilespmem:s0+$0x17000] =	vst v3  }
0x2f: {  	v41 =	vadd.s32 $0x2100, v1;
	s16 =	sor.u32 $0x300, s7;
	[tilespmem:s15+$0x17000] =	vst v4  }
0x30: {  	s17 =	sor.u32 $0x380, s1;
	v42 =	vshll.u32 v38, $0x3;
	v6 =	vadd.s32 $0x2180, v1;
	[tilespmem:s16+$0x17000] =	vst v0  }
0x31: {  	v5 =	vand.u32 $0xFFFFFC00, v42;
	v0 =	vand.u32 $0x7F, v38;
	[tilespmem:s17+$0x17000] =	vst v2  }
0x32: {  	v0 =	vor.u32 v0, v5;
	v2 =	vld.idx.msk [tilespmem:v39+s13+$0x0], $0xffff  }
0x33: {  	v5 =	vor.u32 $0x80, v0;
	v3 =	vld.idx.msk [tilespmem:v40+s13+$0x0], $0xffff  }
0x34: {  	v7 =	vor.u32 $0x100, v0;
	v4 =	vld.idx.msk [tilespmem:v41+s13+$0x0], $0xffff  }
0x35: {  	s6 =	sor.u32 $0x17800, s26;
	v8 =	vor.u32 $0x180, v0;
	v6 =	vld.idx.msk [tilespmem:v6+s13+$0x0], $0xffff  }
0x36: {  	s9 =	sor.u32 $0x17880, s26;
	s20 =	sor.u32 s25, s6;
	v9 =	vadd.s32 $0x2200, v1  }
0x37: {  	s10 =	sor.u32 $0x17900, s26;
	s21 =	sor.u32 s25, s9;
	v43 =	vadd.s32 $0x2280, v1;
	v10 =	vld.idx.msk [tilespmem:v0+s13+$0x0], $0xffff;
	[tilespmem:s20+$0x0] =	vst v2  }
0x38: {  	s5 =	sor.u32 $0x17980, s26;
	s22 =	sor.u32 s25, s10;
	v44 =	vadd.s32 $0x2300, v1;
	v5 =	vld.idx.msk [tilespmem:v5+s13+$0x0], $0xffff;
	[tilespmem:s21+$0x0] =	vst v3  }
0x39: {  	s23 =	sor.u32 s25, s5;
	v45 =	vadd.s32 $0x2380, v1;
	v7 =	vld.idx.msk [tilespmem:v7+s13+$0x0], $0xffff;
	[tilespmem:s22+$0x0] =	vst v4  }
0x3a: {  	v8 =	vld.idx.msk [tilespmem:v8+s13+$0x0], $0xffff;
	[tilespmem:s23+$0x0] =	vst v6  }
0x3b: {  	v46 =	vor.u32 $0x200, v0;
	v9 =	vld.idx.msk [tilespmem:v9+s13+$0x0], $0xffff  }
0x3c: {  	s28 =	sor.u32 s24, s19;
	v47 =	vor.u32 $0x280, v0;
	[tilespmem:s18+$0x17000] =	vst v10;
	v2 =	vld.idx.msk [tilespmem:v43+s13+$0x0], $0xffff  }
0x3d: {  	v48 =	vor.u32 $0x300, v0;
	v3 =	vld.idx.msk [tilespmem:v44+s13+$0x0], $0xffff;
	[tilespmem:s28+$0x80] =	vst v5  }
0x3e: {  	[dreg:$0x11] =	wrdreg s2;
	s2 =	sor.u32 $0x17A00, s26;
	v49 =	vor.u32 $0x380, v0;
	v4 =	vld.idx.msk [tilespmem:v45+s13+$0x0], $0xffff;
	[tilespmem:s28+$0x100] =	vst v7  }
0x3f: {  	s4 =	sor.u32 $0x17A80, s26;
	s29 =	sor.u32 s25, s2;
	v50 =	vadd.s32 $0x4000, v1;
	[tilespmem:s28+$0x180] =	vst v8  }
0x40: {  	s11 =	sor.u32 $0x17B00, s26;
	s30 =	sor.u32 s25, s4;
	v51 =	vadd.s32 $0x4080, v1;
	v6 =	vld.idx.msk [tilespmem:v46+s13+$0x0], $0xffff;
	[tilespmem:s29+$0x0] =	vst v9  }
0x41: {  	s31 =	sor.u32 s25, s11;
	v52 =	vadd.s32 $0x4100, v1;
	s15 =	sor.u32 $0x17B80, s26;
	v10 =	vld.idx.msk [tilespmem:v47+s13+$0x0], $0xffff;
	[tilespmem:s30+$0x0] =	vst v2  }
0x42: {  	[dreg:$0x16] =	wrdreg s1;
	v53 =	vadd.s32 $0x4180, v1;
	s1 =	sor.u32 s25, s15;
	v5 =	vld.idx.msk [tilespmem:v48+s13+$0x0], $0xffff;
	[tilespmem:s31+$0x0] =	vst v3  }
0x43: {  	[dreg:$0x17] =	wrdreg s3;
	s3 =	sadd.s32 $0x10, s7;
	v7 =	vld.idx.msk [tilespmem:v49+s13+$0x0], $0xffff;
	[tilespmem:s1+$0x0] =	vst v4  }
0x44: {  	[smem:$0x7DC] =	sst s6;
	s8 =	sor.u32 $0x200, s3;
	v54 =	vadd.s32 $0x2000, v0;
	v8 =	vld.idx.msk [tilespmem:v50+s13+$0x0], $0xffff  }
0x45: {  	[smem:$0x7DD] =	sst s9;
	s12 =	sor.u32 $0x280, s3;
	v55 =	vadd.s32 $0x2080, v0;
	[tilespmem:s8+$0x17000] =	vst v6;
	v9 =	vld.idx.msk [tilespmem:v51+s13+$0x0], $0xffff  }
0x46: {  	[smem:$0x7DE] =	sst s10;
	s14 =	sor.u32 $0x300, s3;
	v56 =	vadd.s32 $0x2100, v0;
	[tilespmem:s12+$0x17000] =	vst v10;
	v2 =	vld.idx.msk [tilespmem:v52+s13+$0x0], $0xffff  }
0x47: {  	[smem:$0x7DF] =	sst s5;
	s16 =	sor.u32 $0x380, s3;
	s3 =	sor.u32 $0x18000, s26;
	v57 =	vadd.s32 $0x2180, v0;
	[tilespmem:s14+$0x17000] =	vst v5;
	v3 =	vld.idx.msk [tilespmem:v53+s13+$0x0], $0xffff  }
0x48: {  	[smem:$0x7E0] =	sst s2;
	v58 =	vadd.s32 $0x4200, v1;
	s17 =	sor.u32 s25, s3;
	s8 =	sor.u32 $0x18080, s26;
	[tilespmem:s16+$0x17000] =	vst v7  }
0x49: {  	[smem:$0x7E1] =	sst s4;
	v59 =	vadd.s32 $0x4280, v1;
	s18 =	sor.u32 s25, s8;
	s12 =	sor.u32 $0x18100, s26;
	v4 =	vld.idx.msk [tilespmem:v54+s13+$0x0], $0xffff;
	[tilespmem:s17+$0x0] =	vst v8  }
0x4a: {  	[smem:$0x7E2] =	sst s11;
	s20 =	sor.u32 s25, s12;
	s16 =	sor.u32 $0x18180, s26;
	v6 =	vld.idx.msk [tilespmem:v55+s13+$0x0], $0xffff;
	[tilespmem:s18+$0x0] =	vst v9  }
0x4b: {  	v60 =	vadd.s32 $0x4300, v1;
	[smem:$0x7E3] =	sst s15;
	v10 =	vld.idx.msk [tilespmem:v56+s13+$0x0], $0xffff;
	s21 =	sor.u32 s25, s16;
	[tilespmem:s20+$0x0] =	vst v2  }
0x4c: {  	v61 =	vadd.s32 $0x4380, v1;
	[smem:$0x7E4] =	sst s3;
	v5 =	vld.idx.msk [tilespmem:v57+s13+$0x0], $0xffff;
	[tilespmem:s21+$0x0] =	vst v3  }
0x4d: {  	v62 =	vadd.s32 $0x2200, v0;
	s22 =	sor.u32 s24, s6;
	s6 =	sor.u32 $0x18280, s26;
	s23 =	sor.u32 s24, s9;
	v7 =	vld.idx.msk [tilespmem:v58+s13+$0x0], $0xffff  }
0x4e: {  	v63 =	vadd.s32 $0x2280, v0;
	[smem:$0x7E9] =	sst s6;
	s29 =	sor.u32 s24, s5;
	s5 =	sor.u32 $0x18200, s26;
	[tilespmem:s22+$0x0] =	vst v4;
	v8 =	vld.idx.msk [tilespmem:v59+s13+$0x0], $0xffff  }
0x4f: {  	v12 =	vadd.s32 $0x2300, v0;
	s28 =	sor.u32 s24, s10;
	[smem:$0x7E8] =	sst s5;
	[tilespmem:s23+$0x0] =	vst v6  }
0x50: {  	v13 =	vadd.s32 $0x2380, v0;
	[smem:$0x7E5] =	sst s8;
	v9 =	vld.idx.msk [tilespmem:v60+s13+$0x0], $0xffff;
	[tilespmem:s28+$0x0] =	vst v10  }
0x51: {  	s30 =	sor.u32 s25, s5;
	[smem:$0x7E6] =	sst s12;
	v2 =	vld.idx.msk [tilespmem:v61+s13+$0x0], $0xffff;
	[tilespmem:s29+$0x0] =	vst v5  }
0x52: {  	v14 =	vadd.s32 $0x6000, v1;
	s9 =	sor.u32 $0x18300, s26;
	s31 =	sor.u32 s25, s6;
	[smem:$0x7E7] =	sst s16;
	v3 =	vld.idx.msk [tilespmem:v62+s13+$0x0], $0xffff;
	[tilespmem:s30+$0x0] =	vst v7  }
0x53: {  	v15 =	vadd.s32 $0x6080, v1;
	v4 =	vld.idx.msk [tilespmem:v63+s13+$0x0], $0xffff;
	[tilespmem:s31+$0x0] =	vst v8;
	[smem:$0x7EA] =	sst s9  }
0x54: {  	v16 =	vadd.s32 $0x6100, v1;
	s10 =	sor.u32 $0x18380, s26;
	s1 =	sor.u32 s25, s9;
	v6 =	vld.idx.msk [tilespmem:v12+s13+$0x0], $0xffff  }
0x55: {  	v17 =	vadd.s32 $0x6180, v1;
	s14 =	sor.u32 s25, s10;
	[tilespmem:s1+$0x0] =	vst v9;
	v10 =	vld.idx.msk [tilespmem:v13+s13+$0x0], $0xffff  }
0x56: {  	v18 =	vadd.s32 $0x4000, v0;
	s17 =	sor.u32 s24, s2;
	[tilespmem:s14+$0x0] =	vst v2  }
0x57: {  	v19 =	vadd.s32 $0x4080, v0;
	s18 =	sor.u32 s24, s4;
	[tilespmem:s17+$0x0] =	vst v3;
	v5 =	vld.idx.msk [tilespmem:v14+s13+$0x0], $0xffff  }
0x58: {  	v20 =	vadd.s32 $0x4100, v0;
	s20 =	sor.u32 s24, s11;
	v7 =	vld.idx.msk [tilespmem:v15+s13+$0x0], $0xffff;
	[tilespmem:s18+$0x0] =	vst v4  }
0x59: {  	v21 =	vadd.s32 $0x4180, v0;
	s21 =	sor.u32 s24, s15;
	v8 =	vld.idx.msk [tilespmem:v16+s13+$0x0], $0xffff;
	[tilespmem:s20+$0x0] =	vst v6  }
0x5a: {  	s2 =	sor.u32 $0x18800, s26;
	v9 =	vld.idx.msk [tilespmem:v17+s13+$0x0], $0xffff;
	[tilespmem:s21+$0x0] =	vst v10  }
0x5b: {  	v22 =	vadd.s32 $0x6200, v1;
	s4 =	sor.u32 $0x18880, s26;
	s22 =	sor.u32 s25, s2;
	v2 =	vld.idx.msk [tilespmem:v18+s13+$0x0], $0xffff  }
0x5c: {  	v23 =	vadd.s32 $0x6280, v1;
	s23 =	sor.u32 s25, s4;
	s14 =	sor.u32 $0x18900, s26;
	[tilespmem:s22+$0x0] =	vst v5;
	v3 =	vld.idx.msk [tilespmem:v19+s13+$0x0], $0xffff  }
0x5d: {  	v24 =	vadd.s32 $0x6300, v1;
	s15 =	sor.u32 $0x18980, s26;
	s28 =	sor.u32 s25, s14;
	[tilespmem:s23+$0x0] =	vst v7;
	v4 =	vld.idx.msk [tilespmem:v20+s13+$0x0], $0xffff  }
0x5e: {  	v25 =	vadd.s32 $0x6380, v1;
	s29 =	sor.u32 s25, s15;
	v6 =	vld.idx.msk [tilespmem:v21+s13+$0x0], $0xffff;
	[tilespmem:s28+$0x0] =	vst v8  }
0x5f: {  	v26 =	vadd.s32 $0x4200, v0;
	s30 =	sor.u32 s24, s3;
	[tilespmem:s29+$0x0] =	vst v9  }
0x60: {  	v27 =	vadd.s32 $0x4280, v0;
	s31 =	sor.u32 s24, s8;
	v10 =	vld.idx.msk [tilespmem:v22+s13+$0x0], $0xffff;
	[tilespmem:s30+$0x0] =	vst v2  }
0x61: {  	v28 =	vadd.s32 $0x4300, v0;
	s1 =	sor.u32 s24, s12;
	v5 =	vld.idx.msk [tilespmem:v23+s13+$0x0], $0xffff;
	[tilespmem:s31+$0x0] =	vst v3  }
0x62: {  	v29 =	vadd.s32 $0x4380, v0;
	s3 =	sor.u32 s24, s16;
	v7 =	vld.idx.msk [tilespmem:v24+s13+$0x0], $0xffff;
	[tilespmem:s1+$0x0] =	vst v4  }
0x63: {  	v8 =	vld.idx.msk [tilespmem:v25+s13+$0x0], $0xffff;
	s31 =	sor.u32 $0x18A00, s26;
	[tilespmem:s3+$0x0] =	vst v6  }
0x64: {  	v30 =	vadd.s32 $0x8000, v1;
	s8 =	sor.u32 s25, s31;
	s3 =	sor.u32 $0x18A80, s26;
	v9 =	vld.idx.msk [tilespmem:v26+s13+$0x0], $0xffff  }
0x65: {  	v31 =	vadd.s32 $0x8080, v1;
	s21 =	sor.u32 $0x18B00, s26;
	[tilespmem:s8+$0x0] =	vst v10;
	v2 =	vld.idx.msk [tilespmem:v27+s13+$0x0], $0xffff;
	s11 =	sor.u32 s25, s3  }
0x66: {  	v32 =	vadd.s32 $0x8100, v1;
	s12 =	sor.u32 s25, s21;
	v3 =	vld.idx.msk [tilespmem:v28+s13+$0x0], $0xffff;
	[tilespmem:s11+$0x0] =	vst v5;
	s11 =	sor.u32 $0x18B80, s26  }
0x67: {  	v33 =	vadd.s32 $0x8180, v1;
	v4 =	vld.idx.msk [tilespmem:v29+s13+$0x0], $0xffff;
	[tilespmem:s12+$0x0] =	vst v7;
	s16 =	sor.u32 s25, s11  }
0x68: {  	v34 =	vadd.s32 $0x6000, v0;
	s17 =	sor.u32 s24, s5;
	[tilespmem:s16+$0x0] =	vst v8  }
0x69: {  	v35 =	vadd.s32 $0x6080, v0;
	s18 =	sor.u32 s24, s6;
	v6 =	vld.idx.msk [tilespmem:v30+s13+$0x0], $0xffff;
	[tilespmem:s17+$0x0] =	vst v9  }
0x6a: {  	v37 =	vadd.s32 $0x6100, v0;
	s20 =	sor.u32 s24, s9;
	v36 =	vld.idx.msk [tilespmem:v31+s13+$0x0], $0xffff;
	[tilespmem:s18+$0x0] =	vst v2  }
0x6b: {  	v39 =	vadd.s32 $0x6180, v0;
	s22 =	sor.u32 s24, s10;
	v38 =	vld.idx.msk [tilespmem:v32+s13+$0x0], $0xffff;
	[tilespmem:s20+$0x0] =	vst v3  }
0x6c: {  	s6 =	sor.u32 $0x19000, s26;
	v40 =	vld.idx.msk [tilespmem:v33+s13+$0x0], $0xffff;
	[tilespmem:s22+$0x0] =	vst v4  }
0x6d: {  	v41 =	vadd.s32 $0x8200, v1;
	s23 =	sor.u32 s25, s6;
	s28 =	sor.u32 $0x19080, s26;
	v8 =	vld.idx.msk [tilespmem:v34+s13+$0x0], $0xffff  }
0x6e: {  	v42 =	vadd.s32 $0x8280, v1;
	s29 =	sor.u32 s25, s28;
	s22 =	sor.u32 $0x19100, s26;
	[tilespmem:s23+$0x0] =	vst v6;
	v9 =	vld.idx.msk [tilespmem:v35+s13+$0x0], $0xffff  }
0x6f: {  	v43 =	vadd.s32 $0x8300, v1;
	s9 =	sor.u32 $0x19180, s26;
	v10 =	vld.idx.msk [tilespmem:v37+s13+$0x0], $0xffff;
	s30 =	sor.u32 s25, s22;
	[tilespmem:s29+$0x0] =	vst v36  }
0x70: {  	v44 =	vadd.s32 $0x8380, v1;
	s1 =	sor.u32 s25, s9;
	v5 =	vld.idx.msk [tilespmem:v39+s13+$0x0], $0xffff;
	[tilespmem:s30+$0x0] =	vst v38  }
0x71: {  	[smem:$0x7EC] =	sst s2;
	s2 =	sor.u32 s24, s2;
	[tilespmem:s1+$0x0] =	vst v40  }
0x72: {  	v45 =	vadd.s32 $0x6200, v0;
	[smem:$0x7ED] =	sst s4;
	s4 =	sor.u32 s24, s4;
	v7 =	vld.idx.msk [tilespmem:v41+s13+$0x0], $0xffff;
	[tilespmem:s2+$0x0] =	vst v8  }
0x73: {  	v46 =	vadd.s32 $0x6280, v0;
	s5 =	sor.u32 s24, s14;
	v6 =	vld.idx.msk [tilespmem:v42+s13+$0x0], $0xffff;
	[tilespmem:s4+$0x0] =	vst v9  }
0x74: {  	v47 =	vadd.s32 $0x6300, v0;
	s8 =	sor.u32 s24, s15;
	v2 =	vld.idx.msk [tilespmem:v43+s13+$0x0], $0xffff;
	[tilespmem:s5+$0x0] =	vst v10  }
0x75: {  	v48 =	vadd.s32 $0x6380, v0;
	v3 =	vld.idx.msk [tilespmem:v44+s13+$0x0], $0xffff;
	[tilespmem:s8+$0x0] =	vst v5;
	s8 =	sor.u32 $0x19200, s26  }
0x76: {  	v49 =	vadd.s32 $0xA000, v1;
	[smem:$0x7EB] =	sst s10;
	s5 =	sor.u32 $0x19280, s26;
	s10 =	sor.u32 s25, s8  }
0x77: {  	v50 =	vadd.s32 $0xA080, v1;
	s29 =	sor.u32 $0x19300, s26;
	s12 =	sor.u32 s25, s5;
	v4 =	vld.idx.msk [tilespmem:v45+s13+$0x0], $0xffff;
	[tilespmem:s10+$0x0] =	vst v7  }
0x78: {  	v51 =	vadd.s32 $0xA100, v1;
	[smem:$0x7EE] =	sst s14;
	s17 =	sor.u32 $0x19380, s26;
	s14 =	sor.u32 s25, s29;
	v8 =	vld.idx.msk [tilespmem:v46+s13+$0x0], $0xffff;
	[tilespmem:s12+$0x0] =	vst v6  }
0x79: {  	v52 =	vadd.s32 $0xA180, v1;
	[smem:$0x7EF] =	sst s15;
	s15 =	sor.u32 s25, s17;
	v9 =	vld.idx.msk [tilespmem:v47+s13+$0x0], $0xffff;
	[tilespmem:s14+$0x0] =	vst v2  }
0x7a: {  	v10 =	vld.idx.msk [tilespmem:v48+s13+$0x0], $0xffff;
	[tilespmem:s15+$0x0] =	vst v3  }
0x7b: {  	v53 =	vadd.s32 $0x8000, v0;
	s16 =	sor.u32 s24, s31;
	v54 =	vld.idx.msk [tilespmem:v49+s13+$0x0], $0xffff  }
0x7c: {  	v55 =	vadd.s32 $0x8080, v0;
	s18 =	sor.u32 s24, s3;
	[tilespmem:s16+$0x0] =	vst v4;
	v7 =	vld.idx.msk [tilespmem:v50+s13+$0x0], $0xffff  }
0x7d: {  	v56 =	vadd.s32 $0x8100, v0;
	s20 =	sor.u32 s24, s21;
	v6 =	vld.idx.msk [tilespmem:v51+s13+$0x0], $0xffff;
	[tilespmem:s18+$0x0] =	vst v8  }
0x7e: {  	v57 =	vadd.s32 $0x8180, v0;
	s23 =	sor.u32 s24, s11;
	v2 =	vld.idx.msk [tilespmem:v52+s13+$0x0], $0xffff;
	s16 =	sor.u32 $0x19800, s26;
	[tilespmem:s20+$0x0] =	vst v9  }
0x7f: {  	v58 =	vadd.s32 $0xA200, v1;
	s4 =	sor.u32 $0x19880, s26;
	s30 =	sor.u32 s25, s16;
	[tilespmem:s23+$0x0] =	vst v10  }
0x80: {  	v59 =	vadd.s32 $0xA280, v1;
	s1 =	sor.u32 s25, s4;
	s12 =	sor.u32 $0x19900, s26;
	v3 =	vld.idx.msk [tilespmem:v53+s13+$0x0], $0xffff;
	[tilespmem:s30+$0x0] =	vst v54  }
0x81: {  	v60 =	vadd.s32 $0xA300, v1;
	s2 =	sor.u32 s25, s12;
	s15 =	sor.u32 $0x19980, s26;
	v5 =	vld.idx.msk [tilespmem:v55+s13+$0x0], $0xffff;
	[tilespmem:s1+$0x0] =	vst v7  }
0x82: {  	v61 =	vadd.s32 $0xA380, v1;
	[smem:$0x7F0] =	sst s3;
	s3 =	sor.u32 s25, s15;
	v8 =	vld.idx.msk [tilespmem:v56+s13+$0x0], $0xffff;
	[tilespmem:s2+$0x0] =	vst v6  }
0x83: {  	v9 =	vld.idx.msk [tilespmem:v57+s13+$0x0], $0xffff;
	[tilespmem:s3+$0x0] =	vst v2  }
0x84: {  	v62 =	vadd.s32 $0x8200, v0;
	s10 =	sor.u32 s24, s6;
	v63 =	vld.idx.msk [tilespmem:v58+s13+$0x0], $0xffff  }
0x85: {  	v12 =	vadd.s32 $0x8280, v0;
	s14 =	sor.u32 s24, s28;
	[tilespmem:s10+$0x0] =	vst v3;
	v4 =	vld.idx.msk [tilespmem:v59+s13+$0x0], $0xffff  }
0x86: {  	v13 =	vadd.s32 $0x8300, v0;
	s18 =	sor.u32 s24, s22;
	v7 =	vld.idx.msk [tilespmem:v60+s13+$0x0], $0xffff;
	[tilespmem:s14+$0x0] =	vst v5  }
0x87: {  	v14 =	vadd.s32 $0x8380, v0;
	s20 =	sor.u32 s24, s9;
	s3 =	sor.u32 $0x19A00, s26;
	v6 =	vld.idx.msk [tilespmem:v61+s13+$0x0], $0xffff;
	[tilespmem:s18+$0x0] =	vst v8  }
0x88: {  	v15 =	vadd.s32 $0xC000, v1;
	s23 =	sor.u32 s25, s3;
	s10 =	sor.u32 $0x19A80, s26;
	[tilespmem:s20+$0x0] =	vst v9  }
0x89: {  	v16 =	vadd.s32 $0xC080, v1;
	s30 =	sor.u32 s25, s10;
	s14 =	sor.u32 $0x19B00, s26;
	v2 =	vld.idx.msk [tilespmem:v62+s13+$0x0], $0xffff;
	[tilespmem:s23+$0x0] =	vst v63  }
0x8a: {  	v17 =	vadd.s32 $0xC100, v1;
	s2 =	sor.u32 $0x19B80, s26;
	s1 =	sor.u32 s25, s14;
	v10 =	vld.idx.msk [tilespmem:v12+s13+$0x0], $0xffff;
	[tilespmem:s30+$0x0] =	vst v4  }
0x8b: {  	[smem:$0x7F1] =	sst s6;
	v18 =	vadd.s32 $0xC180, v1;
	s6 =	sor.u32 s25, s2;
	v5 =	vld.idx.msk [tilespmem:v13+s13+$0x0], $0xffff;
	[tilespmem:s1+$0x0] =	vst v7  }
0x8c: {  	v8 =	vld.idx.msk [tilespmem:v14+s13+$0x0], $0xffff;
	[tilespmem:s6+$0x0] =	vst v6  }
0x8d: {  	v19 =	vadd.s32 $0xA000, v0;
	[smem:$0x7F2] =	sst s8;
	s8 =	sor.u32 s24, s8;
	v20 =	vld.idx.msk [tilespmem:v15+s13+$0x0], $0xffff  }
0x8e: {  	v21 =	vadd.s32 $0xA080, v0;
	s18 =	sor.u32 s24, s5;
	[tilespmem:s8+$0x0] =	vst v2;
	v3 =	vld.idx.msk [tilespmem:v16+s13+$0x0], $0xffff  }
0x8f: {  	v22 =	vadd.s32 $0xA100, v0;
	s20 =	sor.u32 s24, s29;
	v4 =	vld.idx.msk [tilespmem:v17+s13+$0x0], $0xffff;
	[tilespmem:s18+$0x0] =	vst v10  }
0x90: {  	v23 =	vadd.s32 $0xA180, v0;
	[smem:$0x7F3] =	sst s5;
	s5 =	sor.u32 $0x1A000, s26;
	s23 =	sor.u32 s24, s17;
	v7 =	vld.idx.msk [tilespmem:v18+s13+$0x0], $0xffff;
	[tilespmem:s20+$0x0] =	vst v5  }
0x91: {  	v24 =	vadd.s32 $0xC200, v1;
	s30 =	sor.u32 s25, s5;
	s6 =	sor.u32 $0x1A080, s26;
	[tilespmem:s23+$0x0] =	vst v8  }
0x92: {  	v25 =	vadd.s32 $0xC280, v1;
	s1 =	sor.u32 s25, s6;
	v6 =	vld.idx.msk [tilespmem:v19+s13+$0x0], $0xffff;
	[tilespmem:s30+$0x0] =	vst v20;
	s30 =	sor.u32 $0x1A100, s26  }
0x93: {  	v26 =	vadd.s32 $0xC300, v1;
	s18 =	sor.u32 $0x1A180, s26;
	v9 =	vld.idx.msk [tilespmem:v21+s13+$0x0], $0xffff;
	[tilespmem:s1+$0x0] =	vst v3;
	s8 =	sor.u32 s25, s30  }
0x94: {  	v27 =	vadd.s32 $0xC380, v1;
	s20 =	sor.u32 s25, s18;
	v10 =	vld.idx.msk [tilespmem:v22+s13+$0x0], $0xffff;
	[tilespmem:s8+$0x0] =	vst v4  }
0x95: {  	v5 =	vld.idx.msk [tilespmem:v23+s13+$0x0], $0xffff;
	[tilespmem:s20+$0x0] =	vst v7  }
0x96: {  	v28 =	vadd.s32 $0xA200, v0;
	s23 =	sor.u32 s24, s16;
	v29 =	vld.idx.msk [tilespmem:v24+s13+$0x0], $0xffff  }
0x97: {  	v30 =	vadd.s32 $0xA280, v0;
	s1 =	sor.u32 s24, s4;
	[tilespmem:s23+$0x0] =	vst v6;
	v2 =	vld.idx.msk [tilespmem:v25+s13+$0x0], $0xffff  }
0x98: {  	v31 =	vadd.s32 $0xA300, v0;
	[smem:$0x7F5] =	sst s4;
	s4 =	sor.u32 s24, s12;
	v3 =	vld.idx.msk [tilespmem:v26+s13+$0x0], $0xffff;
	[tilespmem:s1+$0x0] =	vst v9  }
0x99: {  	v32 =	vadd.s32 $0xA380, v0;
	[smem:$0x7F6] =	sst s12;
	s8 =	sor.u32 s24, s15;
	v4 =	vld.idx.msk [tilespmem:v27+s13+$0x0], $0xffff;
	s23 =	sor.u32 $0x1A200, s26;
	[tilespmem:s4+$0x0] =	vst v10  }
0x9a: {  	v33 =	vadd.s32 $0xE000, v1;
	[smem:$0x7F7] =	sst s15;
	s20 =	sor.u32 $0x1A280, s26;
	s12 =	sor.u32 s25, s23;
	[tilespmem:s8+$0x0] =	vst v5  }
0x9b: {  	v34 =	vadd.s32 $0xE080, v1;
	[smem:$0x7F4] =	sst s16;
	s16 =	sor.u32 $0x1A300, s26;
	s15 =	sor.u32 s25, s20;
	v7 =	vld.idx.msk [tilespmem:v28+s13+$0x0], $0xffff;
	[tilespmem:s12+$0x0] =	vst v29  }
0x9c: {  	v35 =	vadd.s32 $0xE100, v1;
	s1 =	sor.u32 s25, s16;
	v8 =	vld.idx.msk [tilespmem:v30+s13+$0x0], $0xffff;
	[tilespmem:s15+$0x0] =	vst v2;
	s15 =	sor.u32 $0x1A380, s26  }
0x9d: {  	v36 =	vadd.s32 $0xE180, v1;
	v9 =	vld.idx.msk [tilespmem:v31+s13+$0x0], $0xffff;
	[tilespmem:s1+$0x0] =	vst v3;
	s4 =	sor.u32 s25, s15  }
0x9e: {  	v10 =	vld.idx.msk [tilespmem:v32+s13+$0x0], $0xffff;
	[tilespmem:s4+$0x0] =	vst v4  }
0x9f: {  	v37 =	vadd.s32 $0xC000, v0;
	s8 =	sor.u32 s24, s3;
	v5 =	vld.idx.msk [tilespmem:v33+s13+$0x0], $0xffff  }
0xa0: {  	v38 =	vadd.s32 $0xC080, v0;
	s12 =	sor.u32 s24, s10;
	[tilespmem:s8+$0x0] =	vst v7;
	v6 =	vld.idx.msk [tilespmem:v34+s13+$0x0], $0xffff  }
0xa1: {  	s0 =	sor.u32 $0x20, s25;
	v39 =	vadd.s32 $0xC100, v0;
	s1 =	sor.u32 s24, s14;
	v2 =	vld.idx.msk [tilespmem:v35+s13+$0x0], $0xffff;
	[tilespmem:s12+$0x0] =	vst v8  }
0xa2: {  	v40 =	vadd.s32 $0xC180, v0;
	[smem:$0x7FB] =	sst s2;
	s2 =	sor.u32 s24, s2;
	s4 =	sor.u32 s26, s0;
	v3 =	vld.idx.msk [tilespmem:v36+s13+$0x0], $0xffff;
	[tilespmem:s1+$0x0] =	vst v9  }
0xa3: {  	[smem:$0x7FA] =	sst s14;
	s14 =	sor.u32 $0x1A800, s26;
	v42 =	vld [tilespmem:s4+$0x0];
	[tilespmem:s2+$0x0] =	vst v10  }
0xa4: {  	[smem:$0x7F8] =	sst s3;
	s3 =	sor.u32 s25, s14;
	s12 =	sor.u32 $0x1A880, s26;
	v4 =	vld.idx.msk [tilespmem:v37+s13+$0x0], $0xffff  }
0xa5: {  	[smem:$0x7F9] =	sst s10;
	s10 =	sor.u32 $0x1A900, s26;
	s8 =	sor.u32 s25, s12;
	v7 =	vld.idx.msk [tilespmem:v38+s13+$0x0], $0xffff;
	[tilespmem:s3+$0x0] =	vst v5  }
0xa6: {  	s2 =	sor.u32 s25, s10;
	v8 =	vld.idx.msk [tilespmem:v39+s13+$0x0], $0xffff;
	[tilespmem:s8+$0x0] =	vst v6;
	s8 =	sor.u32 $0x1A980, s26  }
0xa7: {  	v9 =	vld.idx.msk [tilespmem:v40+s13+$0x0], $0xffff;
	[tilespmem:s2+$0x0] =	vst v2;
	s3 =	sor.u32 s25, s8  }
0xa8: {  	[smem:$0x7FC] =	sst s5;
	v12 =	vadd.s32 $0xC200, v0;
	s5 =	sor.u32 s24, s5;
	s1 =	sor.u32 $0x30, s25;
	[tilespmem:s3+$0x0] =	vst v3  }
0xa9: {  	v13 =	vadd.s32 $0xC280, v0;
	[smem:$0x7FD] =	sst s6;
	s6 =	sor.u32 s24, s6;
	s3 =	sor.u32 s26, s1;
	[tilespmem:s5+$0x0] =	vst v4  }
0xaa: {  	v44 =	vadd.s32 $0xC300, v0;
	v45 =	vshll.u32 v42, $0x3;
	v14 =	vld [tilespmem:s3+$0x0];
	s5 =	sor.u32 s24, s30;
	[tilespmem:s6+$0x0] =	vst v7  }
0xab: {  	v46 =	vadd.s32 $0xC380, v0;
	v10 =	vand.u32 $0x7F, v42;
	v3 =	vand.u32 $0xFFFFFC00, v45;
	s6 =	sor.u32 s24, s18;
	[tilespmem:s5+$0x0] =	vst v8  }
0xac: {  	v3 =	vor.u32 v10, v3;
	[tilespmem:s6+$0x0] =	vst v9  }
0xad: {  	v10 =	vor.u32 $0x80, v3;
	v9 =	vld.idx.msk [tilespmem:v12+s13+$0x0], $0xffff  }
0xae: {  	v48 =	vor.u32 $0x100, v3;
	v47 =	vld.idx.msk [tilespmem:v13+s13+$0x0], $0xffff  }
0xaf: {  	v50 =	vor.u32 $0x180, v3;
	v7 =	vld.idx.msk [tilespmem:v44+s13+$0x0], $0xffff;
	v49 =	vshll.u32 v14, $0x3  }
0xb0: {  	v8 =	vld.idx.msk [tilespmem:v46+s13+$0x0], $0xffff;
	v14 =	vand.u32 $0x7F, v14;
	v2 =	vand.u32 $0xFFFFFC00, v49  }
0xb1: {  	v51 =	vld.idx.msk [tilespmem:v3+s13+$0x0], $0xffff;
	v2 =	vor.u32 v14, v2  }
0xb2: {  	v10 =	vld.idx.msk [tilespmem:v10+s13+$0x0], $0xffff;
	v15 =	vor.u32 $0x80, v2  }
0xb3: {  	s5 =	sor.u32 s24, s23;
	v52 =	vld.idx.msk [tilespmem:v48+s13+$0x0], $0xffff;
	v16 =	vor.u32 $0x100, v2  }
0xb4: {  	s6 =	sor.u32 s24, s20;
	v54 =	vld.idx.msk [tilespmem:v50+s13+$0x0], $0xffff;
	v53 =	vor.u32 $0x180, v2;
	[tilespmem:s5+$0x0] =	vst v9  }
0xb5: {  	v55 =	vor.u32 $0x200, v3;
	[tilespmem:s6+$0x0] =	vst v47  }
0xb6: {  	v11 =	vadd.s32 $0xE280, v1;
	[tilespmem:s4+$0x17000] =	vst v51;
	s6 =	sor.u32 s0, s19;
	v56 =	vld.idx.msk [tilespmem:v2+s13+$0x0], $0xffff  }
0xb7: {  	v57 =	vor.u32 $0x280, v3;
	[tilespmem:s6+$0x80] =	vst v10;
	v15 =	vld.idx.msk [tilespmem:v15+s13+$0x0], $0xffff  }
0xb8: {  	v58 =	vor.u32 $0x300, v3;
	[tilespmem:s6+$0x100] =	vst v52;
	v16 =	vld.idx.msk [tilespmem:v16+s13+$0x0], $0xffff  }
0xb9: {  	v59 =	vor.u32 $0x380, v3;
	s5 =	sor.u32 s24, s16;
	[tilespmem:s6+$0x180] =	vst v54;
	v12 =	vld.idx.msk [tilespmem:v53+s13+$0x0], $0xffff  }
0xba: {  	v60 =	vor.u32 $0x200, v2;
	[tilespmem:s5+$0x0] =	vst v7;
	v7 =	vld.idx.msk [tilespmem:v55+s13+$0x0], $0xffff  }
0xbb: {  	v5 =	vld.idx.msk [tilespmem:v11+s13+$0x0], $0xffff;
	v61 =	vor.u32 $0x280, v2;
	s19 =	sor.u32 s1, s19;
	[tilespmem:s3+$0x17000] =	vst v56  }
0xbc: {  	v62 =	vor.u32 $0x300, v2;
	v14 =	vld.idx.msk [tilespmem:v57+s13+$0x0], $0xffff;
	[tilespmem:s19+$0x80] =	vst v15  }
0xbd: {  	v63 =	vor.u32 $0x380, v2;
	s4 =	sadd.s32 $0x20, s7;
	v10 =	vld.idx.msk [tilespmem:v58+s13+$0x0], $0xffff;
	[tilespmem:s19+$0x100] =	vst v16  }
0xbe: {  	s5 =	sor.u32 $0x200, s4;
	v9 =	vld.idx.msk [tilespmem:v59+s13+$0x0], $0xffff;
	[tilespmem:s19+$0x180] =	vst v12  }
0xbf: {  	v21 =	vadd.s32 $0x2000, v3;
	s3 =	sor.u32 s24, s15;
	[tilespmem:s5+$0x17000] =	vst v7;
	v11 =	vld.idx.msk [tilespmem:v60+s13+$0x0], $0xffff  }
0xc0: {  	s6 =	sor.u32 $0x280, s4;
	[tilespmem:s3+$0x0] =	vst v8;
	v13 =	vld.idx.msk [tilespmem:v61+s13+$0x0], $0xffff  }
0xc1: {  	v22 =	vadd.s32 $0x2080, v3;
	[tilespmem:s6+$0x17000] =	vst v14;
	s19 =	sor.u32 $0x300, s4;
	v15 =	vld.idx.msk [tilespmem:v62+s13+$0x0], $0xffff  }
0xc2: {  	v23 =	vadd.s32 $0x2100, v3;
	s5 =	sadd.s32 $0x30, s7;
	s4 =	sor.u32 $0x380, s4;
	[tilespmem:s19+$0x17000] =	vst v10;
	v16 =	vld.idx.msk [tilespmem:v63+s13+$0x0], $0xffff  }
0xc3: {  	v24 =	vadd.s32 $0x2180, v3;
	s6 =	sor.u32 $0x200, s5;
	[tilespmem:s4+$0x17000] =	vst v9  }
0xc4: {  	v26 =	vadd.s32 $0x2000, v2;
	s7 =	sor.u32 $0x280, s5;
	v8 =	vld.idx.msk [tilespmem:v21+s13+$0x0], $0xffff;
	[tilespmem:s6+$0x17000] =	vst v11  }
0xc5: {  	s3 =	sld [smem:$0x7DC];
	s19 =	sor.u32 $0x300, s5;
	[tilespmem:s7+$0x17000] =	vst v13  }
0xc6: {  	v27 =	vadd.s32 $0x2080, v2;
	s4 =	sor.u32 $0x380, s5;
	v7 =	vld.idx.msk [tilespmem:v22+s13+$0x0], $0xffff;
	[tilespmem:s19+$0x17000] =	vst v15  }
0xc7: {  	v28 =	vadd.s32 $0x2100, v2;
	v14 =	vld.idx.msk [tilespmem:v23+s13+$0x0], $0xffff;
	[tilespmem:s4+$0x17000] =	vst v16;
	s4 =	sld [smem:$0x7DD]  }
0xc8: {  	v29 =	vadd.s32 $0x2180, v2;
	v10 =	vld.idx.msk [tilespmem:v24+s13+$0x0], $0xffff;
	s5 =	sor.u32 s0, s3  }
0xc9: {  	[tilespmem:s5+$0x0] =	vst v8;
	s5 =	sld [smem:$0x7DE];
	v12 =	vld.idx.msk [tilespmem:v26+s13+$0x0], $0xffff  }
0xca: {  	s6 =	sor.u32 s0, s4  }
0xcb: {  	v17 =	vadd.s32 $0x2200, v3;
	v11 =	vld.idx.msk [tilespmem:v27+s13+$0x0], $0xffff;
	[tilespmem:s6+$0x0] =	vst v7;
	s6 =	sld [smem:$0x7DF]  }
0xcc: {  	v31 =	vadd.s32 $0x2280, v3;
	v13 =	vld.idx.msk [tilespmem:v28+s13+$0x0], $0xffff;
	s7 =	sor.u32 s0, s5  }
0xcd: {  	v15 =	vld.idx.msk [tilespmem:v29+s13+$0x0], $0xffff;
	[tilespmem:s7+$0x0] =	vst v14;
	s7 =	sor.u32 s1, s3  }
0xce: {  	[tilespmem:s7+$0x0] =	vst v12;
	s19 =	sor.u32 s0, s6  }
0xcf: {  	v32 =	vadd.s32 $0x2300, v3;
	[tilespmem:s19+$0x0] =	vst v10;
	s19 =	sor.u32 s1, s4  }
0xd0: {  	v33 =	vadd.s32 $0x2380, v3;
	s3 =	sor.u32 s1, s5;
	v36 =	vld.idx.msk [tilespmem:v17+s13+$0x0], $0xffff;
	[tilespmem:s19+$0x0] =	vst v11  }
0xd1: {  	v35 =	vadd.s32 $0x2200, v2;
	s4 =	sor.u32 s1, s6;
	v8 =	vld.idx.msk [tilespmem:v31+s13+$0x0], $0xffff;
	[tilespmem:s3+$0x0] =	vst v13;
	s3 =	sld [smem:$0x7E0]  }
0xd2: {  	v37 =	vadd.s32 $0x2280, v2;
	[tilespmem:s4+$0x0] =	vst v15;
	s4 =	sld [smem:$0x7E1]  }
0xd3: {  	v38 =	vadd.s32 $0x2300, v2  }
0xd4: {  	v39 =	vadd.s32 $0x2380, v2;
	v7 =	vld.idx.msk [tilespmem:v32+s13+$0x0], $0xffff;
	s5 =	sor.u32 s0, s3  }
0xd5: {  	v14 =	vld.idx.msk [tilespmem:v33+s13+$0x0], $0xffff;
	[tilespmem:s5+$0x0] =	vst v36;
	s6 =	sor.u32 s0, s4;
	s5 =	sld [smem:$0x7E2]  }
0xd6: {  	v41 =	vadd.s32 $0xE200, v1;
	v16 =	vld.idx.msk [tilespmem:v35+s13+$0x0], $0xffff;
	[tilespmem:s6+$0x0] =	vst v8;
	s6 =	sld [smem:$0x7E3]  }
0xd7: {  	v43 =	vadd.s32 $0xE300, v1;
	v17 =	vld.idx.msk [tilespmem:v37+s13+$0x0], $0xffff  }
0xd8: {  	v18 =	vadd.s32 $0x4000, v3;
	v11 =	vld.idx.msk [tilespmem:v38+s13+$0x0], $0xffff;
	s7 =	sor.u32 s0, s5  }
0xd9: {  	v13 =	vld.idx.msk [tilespmem:v39+s13+$0x0], $0xffff;
	[tilespmem:s7+$0x0] =	vst v7;
	s19 =	sor.u32 s0, s6  }
0xda: {  	v1 =	vadd.s32 $0xE380, v1;
	s7 =	sor.u32 s1, s3;
	[tilespmem:s19+$0x0] =	vst v14  }
0xdb: {  	v6 =	vld.idx.msk [tilespmem:v41+s13+$0x0], $0xffff;
	v41 =	vadd.s32 $0x4080, v3;
	[tilespmem:s7+$0x0] =	vst v16;
	s19 =	sor.u32 s1, s4  }
0xdc: {  	v4 =	vld.idx.msk [tilespmem:v43+s13+$0x0], $0xffff;
	v42 =	vadd.s32 $0x4100, v3;
	s3 =	sor.u32 s1, s5;
	[tilespmem:s19+$0x0] =	vst v17  }
0xdd: {  	v43 =	vadd.s32 $0x4180, v3;
	s4 =	sor.u32 s1, s6;
	v46 =	vld.idx.msk [tilespmem:v18+s13+$0x0], $0xffff;
	[tilespmem:s3+$0x0] =	vst v11  }
0xde: {  	[tilespmem:s4+$0x0] =	vst v13;
	s4 =	sld [smem:$0x7E4]  }
0xdf: {  	v1 =	vld.idx.msk [tilespmem:v1+s13+$0x0], $0xffff;
	s7 =	sor.u32 $0x1AA00, s26  }
0xe0: {  	v12 =	vld.idx.msk [tilespmem:v41+s13+$0x0], $0xffff;
	s5 =	sor.u32 s25, s7  }
0xe1: {  	v45 =	vadd.s32 $0x4000, v2;
	v8 =	vld.idx.msk [tilespmem:v42+s13+$0x0], $0xffff;
	[tilespmem:s5+$0x0] =	vst v6;
	s5 =	sld [smem:$0x7E5];
	s6 =	sor.u32 s0, s4  }
0xe2: {  	v47 =	vadd.s32 $0x4080, v2;
	v7 =	vld.idx.msk [tilespmem:v43+s13+$0x0], $0xffff;
	[tilespmem:s6+$0x0] =	vst v46;
	s6 =	sld [smem:$0x7E6];
	_ =	sdelay $0x1  }
0xe3: {  	v48 =	vadd.s32 $0x4100, v2;
	s19 =	sor.u32 s0, s5  }
0xe4: {  	v49 =	vadd.s32 $0x4180, v2;
	[tilespmem:s19+$0x0] =	vst v12;
	s2 =	sor.u32 s0, s6  }
0xe5: {  	v51 =	vadd.s32 $0x4200, v3;
	v15 =	vld.idx.msk [tilespmem:v45+s13+$0x0], $0xffff;
	[tilespmem:s2+$0x0] =	vst v8;
	s2 =	sld [smem:$0x7E7]  }
0xe6: {  	v18 =	vld.idx.msk [tilespmem:v47+s13+$0x0], $0xffff;
	_ =	sdelay $0x1  }
0xe7: {  	v52 =	vadd.s32 $0x4280, v3;
	v17 =	vld.idx.msk [tilespmem:v48+s13+$0x0], $0xffff;
	s19 =	sor.u32 s0, s2  }
0xe8: {  	v53 =	vadd.s32 $0x4300, v3;
	v11 =	vld.idx.msk [tilespmem:v49+s13+$0x0], $0xffff;
	[tilespmem:s19+$0x0] =	vst v7;
	s19 =	sor.u32 s1, s4  }
0xe9: {  	v54 =	vadd.s32 $0x4380, v3;
	s4 =	sor.u32 s1, s5;
	[tilespmem:s19+$0x0] =	vst v15;
	v6 =	vld.idx.msk [tilespmem:v51+s13+$0x0], $0xffff  }
0xea: {  	[tilespmem:s4+$0x0] =	vst v18;
	s4 =	sld [smem:$0x7E8];
	_ =	sdelay $0x1  }
0xeb: {  	v16 =	vld.idx.msk [tilespmem:v52+s13+$0x0], $0xffff  }
0xec: {  	s5 =	sor.u32 s1, s6;
	s6 =	sor.u32 s1, s2;
	v12 =	vld.idx.msk [tilespmem:v53+s13+$0x0], $0xffff;
	s2 =	sor.u32 s0, s4  }
0xed: {  	v8 =	vld.idx.msk [tilespmem:v54+s13+$0x0], $0xffff;
	[tilespmem:s2+$0x0] =	vst v6;
	s2 =	sld [smem:$0x7E9]  }
0xee: {  	v20 =	vadd.s32 $0xE000, v0;
	_ =	sdelay $0x1  }
0xef: {  	v30 =	vadd.s32 $0xE080, v0;
	[tilespmem:s5+$0x0] =	vst v17;
	s5 =	sor.u32 s0, s2  }
0xf0: {  	v40 =	vadd.s32 $0xE100, v0;
	[tilespmem:s5+$0x0] =	vst v16;
	s5 =	sld [smem:$0x7EA]  }
0xf1: {  	v50 =	vadd.s32 $0xE180, v0  }
0xf2: {  	v56 =	vadd.s32 $0x4200, v2;
	v25 =	vld.idx.msk [tilespmem:v20+s13+$0x0], $0xffff  }
0xf3: {  	v57 =	vadd.s32 $0x4280, v2;
	[tilespmem:s6+$0x0] =	vst v11;
	s6 =	sor.u32 s0, s5  }
0xf4: {  	v34 =	vld.idx.msk [tilespmem:v30+s13+$0x0], $0xffff;
	v60 =	vadd.s32 $0x6000, v3;
	[tilespmem:s6+$0x0] =	vst v12;
	s6 =	sld [smem:$0x7EB]  }
0xf5: {  	v58 =	vadd.s32 $0x4300, v2;
	v44 =	vld.idx.msk [tilespmem:v40+s13+$0x0], $0xffff  }
0xf6: {  	v59 =	vadd.s32 $0x4380, v2;
	v55 =	vld.idx.msk [tilespmem:v50+s13+$0x0], $0xffff;
	s19 =	sor.u32 s24, s14  }
0xf7: {  	v61 =	vadd.s32 $0x6080, v3;
	[tilespmem:s19+$0x0] =	vst v25;
	v11 =	vld.idx.msk [tilespmem:v56+s13+$0x0], $0xffff;
	s19 =	sor.u32 s0, s6  }
0xf8: {  	v63 =	vadd.s32 $0x6100, v3;
	v62 =	vld.idx.msk [tilespmem:v57+s13+$0x0], $0xffff;
	[tilespmem:s19+$0x0] =	vst v8  }
0xf9: {  	v21 =	vadd.s32 $0x6180, v3;
	s19 =	sor.u32 s1, s4;
	s4 =	sor.u32 s1, s2;
	s2 =	sor.u32 s24, s12;
	v9 =	vld.idx.msk [tilespmem:v60+s13+$0x0], $0xffff  }
0xfa: {  	v20 =	vld.idx.msk [tilespmem:v58+s13+$0x0], $0xffff;
	[tilespmem:s2+$0x0] =	vst v34;
	s2 =	sld [smem:$0x7EC]  }
0xfb: {  	v17 =	vld.idx.msk [tilespmem:v59+s13+$0x0], $0xffff  }
0xfc: {  	[tilespmem:s19+$0x0] =	vst v11;
	v6 =	vld.idx.msk [tilespmem:v61+s13+$0x0], $0xffff  }
0xfd: {  	v15 =	vld.idx.msk [tilespmem:v63+s13+$0x0], $0xffff;
	[tilespmem:s4+$0x0] =	vst v62;
	s4 =	sor.u32 s0, s2  }
0xfe: {  	v22 =	vadd.s32 $0x6000, v2;
	v12 =	vld.idx.msk [tilespmem:v21+s13+$0x0], $0xffff;
	[tilespmem:s4+$0x0] =	vst v9;
	s4 =	sld [smem:$0x7ED]  }
0xff: {  	v23 =	vadd.s32 $0x6080, v2;
	s5 =	sor.u32 s1, s5  }
0x100: {  	s19 =	sor.u32 s1, s6;
	[tilespmem:s5+$0x0] =	vst v20  }
0x101: {  	v24 =	vadd.s32 $0x6100, v2;
	[tilespmem:s19+$0x0] =	vst v17;
	s5 =	sor.u32 s0, s4  }
0x102: {  	v25 =	vadd.s32 $0x6180, v2;
	[tilespmem:s5+$0x0] =	vst v6;
	s5 =	sld [smem:$0x7EE]  }
0x103: {  	v8 =	vld.idx.msk [tilespmem:v22+s13+$0x0], $0xffff  }
0x104: {  	v11 =	vld.idx.msk [tilespmem:v23+s13+$0x0], $0xffff  }
0x105: {  	s6 =	sor.u32 s0, s5  }
0x106: {  	v26 =	vadd.s32 $0x6200, v3;
	v13 =	vld.idx.msk [tilespmem:v24+s13+$0x0], $0xffff;
	[tilespmem:s6+$0x0] =	vst v15;
	s6 =	sld [smem:$0x7EF]  }
0x107: {  	v27 =	vadd.s32 $0x6280, v3;
	s2 =	sor.u32 s1, s2;
	v16 =	vld.idx.msk [tilespmem:v25+s13+$0x0], $0xffff  }
0x108: {  	v30 =	vadd.s32 $0x6200, v2;
	s4 =	sor.u32 s1, s4;
	[tilespmem:s2+$0x0] =	vst v8  }
0x109: {  	v28 =	vadd.s32 $0x6300, v3;
	[tilespmem:s4+$0x0] =	vst v11;
	s19 =	sor.u32 s0, s6  }
0x10a: {  	v32 =	vadd.s32 $0x6280, v2;
	s5 =	sor.u32 s1, s5;
	[tilespmem:s19+$0x0] =	vst v12  }
0x10b: {  	v29 =	vadd.s32 $0x6380, v3;
	[tilespmem:s5+$0x0] =	vst v13;
	s19 =	sor.u32 s1, s6;
	v31 =	vld.idx.msk [tilespmem:v26+s13+$0x0], $0xffff  }
0x10c: {  	v33 =	vadd.s32 $0x6300, v2;
	s2 =	sor.u32 s24, s10;
	v9 =	vld.idx.msk [tilespmem:v27+s13+$0x0], $0xffff;
	[tilespmem:s19+$0x0] =	vst v16  }
0x10d: {  	v34 =	vadd.s32 $0x6380, v2;
	[tilespmem:s2+$0x0] =	vst v44;
	s2 =	sld [smem:$0x7F0];
	v12 =	vld.idx.msk [tilespmem:v30+s13+$0x0], $0xffff  }
0x10e: {  	v6 =	vld.idx.msk [tilespmem:v28+s13+$0x0], $0xffff  }
0x10f: {  	s4 =	sor.u32 s0, s31;
	v10 =	vld.idx.msk [tilespmem:v32+s13+$0x0], $0xffff  }
0x110: {  	s5 =	sor.u32 s0, s2;
	v15 =	vld.idx.msk [tilespmem:v29+s13+$0x0], $0xffff;
	[tilespmem:s4+$0x0] =	vst v31  }
0x111: {  	v35 =	vadd.s32 $0x8000, v3;
	v11 =	vld.idx.msk [tilespmem:v33+s13+$0x0], $0xffff;
	s4 =	sor.u32 s1, s31;
	[tilespmem:s5+$0x0] =	vst v9  }
0x112: {  	v36 =	vadd.s32 $0x8080, v3;
	s6 =	sor.u32 s0, s21;
	v13 =	vld.idx.msk [tilespmem:v34+s13+$0x0], $0xffff;
	[tilespmem:s4+$0x0] =	vst v12  }
0x113: {  	v39 =	vadd.s32 $0x8000, v2;
	s5 =	sor.u32 s1, s2;
	[tilespmem:s6+$0x0] =	vst v6  }
0x114: {  	v37 =	vadd.s32 $0x8100, v3;
	s19 =	sor.u32 s0, s11;
	[tilespmem:s5+$0x0] =	vst v10  }
0x115: {  	v41 =	vadd.s32 $0x8080, v2;
	s6 =	sor.u32 s1, s21;
	[tilespmem:s19+$0x0] =	vst v15  }
0x116: {  	v38 =	vadd.s32 $0x8180, v3;
	[tilespmem:s6+$0x0] =	vst v11;
	s19 =	sor.u32 s1, s11;
	v40 =	vld.idx.msk [tilespmem:v35+s13+$0x0], $0xffff  }
0x117: {  	v42 =	vadd.s32 $0x8100, v2;
	s31 =	sld [smem:$0x7F1];
	v8 =	vld.idx.msk [tilespmem:v36+s13+$0x0], $0xffff;
	[tilespmem:s19+$0x0] =	vst v13  }
0x118: {  	v43 =	vadd.s32 $0x8180, v2;
	v15 =	vld.idx.msk [tilespmem:v39+s13+$0x0], $0xffff  }
0x119: {  	s21 =	sor.u32 s24, s8;
	v9 =	vld.idx.msk [tilespmem:v37+s13+$0x0], $0xffff  }
0x11a: {  	[tilespmem:s21+$0x0] =	vst v55;
	s4 =	sor.u32 s0, s31;
	v14 =	vld.idx.msk [tilespmem:v41+s13+$0x0], $0xffff  }
0x11b: {  	s5 =	sor.u32 s0, s28;
	v6 =	vld.idx.msk [tilespmem:v38+s13+$0x0], $0xffff;
	[tilespmem:s4+$0x0] =	vst v40  }
0x11c: {  	v45 =	vadd.s32 $0x8200, v3;
	s19 =	sor.u32 s1, s31;
	v10 =	vld.idx.msk [tilespmem:v42+s13+$0x0], $0xffff;
	[tilespmem:s5+$0x0] =	vst v8  }
0x11d: {  	v46 =	vadd.s32 $0x8280, v3;
	s6 =	sor.u32 s0, s22;
	v11 =	vld.idx.msk [tilespmem:v43+s13+$0x0], $0xffff;
	[tilespmem:s19+$0x0] =	vst v15  }
0x11e: {  	v50 =	vadd.s32 $0x8200, v2;
	s21 =	sor.u32 s1, s28;
	[tilespmem:s6+$0x0] =	vst v9  }
0x11f: {  	v47 =	vadd.s32 $0x8300, v3;
	s11 =	sor.u32 s0, s9;
	[tilespmem:s21+$0x0] =	vst v14  }
0x120: {  	v51 =	vadd.s32 $0x8280, v2;
	s28 =	sor.u32 s1, s22;
	[tilespmem:s11+$0x0] =	vst v6  }
0x121: {  	v48 =	vadd.s32 $0x8380, v3;
	s31 =	sor.u32 s1, s9;
	[tilespmem:s28+$0x0] =	vst v10;
	v7 =	vld.idx.msk [tilespmem:v45+s13+$0x0], $0xffff  }
0x122: {  	v52 =	vadd.s32 $0x8300, v2;
	s5 =	sld [smem:$0x7F2];
	v12 =	vld.idx.msk [tilespmem:v46+s13+$0x0], $0xffff;
	[tilespmem:s31+$0x0] =	vst v11  }
0x123: {  	s3 =	sor.u32 $0x1AA80, s26;
	v53 =	vadd.s32 $0x8380, v2;
	s9 =	sld [smem:$0x7F3];
	v13 =	vld.idx.msk [tilespmem:v50+s13+$0x0], $0xffff  }
0x124: {  	s2 =	sor.u32 s25, s3;
	v8 =	vld.idx.msk [tilespmem:v47+s13+$0x0], $0xffff  }
0x125: {  	[tilespmem:s2+$0x0] =	vst v5;
	s6 =	sor.u32 s0, s5;
	v15 =	vld.idx.msk [tilespmem:v51+s13+$0x0], $0xffff  }
0x126: {  	s11 =	sor.u32 s0, s9;
	v9 =	vld.idx.msk [tilespmem:v48+s13+$0x0], $0xffff;
	[tilespmem:s6+$0x0] =	vst v7  }
0x127: {  	v55 =	vadd.s32 $0xA000, v3;
	s22 =	sor.u32 s1, s5;
	v14 =	vld.idx.msk [tilespmem:v52+s13+$0x0], $0xffff;
	[tilespmem:s11+$0x0] =	vst v12  }
0x128: {  	v56 =	vadd.s32 $0xA080, v3;
	s19 =	sor.u32 s0, s29;
	v10 =	vld.idx.msk [tilespmem:v53+s13+$0x0], $0xffff;
	[tilespmem:s22+$0x0] =	vst v13  }
0x129: {  	v60 =	vadd.s32 $0xA000, v2;
	s28 =	sor.u32 s1, s9;
	[tilespmem:s19+$0x0] =	vst v8  }
0x12a: {  	v57 =	vadd.s32 $0xA100, v3;
	s21 =	sor.u32 s0, s17;
	[tilespmem:s28+$0x0] =	vst v15  }
0x12b: {  	v61 =	vadd.s32 $0xA080, v2;
	s31 =	sor.u32 s1, s29;
	[tilespmem:s21+$0x0] =	vst v9  }
0x12c: {  	v58 =	vadd.s32 $0xA180, v3;
	s2 =	sor.u32 s1, s17;
	[tilespmem:s31+$0x0] =	vst v14;
	v5 =	vld.idx.msk [tilespmem:v55+s13+$0x0], $0xffff  }
0x12d: {  	v62 =	vadd.s32 $0xA100, v2;
	s6 =	sld [smem:$0x7F4];
	v7 =	vld.idx.msk [tilespmem:v56+s13+$0x0], $0xffff;
	[tilespmem:s2+$0x0] =	vst v10  }
0x12e: {  	v63 =	vadd.s32 $0xA180, v2;
	s17 =	sld [smem:$0x7F5];
	s9 =	sor.u32 $0x1AB00, s26;
	v11 =	vld.idx.msk [tilespmem:v60+s13+$0x0], $0xffff  }
0x12f: {  	s5 =	sor.u32 s25, s9;
	v12 =	vld.idx.msk [tilespmem:v57+s13+$0x0], $0xffff  }
0x130: {  	[tilespmem:s5+$0x0] =	vst v4;
	s11 =	sor.u32 s0, s6;
	s21 =	sld [smem:$0x7F6];
	v13 =	vld.idx.msk [tilespmem:v61+s13+$0x0], $0xffff  }
0x131: {  	s19 =	sor.u32 s0, s17;
	v8 =	vld.idx.msk [tilespmem:v58+s13+$0x0], $0xffff;
	[tilespmem:s11+$0x0] =	vst v5  }
0x132: {  	v19 =	vadd.s32 $0xA200, v3;
	s28 =	sld [smem:$0x7F7];
	s31 =	sor.u32 s1, s6;
	v15 =	vld.idx.msk [tilespmem:v62+s13+$0x0], $0xffff;
	[tilespmem:s19+$0x0] =	vst v7  }
0x133: {  	v20 =	vadd.s32 $0xA280, v3;
	v14 =	vld.idx.msk [tilespmem:v63+s13+$0x0], $0xffff;
	s22 =	sor.u32 s0, s21;
	[tilespmem:s31+$0x0] =	vst v11  }
0x134: {  	v24 =	vadd.s32 $0xA200, v2;
	s2 =	sor.u32 s1, s17;
	[tilespmem:s22+$0x0] =	vst v12  }
0x135: {  	v21 =	vadd.s32 $0xA300, v3;
	s29 =	sor.u32 s0, s28;
	[tilespmem:s2+$0x0] =	vst v13  }
0x136: {  	v25 =	vadd.s32 $0xA280, v2;
	s5 =	sor.u32 s1, s21;
	[tilespmem:s29+$0x0] =	vst v8  }
0x137: {  	v22 =	vadd.s32 $0xA380, v3;
	s6 =	sor.u32 s1, s28;
	[tilespmem:s5+$0x0] =	vst v15;
	v4 =	vld.idx.msk [tilespmem:v19+s13+$0x0], $0xffff  }
0x138: {  	v26 =	vadd.s32 $0xA300, v2;
	s19 =	sld [smem:$0x7F8];
	v5 =	vld.idx.msk [tilespmem:v20+s13+$0x0], $0xffff;
	[tilespmem:s6+$0x0] =	vst v14  }
0x139: {  	v27 =	vadd.s32 $0xA380, v2;
	s11 =	sor.u32 $0x1AB80, s26;
	s22 =	sld [smem:$0x7F9];
	v10 =	vld.idx.msk [tilespmem:v24+s13+$0x0], $0xffff  }
0x13a: {  	s17 =	sor.u32 s25, s11;
	v7 =	vld.idx.msk [tilespmem:v21+s13+$0x0], $0xffff  }
0x13b: {  	s26 =	sld [smem:$0x7FA];
	[tilespmem:s17+$0x0] =	vst v1;
	s21 =	sor.u32 s0, s19;
	v11 =	vld.idx.msk [tilespmem:v25+s13+$0x0], $0xffff  }
0x13c: {  	v44 =	vadd.s32 $0xE200, v0;
	v12 =	vld.idx.msk [tilespmem:v22+s13+$0x0], $0xffff;
	s25 =	sor.u32 s0, s22;
	[tilespmem:s21+$0x0] =	vst v4  }
0x13d: {  	v28 =	vadd.s32 $0xC000, v3;
	s29 =	sld [smem:$0x7FB];
	s2 =	sor.u32 s1, s19;
	v13 =	vld.idx.msk [tilespmem:v26+s13+$0x0], $0xffff;
	[tilespmem:s25+$0x0] =	vst v5  }
0x13e: {  	v29 =	vadd.s32 $0xC080, v3;
	s28 =	sor.u32 s0, s26;
	v14 =	vld.idx.msk [tilespmem:v27+s13+$0x0], $0xffff;
	[tilespmem:s2+$0x0] =	vst v10  }
0x13f: {  	v32 =	vadd.s32 $0xC000, v2;
	s5 =	sor.u32 s1, s22;
	[tilespmem:s28+$0x0] =	vst v7  }
0x140: {  	v30 =	vadd.s32 $0xC100, v3;
	s31 =	sor.u32 s0, s29;
	[tilespmem:s5+$0x0] =	vst v11  }
0x141: {  	v33 =	vadd.s32 $0xC080, v2;
	v49 =	vld.idx.msk [tilespmem:v44+s13+$0x0], $0xffff;
	s6 =	sor.u32 s1, s26;
	[tilespmem:s31+$0x0] =	vst v12  }
0x142: {  	v31 =	vadd.s32 $0xC180, v3;
	s17 =	sor.u32 s1, s29;
	[tilespmem:s6+$0x0] =	vst v13;
	v1 =	vld.idx.msk [tilespmem:v28+s13+$0x0], $0xffff  }
0x143: {  	v34 =	vadd.s32 $0xC100, v2;
	s21 =	sld [smem:$0x7FC];
	v4 =	vld.idx.msk [tilespmem:v29+s13+$0x0], $0xffff;
	[tilespmem:s17+$0x0] =	vst v14  }
0x144: {  	v35 =	vadd.s32 $0xC180, v2;
	s25 =	sld [smem:$0x7FD];
	v12 =	vld.idx.msk [tilespmem:v32+s13+$0x0], $0xffff  }
0x145: {  	v54 =	vadd.s32 $0xE280, v0;
	v5 =	vld.idx.msk [tilespmem:v30+s13+$0x0], $0xffff  }
0x146: {  	v18 =	vadd.s32 $0xE300, v0;
	s22 =	sor.u32 s0, s21;
	v10 =	vld.idx.msk [tilespmem:v33+s13+$0x0], $0xffff  }
0x147: {  	v0 =	vadd.s32 $0xE380, v0;
	v7 =	vld.idx.msk [tilespmem:v31+s13+$0x0], $0xffff;
	s26 =	sor.u32 s0, s25;
	[tilespmem:s22+$0x0] =	vst v1  }
0x148: {  	v36 =	vadd.s32 $0xC200, v3;
	s31 =	sor.u32 s1, s21;
	v11 =	vld.idx.msk [tilespmem:v34+s13+$0x0], $0xffff;
	[tilespmem:s26+$0x0] =	vst v4  }
0x149: {  	v37 =	vadd.s32 $0xC280, v3;
	s28 =	sor.u32 s0, s30;
	v13 =	vld.idx.msk [tilespmem:v35+s13+$0x0], $0xffff;
	[tilespmem:s31+$0x0] =	vst v12  }
0x14a: {  	v59 =	vld.idx.msk [tilespmem:v54+s13+$0x0], $0xffff;
	v40 =	vadd.s32 $0xC200, v2;
	s2 =	sor.u32 s1, s25;
	[tilespmem:s28+$0x0] =	vst v5  }
0x14b: {  	v23 =	vld.idx.msk [tilespmem:v18+s13+$0x0], $0xffff;
	v38 =	vadd.s32 $0xC300, v3;
	s29 =	sor.u32 s0, s18;
	[tilespmem:s2+$0x0] =	vst v10  }
0x14c: {  	v0 =	vld.idx.msk [tilespmem:v0+s13+$0x0], $0xffff;
	v41 =	vadd.s32 $0xC280, v2;
	s5 =	sor.u32 s1, s30;
	[tilespmem:s29+$0x0] =	vst v7  }
0x14d: {  	v39 =	vadd.s32 $0xC380, v3;
	s6 =	sor.u32 s1, s18;
	[tilespmem:s5+$0x0] =	vst v11;
	v6 =	vld.idx.msk [tilespmem:v36+s13+$0x0], $0xffff  }
0x14e: {  	v42 =	vadd.s32 $0xC300, v2;
	v1 =	vld.idx.msk [tilespmem:v37+s13+$0x0], $0xffff;
	[tilespmem:s6+$0x0] =	vst v13  }
0x14f: {  	v43 =	vadd.s32 $0xC380, v2;
	v7 =	vld.idx.msk [tilespmem:v40+s13+$0x0], $0xffff  }
0x150: {  	s19 =	sor.u32 s24, s7;
	v4 =	vld.idx.msk [tilespmem:v38+s13+$0x0], $0xffff  }
0x151: {  	[tilespmem:s19+$0x0] =	vst v49;
	s18 =	sor.u32 s0, s23;
	v12 =	vld.idx.msk [tilespmem:v41+s13+$0x0], $0xffff  }
0x152: {  	s19 =	sor.u32 s0, s20;
	v5 =	vld.idx.msk [tilespmem:v39+s13+$0x0], $0xffff;
	[tilespmem:s18+$0x0] =	vst v6  }
0x153: {  	v44 =	vadd.s32 $0xE000, v3;
	s25 =	sor.u32 s1, s23;
	v10 =	vld.idx.msk [tilespmem:v42+s13+$0x0], $0xffff;
	[tilespmem:s19+$0x0] =	vst v1  }
0x154: {  	v45 =	vadd.s32 $0xE080, v3;
	s21 =	sor.u32 s0, s16;
	v11 =	vld.idx.msk [tilespmem:v43+s13+$0x0], $0xffff;
	[tilespmem:s25+$0x0] =	vst v7  }
0x155: {  	v48 =	vadd.s32 $0xE000, v2;
	s26 =	sor.u32 s1, s20;
	[tilespmem:s21+$0x0] =	vst v4  }
0x156: {  	v46 =	vadd.s32 $0xE100, v3;
	s22 =	sor.u32 s0, s15;
	[tilespmem:s26+$0x0] =	vst v12  }
0x157: {  	v50 =	vadd.s32 $0xE080, v2;
	s28 =	sor.u32 s1, s16;
	[tilespmem:s22+$0x0] =	vst v5  }
0x158: {  	v47 =	vadd.s32 $0xE180, v3;
	s29 =	sor.u32 s1, s15;
	[tilespmem:s28+$0x0] =	vst v10;
	v49 =	vld.idx.msk [tilespmem:v44+s13+$0x0], $0xffff  }
0x159: {  	v51 =	vadd.s32 $0xE100, v2;
	v6 =	vld.idx.msk [tilespmem:v45+s13+$0x0], $0xffff;
	[tilespmem:s29+$0x0] =	vst v11  }
0x15a: {  	v52 =	vadd.s32 $0xE180, v2;
	v5 =	vld.idx.msk [tilespmem:v48+s13+$0x0], $0xffff  }
0x15b: {  	s17 =	sor.u32 s24, s3;
	v1 =	vld.idx.msk [tilespmem:v46+s13+$0x0], $0xffff  }
0x15c: {  	[tilespmem:s17+$0x0] =	vst v59;
	s31 =	sor.u32 s0, s14;
	v9 =	vld.idx.msk [tilespmem:v50+s13+$0x0], $0xffff  }
0x15d: {  	s2 =	sor.u32 s0, s12;
	v4 =	vld.idx.msk [tilespmem:v47+s13+$0x0], $0xffff;
	[tilespmem:s31+$0x0] =	vst v49  }
0x15e: {  	v53 =	vadd.s32 $0xE200, v3;
	s15 =	sor.u32 s1, s14;
	v11 =	vld.idx.msk [tilespmem:v51+s13+$0x0], $0xffff;
	[tilespmem:s2+$0x0] =	vst v6  }
0x15f: {  	v54 =	vadd.s32 $0xE280, v3;
	s5 =	sor.u32 s0, s10;
	v57 =	vld.idx.msk [tilespmem:v52+s13+$0x0], $0xffff;
	[tilespmem:s15+$0x0] =	vst v5  }
0x160: {  	v58 =	vadd.s32 $0xE200, v2;
	s16 =	sor.u32 s1, s12;
	[tilespmem:s5+$0x0] =	vst v1  }
0x161: {  	v55 =	vadd.s32 $0xE300, v3;
	s6 =	sor.u32 s0, s8;
	[tilespmem:s16+$0x0] =	vst v9  }
0x162: {  	v60 =	vadd.s32 $0xE280, v2;
	s17 =	sor.u32 s1, s10;
	[tilespmem:s6+$0x0] =	vst v4  }
0x163: {  	v56 =	vadd.s32 $0xE380, v3;
	s18 =	sor.u32 s1, s8;
	[tilespmem:s17+$0x0] =	vst v11;
	v59 =	vld.idx.msk [tilespmem:v53+s13+$0x0], $0xffff  }
0x164: {  	v61 =	vadd.s32 $0xE300, v2;
	v7 =	vld.idx.msk [tilespmem:v54+s13+$0x0], $0xffff;
	[tilespmem:s18+$0x0] =	vst v57  }
0x165: {  	v2 =	vadd.s32 $0xE380, v2;
	s30 =	sor.u32 s24, s9;
	v62 =	vld.idx.msk [tilespmem:v58+s13+$0x0], $0xffff  }
0x166: {  	[tilespmem:s30+$0x0] =	vst v23;
	s19 =	sor.u32 s24, s11;
	v6 =	vld.idx.msk [tilespmem:v55+s13+$0x0], $0xffff  }
0x167: {  	s20 =	sor.u32 s0, s7;
	[tilespmem:s19+$0x0] =	vst v0;
	v3 =	vld.idx.msk [tilespmem:v60+s13+$0x0], $0xffff  }
0x168: {  	s24 =	rddreg [dreg:$0x11];
	s21 =	sor.u32 s0, s3;
	v1 =	vld.idx.msk [tilespmem:v56+s13+$0x0], $0xffff;
	[tilespmem:s20+$0x0] =	vst v59  }
0x169: {  	s23 =	sor.u32 s1, s7;
	s2 =	sadd.s32 $0x4, s24;
	v63 =	vld.idx.msk [tilespmem:v61+s13+$0x0], $0xffff;
	[tilespmem:s21+$0x0] =	vst v7  }
0x16a: {  	s22 =	sor.u32 s0, s9;
	p1 =	slt.u32 s2, $0xC;
	v2 =	vld.idx.msk [tilespmem:v2+s13+$0x0], $0xffff;
	[tilespmem:s23+$0x0] =	vst v62  }
.Ltmp0:
0x16b: {  	s25 =	sor.u32 s1, s3;
	[tilespmem:s22+$0x0] =	vst v6;
	(pc) =	sbr.rel @p1 .LBB2_2-.Ltmp0, $4  }
0x16c: {  	s30 =	rddreg [dreg:$0x16];
	s0 =	sor.u32 s0, s11;
	[tilespmem:s25+$0x0] =	vst v3  }
0x16d: {  	s26 =	rddreg [dreg:$0x17];
	s28 =	sor.u32 s1, s9;
	[tilespmem:s0+$0x0] =	vst v1  }
0x16e: {  	p0 =	por !p0, !p0;
	s29 =	sor.u32 s1, s11;
	s31 =	rddreg [dreg:$0x14];
	[tilespmem:s28+$0x0] =	vst v63  }
0x16f: {  	s3 =	sadd.s32 $0x200, s26;
	s1 =	sadd.s32 $0x240, s30;
	s0 =	sadd.s32 $0x40, s31;
	[tilespmem:s29+$0x0] =	vst v2  }
0x170: {  	s0 =	rddreg [dreg:$0x7]  }
0x171: {  	s1 =	simm.s32 $0x20000;
	s2 =	simm.s32 $0x800;
	s3 =	simm.s32 $0x17000  }
0x172: {  	[hbm4b:s0+s2] =	stream.strided.scatter [tilespmem:s3], [sflag:$0x1], $0x4000, s1, s2, $0x38;
	[tilespmem:$0x1F000] =	vst v63  }
0x173: {  	s28 =	simm.s32 $0x0;
	s22 =	simm.s32 $0x130;
	s1 =	simm.s32 $0xFFFFFFFC  }
.LBB2_4:
0x174: {  	s0 =	sadd.s32 $0xFFFFFED0, s22  }
0x175: {  	s25 =	sand.u32 $0x400, s28;
	s24 =	sand.u32 $0x40, s0  }
0x176: {  	s0 =	sor.u32 s24, s25  }
0x177: {  	v0 =	vld [tilespmem:s0+$0x800];
	_ =	sdelay $0x4  }
0x178: {  	v1 =	vshll.u32 v0, $0x3  }
0x179: {  	v0 =	vand.u32 $0x7F, v0;
	v1 =	vand.u32 $0xFFFFFC00, v1  }
0x17a: {  	v1 =	vor.u32 v0, v1  }
0x17b: {  	v0 =	vor.u32 $0x80, v1  }
0x17c: {  	v2 =	vor.u32 $0x100, v1  }
0x17d: {  	v3 =	vor.u32 $0x180, v1;
	_ =	sdelay $0x1  }
0x17e: {  	v4 =	vld.idx.msk [tilespmem:v1+s13+$0x0], $0xffff  }
0x17f: {  	v0 =	vld.idx.msk [tilespmem:v0+s13+$0x0], $0xffff  }
0x180: {  	v2 =	vld.idx.msk [tilespmem:v2+s13+$0x0], $0xffff  }
0x181: {  	s31 =	sadd.s32 $0xFFFFFFE0, s22;
	s6 =	sor.u32 $0x1B000, s25;
	v3 =	vld.idx.msk [tilespmem:v3+s13+$0x0], $0xffff  }
0x182: {  	s2 =	sadd.s32 $0x880, s28;
	s8 =	sor.u32 $0x1B080, s25;
	s19 =	sor.u32 s24, s6;
	v5 =	vor.u32 $0x200, v1  }
0x183: {  	s9 =	sor.u32 $0x1B100, s25;
	s3 =	sor.u32 $0x1B180, s25;
	s20 =	sor.u32 s24, s8;
	v33 =	vor.u32 $0x280, v1;
	[tilespmem:s19+$0x0] =	vst v4  }
0x184: {  	s2 =	sand.u32 $0xC00, s2;
	s21 =	sor.u32 s24, s9;
	s0 =	sand.u32 $0x50, s31;
	v34 =	vor.u32 $0x300, v1;
	[tilespmem:s20+$0x0] =	vst v0  }
0x185: {  	s23 =	sor.u32 s24, s3;
	s0 =	sor.u32 s0, s2;
	v35 =	vor.u32 $0x380, v1;
	[tilespmem:s21+$0x0] =	vst v2  }
0x186: {  	v36 =	vld [tilespmem:s0+$0x0];
	[tilespmem:s23+$0x0] =	vst v3  }
0x187: {  	v3 =	vld.idx.msk [tilespmem:v5+s13+$0x0], $0xffff  }
0x188: {  	v4 =	vld.idx.msk [tilespmem:v33+s13+$0x0], $0xffff  }
0x189: {  	v0 =	vld.idx.msk [tilespmem:v34+s13+$0x0], $0xffff  }
0x18a: {  	s11 =	sor.u32 $0x1B200, s25;
	v2 =	vld.idx.msk [tilespmem:v35+s13+$0x0], $0xffff  }
0x18b: {  	s7 =	sor.u32 $0x1B280, s25;
	s26 =	sor.u32 s24, s11;
	v37 =	vadd.s32 $0x2000, v1  }
0x18c: {  	s5 =	sor.u32 $0x1B300, s25;
	s29 =	sor.u32 s24, s7;
	v38 =	vadd.s32 $0x2080, v1;
	[tilespmem:s26+$0x0] =	vst v3  }
0x18d: {  	s4 =	sor.u32 $0x1B380, s25;
	s30 =	sor.u32 s24, s5;
	v40 =	vshll.u32 v36, $0x3;
	v39 =	vadd.s32 $0x2100, v1;
	[tilespmem:s29+$0x0] =	vst v4  }
0x18e: {  	s10 =	sor.u32 s24, s4;
	v6 =	vadd.s32 $0x2180, v1;
	v5 =	vand.u32 $0xFFFFFC00, v40;
	[tilespmem:s30+$0x0] =	vst v0;
	v0 =	vand.u32 $0x7F, v36  }
0x18f: {  	[tilespmem:s10+$0x0] =	vst v2;
	v0 =	vor.u32 v0, v5  }
0x190: {  	v2 =	vld.idx.msk [tilespmem:v37+s13+$0x0], $0xffff;
	v5 =	vor.u32 $0x80, v0  }
0x191: {  	v3 =	vld.idx.msk [tilespmem:v38+s13+$0x0], $0xffff;
	v7 =	vor.u32 $0x100, v0  }
0x192: {  	v4 =	vld.idx.msk [tilespmem:v39+s13+$0x0], $0xffff;
	v8 =	vor.u32 $0x180, v0  }
0x193: {  	s2 =	sor.u32 $0x1B800, s25;
	v6 =	vld.idx.msk [tilespmem:v6+s13+$0x0], $0xffff  }
0x194: {  	s12 =	sor.u32 s24, s2;
	v9 =	vadd.s32 $0x2200, v1;
	s10 =	sor.u32 $0x1B880, s25;
	v10 =	vld.idx.msk [tilespmem:v0+s13+$0x0], $0xffff  }
0x195: {  	v41 =	vadd.s32 $0x2280, v1;
	s14 =	sor.u32 s24, s10;
	[tilespmem:s12+$0x0] =	vst v2;
	s12 =	sor.u32 $0x1B900, s25;
	v5 =	vld.idx.msk [tilespmem:v5+s13+$0x0], $0xffff  }
0x196: {  	v42 =	vadd.s32 $0x2300, v1;
	v7 =	vld.idx.msk [tilespmem:v7+s13+$0x0], $0xffff;
	[tilespmem:s14+$0x0] =	vst v3;
	s15 =	sor.u32 s24, s12;
	s14 =	sor.u32 $0x1B980, s25  }
0x197: {  	v43 =	vadd.s32 $0x2380, v1;
	s23 =	sor.u32 $0x10, s24;
	v8 =	vld.idx.msk [tilespmem:v8+s13+$0x0], $0xffff;
	[tilespmem:s15+$0x0] =	vst v4;
	s16 =	sor.u32 s24, s14  }
0x198: {  	s17 =	sor.u32 s23, s6;
	v44 =	vor.u32 $0x200, v0;
	[tilespmem:s16+$0x0] =	vst v6  }
0x199: {  	s18 =	sor.u32 s23, s8;
	v45 =	vor.u32 $0x280, v0;
	v9 =	vld.idx.msk [tilespmem:v9+s13+$0x0], $0xffff;
	[tilespmem:s17+$0x0] =	vst v10  }
0x19a: {  	s19 =	sor.u32 s23, s9;
	v46 =	vor.u32 $0x300, v0;
	v2 =	vld.idx.msk [tilespmem:v41+s13+$0x0], $0xffff;
	[tilespmem:s18+$0x0] =	vst v5  }
0x19b: {  	s20 =	sor.u32 s23, s3;
	v47 =	vor.u32 $0x380, v0;
	v3 =	vld.idx.msk [tilespmem:v42+s13+$0x0], $0xffff;
	[tilespmem:s19+$0x0] =	vst v7  }
0x19c: {  	s15 =	sor.u32 $0x1BA00, s25;
	v4 =	vld.idx.msk [tilespmem:v43+s13+$0x0], $0xffff;
	[tilespmem:s20+$0x0] =	vst v8  }
0x19d: {  	v48 =	vadd.s32 $0x4000, v1;
	s21 =	sor.u32 s24, s15;
	s16 =	sor.u32 $0x1BA80, s25;
	v6 =	vld.idx.msk [tilespmem:v44+s13+$0x0], $0xffff  }
0x19e: {  	v49 =	vadd.s32 $0x4080, v1;
	s26 =	sor.u32 s24, s16;
	s17 =	sor.u32 $0x1BB00, s25;
	v10 =	vld.idx.msk [tilespmem:v45+s13+$0x0], $0xffff;
	[tilespmem:s21+$0x0] =	vst v9  }
0x19f: {  	[dreg:$0xe] =	wrdreg s1;
	v50 =	vadd.s32 $0x4100, v1;
	s29 =	sor.u32 s24, s17;
	s18 =	sor.u32 $0x1BB80, s25;
	v5 =	vld.idx.msk [tilespmem:v46+s13+$0x0], $0xffff;
	[tilespmem:s26+$0x0] =	vst v2  }
0x1a0: {  	[smem:$0x7B5] =	sst s3;
	v51 =	vadd.s32 $0x4180, v1;
	s30 =	sor.u32 s24, s18;
	v7 =	vld.idx.msk [tilespmem:v47+s13+$0x0], $0xffff;
	[tilespmem:s29+$0x0] =	vst v3  }
0x1a1: {  	[smem:$0x7B6] =	sst s11;
	s31 =	sor.u32 s23, s11;
	v52 =	vadd.s32 $0x2000, v0;
	[tilespmem:s30+$0x0] =	vst v4  }
0x1a2: {  	[smem:$0x7B7] =	sst s7;
	s1 =	sor.u32 s23, s7;
	v53 =	vadd.s32 $0x2080, v0;
	v8 =	vld.idx.msk [tilespmem:v48+s13+$0x0], $0xffff;
	[tilespmem:s31+$0x0] =	vst v6  }
0x1a3: {  	[dreg:$0x1c] =	wrdreg s5;
	s3 =	sor.u32 s23, s5;
	v54 =	vadd.s32 $0x2100, v0;
	v9 =	vld.idx.msk [tilespmem:v49+s13+$0x0], $0xffff;
	[tilespmem:s1+$0x0] =	vst v10  }
0x1a4: {  	[dreg:$0x1f] =	wrdreg s4;
	s4 =	sor.u32 s23, s4;
	v55 =	vadd.s32 $0x2180, v0;
	v2 =	vld.idx.msk [tilespmem:v50+s13+$0x0], $0xffff;
	[tilespmem:s3+$0x0] =	vst v5  }
0x1a5: {  	[smem:$0x7B8] =	sst s2;
	v3 =	vld.idx.msk [tilespmem:v51+s13+$0x0], $0xffff;
	s3 =	sor.u32 $0x1C000, s25;
	[tilespmem:s4+$0x0] =	vst v7  }
0x1a6: {  	v56 =	vadd.s32 $0x4200, v1;
	[smem:$0x7B9] =	sst s10;
	s5 =	sor.u32 s24, s3;
	s4 =	sor.u32 $0x1C080, s25;
	v4 =	vld.idx.msk [tilespmem:v52+s13+$0x0], $0xffff  }
0x1a7: {  	v57 =	vadd.s32 $0x4280, v1;
	[smem:$0x7BA] =	sst s12;
	s7 =	sor.u32 s24, s4;
	v6 =	vld.idx.msk [tilespmem:v53+s13+$0x0], $0xffff;
	[tilespmem:s5+$0x0] =	vst v8;
	s5 =	sor.u32 $0x1C100, s25  }
0x1a8: {  	v58 =	vadd.s32 $0x4300, v1;
	[smem:$0x7BB] =	sst s14;
	v10 =	vld.idx.msk [tilespmem:v54+s13+$0x0], $0xffff;
	[tilespmem:s7+$0x0] =	vst v9;
	s11 =	sor.u32 s24, s5;
	s7 =	sor.u32 $0x1C180, s25  }
0x1a9: {  	v59 =	vadd.s32 $0x4380, v1;
	[smem:$0x7BC] =	sst s15;
	v5 =	vld.idx.msk [tilespmem:v55+s13+$0x0], $0xffff;
	[tilespmem:s11+$0x0] =	vst v2;
	s19 =	sor.u32 s24, s7  }
0x1aa: {  	v60 =	vadd.s32 $0x2200, v0;
	[smem:$0x7BD] =	sst s16;
	s20 =	sor.u32 s23, s2;
	[tilespmem:s19+$0x0] =	vst v3  }
0x1ab: {  	[smem:$0x7BE] =	sst s17;
	s21 =	sor.u32 s23, s10;
	v7 =	vld.idx.msk [tilespmem:v56+s13+$0x0], $0xffff;
	[tilespmem:s20+$0x0] =	vst v4  }
0x1ac: {  	v61 =	vadd.s32 $0x2280, v0;
	[smem:$0x7BF] =	sst s18;
	s2 =	sor.u32 $0x1C200, s25;
	s26 =	sor.u32 s23, s12;
	v8 =	vld.idx.msk [tilespmem:v57+s13+$0x0], $0xffff;
	[tilespmem:s21+$0x0] =	vst v6  }
0x1ad: {  	v62 =	vadd.s32 $0x2300, v0;
	[smem:$0x7C4] =	sst s2;
	s10 =	sor.u32 $0x1C280, s25;
	s29 =	sor.u32 s23, s14;
	v9 =	vld.idx.msk [tilespmem:v58+s13+$0x0], $0xffff;
	[tilespmem:s26+$0x0] =	vst v10  }
0x1ae: {  	v63 =	vadd.s32 $0x2380, v0;
	[smem:$0x7C5] =	sst s10;
	s14 =	sor.u32 $0x1C380, s25;
	v2 =	vld.idx.msk [tilespmem:v59+s13+$0x0], $0xffff;
	[tilespmem:s29+$0x0] =	vst v5  }
0x1af: {  	s30 =	sor.u32 s24, s2;
	[smem:$0x7C7] =	sst s14;
	v3 =	vld.idx.msk [tilespmem:v60+s13+$0x0], $0xffff  }
0x1b0: {  	v12 =	vadd.s32 $0x6000, v1;
	s31 =	sor.u32 s24, s10;
	[smem:$0x7C0] =	sst s3;
	s11 =	sor.u32 $0x1C300, s25;
	[tilespmem:s30+$0x0] =	vst v7  }
0x1b1: {  	v13 =	vadd.s32 $0x6080, v1;
	[smem:$0x7C1] =	sst s4;
	s1 =	sor.u32 s24, s11;
	v4 =	vld.idx.msk [tilespmem:v61+s13+$0x0], $0xffff;
	[tilespmem:s31+$0x0] =	vst v8  }
0x1b2: {  	v14 =	vadd.s32 $0x6100, v1;
	s12 =	sor.u32 s24, s14;
	[smem:$0x7C2] =	sst s5;
	v6 =	vld.idx.msk [tilespmem:v62+s13+$0x0], $0xffff;
	[tilespmem:s1+$0x0] =	vst v9  }
0x1b3: {  	v15 =	vadd.s32 $0x6180, v1;
	[smem:$0x7C3] =	sst s7;
	s19 =	sor.u32 s23, s15;
	v10 =	vld.idx.msk [tilespmem:v63+s13+$0x0], $0xffff;
	[tilespmem:s12+$0x0] =	vst v2  }
0x1b4: {  	v16 =	vadd.s32 $0x4000, v0;
	[smem:$0x7C6] =	sst s11;
	[tilespmem:s19+$0x0] =	vst v3  }
0x1b5: {  	v17 =	vadd.s32 $0x4080, v0;
	s20 =	sor.u32 s23, s16;
	v3 =	vld.idx.msk [tilespmem:v12+s13+$0x0], $0xffff  }
0x1b6: {  	v19 =	vadd.s32 $0x4100, v0;
	s21 =	sor.u32 s23, s17;
	[tilespmem:s20+$0x0] =	vst v4;
	v18 =	vld.idx.msk [tilespmem:v13+s13+$0x0], $0xffff  }
0x1b7: {  	v21 =	vadd.s32 $0x4180, v0;
	s26 =	sor.u32 s23, s18;
	[tilespmem:s21+$0x0] =	vst v6;
	v20 =	vld.idx.msk [tilespmem:v14+s13+$0x0], $0xffff  }
0x1b8: {  	s18 =	sor.u32 $0x1C800, s25;
	v9 =	vld.idx.msk [tilespmem:v15+s13+$0x0], $0xffff;
	[tilespmem:s26+$0x0] =	vst v10  }
0x1b9: {  	v22 =	vadd.s32 $0x6200, v1;
	s29 =	sor.u32 s24, s18;
	s19 =	sor.u32 $0x1C880, s25;
	v2 =	vld.idx.msk [tilespmem:v16+s13+$0x0], $0xffff  }
0x1ba: {  	v23 =	vadd.s32 $0x6280, v1;
	s20 =	sor.u32 $0x1C900, s25;
	s30 =	sor.u32 s24, s19;
	v5 =	vld.idx.msk [tilespmem:v17+s13+$0x0], $0xffff;
	[tilespmem:s29+$0x0] =	vst v3  }
0x1bb: {  	v24 =	vadd.s32 $0x6300, v1;
	s31 =	sor.u32 s24, s20;
	s21 =	sor.u32 $0x1C980, s25;
	v7 =	vld.idx.msk [tilespmem:v19+s13+$0x0], $0xffff;
	[tilespmem:s30+$0x0] =	vst v18  }
0x1bc: {  	v25 =	vadd.s32 $0x6380, v1;
	s1 =	sor.u32 s24, s21;
	v8 =	vld.idx.msk [tilespmem:v21+s13+$0x0], $0xffff;
	[tilespmem:s31+$0x0] =	vst v20  }
0x1bd: {  	v26 =	vadd.s32 $0x4200, v0;
	s3 =	sor.u32 s23, s3;
	[tilespmem:s1+$0x0] =	vst v9  }
0x1be: {  	v28 =	vadd.s32 $0x4280, v0;
	s4 =	sor.u32 s23, s4;
	[tilespmem:s3+$0x0] =	vst v2;
	v27 =	vld.idx.msk [tilespmem:v22+s13+$0x0], $0xffff  }
0x1bf: {  	v29 =	vadd.s32 $0x4300, v0;
	s12 =	sor.u32 s23, s5;
	[tilespmem:s4+$0x0] =	vst v5;
	v3 =	vld.idx.msk [tilespmem:v23+s13+$0x0], $0xffff  }
0x1c0: {  	v30 =	vadd.s32 $0x4380, v0;
	s15 =	sor.u32 s23, s7;
	[tilespmem:s12+$0x0] =	vst v7;
	v4 =	vld.idx.msk [tilespmem:v24+s13+$0x0], $0xffff  }
0x1c1: {  	s3 =	sor.u32 $0x1CA00, s25;
	v6 =	vld.idx.msk [tilespmem:v25+s13+$0x0], $0xffff;
	[tilespmem:s15+$0x0] =	vst v8  }
0x1c2: {  	v31 =	vadd.s32 $0x8000, v1;
	s16 =	sor.u32 s24, s3;
	s4 =	sor.u32 $0x1CA80, s25;
	v9 =	vld.idx.msk [tilespmem:v26+s13+$0x0], $0xffff  }
0x1c3: {  	v32 =	vadd.s32 $0x8080, v1;
	s17 =	sor.u32 s24, s4;
	v10 =	vld.idx.msk [tilespmem:v28+s13+$0x0], $0xffff;
	[tilespmem:s16+$0x0] =	vst v27;
	s16 =	sor.u32 $0x1CB00, s25  }
0x1c4: {  	v33 =	vadd.s32 $0x8100, v1;
	s12 =	sor.u32 $0x1CB80, s25;
	v5 =	vld.idx.msk [tilespmem:v29+s13+$0x0], $0xffff;
	[tilespmem:s17+$0x0] =	vst v3;
	s26 =	sor.u32 s24, s16  }
0x1c5: {  	v34 =	vadd.s32 $0x8180, v1;
	s29 =	sor.u32 s24, s12;
	v7 =	vld.idx.msk [tilespmem:v30+s13+$0x0], $0xffff;
	[tilespmem:s26+$0x0] =	vst v4  }
0x1c6: {  	v35 =	vadd.s32 $0x6000, v0;
	s30 =	sor.u32 s23, s2;
	[tilespmem:s29+$0x0] =	vst v6  }
0x1c7: {  	v36 =	vadd.s32 $0x6080, v0;
	s31 =	sor.u32 s23, s10;
	[tilespmem:s30+$0x0] =	vst v9;
	v8 =	vld.idx.msk [tilespmem:v31+s13+$0x0], $0xffff  }
0x1c8: {  	v37 =	vadd.s32 $0x6100, v0;
	s1 =	sor.u32 s23, s11;
	[tilespmem:s31+$0x0] =	vst v10;
	v2 =	vld.idx.msk [tilespmem:v32+s13+$0x0], $0xffff  }
0x1c9: {  	v38 =	vadd.s32 $0x6180, v0;
	s2 =	sor.u32 s23, s14;
	[tilespmem:s1+$0x0] =	vst v5;
	v3 =	vld.idx.msk [tilespmem:v33+s13+$0x0], $0xffff  }
0x1ca: {  	s26 =	sor.u32 $0x1D000, s25;
	v4 =	vld.idx.msk [tilespmem:v34+s13+$0x0], $0xffff;
	[tilespmem:s2+$0x0] =	vst v7  }
0x1cb: {  	v39 =	vadd.s32 $0x8200, v1;
	s14 =	sor.u32 $0x1D080, s25;
	s5 =	sor.u32 s24, s26;
	v6 =	vld.idx.msk [tilespmem:v35+s13+$0x0], $0xffff  }
0x1cc: {  	v40 =	vadd.s32 $0x8280, v1;
	s7 =	sor.u32 s24, s14;
	s17 =	sor.u32 $0x1D100, s25;
	v9 =	vld.idx.msk [tilespmem:v36+s13+$0x0], $0xffff;
	[tilespmem:s5+$0x0] =	vst v8  }
0x1cd: {  	v41 =	vadd.s32 $0x8300, v1;
	s15 =	sor.u32 $0x1D180, s25;
	s10 =	sor.u32 s24, s17;
	v10 =	vld.idx.msk [tilespmem:v37+s13+$0x0], $0xffff;
	[tilespmem:s7+$0x0] =	vst v2  }
0x1ce: {  	v42 =	vadd.s32 $0x8380, v1;
	s11 =	sor.u32 s24, s15;
	v5 =	vld.idx.msk [tilespmem:v38+s13+$0x0], $0xffff;
	[tilespmem:s10+$0x0] =	vst v3  }
0x1cf: {  	v43 =	vadd.s32 $0x6200, v0;
	s29 =	sor.u32 s23, s18;
	[tilespmem:s11+$0x0] =	vst v4  }
0x1d0: {  	v45 =	vadd.s32 $0x6280, v0;
	s30 =	sor.u32 s23, s19;
	[tilespmem:s29+$0x0] =	vst v6;
	v44 =	vld.idx.msk [tilespmem:v39+s13+$0x0], $0xffff  }
0x1d1: {  	v46 =	vadd.s32 $0x6300, v0;
	s31 =	sor.u32 s23, s20;
	[tilespmem:s30+$0x0] =	vst v9;
	v8 =	vld.idx.msk [tilespmem:v40+s13+$0x0], $0xffff  }
0x1d2: {  	v47 =	vadd.s32 $0x6380, v0;
	s1 =	sor.u32 s23, s21;
	[tilespmem:s31+$0x0] =	vst v10;
	v2 =	vld.idx.msk [tilespmem:v41+s13+$0x0], $0xffff  }
0x1d3: {  	s7 =	sor.u32 $0x1D200, s25;
	v3 =	vld.idx.msk [tilespmem:v42+s13+$0x0], $0xffff;
	[tilespmem:s1+$0x0] =	vst v5  }
0x1d4: {  	v48 =	vadd.s32 $0xA000, v1;
	s2 =	sor.u32 s24, s7;
	s10 =	sor.u32 $0x1D280, s25;
	v4 =	vld.idx.msk [tilespmem:v43+s13+$0x0], $0xffff  }
0x1d5: {  	v49 =	vadd.s32 $0xA080, v1;
	[smem:$0x7C9] =	sst s19;
	s19 =	sor.u32 $0x1D300, s25;
	s5 =	sor.u32 s24, s10;
	v7 =	vld.idx.msk [tilespmem:v45+s13+$0x0], $0xffff;
	[tilespmem:s2+$0x0] =	vst v44  }
0x1d6: {  	v50 =	vadd.s32 $0xA100, v1;
	[smem:$0x7C8] =	sst s18;
	s18 =	sor.u32 $0x1D380, s25;
	s11 =	sor.u32 s24, s19;
	v9 =	vld.idx.msk [tilespmem:v46+s13+$0x0], $0xffff;
	[tilespmem:s5+$0x0] =	vst v8  }
0x1d7: {  	v51 =	vadd.s32 $0xA180, v1;
	[smem:$0x7CA] =	sst s20;
	s20 =	sor.u32 s24, s18;
	v10 =	vld.idx.msk [tilespmem:v47+s13+$0x0], $0xffff;
	[tilespmem:s11+$0x0] =	vst v2  }
0x1d8: {  	v52 =	vadd.s32 $0x8000, v0;
	[smem:$0x7CB] =	sst s21;
	s21 =	sor.u32 s23, s3;
	[tilespmem:s20+$0x0] =	vst v3  }
0x1d9: {  	v54 =	vadd.s32 $0x8080, v0;
	s29 =	sor.u32 s23, s4;
	[tilespmem:s21+$0x0] =	vst v4;
	v53 =	vld.idx.msk [tilespmem:v48+s13+$0x0], $0xffff  }
0x1da: {  	v55 =	vadd.s32 $0x8100, v0;
	s30 =	sor.u32 s23, s16;
	[tilespmem:s29+$0x0] =	vst v7;
	v6 =	vld.idx.msk [tilespmem:v49+s13+$0x0], $0xffff  }
0x1db: {  	v56 =	vadd.s32 $0x8180, v0;
	s31 =	sor.u32 s23, s12;
	[tilespmem:s30+$0x0] =	vst v9;
	v8 =	vld.idx.msk [tilespmem:v50+s13+$0x0], $0xffff  }
0x1dc: {  	s2 =	sor.u32 $0x1D800, s25;
	v2 =	vld.idx.msk [tilespmem:v51+s13+$0x0], $0xffff;
	[tilespmem:s31+$0x0] =	vst v10  }
0x1dd: {  	v57 =	vadd.s32 $0xA200, v1;
	s1 =	sor.u32 s24, s2;
	s5 =	sor.u32 $0x1D880, s25;
	v3 =	vld.idx.msk [tilespmem:v52+s13+$0x0], $0xffff  }
0x1de: {  	v58 =	vadd.s32 $0xA280, v1;
	[smem:$0x7CC] =	sst s3;
	s3 =	sor.u32 s24, s5;
	s11 =	sor.u32 $0x1D900, s25;
	v5 =	vld.idx.msk [tilespmem:v54+s13+$0x0], $0xffff;
	[tilespmem:s1+$0x0] =	vst v53  }
0x1df: {  	v59 =	vadd.s32 $0xA300, v1;
	[smem:$0x7CD] =	sst s4;
	s21 =	sor.u32 $0x1D980, s25;
	s4 =	sor.u32 s24, s11;
	v7 =	vld.idx.msk [tilespmem:v55+s13+$0x0], $0xffff;
	[tilespmem:s3+$0x0] =	vst v6  }
0x1e0: {  	v60 =	vadd.s32 $0xA380, v1;
	s20 =	sor.u32 s24, s21;
	v9 =	vld.idx.msk [tilespmem:v56+s13+$0x0], $0xffff;
	[tilespmem:s4+$0x0] =	vst v8  }
0x1e1: {  	v61 =	vadd.s32 $0x8200, v0;
	[smem:$0x7CE] =	sst s26;
	s26 =	sor.u32 s23, s26;
	[tilespmem:s20+$0x0] =	vst v2  }
0x1e2: {  	v63 =	vadd.s32 $0x8280, v0;
	s29 =	sor.u32 s23, s14;
	[tilespmem:s26+$0x0] =	vst v3;
	v62 =	vld.idx.msk [tilespmem:v57+s13+$0x0], $0xffff  }
0x1e3: {  	v12 =	vadd.s32 $0x8300, v0;
	s30 =	sor.u32 s23, s17;
	[tilespmem:s29+$0x0] =	vst v5;
	v4 =	vld.idx.msk [tilespmem:v58+s13+$0x0], $0xffff  }
0x1e4: {  	v13 =	vadd.s32 $0x8380, v0;
	s31 =	sor.u32 s23, s15;
	[tilespmem:s30+$0x0] =	vst v7;
	v6 =	vld.idx.msk [tilespmem:v59+s13+$0x0], $0xffff  }
0x1e5: {  	s4 =	sor.u32 $0x1DA00, s25;
	v8 =	vld.idx.msk [tilespmem:v60+s13+$0x0], $0xffff;
	[tilespmem:s31+$0x0] =	vst v9  }
0x1e6: {  	v14 =	vadd.s32 $0xC000, v1;
	[smem:$0x7CF] =	sst s14;
	s14 =	sor.u32 $0x1DA80, s25;
	s1 =	sor.u32 s24, s4;
	v2 =	vld.idx.msk [tilespmem:v61+s13+$0x0], $0xffff  }
0x1e7: {  	v15 =	vadd.s32 $0xC080, v1;
	s3 =	sor.u32 s24, s14;
	s20 =	sor.u32 $0x1DB00, s25;
	v10 =	vld.idx.msk [tilespmem:v63+s13+$0x0], $0xffff;
	[tilespmem:s1+$0x0] =	vst v62  }
0x1e8: {  	v16 =	vadd.s32 $0xC100, v1;
	s26 =	sor.u32 s24, s20;
	s30 =	sor.u32 $0x1DB80, s25;
	v5 =	vld.idx.msk [tilespmem:v12+s13+$0x0], $0xffff;
	[tilespmem:s3+$0x0] =	vst v4  }
0x1e9: {  	v17 =	vadd.s32 $0xC180, v1;
	s29 =	sor.u32 s24, s30;
	v7 =	vld.idx.msk [tilespmem:v13+s13+$0x0], $0xffff;
	[tilespmem:s26+$0x0] =	vst v6  }
0x1ea: {  	v18 =	vadd.s32 $0xA000, v0;
	s31 =	sor.u32 s23, s7;
	[tilespmem:s29+$0x0] =	vst v8  }
0x1eb: {  	v20 =	vadd.s32 $0xA080, v0;
	s1 =	sor.u32 s23, s10;
	[tilespmem:s31+$0x0] =	vst v2;
	v19 =	vld.idx.msk [tilespmem:v14+s13+$0x0], $0xffff  }
0x1ec: {  	v21 =	vadd.s32 $0xA100, v0;
	s3 =	sor.u32 s23, s19;
	[tilespmem:s1+$0x0] =	vst v10;
	v3 =	vld.idx.msk [tilespmem:v15+s13+$0x0], $0xffff  }
0x1ed: {  	v22 =	vadd.s32 $0xA180, v0;
	[smem:$0x7D0] =	sst s7;
	s7 =	sor.u32 s23, s18;
	[tilespmem:s3+$0x0] =	vst v5;
	v4 =	vld.idx.msk [tilespmem:v16+s13+$0x0], $0xffff  }
0x1ee: {  	v6 =	vld.idx.msk [tilespmem:v17+s13+$0x0], $0xffff;
	s3 =	sor.u32 $0x1E000, s25;
	[tilespmem:s7+$0x0] =	vst v7  }
0x1ef: {  	v23 =	vadd.s32 $0xC200, v1;
	[smem:$0x7D1] =	sst s10;
	s26 =	sor.u32 $0x1E080, s25;
	s10 =	sor.u32 s24, s3;
	v8 =	vld.idx.msk [tilespmem:v18+s13+$0x0], $0xffff  }
0x1f0: {  	v24 =	vadd.s32 $0xC280, v1;
	[smem:$0x7D2] =	sst s19;
	s31 =	sor.u32 $0x1E100, s25;
	s19 =	sor.u32 s24, s26;
	v9 =	vld.idx.msk [tilespmem:v20+s13+$0x0], $0xffff;
	[tilespmem:s10+$0x0] =	vst v19  }
0x1f1: {  	v25 =	vadd.s32 $0xC300, v1;
	s29 =	sor.u32 s24, s31;
	v10 =	vld.idx.msk [tilespmem:v21+s13+$0x0], $0xffff;
	[tilespmem:s19+$0x0] =	vst v3;
	s19 =	sor.u32 $0x1E180, s25  }
0x1f2: {  	v26 =	vadd.s32 $0xC380, v1;
	v5 =	vld.idx.msk [tilespmem:v22+s13+$0x0], $0xffff;
	[tilespmem:s29+$0x0] =	vst v4;
	s1 =	sor.u32 s24, s19  }
0x1f3: {  	v27 =	vadd.s32 $0xA200, v0;
	s7 =	sor.u32 s23, s2;
	[tilespmem:s1+$0x0] =	vst v6  }
0x1f4: {  	v28 =	vadd.s32 $0xA280, v0;
	[smem:$0x7D3] =	sst s2;
	s10 =	sor.u32 s23, s5;
	[tilespmem:s7+$0x0] =	vst v8;
	v7 =	vld.idx.msk [tilespmem:v23+s13+$0x0], $0xffff  }
0x1f5: {  	v29 =	vadd.s32 $0xA300, v0;
	[smem:$0x7D4] =	sst s5;
	s29 =	sor.u32 s23, s11;
	[tilespmem:s10+$0x0] =	vst v9;
	v2 =	vld.idx.msk [tilespmem:v24+s13+$0x0], $0xffff  }
0x1f6: {  	v30 =	vadd.s32 $0xA380, v0;
	[smem:$0x7D5] =	sst s11;
	s1 =	sor.u32 s23, s21;
	[tilespmem:s29+$0x0] =	vst v10;
	v3 =	vld.idx.msk [tilespmem:v25+s13+$0x0], $0xffff  }
0x1f7: {  	[smem:$0x7D6] =	sst s21;
	s2 =	sadd.s32 $0xFFFFFFF0, s22;
	v4 =	vld.idx.msk [tilespmem:v26+s13+$0x0], $0xffff;
	s29 =	sor.u32 $0x1E200, s25;
	[tilespmem:s1+$0x0] =	vst v5  }
0x1f8: {  	v31 =	vadd.s32 $0xE000, v1;
	s0 =	sand.u32 $0x60, s2;
	s11 =	sor.u32 $0x1E280, s25;
	s5 =	sor.u32 s24, s29;
	v6 =	vld.idx.msk [tilespmem:v27+s13+$0x0], $0xffff  }
0x1f9: {  	v32 =	vadd.s32 $0xE080, v1;
	s7 =	sor.u32 s24, s11;
	s10 =	sor.u32 $0x1E300, s25;
	s21 =	sadd.s32 $0x900, s28;
	v8 =	vld.idx.msk [tilespmem:v28+s13+$0x0], $0xffff;
	[tilespmem:s5+$0x0] =	vst v7  }
0x1fa: {  	v33 =	vadd.s32 $0xE100, v1;
	v9 =	vld.idx.msk [tilespmem:v29+s13+$0x0], $0xffff;
	s5 =	sand.u32 $0xC00, s21;
	s21 =	sor.u32 s24, s10;
	[tilespmem:s7+$0x0] =	vst v2;
	s7 =	sor.u32 $0x1E380, s25  }
0x1fb: {  	v34 =	vadd.s32 $0xE180, v1;
	v10 =	vld.idx.msk [tilespmem:v30+s13+$0x0], $0xffff;
	s0 =	sor.u32 s0, s5;
	[tilespmem:s21+$0x0] =	vst v3;
	s5 =	sor.u32 s24, s7  }
0x1fc: {  	v11 =	vadd.s32 $0xC000, v0;
	v35 =	vld [tilespmem:s0+$0x0];
	s21 =	sor.u32 s23, s4;
	[tilespmem:s5+$0x0] =	vst v4  }
0x1fd: {  	v36 =	vadd.s32 $0xC080, v0;
	s1 =	sor.u32 s23, s14;
	[tilespmem:s21+$0x0] =	vst v6;
	v5 =	vld.idx.msk [tilespmem:v31+s13+$0x0], $0xffff  }
0x1fe: {  	v37 =	vadd.s32 $0xC100, v0;
	s2 =	sor.u32 s23, s20;
	[tilespmem:s1+$0x0] =	vst v8;
	v7 =	vld.idx.msk [tilespmem:v32+s13+$0x0], $0xffff  }
0x1ff: {  	v38 =	vadd.s32 $0xC180, v0;
	[smem:$0x7D7] =	sst s4;
	s4 =	sor.u32 s23, s30;
	v2 =	vld.idx.msk [tilespmem:v33+s13+$0x0], $0xffff;
	[tilespmem:s2+$0x0] =	vst v9  }
0x200: {  	v3 =	vld.idx.msk [tilespmem:v34+s13+$0x0], $0xffff;
	[tilespmem:s4+$0x0] =	vst v10;
	s4 =	sor.u32 $0x1E800, s25  }
0x201: {  	[smem:$0x7D8] =	sst s14;
	s14 =	sor.u32 $0x1E880, s25;
	v10 =	vld.idx.msk [tilespmem:v11+s13+$0x0], $0xffff;
	s5 =	sor.u32 s24, s4  }
0x202: {  	[smem:$0x7D9] =	sst s20;
	s20 =	sor.u32 s24, s14;
	s2 =	sor.u32 $0x1E900, s25;
	v6 =	vld.idx.msk [tilespmem:v36+s13+$0x0], $0xffff;
	[tilespmem:s5+$0x0] =	vst v5  }
0x203: {  	s1 =	sadd.s32 $0x980, s28;
	s21 =	sor.u32 s24, s2;
	v8 =	vld.idx.msk [tilespmem:v37+s13+$0x0], $0xffff;
	s5 =	sor.u32 $0x1E980, s25;
	[tilespmem:s20+$0x0] =	vst v7  }
0x204: {  	s0 =	sand.u32 $0xC00, s1;
	s1 =	sand.u32 $0x70, s22;
	v9 =	vld.idx.msk [tilespmem:v38+s13+$0x0], $0xffff;
	s20 =	sor.u32 s24, s5;
	[tilespmem:s21+$0x0] =	vst v2  }
0x205: {  	v42 =	vadd.s32 $0xC200, v0;
	s0 =	sor.u32 s1, s0;
	s21 =	sor.u32 s23, s3;
	[tilespmem:s20+$0x0] =	vst v3  }
0x206: {  	v12 =	vadd.s32 $0xC280, v0;
	[smem:$0x7DB] =	sst s26;
	s26 =	sor.u32 s23, s26;
	v43 =	vld [tilespmem:s0+$0x0];
	[tilespmem:s21+$0x0] =	vst v10  }
0x207: {  	v13 =	vadd.s32 $0xC300, v0;
	s1 =	sor.u32 s23, s31;
	v44 =	vshll.u32 v35, $0x3;
	[tilespmem:s26+$0x0] =	vst v6  }
0x208: {  	v45 =	vadd.s32 $0xC380, v0;
	[smem:$0x7DA] =	sst s3;
	v46 =	vand.u32 $0x7F, v35;
	s3 =	sor.u32 s23, s19;
	v3 =	vand.u32 $0xFFFFFC00, v44;
	[tilespmem:s1+$0x0] =	vst v8  }
0x209: {  	v3 =	vor.u32 v46, v3;
	[tilespmem:s3+$0x0] =	vst v9  }
0x20a: {  	v48 =	vor.u32 $0x80, v3;
	v47 =	vld.idx.msk [tilespmem:v42+s13+$0x0], $0xffff  }
0x20b: {  	v51 =	vshll.u32 v43, $0x3;
	v50 =	vor.u32 $0x100, v3;
	v49 =	vld.idx.msk [tilespmem:v12+s13+$0x0], $0xffff  }
0x20c: {  	v10 =	vand.u32 $0x7F, v43;
	v2 =	vand.u32 $0xFFFFFC00, v51;
	v14 =	vor.u32 $0x180, v3;
	v13 =	vld.idx.msk [tilespmem:v13+s13+$0x0], $0xffff  }
0x20d: {  	v2 =	vor.u32 v10, v2;
	v7 =	vld.idx.msk [tilespmem:v45+s13+$0x0], $0xffff  }
0x20e: {  	v15 =	vor.u32 $0x80, v2;
	v52 =	vld.idx.msk [tilespmem:v3+s13+$0x0], $0xffff  }
0x20f: {  	s20 =	sor.u32 s23, s29;
	v16 =	vor.u32 $0x100, v2;
	v9 =	vld.idx.msk [tilespmem:v48+s13+$0x0], $0xffff  }
0x210: {  	s21 =	sor.u32 s23, s11;
	v53 =	vld.idx.msk [tilespmem:v50+s13+$0x0], $0xffff;
	[tilespmem:s20+$0x0] =	vst v47  }
0x211: {  	s0 =	sor.u32 $0x20, s24;
	s26 =	sor.u32 s23, s10;
	v54 =	vor.u32 $0x180, v2;
	v55 =	vld.idx.msk [tilespmem:v14+s13+$0x0], $0xffff;
	[tilespmem:s21+$0x0] =	vst v49  }
0x212: {  	s1 =	sor.u32 s0, s6;
	v57 =	vld.idx.msk [tilespmem:v2+s13+$0x0], $0xffff;
	[tilespmem:s26+$0x0] =	vst v13;
	s26 =	sld [smem:$0x7B5]  }
0x213: {  	v56 =	vor.u32 $0x200, v3;
	s3 =	sor.u32 s0, s8;
	v15 =	vld.idx.msk [tilespmem:v15+s13+$0x0], $0xffff;
	[tilespmem:s1+$0x0] =	vst v52  }
0x214: {  	v58 =	vor.u32 $0x280, v3;
	v16 =	vld.idx.msk [tilespmem:v16+s13+$0x0], $0xffff;
	s21 =	sor.u32 s0, s9;
	[tilespmem:s3+$0x0] =	vst v9  }
0x215: {  	v59 =	vor.u32 $0x300, v3;
	[tilespmem:s21+$0x0] =	vst v53;
	s21 =	sor.u32 $0x30, s24;
	s3 =	sor.u32 s0, s26  }
0x216: {  	v60 =	vor.u32 $0x380, v3;
	v12 =	vld.idx.msk [tilespmem:v54+s13+$0x0], $0xffff;
	s6 =	sor.u32 s21, s6;
	[tilespmem:s3+$0x0] =	vst v55  }
0x217: {  	v61 =	vor.u32 $0x200, v2;
	s8 =	sor.u32 s21, s8;
	[tilespmem:s6+$0x0] =	vst v57  }
0x218: {  	v62 =	vor.u32 $0x280, v2;
	s20 =	sor.u32 s21, s9;
	v13 =	vld.idx.msk [tilespmem:v56+s13+$0x0], $0xffff;
	[tilespmem:s8+$0x0] =	vst v15  }
0x219: {  	v63 =	vor.u32 $0x300, v2;
	v10 =	vld.idx.msk [tilespmem:v58+s13+$0x0], $0xffff;
	[tilespmem:s20+$0x0] =	vst v16;
	s20 =	sld [smem:$0x7B6]  }
0x21a: {  	v20 =	vor.u32 $0x380, v2;
	s26 =	sor.u32 s21, s26;
	s9 =	sld [smem:$0x7B7];
	v9 =	vld.idx.msk [tilespmem:v59+s13+$0x0], $0xffff  }
0x21b: {  	s1 =	sor.u32 s23, s7;
	v8 =	vld.idx.msk [tilespmem:v60+s13+$0x0], $0xffff;
	[tilespmem:s26+$0x0] =	vst v12  }
0x21c: {  	[tilespmem:s1+$0x0] =	vst v7;
	v11 =	vld.idx.msk [tilespmem:v61+s13+$0x0], $0xffff;
	s6 =	sor.u32 s0, s20  }
0x21d: {  	v22 =	vadd.s32 $0x2000, v3;
	s8 =	sor.u32 s0, s9;
	v14 =	vld.idx.msk [tilespmem:v62+s13+$0x0], $0xffff;
	[tilespmem:s6+$0x0] =	vst v13;
	s6 =	rddreg [dreg:$0x1c]  }
0x21e: {  	v23 =	vadd.s32 $0x2080, v3;
	v15 =	vld.idx.msk [tilespmem:v63+s13+$0x0], $0xffff;
	[tilespmem:s8+$0x0] =	vst v10;
	s26 =	sor.u32 s0, s6;
	s8 =	rddreg [dreg:$0x1f]  }
0x21f: {  	v16 =	vld.idx.msk [tilespmem:v20+s13+$0x0], $0xffff;
	[tilespmem:s26+$0x0] =	vst v9;
	s1 =	sor.u32 s0, s8  }
0x220: {  	v27 =	vadd.s32 $0x2000, v2;
	s26 =	sor.u32 s21, s20;
	[tilespmem:s1+$0x0] =	vst v8  }
0x221: {  	v24 =	vadd.s32 $0x2100, v3;
	[tilespmem:s26+$0x0] =	vst v11;
	s1 =	sor.u32 s21, s9  }
0x222: {  	v25 =	vadd.s32 $0x2180, v3;
	s6 =	sor.u32 s21, s6;
	v7 =	vld.idx.msk [tilespmem:v22+s13+$0x0], $0xffff;
	[tilespmem:s1+$0x0] =	vst v14  }
0x223: {  	v28 =	vadd.s32 $0x2080, v2;
	s8 =	sor.u32 s21, s8;
	v13 =	vld.idx.msk [tilespmem:v23+s13+$0x0], $0xffff;
	[tilespmem:s6+$0x0] =	vst v15;
	s6 =	sld [smem:$0x7B8]  }
0x224: {  	v29 =	vadd.s32 $0x2100, v2;
	[tilespmem:s8+$0x0] =	vst v16;
	s8 =	sld [smem:$0x7B9]  }
0x225: {  	v30 =	vadd.s32 $0x2180, v2;
	v12 =	vld.idx.msk [tilespmem:v27+s13+$0x0], $0xffff  }
0x226: {  	v10 =	vld.idx.msk [tilespmem:v24+s13+$0x0], $0xffff;
	s9 =	sor.u32 s0, s6  }
0x227: {  	v9 =	vld.idx.msk [tilespmem:v25+s13+$0x0], $0xffff;
	[tilespmem:s9+$0x0] =	vst v7;
	s20 =	sor.u32 s0, s8;
	s9 =	sld [smem:$0x7BA]  }
0x228: {  	v11 =	vld.idx.msk [tilespmem:v28+s13+$0x0], $0xffff;
	[tilespmem:s20+$0x0] =	vst v13;
	s20 =	sld [smem:$0x7BB]  }
0x229: {  	v17 =	vadd.s32 $0x2200, v3;
	v14 =	vld.idx.msk [tilespmem:v29+s13+$0x0], $0xffff;
	s6 =	sor.u32 s21, s6  }
0x22a: {  	v15 =	vld.idx.msk [tilespmem:v30+s13+$0x0], $0xffff;
	s26 =	sor.u32 s0, s9;
	[tilespmem:s6+$0x0] =	vst v12  }
0x22b: {  	[tilespmem:s26+$0x0] =	vst v10;
	s1 =	sor.u32 s0, s20  }
0x22c: {  	v32 =	vadd.s32 $0x2280, v3;
	s26 =	sor.u32 s21, s8;
	[tilespmem:s1+$0x0] =	vst v9  }
0x22d: {  	v33 =	vadd.s32 $0x2300, v3;
	[tilespmem:s26+$0x0] =	vst v11;
	s1 =	sor.u32 s21, s9  }
0x22e: {  	v34 =	vadd.s32 $0x2380, v3;
	s6 =	sor.u32 s21, s20;
	v37 =	vld.idx.msk [tilespmem:v17+s13+$0x0], $0xffff;
	[tilespmem:s1+$0x0] =	vst v14  }
0x22f: {  	[tilespmem:s6+$0x0] =	vst v15;
	s6 =	sld [smem:$0x7BC]  }
0x230: {  	v39 =	vadd.s32 $0xE200, v1  }
0x231: {  	v40 =	vadd.s32 $0xE280, v1;
	v7 =	vld.idx.msk [tilespmem:v32+s13+$0x0], $0xffff  }
0x232: {  	v13 =	vld.idx.msk [tilespmem:v33+s13+$0x0], $0xffff;
	s8 =	sor.u32 s0, s6  }
0x233: {  	v36 =	vadd.s32 $0x2200, v2;
	v10 =	vld.idx.msk [tilespmem:v34+s13+$0x0], $0xffff;
	[tilespmem:s8+$0x0] =	vst v37;
	s8 =	sld [smem:$0x7BD]  }
0x234: {  	v38 =	vadd.s32 $0x2280, v2  }
0x235: {  	v6 =	vld.idx.msk [tilespmem:v39+s13+$0x0], $0xffff;
	v39 =	vadd.s32 $0x2300, v2  }
0x236: {  	v5 =	vld.idx.msk [tilespmem:v40+s13+$0x0], $0xffff;
	v40 =	vadd.s32 $0x2380, v2;
	s9 =	sor.u32 s0, s8  }
0x237: {  	[tilespmem:s9+$0x0] =	vst v7;
	s9 =	sld [smem:$0x7BE]  }
0x238: {  	s1 =	sld [smem:$0x7BF];
	v16 =	vld.idx.msk [tilespmem:v36+s13+$0x0], $0xffff  }
0x239: {  	v17 =	vld.idx.msk [tilespmem:v38+s13+$0x0], $0xffff  }
0x23a: {  	v18 =	vadd.s32 $0x4000, v3;
	v11 =	vld.idx.msk [tilespmem:v39+s13+$0x0], $0xffff;
	s20 =	sor.u32 s0, s9  }
0x23b: {  	v41 =	vadd.s32 $0xE300, v1;
	v14 =	vld.idx.msk [tilespmem:v40+s13+$0x0], $0xffff;
	s26 =	sor.u32 s0, s1;
	[tilespmem:s20+$0x0] =	vst v13  }
0x23c: {  	v1 =	vadd.s32 $0xE380, v1;
	s20 =	sor.u32 s21, s6;
	[tilespmem:s26+$0x0] =	vst v10  }
0x23d: {  	v42 =	vadd.s32 $0x4080, v3;
	[tilespmem:s20+$0x0] =	vst v16;
	s26 =	sor.u32 s21, s8  }
0x23e: {  	v43 =	vadd.s32 $0x4100, v3;
	s6 =	sor.u32 s21, s9;
	[tilespmem:s26+$0x0] =	vst v17  }
0x23f: {  	v44 =	vadd.s32 $0x4180, v3;
	s8 =	sor.u32 s21, s1;
	v47 =	vld.idx.msk [tilespmem:v18+s13+$0x0], $0xffff;
	[tilespmem:s6+$0x0] =	vst v11  }
0x240: {  	v4 =	vld.idx.msk [tilespmem:v41+s13+$0x0], $0xffff;
	[tilespmem:s8+$0x0] =	vst v14;
	s8 =	sld [smem:$0x7C0]  }
0x241: {  	v1 =	vld.idx.msk [tilespmem:v1+s13+$0x0], $0xffff;
	s3 =	sor.u32 $0x1EA00, s25  }
0x242: {  	s9 =	sor.u32 s24, s3;
	v12 =	vld.idx.msk [tilespmem:v42+s13+$0x0], $0xffff  }
0x243: {  	v46 =	vadd.s32 $0x4000, v2;
	[tilespmem:s9+$0x0] =	vst v6;
	s9 =	sld [smem:$0x7C1];
	v7 =	vld.idx.msk [tilespmem:v43+s13+$0x0], $0xffff;
	s20 =	sor.u32 s0, s8  }
0x244: {  	v48 =	vadd.s32 $0x4080, v2;
	v13 =	vld.idx.msk [tilespmem:v44+s13+$0x0], $0xffff;
	[tilespmem:s20+$0x0] =	vst v47;
	s20 =	sld [smem:$0x7C2];
	_ =	sdelay $0x1  }
0x245: {  	v49 =	vadd.s32 $0x4100, v2;
	s26 =	sor.u32 s0, s9  }
0x246: {  	v50 =	vadd.s32 $0x4180, v2;
	[tilespmem:s26+$0x0] =	vst v12;
	s1 =	sor.u32 s0, s20  }
0x247: {  	v52 =	vadd.s32 $0x4200, v3;
	v15 =	vld.idx.msk [tilespmem:v46+s13+$0x0], $0xffff;
	[tilespmem:s1+$0x0] =	vst v7;
	s1 =	sld [smem:$0x7C3]  }
0x248: {  	v18 =	vld.idx.msk [tilespmem:v48+s13+$0x0], $0xffff;
	_ =	sdelay $0x1  }
0x249: {  	v53 =	vadd.s32 $0x4280, v3;
	v17 =	vld.idx.msk [tilespmem:v49+s13+$0x0], $0xffff;
	s26 =	sor.u32 s0, s1  }
0x24a: {  	v54 =	vadd.s32 $0x4300, v3;
	v11 =	vld.idx.msk [tilespmem:v50+s13+$0x0], $0xffff;
	[tilespmem:s26+$0x0] =	vst v13;
	s26 =	sor.u32 s21, s8  }
0x24b: {  	v55 =	vadd.s32 $0x4380, v3;
	s8 =	sor.u32 s21, s9;
	[tilespmem:s26+$0x0] =	vst v15;
	v6 =	vld.idx.msk [tilespmem:v52+s13+$0x0], $0xffff  }
0x24c: {  	[tilespmem:s8+$0x0] =	vst v18;
	s8 =	sld [smem:$0x7C4];
	_ =	sdelay $0x1  }
0x24d: {  	v16 =	vld.idx.msk [tilespmem:v53+s13+$0x0], $0xffff  }
0x24e: {  	s9 =	sor.u32 s21, s20;
	s20 =	sor.u32 s21, s1;
	v12 =	vld.idx.msk [tilespmem:v54+s13+$0x0], $0xffff;
	s1 =	sor.u32 s0, s8  }
0x24f: {  	v7 =	vld.idx.msk [tilespmem:v55+s13+$0x0], $0xffff;
	[tilespmem:s1+$0x0] =	vst v6;
	s1 =	sld [smem:$0x7C5]  }
0x250: {  	v21 =	vadd.s32 $0xE000, v0;
	_ =	sdelay $0x1  }
0x251: {  	v31 =	vadd.s32 $0xE080, v0;
	[tilespmem:s9+$0x0] =	vst v17;
	s9 =	sor.u32 s0, s1  }
0x252: {  	v41 =	vadd.s32 $0xE100, v0;
	[tilespmem:s9+$0x0] =	vst v16;
	s9 =	sld [smem:$0x7C6]  }
0x253: {  	v51 =	vadd.s32 $0xE180, v0  }
0x254: {  	v26 =	vld.idx.msk [tilespmem:v21+s13+$0x0], $0xffff;
	v57 =	vadd.s32 $0x4200, v2  }
0x255: {  	v58 =	vadd.s32 $0x4280, v2;
	[tilespmem:s20+$0x0] =	vst v11;
	s20 =	sor.u32 s0, s9  }
0x256: {  	v35 =	vld.idx.msk [tilespmem:v31+s13+$0x0], $0xffff;
	v61 =	vadd.s32 $0x6000, v3;
	[tilespmem:s20+$0x0] =	vst v12;
	s20 =	sld [smem:$0x7C7]  }
0x257: {  	v45 =	vld.idx.msk [tilespmem:v41+s13+$0x0], $0xffff;
	v59 =	vadd.s32 $0x4300, v2  }
0x258: {  	v56 =	vld.idx.msk [tilespmem:v51+s13+$0x0], $0xffff;
	v60 =	vadd.s32 $0x4380, v2;
	s26 =	sor.u32 s23, s4  }
0x259: {  	v62 =	vadd.s32 $0x6080, v3;
	[tilespmem:s26+$0x0] =	vst v26;
	v11 =	vld.idx.msk [tilespmem:v57+s13+$0x0], $0xffff;
	s26 =	sor.u32 s0, s20  }
0x25a: {  	v20 =	vadd.s32 $0x6100, v3;
	v63 =	vld.idx.msk [tilespmem:v58+s13+$0x0], $0xffff;
	[tilespmem:s26+$0x0] =	vst v7  }
0x25b: {  	v22 =	vadd.s32 $0x6180, v3;
	s26 =	sor.u32 s21, s8;
	s8 =	sor.u32 s21, s1;
	s1 =	sor.u32 s23, s14;
	v8 =	vld.idx.msk [tilespmem:v61+s13+$0x0], $0xffff  }
0x25c: {  	v21 =	vld.idx.msk [tilespmem:v59+s13+$0x0], $0xffff;
	[tilespmem:s1+$0x0] =	vst v35;
	s1 =	sld [smem:$0x7C8]  }
0x25d: {  	v17 =	vld.idx.msk [tilespmem:v60+s13+$0x0], $0xffff  }
0x25e: {  	[tilespmem:s26+$0x0] =	vst v11;
	v6 =	vld.idx.msk [tilespmem:v62+s13+$0x0], $0xffff  }
0x25f: {  	v15 =	vld.idx.msk [tilespmem:v20+s13+$0x0], $0xffff;
	[tilespmem:s8+$0x0] =	vst v63;
	s8 =	sor.u32 s0, s1  }
0x260: {  	v23 =	vadd.s32 $0x6000, v2;
	v12 =	vld.idx.msk [tilespmem:v22+s13+$0x0], $0xffff;
	[tilespmem:s8+$0x0] =	vst v8;
	s8 =	sld [smem:$0x7C9]  }
0x261: {  	v24 =	vadd.s32 $0x6080, v2;
	s9 =	sor.u32 s21, s9  }
0x262: {  	s26 =	sor.u32 s21, s20;
	[tilespmem:s9+$0x0] =	vst v21  }
0x263: {  	[tilespmem:s26+$0x0] =	vst v17;
	s9 =	sor.u32 s0, s8  }
0x264: {  	v25 =	vadd.s32 $0x6100, v2;
	[tilespmem:s9+$0x0] =	vst v6;
	s9 =	sld [smem:$0x7CA]  }
0x265: {  	v26 =	vadd.s32 $0x6180, v2;
	v7 =	vld.idx.msk [tilespmem:v23+s13+$0x0], $0xffff  }
0x266: {  	v11 =	vld.idx.msk [tilespmem:v24+s13+$0x0], $0xffff  }
0x267: {  	s20 =	sor.u32 s0, s9  }
0x268: {  	v27 =	vadd.s32 $0x6200, v3;
	[tilespmem:s20+$0x0] =	vst v15;
	s20 =	sld [smem:$0x7CB]  }
0x269: {  	s1 =	sor.u32 s21, s1;
	v14 =	vld.idx.msk [tilespmem:v25+s13+$0x0], $0xffff  }
0x26a: {  	v28 =	vadd.s32 $0x6280, v3;
	v16 =	vld.idx.msk [tilespmem:v26+s13+$0x0], $0xffff;
	s8 =	sor.u32 s21, s8;
	[tilespmem:s1+$0x0] =	vst v7  }
0x26b: {  	v31 =	vadd.s32 $0x6200, v2;
	[tilespmem:s8+$0x0] =	vst v11;
	s26 =	sor.u32 s0, s20  }
0x26c: {  	v29 =	vadd.s32 $0x6300, v3;
	s1 =	sor.u32 s23, s2;
	[tilespmem:s26+$0x0] =	vst v12  }
0x26d: {  	v30 =	vadd.s32 $0x6380, v3;
	[tilespmem:s1+$0x0] =	vst v45;
	s9 =	sor.u32 s21, s9;
	v32 =	vld.idx.msk [tilespmem:v27+s13+$0x0], $0xffff  }
0x26e: {  	v33 =	vadd.s32 $0x6280, v2;
	s1 =	sld [smem:$0x7CC];
	[tilespmem:s9+$0x0] =	vst v14;
	s26 =	sor.u32 s21, s20  }
0x26f: {  	v34 =	vadd.s32 $0x6300, v2;
	v8 =	vld.idx.msk [tilespmem:v28+s13+$0x0], $0xffff;
	[tilespmem:s26+$0x0] =	vst v16  }
0x270: {  	v35 =	vadd.s32 $0x6380, v2;
	v12 =	vld.idx.msk [tilespmem:v31+s13+$0x0], $0xffff  }
0x271: {  	s8 =	sor.u32 s0, s1;
	v6 =	vld.idx.msk [tilespmem:v29+s13+$0x0], $0xffff  }
0x272: {  	v15 =	vld.idx.msk [tilespmem:v30+s13+$0x0], $0xffff;
	[tilespmem:s8+$0x0] =	vst v32;
	s8 =	sld [smem:$0x7CD]  }
0x273: {  	v9 =	vld.idx.msk [tilespmem:v33+s13+$0x0], $0xffff  }
0x274: {  	s1 =	sor.u32 s21, s1;
	v11 =	vld.idx.msk [tilespmem:v34+s13+$0x0], $0xffff  }
0x275: {  	v36 =	vadd.s32 $0x8000, v3;
	v14 =	vld.idx.msk [tilespmem:v35+s13+$0x0], $0xffff;
	[tilespmem:s1+$0x0] =	vst v12;
	s9 =	sor.u32 s0, s8  }
0x276: {  	v37 =	vadd.s32 $0x8080, v3;
	s20 =	sor.u32 s0, s16;
	[tilespmem:s9+$0x0] =	vst v8  }
0x277: {  	v40 =	vadd.s32 $0x8000, v2;
	s9 =	sor.u32 s21, s8;
	[tilespmem:s20+$0x0] =	vst v6  }
0x278: {  	v38 =	vadd.s32 $0x8100, v3;
	s26 =	sor.u32 s0, s12;
	[tilespmem:s9+$0x0] =	vst v9  }
0x279: {  	v41 =	vadd.s32 $0x8080, v2;
	s16 =	sor.u32 s21, s16;
	[tilespmem:s26+$0x0] =	vst v15  }
0x27a: {  	v39 =	vadd.s32 $0x8180, v3;
	s20 =	sor.u32 s21, s12;
	[tilespmem:s16+$0x0] =	vst v11;
	v10 =	vld.idx.msk [tilespmem:v36+s13+$0x0], $0xffff  }
0x27b: {  	v42 =	vadd.s32 $0x8100, v2;
	s1 =	sld [smem:$0x7CE];
	v7 =	vld.idx.msk [tilespmem:v37+s13+$0x0], $0xffff;
	[tilespmem:s20+$0x0] =	vst v14  }
0x27c: {  	v43 =	vadd.s32 $0x8180, v2;
	s16 =	sld [smem:$0x7CF];
	v15 =	vld.idx.msk [tilespmem:v40+s13+$0x0], $0xffff  }
0x27d: {  	s26 =	sor.u32 s23, s5;
	v8 =	vld.idx.msk [tilespmem:v38+s13+$0x0], $0xffff  }
0x27e: {  	s12 =	sor.u32 s0, s1;
	[tilespmem:s26+$0x0] =	vst v56;
	v12 =	vld.idx.msk [tilespmem:v41+s13+$0x0], $0xffff  }
0x27f: {  	v6 =	vld.idx.msk [tilespmem:v39+s13+$0x0], $0xffff;
	s20 =	sor.u32 s0, s16;
	[tilespmem:s12+$0x0] =	vst v10  }
0x280: {  	v45 =	vadd.s32 $0x8200, v3;
	v9 =	vld.idx.msk [tilespmem:v42+s13+$0x0], $0xffff;
	s12 =	sor.u32 s21, s1;
	[tilespmem:s20+$0x0] =	vst v7  }
0x281: {  	v46 =	vadd.s32 $0x8280, v3;
	s26 =	sor.u32 s0, s17;
	v11 =	vld.idx.msk [tilespmem:v43+s13+$0x0], $0xffff;
	[tilespmem:s12+$0x0] =	vst v15  }
0x282: {  	v50 =	vadd.s32 $0x8200, v2;
	s16 =	sor.u32 s21, s16;
	[tilespmem:s26+$0x0] =	vst v8  }
0x283: {  	v47 =	vadd.s32 $0x8300, v3;
	s9 =	sor.u32 s0, s15;
	[tilespmem:s16+$0x0] =	vst v12  }
0x284: {  	v51 =	vadd.s32 $0x8280, v2;
	s20 =	sor.u32 s21, s17;
	[tilespmem:s9+$0x0] =	vst v6  }
0x285: {  	v48 =	vadd.s32 $0x8380, v3;
	s26 =	sor.u32 s21, s15;
	[tilespmem:s20+$0x0] =	vst v9;
	v13 =	vld.idx.msk [tilespmem:v45+s13+$0x0], $0xffff  }
0x286: {  	v52 =	vadd.s32 $0x8300, v2;
	s9 =	sld [smem:$0x7D0];
	v10 =	vld.idx.msk [tilespmem:v46+s13+$0x0], $0xffff;
	[tilespmem:s26+$0x0] =	vst v11  }
0x287: {  	s6 =	sor.u32 $0x1EA80, s25;
	v53 =	vadd.s32 $0x8380, v2;
	s15 =	sld [smem:$0x7D1];
	v14 =	vld.idx.msk [tilespmem:v50+s13+$0x0], $0xffff  }
0x288: {  	s1 =	sor.u32 s24, s6;
	v7 =	vld.idx.msk [tilespmem:v47+s13+$0x0], $0xffff  }
0x289: {  	[tilespmem:s1+$0x0] =	vst v5;
	s17 =	sld [smem:$0x7D2];
	v15 =	vld.idx.msk [tilespmem:v51+s13+$0x0], $0xffff;
	s12 =	sor.u32 s0, s9  }
0x28a: {  	v8 =	vld.idx.msk [tilespmem:v48+s13+$0x0], $0xffff;
	s16 =	sor.u32 s0, s15;
	[tilespmem:s12+$0x0] =	vst v13  }
0x28b: {  	v55 =	vadd.s32 $0xA000, v3;
	v12 =	vld.idx.msk [tilespmem:v52+s13+$0x0], $0xffff;
	s1 =	sor.u32 s21, s9;
	[tilespmem:s16+$0x0] =	vst v10  }
0x28c: {  	v56 =	vadd.s32 $0xA080, v3;
	s20 =	sor.u32 s0, s17;
	v9 =	vld.idx.msk [tilespmem:v53+s13+$0x0], $0xffff;
	[tilespmem:s1+$0x0] =	vst v14  }
0x28d: {  	v60 =	vadd.s32 $0xA000, v2;
	s9 =	sor.u32 s21, s15;
	[tilespmem:s20+$0x0] =	vst v7  }
0x28e: {  	v57 =	vadd.s32 $0xA100, v3;
	s26 =	sor.u32 s0, s18;
	[tilespmem:s9+$0x0] =	vst v15  }
0x28f: {  	v61 =	vadd.s32 $0xA080, v2;
	s12 =	sor.u32 s21, s17;
	[tilespmem:s26+$0x0] =	vst v8  }
0x290: {  	v58 =	vadd.s32 $0xA180, v3;
	s15 =	sor.u32 s21, s18;
	[tilespmem:s12+$0x0] =	vst v12;
	v5 =	vld.idx.msk [tilespmem:v55+s13+$0x0], $0xffff  }
0x291: {  	v62 =	vadd.s32 $0xA100, v2;
	s1 =	sld [smem:$0x7D3];
	v13 =	vld.idx.msk [tilespmem:v56+s13+$0x0], $0xffff;
	[tilespmem:s15+$0x0] =	vst v9  }
0x292: {  	v63 =	vadd.s32 $0xA180, v2;
	s8 =	sor.u32 $0x1EB00, s25;
	s12 =	sld [smem:$0x7D4];
	v11 =	vld.idx.msk [tilespmem:v60+s13+$0x0], $0xffff  }
0x293: {  	s16 =	sor.u32 s24, s8;
	v10 =	vld.idx.msk [tilespmem:v57+s13+$0x0], $0xffff  }
0x294: {  	[tilespmem:s16+$0x0] =	vst v4;
	s17 =	sor.u32 s0, s1;
	s15 =	sld [smem:$0x7D5];
	v14 =	vld.idx.msk [tilespmem:v61+s13+$0x0], $0xffff  }
0x295: {  	v44 =	vadd.s32 $0xE200, v0;
	v7 =	vld.idx.msk [tilespmem:v58+s13+$0x0], $0xffff;
	s18 =	sor.u32 s0, s12;
	[tilespmem:s17+$0x0] =	vst v5  }
0x296: {  	v19 =	vadd.s32 $0xA200, v3;
	s16 =	sld [smem:$0x7D6];
	v15 =	vld.idx.msk [tilespmem:v62+s13+$0x0], $0xffff;
	s17 =	sor.u32 s21, s1;
	[tilespmem:s18+$0x0] =	vst v13  }
0x297: {  	v20 =	vadd.s32 $0xA280, v3;
	v12 =	vld.idx.msk [tilespmem:v63+s13+$0x0], $0xffff;
	s20 =	sor.u32 s0, s15;
	[tilespmem:s17+$0x0] =	vst v11  }
0x298: {  	v24 =	vadd.s32 $0xA200, v2;
	s18 =	sor.u32 s21, s12;
	[tilespmem:s20+$0x0] =	vst v10  }
0x299: {  	v21 =	vadd.s32 $0xA300, v3;
	s26 =	sor.u32 s0, s16;
	[tilespmem:s18+$0x0] =	vst v14  }
0x29a: {  	v25 =	vadd.s32 $0xA280, v2;
	v49 =	vld.idx.msk [tilespmem:v44+s13+$0x0], $0xffff;
	s20 =	sor.u32 s21, s15;
	[tilespmem:s26+$0x0] =	vst v7  }
0x29b: {  	v22 =	vadd.s32 $0xA380, v3;
	[tilespmem:s20+$0x0] =	vst v15;
	s26 =	sor.u32 s21, s16;
	v4 =	vld.idx.msk [tilespmem:v19+s13+$0x0], $0xffff  }
0x29c: {  	v26 =	vadd.s32 $0xA300, v2;
	s15 =	sld [smem:$0x7D7];
	v5 =	vld.idx.msk [tilespmem:v20+s13+$0x0], $0xffff;
	[tilespmem:s26+$0x0] =	vst v12  }
0x29d: {  	v27 =	vadd.s32 $0xA380, v2;
	s9 =	sor.u32 $0x1EB80, s25;
	s17 =	sld [smem:$0x7D8];
	v9 =	vld.idx.msk [tilespmem:v24+s13+$0x0], $0xffff  }
0x29e: {  	v54 =	vadd.s32 $0xE280, v0;
	s1 =	sor.u32 s24, s9;
	v13 =	vld.idx.msk [tilespmem:v21+s13+$0x0], $0xffff  }
0x29f: {  	v18 =	vadd.s32 $0xE300, v0;
	[tilespmem:s1+$0x0] =	vst v1;
	s20 =	sld [smem:$0x7D9];
	s16 =	sor.u32 s0, s15;
	v11 =	vld.idx.msk [tilespmem:v25+s13+$0x0], $0xffff  }
0x2a0: {  	v0 =	vadd.s32 $0xE380, v0;
	v10 =	vld.idx.msk [tilespmem:v22+s13+$0x0], $0xffff;
	s18 =	sor.u32 s0, s17;
	[tilespmem:s16+$0x0] =	vst v4  }
0x2a1: {  	v28 =	vadd.s32 $0xC000, v3;
	v12 =	vld.idx.msk [tilespmem:v26+s13+$0x0], $0xffff;
	s26 =	sor.u32 s21, s15;
	[tilespmem:s18+$0x0] =	vst v5  }
0x2a2: {  	v29 =	vadd.s32 $0xC080, v3;
	v32 =	vld.idx.msk [tilespmem:v27+s13+$0x0], $0xffff;
	s24 =	sor.u32 s0, s20;
	[tilespmem:s26+$0x0] =	vst v9  }
0x2a3: {  	v33 =	vadd.s32 $0xC000, v2;
	v59 =	vld.idx.msk [tilespmem:v54+s13+$0x0], $0xffff;
	s1 =	sor.u32 s21, s17;
	[tilespmem:s24+$0x0] =	vst v13  }
0x2a4: {  	v30 =	vadd.s32 $0xC100, v3;
	v23 =	vld.idx.msk [tilespmem:v18+s13+$0x0], $0xffff;
	s25 =	sor.u32 s0, s30;
	[tilespmem:s1+$0x0] =	vst v11  }
0x2a5: {  	v34 =	vadd.s32 $0xC080, v2;
	v0 =	vld.idx.msk [tilespmem:v0+s13+$0x0], $0xffff;
	s15 =	sor.u32 s21, s20;
	[tilespmem:s25+$0x0] =	vst v10  }
0x2a6: {  	v31 =	vadd.s32 $0xC180, v3;
	s16 =	sor.u32 s21, s30;
	[tilespmem:s15+$0x0] =	vst v12;
	v1 =	vld.idx.msk [tilespmem:v28+s13+$0x0], $0xffff  }
0x2a7: {  	v35 =	vadd.s32 $0xC100, v2;
	s18 =	sld [smem:$0x7DA];
	v4 =	vld.idx.msk [tilespmem:v29+s13+$0x0], $0xffff;
	[tilespmem:s16+$0x0] =	vst v32  }
0x2a8: {  	v36 =	vadd.s32 $0xC180, v2;
	s24 =	sld [smem:$0x7DB];
	v10 =	vld.idx.msk [tilespmem:v33+s13+$0x0], $0xffff  }
0x2a9: {  	s17 =	sor.u32 s23, s3;
	v5 =	vld.idx.msk [tilespmem:v30+s13+$0x0], $0xffff  }
0x2aa: {  	[tilespmem:s17+$0x0] =	vst v49;
	s20 =	sor.u32 s0, s18;
	v9 =	vld.idx.msk [tilespmem:v34+s13+$0x0], $0xffff  }
0x2ab: {  	v13 =	vld.idx.msk [tilespmem:v31+s13+$0x0], $0xffff;
	s25 =	sor.u32 s0, s24;
	[tilespmem:s20+$0x0] =	vst v1  }
0x2ac: {  	v37 =	vadd.s32 $0xC200, v3;
	s16 =	sor.u32 s21, s18;
	v11 =	vld.idx.msk [tilespmem:v35+s13+$0x0], $0xffff;
	[tilespmem:s25+$0x0] =	vst v4  }
0x2ad: {  	v38 =	vadd.s32 $0xC280, v3;
	s26 =	sor.u32 s0, s31;
	v12 =	vld.idx.msk [tilespmem:v36+s13+$0x0], $0xffff;
	[tilespmem:s16+$0x0] =	vst v10  }
0x2ae: {  	v41 =	vadd.s32 $0xC200, v2;
	s17 =	sor.u32 s21, s24;
	[tilespmem:s26+$0x0] =	vst v5  }
0x2af: {  	v39 =	vadd.s32 $0xC300, v3;
	s30 =	sor.u32 s0, s19;
	[tilespmem:s17+$0x0] =	vst v9  }
0x2b0: {  	v42 =	vadd.s32 $0xC280, v2;
	s18 =	sor.u32 s21, s31;
	[tilespmem:s30+$0x0] =	vst v13  }
0x2b1: {  	v40 =	vadd.s32 $0xC380, v3;
	s20 =	sor.u32 s21, s19;
	[tilespmem:s18+$0x0] =	vst v11;
	v6 =	vld.idx.msk [tilespmem:v37+s13+$0x0], $0xffff  }
0x2b2: {  	v43 =	vadd.s32 $0xC300, v2;
	v1 =	vld.idx.msk [tilespmem:v38+s13+$0x0], $0xffff;
	[tilespmem:s20+$0x0] =	vst v12  }
0x2b3: {  	v44 =	vadd.s32 $0xC380, v2;
	v12 =	vld.idx.msk [tilespmem:v41+s13+$0x0], $0xffff  }
0x2b4: {  	v4 =	vld.idx.msk [tilespmem:v39+s13+$0x0], $0xffff  }
0x2b5: {  	s25 =	sor.u32 s0, s29;
	v10 =	vld.idx.msk [tilespmem:v42+s13+$0x0], $0xffff  }
0x2b6: {  	s26 =	sor.u32 s0, s11;
	v5 =	vld.idx.msk [tilespmem:v40+s13+$0x0], $0xffff;
	[tilespmem:s25+$0x0] =	vst v6  }
0x2b7: {  	v45 =	vadd.s32 $0xE000, v3;
	s1 =	sor.u32 s21, s29;
	v9 =	vld.idx.msk [tilespmem:v43+s13+$0x0], $0xffff;
	[tilespmem:s26+$0x0] =	vst v1  }
0x2b8: {  	v46 =	vadd.s32 $0xE080, v3;
	s30 =	sor.u32 s0, s10;
	v11 =	vld.idx.msk [tilespmem:v44+s13+$0x0], $0xffff;
	[tilespmem:s1+$0x0] =	vst v12  }
0x2b9: {  	v49 =	vadd.s32 $0xE000, v2;
	s11 =	sor.u32 s21, s11;
	[tilespmem:s30+$0x0] =	vst v4  }
0x2ba: {  	v47 =	vadd.s32 $0xE100, v3;
	s31 =	sor.u32 s0, s7;
	[tilespmem:s11+$0x0] =	vst v10  }
0x2bb: {  	v50 =	vadd.s32 $0xE080, v2;
	s10 =	sor.u32 s21, s10;
	[tilespmem:s31+$0x0] =	vst v5  }
0x2bc: {  	v48 =	vadd.s32 $0xE180, v3;
	s7 =	sor.u32 s21, s7;
	[tilespmem:s10+$0x0] =	vst v9;
	v8 =	vld.idx.msk [tilespmem:v45+s13+$0x0], $0xffff  }
0x2bd: {  	v51 =	vadd.s32 $0xE100, v2;
	v6 =	vld.idx.msk [tilespmem:v46+s13+$0x0], $0xffff;
	[tilespmem:s7+$0x0] =	vst v11  }
0x2be: {  	v52 =	vadd.s32 $0xE180, v2;
	v5 =	vld.idx.msk [tilespmem:v49+s13+$0x0], $0xffff  }
0x2bf: {  	s24 =	sor.u32 s23, s6;
	v1 =	vld.idx.msk [tilespmem:v47+s13+$0x0], $0xffff  }
0x2c0: {  	[tilespmem:s24+$0x0] =	vst v59;
	s11 =	sor.u32 s0, s4;
	v11 =	vld.idx.msk [tilespmem:v50+s13+$0x0], $0xffff  }
0x2c1: {  	s12 =	sor.u32 s0, s14;
	v4 =	vld.idx.msk [tilespmem:v48+s13+$0x0], $0xffff;
	[tilespmem:s11+$0x0] =	vst v8  }
0x2c2: {  	v53 =	vadd.s32 $0xE200, v3;
	s4 =	sor.u32 s21, s4;
	v10 =	vld.idx.msk [tilespmem:v51+s13+$0x0], $0xffff;
	[tilespmem:s12+$0x0] =	vst v6  }
0x2c3: {  	v54 =	vadd.s32 $0xE280, v3;
	s15 =	sor.u32 s0, s2;
	v57 =	vld.idx.msk [tilespmem:v52+s13+$0x0], $0xffff;
	[tilespmem:s4+$0x0] =	vst v5  }
0x2c4: {  	v58 =	vadd.s32 $0xE200, v2;
	s17 =	sor.u32 s21, s14;
	[tilespmem:s15+$0x0] =	vst v1  }
0x2c5: {  	v55 =	vadd.s32 $0xE300, v3;
	s16 =	sor.u32 s0, s5;
	[tilespmem:s17+$0x0] =	vst v11  }
0x2c6: {  	v60 =	vadd.s32 $0xE280, v2;
	s2 =	sor.u32 s21, s2;
	[tilespmem:s16+$0x0] =	vst v4  }
0x2c7: {  	v56 =	vadd.s32 $0xE380, v3;
	s18 =	sor.u32 s21, s5;
	[tilespmem:s2+$0x0] =	vst v10;
	v59 =	vld.idx.msk [tilespmem:v53+s13+$0x0], $0xffff  }
0x2c8: {  	v61 =	vadd.s32 $0xE300, v2;
	v8 =	vld.idx.msk [tilespmem:v54+s13+$0x0], $0xffff;
	[tilespmem:s18+$0x0] =	vst v57  }
0x2c9: {  	v2 =	vadd.s32 $0xE380, v2;
	s10 =	sor.u32 s23, s8;
	v62 =	vld.idx.msk [tilespmem:v58+s13+$0x0], $0xffff  }
0x2ca: {  	s19 =	sor.u32 s23, s9;
	[tilespmem:s10+$0x0] =	vst v23;
	v6 =	vld.idx.msk [tilespmem:v55+s13+$0x0], $0xffff  }
0x2cb: {  	s20 =	sor.u32 s0, s3;
	[tilespmem:s19+$0x0] =	vst v0;
	v3 =	vld.idx.msk [tilespmem:v60+s13+$0x0], $0xffff  }
0x2cc: {  	s25 =	rddreg [dreg:$0xe];
	s23 =	sor.u32 s0, s6;
	v1 =	vld.idx.msk [tilespmem:v56+s13+$0x0], $0xffff;
	[tilespmem:s20+$0x0] =	vst v59  }
0x2cd: {  	s26 =	sor.u32 s21, s3;
	s1 =	sadd.s32 $0x4, s25;
	v63 =	vld.idx.msk [tilespmem:v61+s13+$0x0], $0xffff;
	[tilespmem:s23+$0x0] =	vst v8  }
0x2ce: {  	s24 =	sor.u32 s0, s8;
	p0 =	slt.u32 s1, $0xC;
	v2 =	vld.idx.msk [tilespmem:v2+s13+$0x0], $0xffff;
	[tilespmem:s26+$0x0] =	vst v62  }
.Ltmp1:
0x2cf: {  	s29 =	sor.u32 s21, s6;
	[tilespmem:s24+$0x0] =	vst v6;
	(pc) =	sbr.rel @p0 .LBB2_4-.Ltmp1, $4  }
0x2d0: {  	s0 =	sor.u32 s0, s9;
	[tilespmem:s29+$0x0] =	vst v3  }
0x2d1: {  	s30 =	sor.u32 s21, s8;
	[tilespmem:s0+$0x0] =	vst v1  }
0x2d2: {  	s31 =	sor.u32 s21, s9;
	[tilespmem:s30+$0x0] =	vst v63  }
0x2d3: {  	s28 =	sadd.s32 $0x200, s28;
	s22 =	sadd.s32 $0x40, s22;
	[tilespmem:s31+$0x0] =	vst v2  }
0x2d4: {  	s0 =	rddreg [dreg:$0x8];
	s1 =	simm.s32 $0x20000  }
0x2d5: {  	s2 =	simm.s32 $0x800;
	s3 =	simm.s32 $0x1B000;
	s4 =	simm.s32 $0x1  }
0x2d6: {  	[hbm4b:s0+s2] =	stream.strided.scatter [tilespmem:s3], [sflag:$0x2], $0x4000, s1, s2, $0x38;
	[tilespmem:$0x1F000] =	vst v63  }
.LBB2_6:
0x2d7: {  	s2 =	simm.s32 $0x1;
	s0 =	sshll.u32 s4, $0x9;
	s1 =	sshll.u32 s4, $0x7  }
0x2d8: {  	p0 =	por $0x0, $0x0;
	s3 =	simm.s32 $0x0;
	_ =	swait.ge [sflag:s2], $0x4000  }
0x2d9: {  	[dreg:$0xb] =	wrdreg s4;
	s0 =	sand.u32 $0x7000, s0;
	s1 =	sand.u32 $0x380, s1  }
0x2da: {  	s4 =	simm.s32 $0x0;
	[sflag:s2] =	ssyncset.done $0x0;
	[dreg:$0xc] =	wrdreg s0  }
0x2db: {  	[dreg:$0xf] =	wrdreg s1;
	s0 =	sor.u32 s1, s0;
	s1 =	simm.s32 $0x0  }
0x2dc: {  	[sflag:s2] =	ssyncadd.s32 $0xFFFFC000;
	[dreg:$0x4] =	wrdreg s0;
	s2 =	simm.s32 $0xFFFFFFFC  }
.LBB2_7:
0x2dd: {  	s0 =	rddreg [dreg:$0x4];
	s30 =	sand.u32 $0x400, s3  }
0x2de: {  	s29 =	sand.u32 $0x40, s1;
	s22 =	sadd.s32 s30, s0  }
0x2df: {  	s0 =	sadd.s32 s29, s22  }
0x2e0: {  	v0 =	vld [tilespmem:s0+$0x0];
	_ =	sdelay $0x4  }
0x2e1: {  	v1 =	vshll.u32 v0, $0x3  }
0x2e2: {  	v0 =	vand.u32 $0x7F, v0;
	v1 =	vand.u32 $0xFFFFFC00, v1  }
0x2e3: {  	v1 =	vor.u32 v0, v1  }
0x2e4: {  	v0 =	vor.u32 $0x80, v1  }
0x2e5: {  	v2 =	vor.u32 $0x100, v1  }
0x2e6: {  	v3 =	vor.u32 $0x180, v1;
	_ =	sdelay $0x1  }
0x2e7: {  	v4 =	vld.idx.msk [tilespmem:v1+s13+$0x0], $0xffff  }
0x2e8: {  	v0 =	vld.idx.msk [tilespmem:v0+s13+$0x0], $0xffff  }
0x2e9: {  	v2 =	vld.idx.msk [tilespmem:v2+s13+$0x0], $0xffff  }
0x2ea: {  	s23 =	sor.u32 $0x17000, s30;
	v3 =	vld.idx.msk [tilespmem:v3+s13+$0x0], $0xffff  }
0x2eb: {  	s28 =	sor.u32 s29, s23;
	v5 =	vor.u32 $0x200, v1  }
0x2ec: {  	v32 =	vor.u32 $0x280, v1;
	[tilespmem:s28+$0x0] =	vst v4  }
0x2ed: {  	v33 =	vor.u32 $0x300, v1;
	[tilespmem:s28+$0x80] =	vst v0  }
0x2ee: {  	[tilespmem:s28+$0x100] =	vst v2  }
0x2ef: {  	v34 =	vor.u32 $0x380, v1;
	[tilespmem:s28+$0x180] =	vst v3  }
0x2f0: {  	v3 =	vld.idx.msk [tilespmem:v5+s13+$0x0], $0xffff  }
0x2f1: {  	s0 =	simm.s32 $0x1;
	s28 =	sor.u32 $0x10, s29;
	v4 =	vld.idx.msk [tilespmem:v32+s13+$0x0], $0xffff  }
0x2f2: {  	[dreg:$0x15] =	wrdreg s3;
	s0 =	simm.s32 @!p0 $0x0;
	v0 =	vld.idx.msk [tilespmem:v33+s13+$0x0], $0xffff;
	s6 =	sadd.s32 s28, s22  }
0x2f3: {  	s31 =	rddreg [dreg:$0x15];
	s0 =	sshll.u32 s0, $0x6;
	v35 =	vld [tilespmem:s6+$0x0]  }
0x2f4: {  	s20 =	sadd.s32 s0, s31;
	v2 =	vld.idx.msk [tilespmem:v34+s13+$0x0], $0xffff  }
0x2f5: {  	s0 =	sor.u32 $0x200, s20;
	v36 =	vadd.s32 $0x2000, v1  }
0x2f6: {  	[dreg:$0x10] =	wrdreg s2;
	s2 =	sor.u32 $0x280, s4;
	v37 =	vadd.s32 $0x2080, v1;
	[tilespmem:s0+$0x17000] =	vst v3  }
0x2f7: {  	s3 =	sor.u32 $0x300, s20;
	v38 =	vadd.s32 $0x2100, v1;
	[tilespmem:s2+$0x17000] =	vst v4  }
0x2f8: {  	s5 =	sor.u32 $0x380, s4;
	v6 =	vadd.s32 $0x2180, v1;
	v39 =	vshll.u32 v35, $0x3;
	[tilespmem:s3+$0x17000] =	vst v0  }
0x2f9: {  	v0 =	vand.u32 $0x7F, v35;
	v5 =	vand.u32 $0xFFFFFC00, v39;
	[tilespmem:s5+$0x17000] =	vst v2  }
0x2fa: {  	v0 =	vor.u32 v0, v5;
	v2 =	vld.idx.msk [tilespmem:v36+s13+$0x0], $0xffff  }
0x2fb: {  	v5 =	vor.u32 $0x80, v0;
	v3 =	vld.idx.msk [tilespmem:v37+s13+$0x0], $0xffff  }
0x2fc: {  	v7 =	vor.u32 $0x100, v0;
	v4 =	vld.idx.msk [tilespmem:v38+s13+$0x0], $0xffff  }
0x2fd: {  	s3 =	sor.u32 $0x17800, s30;
	v8 =	vor.u32 $0x180, v0;
	v6 =	vld.idx.msk [tilespmem:v6+s13+$0x0], $0xffff  }
0x2fe: {  	v9 =	vadd.s32 $0x2200, v1;
	s7 =	sor.u32 s29, s3;
	s5 =	sor.u32 $0x17880, s30  }
0x2ff: {  	v40 =	vadd.s32 $0x2280, v1;
	s2 =	sor.u32 $0x17900, s30;
	s8 =	sor.u32 s29, s5;
	v10 =	vld.idx.msk [tilespmem:v0+s13+$0x0], $0xffff;
	[tilespmem:s7+$0x0] =	vst v2  }
0x300: {  	v41 =	vadd.s32 $0x2300, v1;
	s6 =	sor.u32 $0x17980, s30;
	s9 =	sor.u32 s29, s2;
	v5 =	vld.idx.msk [tilespmem:v5+s13+$0x0], $0xffff;
	[tilespmem:s8+$0x0] =	vst v3  }
0x301: {  	v42 =	vadd.s32 $0x2380, v1;
	s10 =	sor.u32 s29, s6;
	v7 =	vld.idx.msk [tilespmem:v7+s13+$0x0], $0xffff;
	[tilespmem:s9+$0x0] =	vst v4  }
0x302: {  	v8 =	vld.idx.msk [tilespmem:v8+s13+$0x0], $0xffff;
	[tilespmem:s10+$0x0] =	vst v6  }
0x303: {  	s11 =	sor.u32 s28, s23;
	v43 =	vor.u32 $0x200, v0;
	v9 =	vld.idx.msk [tilespmem:v9+s13+$0x0], $0xffff  }
0x304: {  	v44 =	vor.u32 $0x280, v0;
	[tilespmem:s11+$0x0] =	vst v10;
	v2 =	vld.idx.msk [tilespmem:v40+s13+$0x0], $0xffff  }
0x305: {  	v45 =	vor.u32 $0x300, v0;
	v3 =	vld.idx.msk [tilespmem:v41+s13+$0x0], $0xffff;
	[tilespmem:s11+$0x80] =	vst v5  }
0x306: {  	v46 =	vor.u32 $0x380, v0;
	s7 =	sor.u32 $0x17A00, s30;
	v4 =	vld.idx.msk [tilespmem:v42+s13+$0x0], $0xffff;
	[tilespmem:s11+$0x100] =	vst v7  }
0x307: {  	v47 =	vadd.s32 $0x4000, v1;
	s12 =	sor.u32 s29, s7;
	s8 =	sor.u32 $0x17A80, s30;
	[tilespmem:s11+$0x180] =	vst v8  }
0x308: {  	v48 =	vadd.s32 $0x4080, v1;
	s14 =	sor.u32 s29, s8;
	s10 =	sor.u32 $0x17B00, s30;
	v6 =	vld.idx.msk [tilespmem:v43+s13+$0x0], $0xffff;
	[tilespmem:s12+$0x0] =	vst v9  }
0x309: {  	v49 =	vadd.s32 $0x4100, v1;
	s15 =	sor.u32 s29, s10;
	v10 =	vld.idx.msk [tilespmem:v44+s13+$0x0], $0xffff;
	s12 =	sor.u32 $0x17B80, s30;
	[tilespmem:s14+$0x0] =	vst v2  }
0x30a: {  	v50 =	vadd.s32 $0x4180, v1;
	v5 =	vld.idx.msk [tilespmem:v45+s13+$0x0], $0xffff;
	s16 =	sor.u32 s29, s12;
	[tilespmem:s15+$0x0] =	vst v3  }
0x30b: {  	s17 =	sadd.s32 $0x10, s20;
	v7 =	vld.idx.msk [tilespmem:v46+s13+$0x0], $0xffff;
	[tilespmem:s16+$0x0] =	vst v4  }
0x30c: {  	[dreg:$0x13] =	wrdreg s4;
	s18 =	sor.u32 $0x200, s17;
	v51 =	vadd.s32 $0x2000, v0;
	v8 =	vld.idx.msk [tilespmem:v47+s13+$0x0], $0xffff  }
0x30d: {  	[dreg:$0x12] =	wrdreg s1;
	s4 =	sor.u32 $0x18000, s30;
	s19 =	sor.u32 $0x280, s17;
	v52 =	vadd.s32 $0x2080, v0;
	[tilespmem:s18+$0x17000] =	vst v6;
	v9 =	vld.idx.msk [tilespmem:v48+s13+$0x0], $0xffff  }
0x30e: {  	[smem:$0x79A] =	sst s4;
	s21 =	sor.u32 $0x300, s17;
	v53 =	vadd.s32 $0x2100, v0;
	[tilespmem:s19+$0x17000] =	vst v10;
	v2 =	vld.idx.msk [tilespmem:v49+s13+$0x0], $0xffff  }
0x30f: {  	s24 =	sor.u32 $0x380, s17;
	[smem:$0x795] =	sst s6;
	v54 =	vadd.s32 $0x2180, v0;
	[tilespmem:s21+$0x17000] =	vst v5;
	v3 =	vld.idx.msk [tilespmem:v50+s13+$0x0], $0xffff  }
0x310: {  	s25 =	sor.u32 s29, s4;
	v55 =	vadd.s32 $0x4200, v1;
	[smem:$0x794] =	sst s2;
	s9 =	sor.u32 $0x18080, s30;
	[tilespmem:s24+$0x17000] =	vst v7  }
0x311: {  	v56 =	vadd.s32 $0x4280, v1;
	[smem:$0x792] =	sst s3;
	s26 =	sor.u32 s29, s9;
	s14 =	sor.u32 $0x18100, s30;
	v4 =	vld.idx.msk [tilespmem:v51+s13+$0x0], $0xffff;
	[tilespmem:s25+$0x0] =	vst v8  }
0x312: {  	v57 =	vadd.s32 $0x4300, v1;
	[smem:$0x793] =	sst s5;
	s31 =	sor.u32 s29, s14;
	s16 =	sor.u32 $0x18180, s30;
	v6 =	vld.idx.msk [tilespmem:v52+s13+$0x0], $0xffff;
	[tilespmem:s26+$0x0] =	vst v9  }
0x313: {  	[smem:$0x796] =	sst s7;
	s1 =	sor.u32 s29, s16;
	v10 =	vld.idx.msk [tilespmem:v53+s13+$0x0], $0xffff;
	[tilespmem:s31+$0x0] =	vst v2  }
0x314: {  	v58 =	vadd.s32 $0x4380, v1;
	[smem:$0x797] =	sst s8;
	v5 =	vld.idx.msk [tilespmem:v54+s13+$0x0], $0xffff;
	[tilespmem:s1+$0x0] =	vst v3  }
0x315: {  	s3 =	sor.u32 s28, s3;
	v59 =	vadd.s32 $0x2200, v0;
	[smem:$0x79B] =	sst s9;
	v7 =	vld.idx.msk [tilespmem:v55+s13+$0x0], $0xffff  }
0x316: {  	v60 =	vadd.s32 $0x2280, v0;
	[smem:$0x798] =	sst s10;
	s11 =	sor.u32 s28, s5;
	s5 =	sor.u32 $0x18280, s30;
	[tilespmem:s3+$0x0] =	vst v4;
	v8 =	vld.idx.msk [tilespmem:v56+s13+$0x0], $0xffff  }
0x317: {  	v61 =	vadd.s32 $0x2300, v0;
	[smem:$0x79F] =	sst s5;
	s15 =	sor.u32 s28, s2;
	[tilespmem:s11+$0x0] =	vst v6;
	v9 =	vld.idx.msk [tilespmem:v57+s13+$0x0], $0xffff  }
0x318: {  	s17 =	sor.u32 s28, s6;
	v62 =	vadd.s32 $0x2380, v0;
	[smem:$0x799] =	sst s12;
	s3 =	sor.u32 $0x18200, s30;
	[tilespmem:s15+$0x0] =	vst v10  }
0x319: {  	[smem:$0x79C] =	sst s14;
	s18 =	sor.u32 s29, s3;
	v2 =	vld.idx.msk [tilespmem:v58+s13+$0x0], $0xffff;
	[tilespmem:s17+$0x0] =	vst v5  }
0x31a: {  	v63 =	vadd.s32 $0x6000, v1;
	s19 =	sor.u32 s29, s5;
	[smem:$0x79D] =	sst s16;
	s11 =	sor.u32 $0x18300, s30;
	v3 =	vld.idx.msk [tilespmem:v59+s13+$0x0], $0xffff;
	[tilespmem:s18+$0x0] =	vst v7  }
0x31b: {  	v12 =	vadd.s32 $0x6080, v1;
	[smem:$0x79E] =	sst s3;
	s21 =	sor.u32 s29, s11;
	v4 =	vld.idx.msk [tilespmem:v60+s13+$0x0], $0xffff;
	[tilespmem:s19+$0x0] =	vst v8  }
0x31c: {  	v13 =	vadd.s32 $0x6100, v1;
	[smem:$0x7A0] =	sst s11;
	s15 =	sor.u32 $0x18380, s30;
	v6 =	vld.idx.msk [tilespmem:v61+s13+$0x0], $0xffff;
	[tilespmem:s21+$0x0] =	vst v9  }
0x31d: {  	v14 =	vadd.s32 $0x6180, v1;
	s24 =	sor.u32 s29, s15;
	v10 =	vld.idx.msk [tilespmem:v62+s13+$0x0], $0xffff  }
0x31e: {  	v15 =	vadd.s32 $0x4000, v0;
	s25 =	sor.u32 s28, s7;
	[tilespmem:s24+$0x0] =	vst v2  }
0x31f: {  	v16 =	vadd.s32 $0x4080, v0;
	s26 =	sor.u32 s28, s8;
	v5 =	vld.idx.msk [tilespmem:v63+s13+$0x0], $0xffff;
	[tilespmem:s25+$0x0] =	vst v3  }
0x320: {  	v17 =	vadd.s32 $0x4100, v0;
	s31 =	sor.u32 s28, s10;
	v7 =	vld.idx.msk [tilespmem:v12+s13+$0x0], $0xffff;
	[tilespmem:s26+$0x0] =	vst v4  }
0x321: {  	v18 =	vadd.s32 $0x4180, v0;
	s1 =	sor.u32 s28, s12;
	v8 =	vld.idx.msk [tilespmem:v13+s13+$0x0], $0xffff;
	[tilespmem:s31+$0x0] =	vst v6  }
0x322: {  	s7 =	sor.u32 $0x18800, s30;
	v9 =	vld.idx.msk [tilespmem:v14+s13+$0x0], $0xffff;
	[tilespmem:s1+$0x0] =	vst v10  }
0x323: {  	v19 =	vadd.s32 $0x6200, v1;
	s2 =	sor.u32 s29, s7;
	s8 =	sor.u32 $0x18880, s30;
	v2 =	vld.idx.msk [tilespmem:v15+s13+$0x0], $0xffff  }
0x324: {  	v20 =	vadd.s32 $0x6280, v1;
	s6 =	sor.u32 s29, s8;
	s12 =	sor.u32 $0x18900, s30;
	[tilespmem:s2+$0x0] =	vst v5;
	v3 =	vld.idx.msk [tilespmem:v16+s13+$0x0], $0xffff  }
0x325: {  	v21 =	vadd.s32 $0x6300, v1;
	s10 =	sor.u32 s29, s12;
	s2 =	sor.u32 $0x18980, s30;
	[tilespmem:s6+$0x0] =	vst v7;
	v4 =	vld.idx.msk [tilespmem:v17+s13+$0x0], $0xffff  }
0x326: {  	v22 =	vadd.s32 $0x6380, v1;
	v6 =	vld.idx.msk [tilespmem:v18+s13+$0x0], $0xffff;
	s17 =	sor.u32 s29, s2;
	[tilespmem:s10+$0x0] =	vst v8  }
0x327: {  	v23 =	vadd.s32 $0x4200, v0;
	s18 =	sor.u32 s28, s4;
	[tilespmem:s17+$0x0] =	vst v9  }
0x328: {  	v25 =	vadd.s32 $0x4280, v0;
	s19 =	sor.u32 s28, s9;
	v24 =	vld.idx.msk [tilespmem:v19+s13+$0x0], $0xffff;
	[tilespmem:s18+$0x0] =	vst v2  }
0x329: {  	v27 =	vadd.s32 $0x4300, v0;
	s21 =	sor.u32 s28, s14;
	v26 =	vld.idx.msk [tilespmem:v20+s13+$0x0], $0xffff;
	[tilespmem:s19+$0x0] =	vst v3  }
0x32a: {  	v29 =	vadd.s32 $0x4380, v0;
	s24 =	sor.u32 s28, s16;
	v28 =	vld.idx.msk [tilespmem:v21+s13+$0x0], $0xffff;
	[tilespmem:s21+$0x0] =	vst v4  }
0x32b: {  	s4 =	sor.u32 $0x18A00, s30;
	v30 =	vld.idx.msk [tilespmem:v22+s13+$0x0], $0xffff;
	[tilespmem:s24+$0x0] =	vst v6  }
0x32c: {  	v31 =	vadd.s32 $0x8000, v1;
	s25 =	sor.u32 s29, s4;
	s6 =	sor.u32 $0x18A80, s30;
	v9 =	vld.idx.msk [tilespmem:v23+s13+$0x0], $0xffff  }
0x32d: {  	v32 =	vadd.s32 $0x8080, v1;
	s26 =	sor.u32 s29, s6;
	[tilespmem:s25+$0x0] =	vst v24;
	s24 =	sor.u32 $0x18B00, s30;
	v10 =	vld.idx.msk [tilespmem:v25+s13+$0x0], $0xffff  }
0x32e: {  	v33 =	vadd.s32 $0x8100, v1;
	s10 =	sor.u32 $0x18B80, s30;
	[tilespmem:s26+$0x0] =	vst v26;
	v5 =	vld.idx.msk [tilespmem:v27+s13+$0x0], $0xffff;
	s31 =	sor.u32 s29, s24  }
0x32f: {  	v34 =	vadd.s32 $0x8180, v1;
	s1 =	sor.u32 s29, s10;
	v7 =	vld.idx.msk [tilespmem:v29+s13+$0x0], $0xffff;
	[tilespmem:s31+$0x0] =	vst v28  }
0x330: {  	v35 =	vadd.s32 $0x6000, v0;
	s3 =	sor.u32 s28, s3;
	[tilespmem:s1+$0x0] =	vst v30  }
0x331: {  	v36 =	vadd.s32 $0x6080, v0;
	s9 =	sor.u32 s28, s5;
	v8 =	vld.idx.msk [tilespmem:v31+s13+$0x0], $0xffff;
	[tilespmem:s3+$0x0] =	vst v9  }
0x332: {  	v37 =	vadd.s32 $0x6100, v0;
	s14 =	sor.u32 s28, s11;
	v2 =	vld.idx.msk [tilespmem:v32+s13+$0x0], $0xffff;
	[tilespmem:s9+$0x0] =	vst v10  }
0x333: {  	v38 =	vadd.s32 $0x6180, v0;
	[smem:$0x7A1] =	sst s15;
	s15 =	sor.u32 s28, s15;
	v3 =	vld.idx.msk [tilespmem:v33+s13+$0x0], $0xffff;
	[tilespmem:s14+$0x0] =	vst v5  }
0x334: {  	s26 =	sor.u32 $0x19000, s30;
	v4 =	vld.idx.msk [tilespmem:v34+s13+$0x0], $0xffff;
	[tilespmem:s15+$0x0] =	vst v7  }
0x335: {  	v39 =	vadd.s32 $0x8200, v1;
	s16 =	sor.u32 s29, s26;
	s3 =	sor.u32 $0x19080, s30;
	v6 =	vld.idx.msk [tilespmem:v35+s13+$0x0], $0xffff  }
0x336: {  	v40 =	vadd.s32 $0x8280, v1;
	s25 =	sor.u32 $0x19100, s30;
	s17 =	sor.u32 s29, s3;
	[tilespmem:s16+$0x0] =	vst v8;
	v9 =	vld.idx.msk [tilespmem:v36+s13+$0x0], $0xffff  }
0x337: {  	v41 =	vadd.s32 $0x8300, v1;
	s18 =	sor.u32 s29, s25;
	s14 =	sor.u32 $0x19180, s30;
	[tilespmem:s17+$0x0] =	vst v2;
	v10 =	vld.idx.msk [tilespmem:v37+s13+$0x0], $0xffff  }
0x338: {  	v42 =	vadd.s32 $0x8380, v1;
	s19 =	sor.u32 s29, s14;
	v5 =	vld.idx.msk [tilespmem:v38+s13+$0x0], $0xffff;
	[tilespmem:s18+$0x0] =	vst v3  }
0x339: {  	v43 =	vadd.s32 $0x6200, v0;
	s21 =	sor.u32 s28, s7;
	[tilespmem:s19+$0x0] =	vst v4  }
0x33a: {  	v45 =	vadd.s32 $0x6280, v0;
	s31 =	sor.u32 s28, s8;
	v44 =	vld.idx.msk [tilespmem:v39+s13+$0x0], $0xffff;
	[tilespmem:s21+$0x0] =	vst v6  }
0x33b: {  	v46 =	vadd.s32 $0x6300, v0;
	s1 =	sor.u32 s28, s12;
	v8 =	vld.idx.msk [tilespmem:v40+s13+$0x0], $0xffff;
	[tilespmem:s31+$0x0] =	vst v9  }
0x33c: {  	v47 =	vadd.s32 $0x6380, v0;
	[smem:$0x7A5] =	sst s2;
	s2 =	sor.u32 s28, s2;
	v2 =	vld.idx.msk [tilespmem:v41+s13+$0x0], $0xffff;
	[tilespmem:s1+$0x0] =	vst v10  }
0x33d: {  	s9 =	sor.u32 $0x19200, s30;
	v3 =	vld.idx.msk [tilespmem:v42+s13+$0x0], $0xffff;
	[tilespmem:s2+$0x0] =	vst v5  }
0x33e: {  	v48 =	vadd.s32 $0xA000, v1;
	s5 =	sor.u32 s29, s9;
	s2 =	sor.u32 $0x19280, s30;
	v4 =	vld.idx.msk [tilespmem:v43+s13+$0x0], $0xffff  }
0x33f: {  	v49 =	vadd.s32 $0xA080, v1;
	[smem:$0x7A2] =	sst s7;
	[tilespmem:s5+$0x0] =	vst v44;
	s5 =	sor.u32 $0x19300, s30;
	v7 =	vld.idx.msk [tilespmem:v45+s13+$0x0], $0xffff;
	s7 =	sor.u32 s29, s2  }
0x340: {  	v50 =	vadd.s32 $0xA100, v1;
	[smem:$0x7A3] =	sst s8;
	s16 =	sor.u32 $0x19380, s30;
	v9 =	vld.idx.msk [tilespmem:v46+s13+$0x0], $0xffff;
	s8 =	sor.u32 s29, s5;
	[tilespmem:s7+$0x0] =	vst v8  }
0x341: {  	v51 =	vadd.s32 $0xA180, v1;
	s11 =	sor.u32 s29, s16;
	v10 =	vld.idx.msk [tilespmem:v47+s13+$0x0], $0xffff;
	[tilespmem:s8+$0x0] =	vst v2  }
0x342: {  	v52 =	vadd.s32 $0x8000, v0;
	[smem:$0x7A4] =	sst s12;
	s12 =	sor.u32 s28, s4;
	[tilespmem:s11+$0x0] =	vst v3  }
0x343: {  	v54 =	vadd.s32 $0x8080, v0;
	s15 =	sor.u32 s28, s6;
	v53 =	vld.idx.msk [tilespmem:v48+s13+$0x0], $0xffff;
	[tilespmem:s12+$0x0] =	vst v4  }
0x344: {  	v55 =	vadd.s32 $0x8100, v0;
	s17 =	sor.u32 s28, s24;
	v6 =	vld.idx.msk [tilespmem:v49+s13+$0x0], $0xffff;
	[tilespmem:s15+$0x0] =	vst v7  }
0x345: {  	v56 =	vadd.s32 $0x8180, v0;
	s18 =	sor.u32 s28, s10;
	v8 =	vld.idx.msk [tilespmem:v50+s13+$0x0], $0xffff;
	[tilespmem:s17+$0x0] =	vst v9  }
0x346: {  	[smem:$0x7A6] =	sst s4;
	s4 =	sor.u32 $0x19800, s30;
	v2 =	vld.idx.msk [tilespmem:v51+s13+$0x0], $0xffff;
	[tilespmem:s18+$0x0] =	vst v10  }
0x347: {  	v57 =	vadd.s32 $0xA200, v1;
	s19 =	sor.u32 s29, s4;
	s8 =	sor.u32 $0x19880, s30;
	v3 =	vld.idx.msk [tilespmem:v52+s13+$0x0], $0xffff  }
0x348: {  	v58 =	vadd.s32 $0xA280, v1;
	s21 =	sor.u32 s29, s8;
	s12 =	sor.u32 $0x19900, s30;
	[tilespmem:s19+$0x0] =	vst v53;
	v5 =	vld.idx.msk [tilespmem:v54+s13+$0x0], $0xffff  }
0x349: {  	v59 =	vadd.s32 $0xA300, v1;
	s31 =	sor.u32 s29, s12;
	s15 =	sor.u32 $0x19980, s30;
	v7 =	vld.idx.msk [tilespmem:v55+s13+$0x0], $0xffff;
	[tilespmem:s21+$0x0] =	vst v6  }
0x34a: {  	v60 =	vadd.s32 $0xA380, v1;
	s1 =	sor.u32 s29, s15;
	v9 =	vld.idx.msk [tilespmem:v56+s13+$0x0], $0xffff;
	[tilespmem:s31+$0x0] =	vst v8  }
0x34b: {  	v61 =	vadd.s32 $0x8200, v0;
	[smem:$0x7A7] =	sst s6;
	s6 =	sor.u32 s28, s26;
	[tilespmem:s1+$0x0] =	vst v2  }
0x34c: {  	v63 =	vadd.s32 $0x8280, v0;
	s7 =	sor.u32 s28, s3;
	v62 =	vld.idx.msk [tilespmem:v57+s13+$0x0], $0xffff;
	[tilespmem:s6+$0x0] =	vst v3  }
0x34d: {  	v12 =	vadd.s32 $0x8300, v0;
	s11 =	sor.u32 s28, s25;
	v4 =	vld.idx.msk [tilespmem:v58+s13+$0x0], $0xffff;
	[tilespmem:s7+$0x0] =	vst v5  }
0x34e: {  	v13 =	vadd.s32 $0x8380, v0;
	s17 =	sor.u32 s28, s14;
	v6 =	vld.idx.msk [tilespmem:v59+s13+$0x0], $0xffff;
	[tilespmem:s11+$0x0] =	vst v7  }
0x34f: {  	v8 =	vld.idx.msk [tilespmem:v60+s13+$0x0], $0xffff;
	s7 =	sor.u32 $0x19A00, s30;
	[tilespmem:s17+$0x0] =	vst v9  }
0x350: {  	v14 =	vadd.s32 $0xC000, v1;
	s18 =	sor.u32 s29, s7;
	s11 =	sor.u32 $0x19A80, s30;
	v2 =	vld.idx.msk [tilespmem:v61+s13+$0x0], $0xffff  }
0x351: {  	v15 =	vadd.s32 $0xC080, v1;
	s6 =	sor.u32 $0x19B00, s30;
	s19 =	sor.u32 s29, s11;
	[tilespmem:s18+$0x0] =	vst v62;
	v10 =	vld.idx.msk [tilespmem:v63+s13+$0x0], $0xffff  }
0x352: {  	v16 =	vadd.s32 $0xC100, v1;
	[smem:$0x7A8] =	sst s3;
	s3 =	sor.u32 $0x19B80, s30;
	s21 =	sor.u32 s29, s6;
	v5 =	vld.idx.msk [tilespmem:v12+s13+$0x0], $0xffff;
	[tilespmem:s19+$0x0] =	vst v4  }
0x353: {  	v17 =	vadd.s32 $0xC180, v1;
	s31 =	sor.u32 s29, s3;
	v7 =	vld.idx.msk [tilespmem:v13+s13+$0x0], $0xffff;
	[tilespmem:s21+$0x0] =	vst v6  }
0x354: {  	v18 =	vadd.s32 $0xA000, v0;
	s1 =	sor.u32 s28, s9;
	[tilespmem:s31+$0x0] =	vst v8  }
0x355: {  	v20 =	vadd.s32 $0xA080, v0;
	[smem:$0x7AA] =	sst s2;
	s2 =	sor.u32 s28, s2;
	v19 =	vld.idx.msk [tilespmem:v14+s13+$0x0], $0xffff;
	[tilespmem:s1+$0x0] =	vst v2  }
0x356: {  	v21 =	vadd.s32 $0xA100, v0;
	[smem:$0x7A9] =	sst s9;
	s9 =	sor.u32 s28, s5;
	v3 =	vld.idx.msk [tilespmem:v15+s13+$0x0], $0xffff;
	[tilespmem:s2+$0x0] =	vst v10  }
0x357: {  	v22 =	vadd.s32 $0xA180, v0;
	s17 =	sor.u32 s28, s16;
	v4 =	vld.idx.msk [tilespmem:v16+s13+$0x0], $0xffff;
	[tilespmem:s9+$0x0] =	vst v5  }
0x358: {  	[smem:$0x7AB] =	sst s5;
	s5 =	sor.u32 $0x1A000, s30;
	v6 =	vld.idx.msk [tilespmem:v17+s13+$0x0], $0xffff;
	[tilespmem:s17+$0x0] =	vst v7  }
0x359: {  	v23 =	vadd.s32 $0xC200, v1;
	s18 =	sor.u32 s29, s5;
	s2 =	sor.u32 $0x1A080, s30;
	v8 =	vld.idx.msk [tilespmem:v18+s13+$0x0], $0xffff  }
0x35a: {  	v24 =	vadd.s32 $0xC280, v1;
	s21 =	sor.u32 $0x1A100, s30;
	s19 =	sor.u32 s29, s2;
	[tilespmem:s18+$0x0] =	vst v19;
	v9 =	vld.idx.msk [tilespmem:v20+s13+$0x0], $0xffff  }
0x35b: {  	v25 =	vadd.s32 $0xC300, v1;
	s31 =	sor.u32 s29, s21;
	s17 =	sor.u32 $0x1A180, s30;
	v10 =	vld.idx.msk [tilespmem:v21+s13+$0x0], $0xffff;
	[tilespmem:s19+$0x0] =	vst v3  }
0x35c: {  	v26 =	vadd.s32 $0xC380, v1;
	v5 =	vld.idx.msk [tilespmem:v22+s13+$0x0], $0xffff;
	s1 =	sor.u32 s29, s17;
	[tilespmem:s31+$0x0] =	vst v4  }
0x35d: {  	v27 =	vadd.s32 $0xA200, v0;
	[smem:$0x7AC] =	sst s4;
	s4 =	sor.u32 s28, s4;
	[tilespmem:s1+$0x0] =	vst v6  }
0x35e: {  	v28 =	vadd.s32 $0xA280, v0;
	[smem:$0x7AD] =	sst s8;
	s8 =	sor.u32 s28, s8;
	v7 =	vld.idx.msk [tilespmem:v23+s13+$0x0], $0xffff;
	[tilespmem:s4+$0x0] =	vst v8  }
0x35f: {  	v29 =	vadd.s32 $0xA300, v0;
	s9 =	sor.u32 s28, s12;
	v2 =	vld.idx.msk [tilespmem:v24+s13+$0x0], $0xffff;
	[tilespmem:s8+$0x0] =	vst v9  }
0x360: {  	v30 =	vadd.s32 $0xA380, v0;
	[smem:$0x7AE] =	sst s12;
	s12 =	sor.u32 s28, s15;
	v3 =	vld.idx.msk [tilespmem:v25+s13+$0x0], $0xffff;
	[tilespmem:s9+$0x0] =	vst v10  }
0x361: {  	s18 =	sor.u32 $0x1A200, s30;
	v4 =	vld.idx.msk [tilespmem:v26+s13+$0x0], $0xffff;
	[tilespmem:s12+$0x0] =	vst v5  }
0x362: {  	v31 =	vadd.s32 $0xE000, v1;
	[smem:$0x7AF] =	sst s15;
	s15 =	sor.u32 s29, s18;
	s19 =	sor.u32 $0x1A280, s30;
	v6 =	vld.idx.msk [tilespmem:v27+s13+$0x0], $0xffff  }
0x363: {  	v32 =	vadd.s32 $0xE080, v1;
	s31 =	sor.u32 s29, s19;
	[tilespmem:s15+$0x0] =	vst v7;
	v8 =	vld.idx.msk [tilespmem:v28+s13+$0x0], $0xffff;
	s15 =	sor.u32 $0x1A300, s30  }
0x364: {  	v33 =	vadd.s32 $0xE100, v1;
	s12 =	sor.u32 $0x1A380, s30;
	v9 =	vld.idx.msk [tilespmem:v29+s13+$0x0], $0xffff;
	[tilespmem:s31+$0x0] =	vst v2;
	s1 =	sor.u32 s29, s15;
	s31 =	sor.u32 $0x20, s29  }
0x365: {  	v34 =	vadd.s32 $0xE180, v1;
	v10 =	vld.idx.msk [tilespmem:v30+s13+$0x0], $0xffff;
	s4 =	sor.u32 s29, s12;
	[tilespmem:s1+$0x0] =	vst v3;
	s8 =	sadd.s32 s31, s22  }
0x366: {  	v11 =	vadd.s32 $0xC000, v0;
	s9 =	sor.u32 s28, s7;
	[tilespmem:s4+$0x0] =	vst v4;
	v35 =	vld [tilespmem:s8+$0x0]  }
0x367: {  	v36 =	vadd.s32 $0xC080, v0;
	[smem:$0x7B1] =	sst s11;
	s11 =	sor.u32 s28, s11;
	v5 =	vld.idx.msk [tilespmem:v31+s13+$0x0], $0xffff;
	[tilespmem:s9+$0x0] =	vst v6  }
0x368: {  	v37 =	vadd.s32 $0xC100, v0;
	s1 =	sor.u32 s28, s6;
	v7 =	vld.idx.msk [tilespmem:v32+s13+$0x0], $0xffff;
	[tilespmem:s11+$0x0] =	vst v8  }
0x369: {  	v38 =	vadd.s32 $0xC180, v0;
	s4 =	sor.u32 s28, s3;
	v2 =	vld.idx.msk [tilespmem:v33+s13+$0x0], $0xffff;
	[tilespmem:s1+$0x0] =	vst v9  }
0x36a: {  	s8 =	sor.u32 $0x1A800, s30;
	v3 =	vld.idx.msk [tilespmem:v34+s13+$0x0], $0xffff;
	[tilespmem:s4+$0x0] =	vst v10  }
0x36b: {  	[smem:$0x7B2] =	sst s6;
	s6 =	sor.u32 s29, s8;
	s11 =	sor.u32 $0x1A880, s30;
	v10 =	vld.idx.msk [tilespmem:v11+s13+$0x0], $0xffff  }
0x36c: {  	[smem:$0x7B0] =	sst s7;
	s9 =	sor.u32 $0x1A900, s30;
	s7 =	sor.u32 s29, s11;
	[tilespmem:s6+$0x0] =	vst v5;
	v6 =	vld.idx.msk [tilespmem:v36+s13+$0x0], $0xffff  }
0x36d: {  	s1 =	sor.u32 s29, s9;
	v8 =	vld.idx.msk [tilespmem:v37+s13+$0x0], $0xffff;
	[tilespmem:s7+$0x0] =	vst v7;
	s7 =	sor.u32 $0x1A980, s30  }
0x36e: {  	[smem:$0x7B3] =	sst s3;
	v9 =	vld.idx.msk [tilespmem:v38+s13+$0x0], $0xffff;
	[tilespmem:s1+$0x0] =	vst v2;
	s3 =	sor.u32 s29, s7  }
0x36f: {  	s0 =	sor.u32 $0x30, s29;
	v42 =	vadd.s32 $0xC200, v0;
	s6 =	sor.u32 s28, s5;
	[tilespmem:s3+$0x0] =	vst v3  }
0x370: {  	v12 =	vadd.s32 $0xC280, v0;
	[smem:$0x7B4] =	sst s2;
	s2 =	sor.u32 s28, s2;
	s4 =	sadd.s32 s0, s22;
	v44 =	vshll.u32 v35, $0x3;
	[tilespmem:s6+$0x0] =	vst v10  }
0x371: {  	v13 =	vadd.s32 $0xC300, v0;
	v46 =	vand.u32 $0x7F, v35;
	v43 =	vld [tilespmem:s4+$0x0];
	s3 =	sor.u32 s28, s21;
	v3 =	vand.u32 $0xFFFFFC00, v44;
	[tilespmem:s2+$0x0] =	vst v6  }
0x372: {  	s4 =	sor.u32 s28, s17;
	v3 =	vor.u32 v46, v3;
	[tilespmem:s3+$0x0] =	vst v8  }
0x373: {  	v45 =	vadd.s32 $0xC380, v0;
	[tilespmem:s4+$0x0] =	vst v9  }
0x374: {  	v48 =	vor.u32 $0x80, v3;
	v47 =	vld.idx.msk [tilespmem:v42+s13+$0x0], $0xffff  }
0x375: {  	v50 =	vor.u32 $0x100, v3;
	v49 =	vld.idx.msk [tilespmem:v12+s13+$0x0], $0xffff  }
0x376: {  	v51 =	vshll.u32 v43, $0x3;
	v14 =	vor.u32 $0x180, v3;
	v13 =	vld.idx.msk [tilespmem:v13+s13+$0x0], $0xffff  }
0x377: {  	v10 =	vand.u32 $0x7F, v43;
	v2 =	vand.u32 $0xFFFFFC00, v51;
	v52 =	vld.idx.msk [tilespmem:v3+s13+$0x0], $0xffff  }
0x378: {  	v2 =	vor.u32 v10, v2;
	v7 =	vld.idx.msk [tilespmem:v45+s13+$0x0], $0xffff  }
0x379: {  	v15 =	vor.u32 $0x80, v2;
	v9 =	vld.idx.msk [tilespmem:v48+s13+$0x0], $0xffff  }
0x37a: {  	s22 =	smov.u32 s5;
	s5 =	sor.u32 s28, s18;
	v16 =	vor.u32 $0x100, v2;
	v53 =	vld.idx.msk [tilespmem:v50+s13+$0x0], $0xffff  }
0x37b: {  	s3 =	sor.u32 s31, s23;
	v54 =	vor.u32 $0x180, v2;
	v55 =	vld.idx.msk [tilespmem:v14+s13+$0x0], $0xffff;
	[tilespmem:s5+$0x0] =	vst v47  }
0x37c: {  	s6 =	sor.u32 s28, s19;
	[tilespmem:s3+$0x0] =	vst v52  }
0x37d: {  	v56 =	vor.u32 $0x200, v3;
	v57 =	vld.idx.msk [tilespmem:v2+s13+$0x0], $0xffff;
	[tilespmem:s6+$0x0] =	vst v49  }
0x37e: {  	v58 =	vor.u32 $0x280, v3;
	v15 =	vld.idx.msk [tilespmem:v15+s13+$0x0], $0xffff;
	[tilespmem:s3+$0x80] =	vst v9  }
0x37f: {  	v59 =	vor.u32 $0x300, v3;
	v16 =	vld.idx.msk [tilespmem:v16+s13+$0x0], $0xffff;
	[tilespmem:s3+$0x100] =	vst v53  }
0x380: {  	v60 =	vor.u32 $0x380, v3;
	s2 =	sor.u32 s28, s15;
	v12 =	vld.idx.msk [tilespmem:v54+s13+$0x0], $0xffff;
	[tilespmem:s3+$0x180] =	vst v55  }
0x381: {  	s4 =	sor.u32 s0, s23;
	v61 =	vor.u32 $0x200, v2;
	[tilespmem:s2+$0x0] =	vst v13  }
0x382: {  	v62 =	vor.u32 $0x280, v2;
	v13 =	vld.idx.msk [tilespmem:v56+s13+$0x0], $0xffff;
	[tilespmem:s4+$0x0] =	vst v57  }
0x383: {  	v63 =	vor.u32 $0x300, v2;
	v10 =	vld.idx.msk [tilespmem:v58+s13+$0x0], $0xffff;
	[tilespmem:s4+$0x80] =	vst v15  }
0x384: {  	v20 =	vor.u32 $0x380, v2;
	v9 =	vld.idx.msk [tilespmem:v59+s13+$0x0], $0xffff;
	[tilespmem:s4+$0x100] =	vst v16  }
0x385: {  	s5 =	sor.u32 s28, s12;
	s6 =	sadd.s32 $0x20, s20;
	v8 =	vld.idx.msk [tilespmem:v60+s13+$0x0], $0xffff;
	[tilespmem:s4+$0x180] =	vst v12  }
0x386: {  	s23 =	sor.u32 $0x200, s6;
	[tilespmem:s5+$0x0] =	vst v7;
	v11 =	vld.idx.msk [tilespmem:v61+s13+$0x0], $0xffff  }
0x387: {  	v22 =	vadd.s32 $0x2000, v3;
	s2 =	sor.u32 $0x280, s6;
	v14 =	vld.idx.msk [tilespmem:v62+s13+$0x0], $0xffff;
	[tilespmem:s23+$0x17000] =	vst v13  }
0x388: {  	s4 =	sor.u32 $0x300, s6;
	v15 =	vld.idx.msk [tilespmem:v63+s13+$0x0], $0xffff;
	[tilespmem:s2+$0x17000] =	vst v10  }
0x389: {  	v23 =	vadd.s32 $0x2080, v3;
	s5 =	sor.u32 $0x380, s6;
	s6 =	sadd.s32 $0x30, s20;
	v16 =	vld.idx.msk [tilespmem:v20+s13+$0x0], $0xffff;
	[tilespmem:s4+$0x17000] =	vst v9  }
0x38a: {  	v27 =	vadd.s32 $0x2000, v2;
	s20 =	sor.u32 $0x200, s6;
	[tilespmem:s5+$0x17000] =	vst v8  }
0x38b: {  	v24 =	vadd.s32 $0x2100, v3;
	s23 =	sor.u32 $0x280, s6;
	[tilespmem:s20+$0x17000] =	vst v11  }
0x38c: {  	v25 =	vadd.s32 $0x2180, v3;
	s3 =	sor.u32 $0x300, s6;
	v7 =	vld.idx.msk [tilespmem:v22+s13+$0x0], $0xffff;
	[tilespmem:s23+$0x17000] =	vst v14  }
0x38d: {  	v28 =	vadd.s32 $0x2080, v2;
	s2 =	sld [smem:$0x792];
	s4 =	sor.u32 $0x380, s6;
	[tilespmem:s3+$0x17000] =	vst v15  }
0x38e: {  	v29 =	vadd.s32 $0x2100, v2;
	v13 =	vld.idx.msk [tilespmem:v23+s13+$0x0], $0xffff;
	[tilespmem:s4+$0x17000] =	vst v16  }
0x38f: {  	v30 =	vadd.s32 $0x2180, v2;
	s3 =	sld [smem:$0x793];
	v12 =	vld.idx.msk [tilespmem:v27+s13+$0x0], $0xffff  }
0x390: {  	v10 =	vld.idx.msk [tilespmem:v24+s13+$0x0], $0xffff;
	s5 =	sor.u32 s31, s2  }
0x391: {  	v9 =	vld.idx.msk [tilespmem:v25+s13+$0x0], $0xffff;
	[tilespmem:s5+$0x0] =	vst v7;
	s5 =	sld [smem:$0x794]  }
0x392: {  	s4 =	sld [smem:$0x795];
	v11 =	vld.idx.msk [tilespmem:v28+s13+$0x0], $0xffff;
	s6 =	sor.u32 s31, s3  }
0x393: {  	v17 =	vadd.s32 $0x2200, v3;
	v14 =	vld.idx.msk [tilespmem:v29+s13+$0x0], $0xffff;
	[tilespmem:s6+$0x0] =	vst v13;
	s6 =	sor.u32 s0, s2  }
0x394: {  	v32 =	vadd.s32 $0x2280, v3;
	v15 =	vld.idx.msk [tilespmem:v30+s13+$0x0], $0xffff;
	s20 =	sor.u32 s31, s5;
	[tilespmem:s6+$0x0] =	vst v12  }
0x395: {  	s23 =	sor.u32 s31, s4;
	[tilespmem:s20+$0x0] =	vst v10  }
0x396: {  	v39 =	vadd.s32 $0xE200, v1;
	s20 =	sor.u32 s0, s3;
	[tilespmem:s23+$0x0] =	vst v9  }
0x397: {  	v33 =	vadd.s32 $0x2300, v3;
	[tilespmem:s20+$0x0] =	vst v11;
	s23 =	sor.u32 s0, s5  }
0x398: {  	v34 =	vadd.s32 $0x2380, v3;
	s2 =	sor.u32 s0, s4;
	v37 =	vld.idx.msk [tilespmem:v17+s13+$0x0], $0xffff;
	[tilespmem:s23+$0x0] =	vst v14  }
0x399: {  	v40 =	vadd.s32 $0xE280, v1;
	v7 =	vld.idx.msk [tilespmem:v32+s13+$0x0], $0xffff;
	[tilespmem:s2+$0x0] =	vst v15;
	s2 =	sld [smem:$0x796]  }
0x39a: {  	v36 =	vadd.s32 $0x2200, v2;
	s4 =	sld [smem:$0x797]  }
0x39b: {  	v6 =	vld.idx.msk [tilespmem:v39+s13+$0x0], $0xffff;
	v38 =	vadd.s32 $0x2280, v2  }
0x39c: {  	v39 =	vadd.s32 $0x2300, v2;
	v13 =	vld.idx.msk [tilespmem:v33+s13+$0x0], $0xffff;
	s3 =	sor.u32 s31, s2  }
0x39d: {  	v41 =	vadd.s32 $0xE300, v1;
	s5 =	sor.u32 s31, s4;
	v10 =	vld.idx.msk [tilespmem:v34+s13+$0x0], $0xffff;
	[tilespmem:s3+$0x0] =	vst v37  }
0x39e: {  	v5 =	vld.idx.msk [tilespmem:v40+s13+$0x0], $0xffff;
	v40 =	vadd.s32 $0x2380, v2;
	[tilespmem:s5+$0x0] =	vst v7;
	s5 =	sld [smem:$0x798]  }
0x39f: {  	v18 =	vadd.s32 $0x4000, v3;
	s20 =	sld [smem:$0x799];
	v16 =	vld.idx.msk [tilespmem:v36+s13+$0x0], $0xffff  }
0x3a0: {  	v42 =	vadd.s32 $0x4080, v3;
	v17 =	vld.idx.msk [tilespmem:v38+s13+$0x0], $0xffff  }
0x3a1: {  	v1 =	vadd.s32 $0xE380, v1;
	v11 =	vld.idx.msk [tilespmem:v39+s13+$0x0], $0xffff;
	s6 =	sor.u32 s31, s5  }
0x3a2: {  	v21 =	vadd.s32 $0xE000, v0;
	v4 =	vld.idx.msk [tilespmem:v41+s13+$0x0], $0xffff;
	s23 =	sor.u32 s31, s20;
	[tilespmem:s6+$0x0] =	vst v13  }
0x3a3: {  	v43 =	vadd.s32 $0x4100, v3;
	v14 =	vld.idx.msk [tilespmem:v40+s13+$0x0], $0xffff;
	s2 =	sor.u32 s0, s2;
	[tilespmem:s23+$0x0] =	vst v10  }
0x3a4: {  	v44 =	vadd.s32 $0x4180, v3;
	s4 =	sor.u32 s0, s4;
	[tilespmem:s2+$0x0] =	vst v16;
	v47 =	vld.idx.msk [tilespmem:v18+s13+$0x0], $0xffff  }
0x3a5: {  	v31 =	vadd.s32 $0xE080, v0;
	s3 =	sld [smem:$0x79A];
	[tilespmem:s4+$0x0] =	vst v17;
	s5 =	sor.u32 s0, s5;
	v12 =	vld.idx.msk [tilespmem:v42+s13+$0x0], $0xffff  }
0x3a6: {  	v1 =	vld.idx.msk [tilespmem:v1+s13+$0x0], $0xffff;
	v41 =	vadd.s32 $0xE100, v0;
	[tilespmem:s5+$0x0] =	vst v11;
	s5 =	sld [smem:$0x79B]  }
0x3a7: {  	v51 =	vadd.s32 $0xE180, v0;
	v26 =	vld.idx.msk [tilespmem:v21+s13+$0x0], $0xffff  }
0x3a8: {  	v46 =	vadd.s32 $0x4000, v2;
	s1 =	sor.u32 s31, s3;
	v7 =	vld.idx.msk [tilespmem:v43+s13+$0x0], $0xffff  }
0x3a9: {  	v48 =	vadd.s32 $0x4080, v2;
	v13 =	vld.idx.msk [tilespmem:v44+s13+$0x0], $0xffff;
	s4 =	sor.u32 s31, s5;
	[tilespmem:s1+$0x0] =	vst v47;
	s1 =	sld [smem:$0x79C]  }
0x3aa: {  	v52 =	vadd.s32 $0x4200, v3;
	v35 =	vld.idx.msk [tilespmem:v31+s13+$0x0], $0xffff;
	s20 =	sor.u32 s0, s20;
	s6 =	sor.u32 $0x1AA00, s30;
	[tilespmem:s4+$0x0] =	vst v12;
	s4 =	sld [smem:$0x79D]  }
0x3ab: {  	v49 =	vadd.s32 $0x4100, v2;
	v45 =	vld.idx.msk [tilespmem:v41+s13+$0x0], $0xffff;
	[tilespmem:s20+$0x0] =	vst v14;
	s23 =	sor.u32 s29, s6  }
0x3ac: {  	v50 =	vadd.s32 $0x4180, v2;
	v56 =	vld.idx.msk [tilespmem:v51+s13+$0x0], $0xffff;
	[tilespmem:s23+$0x0] =	vst v6;
	s20 =	sor.u32 s31, s1  }
0x3ad: {  	v53 =	vadd.s32 $0x4280, v3;
	v15 =	vld.idx.msk [tilespmem:v46+s13+$0x0], $0xffff;
	[tilespmem:s20+$0x0] =	vst v7;
	s23 =	sor.u32 s31, s4  }
0x3ae: {  	v54 =	vadd.s32 $0x4300, v3;
	v18 =	vld.idx.msk [tilespmem:v48+s13+$0x0], $0xffff;
	[tilespmem:s23+$0x0] =	vst v13  }
0x3af: {  	v55 =	vadd.s32 $0x4380, v3;
	s20 =	sor.u32 s0, s1;
	s1 =	sor.u32 s28, s8;
	v6 =	vld.idx.msk [tilespmem:v52+s13+$0x0], $0xffff  }
0x3b0: {  	v17 =	vld.idx.msk [tilespmem:v49+s13+$0x0], $0xffff;
	[tilespmem:s1+$0x0] =	vst v26;
	s1 =	sld [smem:$0x79E]  }
0x3b1: {  	v11 =	vld.idx.msk [tilespmem:v50+s13+$0x0], $0xffff  }
0x3b2: {  	s3 =	sor.u32 s0, s3;
	v16 =	vld.idx.msk [tilespmem:v53+s13+$0x0], $0xffff  }
0x3b3: {  	[tilespmem:s3+$0x0] =	vst v15;
	v12 =	vld.idx.msk [tilespmem:v54+s13+$0x0], $0xffff;
	s3 =	sor.u32 s31, s1  }
0x3b4: {  	v7 =	vld.idx.msk [tilespmem:v55+s13+$0x0], $0xffff;
	[tilespmem:s3+$0x0] =	vst v6;
	s3 =	sld [smem:$0x79F];
	_ =	sdelay $0x1  }
0x3b5: {  	s5 =	sor.u32 s0, s5  }
0x3b6: {  	v57 =	vadd.s32 $0x4200, v2;
	[tilespmem:s5+$0x0] =	vst v18;
	s23 =	sor.u32 s0, s4;
	s4 =	sor.u32 s31, s3  }
0x3b7: {  	v58 =	vadd.s32 $0x4280, v2;
	[tilespmem:s4+$0x0] =	vst v16;
	s4 =	sld [smem:$0x7A0]  }
0x3b8: {  	v61 =	vadd.s32 $0x6000, v3;
	[tilespmem:s20+$0x0] =	vst v17;
	s20 =	sld [smem:$0x7A1]  }
0x3b9: {  	v59 =	vadd.s32 $0x4300, v2  }
0x3ba: {  	v60 =	vadd.s32 $0x4380, v2;
	[tilespmem:s23+$0x0] =	vst v11;
	s5 =	sor.u32 s31, s4  }
0x3bb: {  	v62 =	vadd.s32 $0x6080, v3;
	v11 =	vld.idx.msk [tilespmem:v57+s13+$0x0], $0xffff;
	s23 =	sor.u32 s31, s20;
	[tilespmem:s5+$0x0] =	vst v12  }
0x3bc: {  	v20 =	vadd.s32 $0x6100, v3;
	v63 =	vld.idx.msk [tilespmem:v58+s13+$0x0], $0xffff;
	[tilespmem:s23+$0x0] =	vst v7  }
0x3bd: {  	v22 =	vadd.s32 $0x6180, v3;
	v8 =	vld.idx.msk [tilespmem:v61+s13+$0x0], $0xffff  }
0x3be: {  	v21 =	vld.idx.msk [tilespmem:v59+s13+$0x0], $0xffff;
	s23 =	sld [smem:$0x7A2]  }
0x3bf: {  	v17 =	vld.idx.msk [tilespmem:v60+s13+$0x0], $0xffff;
	s1 =	sor.u32 s0, s1  }
0x3c0: {  	[tilespmem:s1+$0x0] =	vst v11;
	s3 =	sor.u32 s0, s3;
	v6 =	vld.idx.msk [tilespmem:v62+s13+$0x0], $0xffff  }
0x3c1: {  	[tilespmem:s3+$0x0] =	vst v63;
	v15 =	vld.idx.msk [tilespmem:v20+s13+$0x0], $0xffff;
	s3 =	sor.u32 s31, s23  }
0x3c2: {  	v23 =	vadd.s32 $0x6000, v2;
	v12 =	vld.idx.msk [tilespmem:v22+s13+$0x0], $0xffff;
	[tilespmem:s3+$0x0] =	vst v8;
	s3 =	sld [smem:$0x7A3]  }
0x3c3: {  	v24 =	vadd.s32 $0x6080, v2;
	s4 =	sor.u32 s0, s4  }
0x3c4: {  	[tilespmem:s4+$0x0] =	vst v21;
	s5 =	sor.u32 s0, s20  }
0x3c5: {  	v25 =	vadd.s32 $0x6100, v2;
	[tilespmem:s5+$0x0] =	vst v17;
	s4 =	sor.u32 s31, s3  }
0x3c6: {  	v26 =	vadd.s32 $0x6180, v2;
	[tilespmem:s4+$0x0] =	vst v6;
	s4 =	sld [smem:$0x7A4]  }
0x3c7: {  	v7 =	vld.idx.msk [tilespmem:v23+s13+$0x0], $0xffff  }
0x3c8: {  	v11 =	vld.idx.msk [tilespmem:v24+s13+$0x0], $0xffff  }
0x3c9: {  	s5 =	sor.u32 s31, s4  }
0x3ca: {  	v27 =	vadd.s32 $0x6200, v3;
	s20 =	sor.u32 s28, s11;
	v14 =	vld.idx.msk [tilespmem:v25+s13+$0x0], $0xffff;
	[tilespmem:s5+$0x0] =	vst v15;
	s5 =	sld [smem:$0x7A5]  }
0x3cb: {  	v28 =	vadd.s32 $0x6280, v3;
	[tilespmem:s20+$0x0] =	vst v35;
	v16 =	vld.idx.msk [tilespmem:v26+s13+$0x0], $0xffff;
	s23 =	sor.u32 s0, s23  }
0x3cc: {  	v31 =	vadd.s32 $0x6200, v2;
	[tilespmem:s23+$0x0] =	vst v7;
	s1 =	sor.u32 s0, s3  }
0x3cd: {  	v29 =	vadd.s32 $0x6300, v3;
	[tilespmem:s1+$0x0] =	vst v11;
	s20 =	sor.u32 s31, s5  }
0x3ce: {  	v33 =	vadd.s32 $0x6280, v2;
	s3 =	sor.u32 s0, s4;
	[tilespmem:s20+$0x0] =	vst v12  }
0x3cf: {  	v30 =	vadd.s32 $0x6380, v3;
	[tilespmem:s3+$0x0] =	vst v14;
	s4 =	sor.u32 s0, s5;
	v32 =	vld.idx.msk [tilespmem:v27+s13+$0x0], $0xffff  }
0x3d0: {  	v34 =	vadd.s32 $0x6300, v2;
	s1 =	sld [smem:$0x7A6];
	[tilespmem:s4+$0x0] =	vst v16;
	v8 =	vld.idx.msk [tilespmem:v28+s13+$0x0], $0xffff  }
0x3d1: {  	v35 =	vadd.s32 $0x6380, v2;
	s3 =	sld [smem:$0x7A7];
	v12 =	vld.idx.msk [tilespmem:v31+s13+$0x0], $0xffff  }
0x3d2: {  	s5 =	sor.u32 s28, s9;
	v6 =	vld.idx.msk [tilespmem:v29+s13+$0x0], $0xffff  }
0x3d3: {  	[tilespmem:s5+$0x0] =	vst v45;
	s20 =	sor.u32 s31, s1;
	v9 =	vld.idx.msk [tilespmem:v33+s13+$0x0], $0xffff  }
0x3d4: {  	s23 =	sor.u32 s31, s3;
	v15 =	vld.idx.msk [tilespmem:v30+s13+$0x0], $0xffff;
	[tilespmem:s20+$0x0] =	vst v32  }
0x3d5: {  	v36 =	vadd.s32 $0x8000, v3;
	v11 =	vld.idx.msk [tilespmem:v34+s13+$0x0], $0xffff;
	s20 =	sor.u32 s0, s1;
	[tilespmem:s23+$0x0] =	vst v8  }
0x3d6: {  	v37 =	vadd.s32 $0x8080, v3;
	s4 =	sor.u32 s31, s24;
	v14 =	vld.idx.msk [tilespmem:v35+s13+$0x0], $0xffff;
	[tilespmem:s20+$0x0] =	vst v12  }
0x3d7: {  	v40 =	vadd.s32 $0x8000, v2;
	s23 =	sor.u32 s0, s3;
	[tilespmem:s4+$0x0] =	vst v6  }
0x3d8: {  	v38 =	vadd.s32 $0x8100, v3;
	s5 =	sor.u32 s31, s10;
	[tilespmem:s23+$0x0] =	vst v9  }
0x3d9: {  	v41 =	vadd.s32 $0x8080, v2;
	s1 =	sor.u32 s0, s24;
	[tilespmem:s5+$0x0] =	vst v15  }
0x3da: {  	v39 =	vadd.s32 $0x8180, v3;
	s3 =	sor.u32 s0, s10;
	[tilespmem:s1+$0x0] =	vst v11;
	v10 =	vld.idx.msk [tilespmem:v36+s13+$0x0], $0xffff  }
0x3db: {  	v42 =	vadd.s32 $0x8100, v2;
	v7 =	vld.idx.msk [tilespmem:v37+s13+$0x0], $0xffff;
	[tilespmem:s3+$0x0] =	vst v14  }
0x3dc: {  	v43 =	vadd.s32 $0x8180, v2;
	s10 =	sld [smem:$0x7A8];
	v15 =	vld.idx.msk [tilespmem:v40+s13+$0x0], $0xffff  }
0x3dd: {  	s4 =	sor.u32 s28, s7;
	v8 =	vld.idx.msk [tilespmem:v38+s13+$0x0], $0xffff  }
0x3de: {  	[tilespmem:s4+$0x0] =	vst v56;
	s5 =	sor.u32 s31, s26;
	v12 =	vld.idx.msk [tilespmem:v41+s13+$0x0], $0xffff  }
0x3df: {  	v6 =	vld.idx.msk [tilespmem:v39+s13+$0x0], $0xffff;
	s20 =	sor.u32 s31, s10;
	[tilespmem:s5+$0x0] =	vst v10  }
0x3e0: {  	v45 =	vadd.s32 $0x8200, v3;
	s26 =	sor.u32 s0, s26;
	v9 =	vld.idx.msk [tilespmem:v42+s13+$0x0], $0xffff;
	[tilespmem:s20+$0x0] =	vst v7  }
0x3e1: {  	v46 =	vadd.s32 $0x8280, v3;
	s23 =	sor.u32 s31, s25;
	v11 =	vld.idx.msk [tilespmem:v43+s13+$0x0], $0xffff;
	[tilespmem:s26+$0x0] =	vst v15  }
0x3e2: {  	v50 =	vadd.s32 $0x8200, v2;
	s3 =	sor.u32 s0, s10;
	[tilespmem:s23+$0x0] =	vst v8  }
0x3e3: {  	v47 =	vadd.s32 $0x8300, v3;
	s24 =	sor.u32 s31, s14;
	[tilespmem:s3+$0x0] =	vst v12  }
0x3e4: {  	v51 =	vadd.s32 $0x8280, v2;
	s4 =	sor.u32 s0, s25;
	[tilespmem:s24+$0x0] =	vst v6  }
0x3e5: {  	v48 =	vadd.s32 $0x8380, v3;
	s5 =	sor.u32 s0, s14;
	[tilespmem:s4+$0x0] =	vst v9;
	v13 =	vld.idx.msk [tilespmem:v45+s13+$0x0], $0xffff  }
0x3e6: {  	v52 =	vadd.s32 $0x8300, v2;
	s14 =	sld [smem:$0x7A9];
	v10 =	vld.idx.msk [tilespmem:v46+s13+$0x0], $0xffff;
	[tilespmem:s5+$0x0] =	vst v11  }
0x3e7: {  	s2 =	sor.u32 $0x1AA80, s30;
	v53 =	vadd.s32 $0x8380, v2;
	s23 =	sld [smem:$0x7AA];
	v14 =	vld.idx.msk [tilespmem:v50+s13+$0x0], $0xffff  }
0x3e8: {  	s10 =	sor.u32 s29, s2;
	v7 =	vld.idx.msk [tilespmem:v47+s13+$0x0], $0xffff  }
0x3e9: {  	s25 =	sld [smem:$0x7AB];
	[tilespmem:s10+$0x0] =	vst v5;
	s20 =	sor.u32 s31, s14;
	v15 =	vld.idx.msk [tilespmem:v51+s13+$0x0], $0xffff  }
0x3ea: {  	v8 =	vld.idx.msk [tilespmem:v48+s13+$0x0], $0xffff;
	s24 =	sor.u32 s31, s23;
	[tilespmem:s20+$0x0] =	vst v13  }
0x3eb: {  	v55 =	vadd.s32 $0xA000, v3;
	s14 =	sor.u32 s0, s14;
	v12 =	vld.idx.msk [tilespmem:v52+s13+$0x0], $0xffff;
	[tilespmem:s24+$0x0] =	vst v10  }
0x3ec: {  	v56 =	vadd.s32 $0xA080, v3;
	s26 =	sor.u32 s31, s25;
	v9 =	vld.idx.msk [tilespmem:v53+s13+$0x0], $0xffff;
	[tilespmem:s14+$0x0] =	vst v14  }
0x3ed: {  	v60 =	vadd.s32 $0xA000, v2;
	s20 =	sor.u32 s0, s23;
	[tilespmem:s26+$0x0] =	vst v7  }
0x3ee: {  	v57 =	vadd.s32 $0xA100, v3;
	s10 =	sor.u32 s31, s16;
	[tilespmem:s20+$0x0] =	vst v15  }
0x3ef: {  	v61 =	vadd.s32 $0xA080, v2;
	s23 =	sor.u32 s0, s25;
	[tilespmem:s10+$0x0] =	vst v8  }
0x3f0: {  	v58 =	vadd.s32 $0xA180, v3;
	s24 =	sor.u32 s0, s16;
	[tilespmem:s23+$0x0] =	vst v12;
	v5 =	vld.idx.msk [tilespmem:v55+s13+$0x0], $0xffff  }
0x3f1: {  	v62 =	vadd.s32 $0xA100, v2;
	s26 =	sld [smem:$0x7AC];
	v13 =	vld.idx.msk [tilespmem:v56+s13+$0x0], $0xffff;
	[tilespmem:s24+$0x0] =	vst v9  }
0x3f2: {  	v63 =	vadd.s32 $0xA180, v2;
	s3 =	sor.u32 $0x1AB00, s30;
	s10 =	sld [smem:$0x7AD];
	v11 =	vld.idx.msk [tilespmem:v60+s13+$0x0], $0xffff  }
0x3f3: {  	s25 =	sor.u32 s29, s3;
	v10 =	vld.idx.msk [tilespmem:v57+s13+$0x0], $0xffff  }
0x3f4: {  	[tilespmem:s25+$0x0] =	vst v4;
	s16 =	sld [smem:$0x7AE];
	s4 =	sor.u32 s31, s26;
	v14 =	vld.idx.msk [tilespmem:v61+s13+$0x0], $0xffff  }
0x3f5: {  	v7 =	vld.idx.msk [tilespmem:v58+s13+$0x0], $0xffff;
	s14 =	sor.u32 s31, s10;
	[tilespmem:s4+$0x0] =	vst v5  }
0x3f6: {  	v19 =	vadd.s32 $0xA200, v3;
	s23 =	sld [smem:$0x7AF];
	v15 =	vld.idx.msk [tilespmem:v62+s13+$0x0], $0xffff;
	s25 =	sor.u32 s0, s26;
	[tilespmem:s14+$0x0] =	vst v13  }
0x3f7: {  	v20 =	vadd.s32 $0xA280, v3;
	s20 =	sor.u32 s31, s16;
	v12 =	vld.idx.msk [tilespmem:v63+s13+$0x0], $0xffff;
	[tilespmem:s25+$0x0] =	vst v11  }
0x3f8: {  	v24 =	vadd.s32 $0xA200, v2;
	s26 =	sor.u32 s0, s10;
	[tilespmem:s20+$0x0] =	vst v10  }
0x3f9: {  	v21 =	vadd.s32 $0xA300, v3;
	s24 =	sor.u32 s31, s23;
	[tilespmem:s26+$0x0] =	vst v14  }
0x3fa: {  	v25 =	vadd.s32 $0xA280, v2;
	s1 =	sor.u32 s0, s16;
	[tilespmem:s24+$0x0] =	vst v7  }
0x3fb: {  	v22 =	vadd.s32 $0xA380, v3;
	s4 =	sor.u32 s0, s23;
	[tilespmem:s1+$0x0] =	vst v15;
	v4 =	vld.idx.msk [tilespmem:v19+s13+$0x0], $0xffff  }
0x3fc: {  	v26 =	vadd.s32 $0xA300, v2;
	s16 =	sld [smem:$0x7B0];
	v5 =	vld.idx.msk [tilespmem:v20+s13+$0x0], $0xffff;
	[tilespmem:s4+$0x0] =	vst v12  }
0x3fd: {  	v27 =	vadd.s32 $0xA380, v2;
	s10 =	sor.u32 $0x1AB80, s30;
	s23 =	sld [smem:$0x7B1];
	v9 =	vld.idx.msk [tilespmem:v24+s13+$0x0], $0xffff  }
0x3fe: {  	s14 =	sor.u32 s29, s10;
	v13 =	vld.idx.msk [tilespmem:v21+s13+$0x0], $0xffff  }
0x3ff: {  	s25 =	sld [smem:$0x7B2];
	[tilespmem:s14+$0x0] =	vst v1;
	s20 =	sor.u32 s31, s16;
	v11 =	vld.idx.msk [tilespmem:v25+s13+$0x0], $0xffff  }
0x400: {  	v44 =	vadd.s32 $0xE200, v0;
	s24 =	sor.u32 s31, s23;
	v10 =	vld.idx.msk [tilespmem:v22+s13+$0x0], $0xffff;
	[tilespmem:s20+$0x0] =	vst v4  }
0x401: {  	v28 =	vadd.s32 $0xC000, v3;
	s29 =	sld [smem:$0x7B3];
	s1 =	sor.u32 s0, s16;
	v12 =	vld.idx.msk [tilespmem:v26+s13+$0x0], $0xffff;
	[tilespmem:s24+$0x0] =	vst v5  }
0x402: {  	v29 =	vadd.s32 $0xC080, v3;
	s26 =	sor.u32 s31, s25;
	v32 =	vld.idx.msk [tilespmem:v27+s13+$0x0], $0xffff;
	[tilespmem:s1+$0x0] =	vst v9  }
0x403: {  	v33 =	vadd.s32 $0xC000, v2;
	s4 =	sor.u32 s0, s23;
	[tilespmem:s26+$0x0] =	vst v13  }
0x404: {  	v30 =	vadd.s32 $0xC100, v3;
	s30 =	sor.u32 s31, s29;
	[tilespmem:s4+$0x0] =	vst v11  }
0x405: {  	v34 =	vadd.s32 $0xC080, v2;
	v49 =	vld.idx.msk [tilespmem:v44+s13+$0x0], $0xffff;
	s14 =	sor.u32 s0, s25;
	[tilespmem:s30+$0x0] =	vst v10  }
0x406: {  	v31 =	vadd.s32 $0xC180, v3;
	s20 =	sor.u32 s0, s29;
	[tilespmem:s14+$0x0] =	vst v12;
	v1 =	vld.idx.msk [tilespmem:v28+s13+$0x0], $0xffff  }
0x407: {  	v35 =	vadd.s32 $0xC100, v2;
	v4 =	vld.idx.msk [tilespmem:v29+s13+$0x0], $0xffff;
	[tilespmem:s20+$0x0] =	vst v32  }
0x408: {  	v36 =	vadd.s32 $0xC180, v2;
	s25 =	sld [smem:$0x7B4];
	v10 =	vld.idx.msk [tilespmem:v33+s13+$0x0], $0xffff  }
0x409: {  	v54 =	vadd.s32 $0xE280, v0;
	v5 =	vld.idx.msk [tilespmem:v30+s13+$0x0], $0xffff  }
0x40a: {  	v18 =	vadd.s32 $0xE300, v0;
	s24 =	sor.u32 s31, s22;
	v9 =	vld.idx.msk [tilespmem:v34+s13+$0x0], $0xffff  }
0x40b: {  	v0 =	vadd.s32 $0xE380, v0;
	s26 =	sor.u32 s31, s25;
	v13 =	vld.idx.msk [tilespmem:v31+s13+$0x0], $0xffff;
	[tilespmem:s24+$0x0] =	vst v1  }
0x40c: {  	v37 =	vadd.s32 $0xC200, v3;
	s1 =	sor.u32 s0, s22;
	v11 =	vld.idx.msk [tilespmem:v35+s13+$0x0], $0xffff;
	[tilespmem:s26+$0x0] =	vst v4  }
0x40d: {  	v38 =	vadd.s32 $0xC280, v3;
	s29 =	sor.u32 s31, s21;
	v12 =	vld.idx.msk [tilespmem:v36+s13+$0x0], $0xffff;
	[tilespmem:s1+$0x0] =	vst v10  }
0x40e: {  	v59 =	vld.idx.msk [tilespmem:v54+s13+$0x0], $0xffff;
	v41 =	vadd.s32 $0xC200, v2;
	s4 =	sor.u32 s0, s25;
	[tilespmem:s29+$0x0] =	vst v5  }
0x40f: {  	v23 =	vld.idx.msk [tilespmem:v18+s13+$0x0], $0xffff;
	v39 =	vadd.s32 $0xC300, v3;
	s30 =	sor.u32 s31, s17;
	[tilespmem:s4+$0x0] =	vst v9  }
0x410: {  	v0 =	vld.idx.msk [tilespmem:v0+s13+$0x0], $0xffff;
	v42 =	vadd.s32 $0xC280, v2;
	s14 =	sor.u32 s0, s21;
	[tilespmem:s30+$0x0] =	vst v13  }
0x411: {  	v40 =	vadd.s32 $0xC380, v3;
	s16 =	sor.u32 s0, s17;
	[tilespmem:s14+$0x0] =	vst v11;
	v6 =	vld.idx.msk [tilespmem:v37+s13+$0x0], $0xffff  }
0x412: {  	v43 =	vadd.s32 $0xC300, v2;
	v1 =	vld.idx.msk [tilespmem:v38+s13+$0x0], $0xffff;
	[tilespmem:s16+$0x0] =	vst v12  }
0x413: {  	v44 =	vadd.s32 $0xC380, v2;
	v12 =	vld.idx.msk [tilespmem:v41+s13+$0x0], $0xffff  }
0x414: {  	s23 =	sor.u32 s28, s6;
	v4 =	vld.idx.msk [tilespmem:v39+s13+$0x0], $0xffff  }
0x415: {  	[tilespmem:s23+$0x0] =	vst v49;
	s20 =	sor.u32 s31, s18;
	v10 =	vld.idx.msk [tilespmem:v42+s13+$0x0], $0xffff  }
0x416: {  	s21 =	sor.u32 s31, s19;
	v5 =	vld.idx.msk [tilespmem:v40+s13+$0x0], $0xffff;
	[tilespmem:s20+$0x0] =	vst v6  }
0x417: {  	v45 =	vadd.s32 $0xE000, v3;
	s24 =	sor.u32 s0, s18;
	v9 =	vld.idx.msk [tilespmem:v43+s13+$0x0], $0xffff;
	[tilespmem:s21+$0x0] =	vst v1  }
0x418: {  	v46 =	vadd.s32 $0xE080, v3;
	s22 =	sor.u32 s31, s15;
	v11 =	vld.idx.msk [tilespmem:v44+s13+$0x0], $0xffff;
	[tilespmem:s24+$0x0] =	vst v12  }
0x419: {  	v49 =	vadd.s32 $0xE000, v2;
	s25 =	sor.u32 s0, s19;
	[tilespmem:s22+$0x0] =	vst v4  }
0x41a: {  	v47 =	vadd.s32 $0xE100, v3;
	s23 =	sor.u32 s31, s12;
	[tilespmem:s25+$0x0] =	vst v10  }
0x41b: {  	v50 =	vadd.s32 $0xE080, v2;
	s26 =	sor.u32 s0, s15;
	[tilespmem:s23+$0x0] =	vst v5  }
0x41c: {  	v48 =	vadd.s32 $0xE180, v3;
	s29 =	sor.u32 s0, s12;
	[tilespmem:s26+$0x0] =	vst v9;
	v8 =	vld.idx.msk [tilespmem:v45+s13+$0x0], $0xffff  }
0x41d: {  	v51 =	vadd.s32 $0xE100, v2;
	v6 =	vld.idx.msk [tilespmem:v46+s13+$0x0], $0xffff;
	[tilespmem:s29+$0x0] =	vst v11  }
0x41e: {  	v52 =	vadd.s32 $0xE180, v2;
	v5 =	vld.idx.msk [tilespmem:v49+s13+$0x0], $0xffff  }
0x41f: {  	s17 =	sor.u32 s28, s2;
	v1 =	vld.idx.msk [tilespmem:v47+s13+$0x0], $0xffff  }
0x420: {  	[tilespmem:s17+$0x0] =	vst v59;
	s1 =	sor.u32 s31, s8;
	v11 =	vld.idx.msk [tilespmem:v50+s13+$0x0], $0xffff  }
0x421: {  	s4 =	sor.u32 s31, s11;
	v4 =	vld.idx.msk [tilespmem:v48+s13+$0x0], $0xffff;
	[tilespmem:s1+$0x0] =	vst v8  }
0x422: {  	v53 =	vadd.s32 $0xE200, v3;
	s15 =	sor.u32 s0, s8;
	v10 =	vld.idx.msk [tilespmem:v51+s13+$0x0], $0xffff;
	[tilespmem:s4+$0x0] =	vst v6  }
0x423: {  	v54 =	vadd.s32 $0xE280, v3;
	s12 =	sor.u32 s31, s9;
	v57 =	vld.idx.msk [tilespmem:v52+s13+$0x0], $0xffff;
	[tilespmem:s15+$0x0] =	vst v5  }
0x424: {  	v58 =	vadd.s32 $0xE200, v2;
	s16 =	sor.u32 s0, s11;
	[tilespmem:s12+$0x0] =	vst v1  }
0x425: {  	v55 =	vadd.s32 $0xE300, v3;
	s14 =	sor.u32 s31, s7;
	[tilespmem:s16+$0x0] =	vst v11  }
0x426: {  	v60 =	vadd.s32 $0xE280, v2;
	s17 =	sor.u32 s0, s9;
	[tilespmem:s14+$0x0] =	vst v4  }
0x427: {  	v56 =	vadd.s32 $0xE380, v3;
	s18 =	sor.u32 s0, s7;
	[tilespmem:s17+$0x0] =	vst v10;
	v59 =	vld.idx.msk [tilespmem:v53+s13+$0x0], $0xffff  }
0x428: {  	v61 =	vadd.s32 $0xE300, v2;
	v8 =	vld.idx.msk [tilespmem:v54+s13+$0x0], $0xffff;
	[tilespmem:s18+$0x0] =	vst v57  }
0x429: {  	v2 =	vadd.s32 $0xE380, v2;
	s30 =	sor.u32 s28, s3;
	v62 =	vld.idx.msk [tilespmem:v58+s13+$0x0], $0xffff  }
0x42a: {  	s19 =	sor.u32 s28, s10;
	[tilespmem:s30+$0x0] =	vst v23;
	v6 =	vld.idx.msk [tilespmem:v55+s13+$0x0], $0xffff  }
0x42b: {  	[tilespmem:s19+$0x0] =	vst v0;
	s20 =	sor.u32 s31, s6;
	v3 =	vld.idx.msk [tilespmem:v60+s13+$0x0], $0xffff  }
0x42c: {  	s28 =	rddreg [dreg:$0x10];
	s21 =	sor.u32 s31, s2;
	v1 =	vld.idx.msk [tilespmem:v56+s13+$0x0], $0xffff;
	[tilespmem:s20+$0x0] =	vst v59  }
0x42d: {  	s25 =	sor.u32 s0, s6;
	s26 =	sor.u32 s0, s2;
	s2 =	sadd.s32 $0x4, s28;
	v63 =	vld.idx.msk [tilespmem:v61+s13+$0x0], $0xffff;
	[tilespmem:s21+$0x0] =	vst v8  }
0x42e: {  	s22 =	sor.u32 s31, s3;
	p1 =	slt.u32 s2, $0xC;
	v2 =	vld.idx.msk [tilespmem:v2+s13+$0x0], $0xffff;
	[tilespmem:s25+$0x0] =	vst v62  }
.Ltmp2:
0x42f: {  	[tilespmem:s22+$0x0] =	vst v6;
	(pc) =	sbr.rel @p1 .LBB2_7-.Ltmp2, $4  }
0x430: {  	s30 =	rddreg [dreg:$0x15];
	s23 =	sor.u32 s31, s10;
	[tilespmem:s26+$0x0] =	vst v3  }
0x431: {  	s24 =	rddreg [dreg:$0x13];
	s29 =	sor.u32 s0, s3;
	[tilespmem:s23+$0x0] =	vst v1  }
0x432: {  	p0 =	por !p0, !p0;
	s31 =	rddreg [dreg:$0x12];
	s0 =	sor.u32 s0, s10;
	[tilespmem:s29+$0x0] =	vst v63  }
0x433: {  	s3 =	sadd.s32 $0x200, s30;
	s1 =	sadd.s32 $0x40, s31;
	s4 =	sadd.s32 $0x240, s24;
	[tilespmem:s0+$0x0] =	vst v2  }
0x434: {  	s0 =	rddreg [dreg:$0xb]  }
0x435: {  	s1 =	rddreg [dreg:$0x7]  }
0x436: {  	s28 =	simm.s32 $0x20000;
	s2 =	simm.s32 $0x800;
	s0 =	sshll.u32 s0, $0x11  }
0x437: {  	s3 =	simm.s32 $0x17000;
	s29 =	simm.s32 $0x2;
	s0 =	sadd.s32 s0, s1  }
0x438: {  	[hbm4b:s0+s2] =	stream.strided.scatter [tilespmem:s3], [sflag:$0x1], $0x4000, s28, s2, $0x38;
	[tilespmem:$0x1F000] =	vst v63  }
0x439: {  	_ =	swait.ge [sflag:s29], $0x4000  }
0x43a: {  	s31 =	rddreg [dreg:$0xf]  }
0x43b: {  	s30 =	simm.s32 $0x0;
	[sflag:s29] =	ssyncset.done $0x0;
	v0 =	vmov s31  }
0x43c: {  	s24 =	simm.s32 $0x130;
	s1 =	simm.s32 $0xFFFFFFFC;
	[sflag:s29] =	ssyncadd.s32 $0xFFFFC000  }
.LBB2_9:
0x43d: {  	s0 =	sadd.s32 $0xFFFFFED0, s24;
	s28 =	sand.u32 $0x400, s30;
	s20 =	rddreg [dreg:$0xc]  }
0x43e: {  	s26 =	sand.u32 $0x40, s0;
	s17 =	sadd.s32 s28, s20  }
0x43f: {  	s0 =	sadd.s32 s26, s17  }
0x440: {  	v1 =	vld.idx.msk [tilespmem:v0+s0+$0x800 ss:$0x1], $0xffff;
	_ =	sdelay $0x4  }
0x441: {  	v2 =	vshll.u32 v1, $0x3  }
0x442: {  	v1 =	vand.u32 $0x7F, v1;
	v2 =	vand.u32 $0xFFFFFC00, v2  }
0x443: {  	v2 =	vor.u32 v1, v2  }
0x444: {  	v1 =	vor.u32 $0x80, v2  }
0x445: {  	v3 =	vor.u32 $0x100, v2  }
0x446: {  	v4 =	vor.u32 $0x180, v2;
	_ =	sdelay $0x1  }
0x447: {  	v5 =	vld.idx.msk [tilespmem:v2+s13+$0x0], $0xffff  }
0x448: {  	v1 =	vld.idx.msk [tilespmem:v1+s13+$0x0], $0xffff  }
0x449: {  	v3 =	vld.idx.msk [tilespmem:v3+s13+$0x0], $0xffff  }
0x44a: {  	s8 =	sor.u32 $0x1B000, s28;
	v4 =	vld.idx.msk [tilespmem:v4+s13+$0x0], $0xffff  }
0x44b: {  	s29 =	sor.u32 $0x1B080, s28;
	s18 =	sor.u32 s26, s8;
	v6 =	vor.u32 $0x200, v2  }
0x44c: {  	s9 =	sor.u32 $0x1B100, s28;
	s19 =	sor.u32 s26, s29;
	v53 =	vor.u32 $0x280, v2;
	[tilespmem:s18+$0x0] =	vst v5  }
0x44d: {  	s10 =	sor.u32 $0x1B180, s28;
	s21 =	sor.u32 s26, s9;
	[tilespmem:s19+$0x0] =	vst v1;
	v1 =	vor.u32 $0x300, v2  }
0x44e: {  	s22 =	sor.u32 s26, s10;
	[tilespmem:s21+$0x0] =	vst v3  }
0x44f: {  	[tilespmem:s22+$0x0] =	vst v4  }
0x450: {  	v3 =	vor.u32 $0x380, v2;
	v4 =	vld.idx.msk [tilespmem:v6+s13+$0x0], $0xffff  }
0x451: {  	v5 =	vld.idx.msk [tilespmem:v53+s13+$0x0], $0xffff  }
0x452: {  	s2 =	sadd.s32 $0x880, s30;
	v1 =	vld.idx.msk [tilespmem:v1+s13+$0x0], $0xffff  }
0x453: {  	s7 =	sadd.s32 $0xFFFFFFE0, s24;
	s6 =	sor.u32 $0x1B200, s28;
	s5 =	sor.u32 $0x1B280, s28  }
0x454: {  	s4 =	sor.u32 $0x1B300, s28;
	s2 =	sand.u32 $0xC00, s2;
	s23 =	sor.u32 s26, s6  }
0x455: {  	s25 =	sor.u32 s26, s5;
	s2 =	sadd.s32 s2, s20;
	s0 =	sand.u32 $0x50, s7;
	v3 =	vld.idx.msk [tilespmem:v3+s13+$0x0], $0xffff;
	[tilespmem:s23+$0x0] =	vst v4  }
0x456: {  	s31 =	sor.u32 s26, s4;
	s0 =	sadd.s32 s0, s2;
	[tilespmem:s25+$0x0] =	vst v5  }
0x457: {  	[tilespmem:s31+$0x0] =	vst v1;
	v1 =	vld.idx.msk [tilespmem:v0+s0+$0x0 ss:$0x1], $0xffff  }
0x458: {  	s3 =	sor.u32 $0x1B380, s28  }
0x459: {  	s11 =	sor.u32 s26, s3  }
0x45a: {  	[tilespmem:s11+$0x0] =	vst v3;
	v3 =	vadd.s32 $0x2000, v2  }
0x45b: {  	v54 =	vadd.s32 $0x2080, v2  }
0x45c: {  	v55 =	vadd.s32 $0x2100, v2;
	v56 =	vshll.u32 v1, $0x3  }
0x45d: {  	v7 =	vadd.s32 $0x2180, v2;
	v1 =	vand.u32 $0x7F, v1;
	v6 =	vand.u32 $0xFFFFFC00, v56  }
0x45e: {  	v1 =	vor.u32 v1, v6  }
0x45f: {  	v3 =	vld.idx.msk [tilespmem:v3+s13+$0x0], $0xffff;
	v6 =	vor.u32 $0x80, v1  }
0x460: {  	v4 =	vld.idx.msk [tilespmem:v54+s13+$0x0], $0xffff;
	v8 =	vor.u32 $0x100, v1  }
0x461: {  	v5 =	vld.idx.msk [tilespmem:v55+s13+$0x0], $0xffff;
	v9 =	vor.u32 $0x180, v1  }
0x462: {  	s2 =	sor.u32 $0x1B800, s28;
	v7 =	vld.idx.msk [tilespmem:v7+s13+$0x0], $0xffff  }
0x463: {  	s7 =	sor.u32 $0x1B880, s28;
	s12 =	sor.u32 s26, s2;
	v10 =	vadd.s32 $0x2200, v2;
	v11 =	vld.idx.msk [tilespmem:v1+s13+$0x0], $0xffff  }
0x464: {  	s14 =	sor.u32 s26, s7;
	s11 =	sor.u32 $0x1B900, s28;
	[tilespmem:s12+$0x0] =	vst v3;
	v3 =	vadd.s32 $0x2280, v2;
	v6 =	vld.idx.msk [tilespmem:v6+s13+$0x0], $0xffff  }
0x465: {  	v57 =	vadd.s32 $0x2300, v2;
	s15 =	sor.u32 s26, s11;
	s12 =	sor.u32 $0x1B980, s28;
	[tilespmem:s14+$0x0] =	vst v4;
	v8 =	vld.idx.msk [tilespmem:v8+s13+$0x0], $0xffff  }
0x466: {  	v58 =	vadd.s32 $0x2380, v2;
	s25 =	sor.u32 $0x10, s26;
	s16 =	sor.u32 s26, s12;
	[tilespmem:s15+$0x0] =	vst v5;
	v9 =	vld.idx.msk [tilespmem:v9+s13+$0x0], $0xffff  }
0x467: {  	s17 =	sor.u32 s25, s8;
	v59 =	vor.u32 $0x200, v1;
	[tilespmem:s16+$0x0] =	vst v7  }
0x468: {  	s18 =	sor.u32 s25, s29;
	v60 =	vor.u32 $0x280, v1;
	v10 =	vld.idx.msk [tilespmem:v10+s13+$0x0], $0xffff;
	[tilespmem:s17+$0x0] =	vst v11  }
0x469: {  	s19 =	sor.u32 s25, s9;
	v61 =	vor.u32 $0x300, v1;
	v3 =	vld.idx.msk [tilespmem:v3+s13+$0x0], $0xffff;
	[tilespmem:s18+$0x0] =	vst v6  }
0x46a: {  	s21 =	sor.u32 s25, s10;
	v62 =	vor.u32 $0x380, v1;
	v4 =	vld.idx.msk [tilespmem:v57+s13+$0x0], $0xffff;
	[tilespmem:s19+$0x0] =	vst v8  }
0x46b: {  	s15 =	sor.u32 $0x1BA00, s28;
	v5 =	vld.idx.msk [tilespmem:v58+s13+$0x0], $0xffff;
	[tilespmem:s21+$0x0] =	vst v9  }
0x46c: {  	v63 =	vadd.s32 $0x4000, v2;
	s22 =	sor.u32 s26, s15;
	s16 =	sor.u32 $0x1BA80, s28;
	v7 =	vld.idx.msk [tilespmem:v59+s13+$0x0], $0xffff  }
0x46d: {  	v12 =	vadd.s32 $0x4080, v2;
	s23 =	sor.u32 s26, s16;
	s17 =	sor.u32 $0x1BB00, s28;
	[tilespmem:s22+$0x0] =	vst v10;
	v11 =	vld.idx.msk [tilespmem:v60+s13+$0x0], $0xffff  }
0x46e: {  	s31 =	sor.u32 s26, s17;
	s18 =	sor.u32 $0x1BB80, s28;
	[tilespmem:s23+$0x0] =	vst v3;
	v3 =	vadd.s32 $0x4100, v2;
	v6 =	vld.idx.msk [tilespmem:v61+s13+$0x0], $0xffff  }
0x46f: {  	[dreg:$0xd] =	wrdreg s1;
	v13 =	vadd.s32 $0x4180, v2;
	s1 =	sor.u32 s26, s18;
	v8 =	vld.idx.msk [tilespmem:v62+s13+$0x0], $0xffff;
	[tilespmem:s31+$0x0] =	vst v4  }
0x470: {  	[dreg:$0x1b] =	wrdreg s6;
	s6 =	sor.u32 s25, s6;
	v14 =	vadd.s32 $0x2000, v1;
	[tilespmem:s1+$0x0] =	vst v5  }
0x471: {  	[dreg:$0x19] =	wrdreg s5;
	v15 =	vadd.s32 $0x2080, v1;
	s14 =	sor.u32 s25, s5;
	v9 =	vld.idx.msk [tilespmem:v63+s13+$0x0], $0xffff;
	[tilespmem:s6+$0x0] =	vst v7  }
0x472: {  	[dreg:$0x18] =	wrdreg s4;
	v16 =	vadd.s32 $0x2100, v1;
	s19 =	sor.u32 s25, s4;
	v10 =	vld.idx.msk [tilespmem:v12+s13+$0x0], $0xffff;
	[tilespmem:s14+$0x0] =	vst v11  }
0x473: {  	[dreg:$0x1a] =	wrdreg s3;
	v17 =	vadd.s32 $0x2180, v1;
	s21 =	sor.u32 s25, s3;
	v3 =	vld.idx.msk [tilespmem:v3+s13+$0x0], $0xffff;
	[tilespmem:s19+$0x0] =	vst v6  }
0x474: {  	[dreg:$0x1e] =	wrdreg s7;
	s3 =	sor.u32 $0x1C000, s28;
	v4 =	vld.idx.msk [tilespmem:v13+s13+$0x0], $0xffff;
	[tilespmem:s21+$0x0] =	vst v8  }
0x475: {  	[dreg:$0x1d] =	wrdreg s2;
	v18 =	vadd.s32 $0x4200, v2;
	s4 =	sor.u32 $0x1C080, s28;
	s22 =	sor.u32 s26, s3;
	v5 =	vld.idx.msk [tilespmem:v14+s13+$0x0], $0xffff  }
0x476: {  	v19 =	vadd.s32 $0x4280, v2;
	[smem:$0x76F] =	sst s11;
	s5 =	sor.u32 $0x1C100, s28;
	s23 =	sor.u32 s26, s4;
	[tilespmem:s22+$0x0] =	vst v9;
	v7 =	vld.idx.msk [tilespmem:v15+s13+$0x0], $0xffff  }
0x477: {  	v20 =	vadd.s32 $0x4300, v2;
	[smem:$0x770] =	sst s12;
	s31 =	sor.u32 s26, s5;
	s6 =	sor.u32 $0x1C180, s28;
	[tilespmem:s23+$0x0] =	vst v10;
	v11 =	vld.idx.msk [tilespmem:v16+s13+$0x0], $0xffff  }
0x478: {  	[smem:$0x777] =	sst s5;
	s1 =	sor.u32 s26, s6;
	v6 =	vld.idx.msk [tilespmem:v17+s13+$0x0], $0xffff;
	[tilespmem:s31+$0x0] =	vst v3;
	v3 =	vadd.s32 $0x4380, v2  }
0x479: {  	v21 =	vadd.s32 $0x2200, v1;
	[smem:$0x771] =	sst s15;
	s14 =	sor.u32 s25, s2;
	[tilespmem:s1+$0x0] =	vst v4  }
0x47a: {  	[smem:$0x772] =	sst s16;
	s19 =	sor.u32 s25, s7;
	v8 =	vld.idx.msk [tilespmem:v18+s13+$0x0], $0xffff;
	[tilespmem:s14+$0x0] =	vst v5  }
0x47b: {  	v22 =	vadd.s32 $0x2280, v1;
	[smem:$0x773] =	sst s17;
	s21 =	sor.u32 s25, s11;
	v9 =	vld.idx.msk [tilespmem:v19+s13+$0x0], $0xffff;
	[tilespmem:s19+$0x0] =	vst v7  }
0x47c: {  	v23 =	vadd.s32 $0x2300, v1;
	[smem:$0x774] =	sst s18;
	s22 =	sor.u32 s25, s12;
	v10 =	vld.idx.msk [tilespmem:v20+s13+$0x0], $0xffff;
	[tilespmem:s21+$0x0] =	vst v11  }
0x47d: {  	v24 =	vadd.s32 $0x2380, v1;
	[smem:$0x776] =	sst s4;
	s2 =	sor.u32 $0x1C200, s28;
	v3 =	vld.idx.msk [tilespmem:v3+s13+$0x0], $0xffff;
	[tilespmem:s22+$0x0] =	vst v6  }
0x47e: {  	[smem:$0x775] =	sst s3;
	s7 =	sor.u32 $0x1C280, s28;
	s23 =	sor.u32 s26, s2;
	v4 =	vld.idx.msk [tilespmem:v21+s13+$0x0], $0xffff  }
0x47f: {  	v25 =	vadd.s32 $0x6000, v2;
	[smem:$0x778] =	sst s6;
	s11 =	sor.u32 $0x1C300, s28;
	s31 =	sor.u32 s26, s7;
	[tilespmem:s23+$0x0] =	vst v8  }
0x480: {  	v26 =	vadd.s32 $0x6080, v2;
	[smem:$0x779] =	sst s2;
	s1 =	sor.u32 s26, s11;
	s14 =	sor.u32 $0x1C380, s28;
	v5 =	vld.idx.msk [tilespmem:v22+s13+$0x0], $0xffff;
	[tilespmem:s31+$0x0] =	vst v9  }
0x481: {  	v27 =	vadd.s32 $0x6100, v2;
	[smem:$0x77A] =	sst s7;
	s12 =	sor.u32 s26, s14;
	v7 =	vld.idx.msk [tilespmem:v23+s13+$0x0], $0xffff;
	[tilespmem:s1+$0x0] =	vst v10  }
0x482: {  	v28 =	vadd.s32 $0x6180, v2;
	[smem:$0x77B] =	sst s11;
	s19 =	sor.u32 s25, s15;
	v11 =	vld.idx.msk [tilespmem:v24+s13+$0x0], $0xffff;
	[tilespmem:s12+$0x0] =	vst v3  }
0x483: {  	[smem:$0x77C] =	sst s14;
	v3 =	vadd.s32 $0x4000, v1;
	[tilespmem:s19+$0x0] =	vst v4  }
0x484: {  	v29 =	vadd.s32 $0x4080, v1;
	s21 =	sor.u32 s25, s16;
	v4 =	vld.idx.msk [tilespmem:v25+s13+$0x0], $0xffff  }
0x485: {  	v31 =	vadd.s32 $0x4100, v1;
	s22 =	sor.u32 s25, s17;
	[tilespmem:s21+$0x0] =	vst v5;
	v30 =	vld.idx.msk [tilespmem:v26+s13+$0x0], $0xffff  }
0x486: {  	v33 =	vadd.s32 $0x4180, v1;
	s23 =	sor.u32 s25, s18;
	v32 =	vld.idx.msk [tilespmem:v27+s13+$0x0], $0xffff;
	[tilespmem:s22+$0x0] =	vst v7  }
0x487: {  	s12 =	sor.u32 $0x1C800, s28;
	v10 =	vld.idx.msk [tilespmem:v28+s13+$0x0], $0xffff;
	[tilespmem:s23+$0x0] =	vst v11  }
0x488: {  	v34 =	vadd.s32 $0x6200, v2;
	s15 =	sor.u32 $0x1C880, s28;
	s31 =	sor.u32 s26, s12;
	v3 =	vld.idx.msk [tilespmem:v3+s13+$0x0], $0xffff  }
0x489: {  	v35 =	vadd.s32 $0x6280, v2;
	s1 =	sor.u32 s26, s15;
	s19 =	sor.u32 $0x1C900, s28;
	v6 =	vld.idx.msk [tilespmem:v29+s13+$0x0], $0xffff;
	[tilespmem:s31+$0x0] =	vst v4  }
0x48a: {  	v36 =	vadd.s32 $0x6300, v2;
	s16 =	sor.u32 s26, s19;
	s22 =	sor.u32 $0x1C980, s28;
	v8 =	vld.idx.msk [tilespmem:v31+s13+$0x0], $0xffff;
	[tilespmem:s1+$0x0] =	vst v30  }
0x48b: {  	v37 =	vadd.s32 $0x6380, v2;
	s17 =	sor.u32 s26, s22;
	v9 =	vld.idx.msk [tilespmem:v33+s13+$0x0], $0xffff;
	[tilespmem:s16+$0x0] =	vst v32  }
0x48c: {  	v38 =	vadd.s32 $0x4200, v1;
	s18 =	sor.u32 s25, s3;
	[tilespmem:s17+$0x0] =	vst v10  }
0x48d: {  	v39 =	vadd.s32 $0x4280, v1;
	s21 =	sor.u32 s25, s4;
	[tilespmem:s18+$0x0] =	vst v3;
	v3 =	vld.idx.msk [tilespmem:v34+s13+$0x0], $0xffff  }
0x48e: {  	v40 =	vadd.s32 $0x4300, v1;
	s23 =	sor.u32 s25, s5;
	[tilespmem:s21+$0x0] =	vst v6;
	v4 =	vld.idx.msk [tilespmem:v35+s13+$0x0], $0xffff  }
0x48f: {  	v41 =	vadd.s32 $0x4380, v1;
	s31 =	sor.u32 s25, s6;
	v5 =	vld.idx.msk [tilespmem:v36+s13+$0x0], $0xffff;
	[tilespmem:s23+$0x0] =	vst v8  }
0x490: {  	s3 =	sor.u32 $0x1CA00, s28;
	v7 =	vld.idx.msk [tilespmem:v37+s13+$0x0], $0xffff;
	[tilespmem:s31+$0x0] =	vst v9  }
0x491: {  	v42 =	vadd.s32 $0x8000, v2;
	s4 =	sor.u32 $0x1CA80, s28;
	s1 =	sor.u32 s26, s3;
	v10 =	vld.idx.msk [tilespmem:v38+s13+$0x0], $0xffff  }
0x492: {  	s5 =	sor.u32 s26, s4;
	s17 =	sor.u32 $0x1CB00, s28;
	v11 =	vld.idx.msk [tilespmem:v39+s13+$0x0], $0xffff;
	[tilespmem:s1+$0x0] =	vst v3;
	v3 =	vadd.s32 $0x8080, v2  }
0x493: {  	v43 =	vadd.s32 $0x8100, v2;
	s16 =	sor.u32 $0x1CB80, s28;
	s6 =	sor.u32 s26, s17;
	v6 =	vld.idx.msk [tilespmem:v40+s13+$0x0], $0xffff;
	[tilespmem:s5+$0x0] =	vst v4  }
0x494: {  	v44 =	vadd.s32 $0x8180, v2;
	s18 =	sor.u32 s26, s16;
	v8 =	vld.idx.msk [tilespmem:v41+s13+$0x0], $0xffff;
	[tilespmem:s6+$0x0] =	vst v5  }
0x495: {  	v45 =	vadd.s32 $0x6000, v1;
	s21 =	sor.u32 s25, s2;
	[tilespmem:s18+$0x0] =	vst v7  }
0x496: {  	v46 =	vadd.s32 $0x6080, v1;
	s23 =	sor.u32 s25, s7;
	[tilespmem:s21+$0x0] =	vst v10;
	v9 =	vld.idx.msk [tilespmem:v42+s13+$0x0], $0xffff  }
0x497: {  	v47 =	vadd.s32 $0x6100, v1;
	s31 =	sor.u32 s25, s11;
	[tilespmem:s23+$0x0] =	vst v11;
	v3 =	vld.idx.msk [tilespmem:v3+s13+$0x0], $0xffff  }
0x498: {  	v48 =	vadd.s32 $0x6180, v1;
	s1 =	sor.u32 s25, s14;
	v4 =	vld.idx.msk [tilespmem:v43+s13+$0x0], $0xffff;
	[tilespmem:s31+$0x0] =	vst v6  }
0x499: {  	s21 =	sor.u32 $0x1D000, s28;
	v5 =	vld.idx.msk [tilespmem:v44+s13+$0x0], $0xffff;
	[tilespmem:s1+$0x0] =	vst v8  }
0x49a: {  	v49 =	vadd.s32 $0x8200, v2;
	s6 =	sor.u32 $0x1D080, s28;
	s2 =	sor.u32 s26, s21;
	v7 =	vld.idx.msk [tilespmem:v45+s13+$0x0], $0xffff  }
0x49b: {  	v50 =	vadd.s32 $0x8280, v2;
	s5 =	sor.u32 s26, s6;
	s18 =	sor.u32 $0x1D100, s28;
	v10 =	vld.idx.msk [tilespmem:v46+s13+$0x0], $0xffff;
	[tilespmem:s2+$0x0] =	vst v9  }
0x49c: {  	s14 =	sor.u32 $0x1D180, s28;
	s7 =	sor.u32 s26, s18;
	v11 =	vld.idx.msk [tilespmem:v47+s13+$0x0], $0xffff;
	[tilespmem:s5+$0x0] =	vst v3;
	v3 =	vadd.s32 $0x8300, v2  }
0x49d: {  	v51 =	vadd.s32 $0x8380, v2;
	s11 =	sor.u32 s26, s14;
	v6 =	vld.idx.msk [tilespmem:v48+s13+$0x0], $0xffff;
	[tilespmem:s7+$0x0] =	vst v4  }
0x49e: {  	v52 =	vadd.s32 $0x6200, v1;
	[smem:$0x77D] =	sst s12;
	s12 =	sor.u32 s25, s12;
	[tilespmem:s11+$0x0] =	vst v5  }
0x49f: {  	v54 =	vadd.s32 $0x6280, v1;
	[smem:$0x77E] =	sst s15;
	s15 =	sor.u32 s25, s15;
	[tilespmem:s12+$0x0] =	vst v7;
	v53 =	vld.idx.msk [tilespmem:v49+s13+$0x0], $0xffff  }
0x4a0: {  	v55 =	vadd.s32 $0x6300, v1;
	[smem:$0x77F] =	sst s19;
	s19 =	sor.u32 s25, s19;
	[tilespmem:s15+$0x0] =	vst v10;
	v9 =	vld.idx.msk [tilespmem:v50+s13+$0x0], $0xffff  }
0x4a1: {  	v56 =	vadd.s32 $0x6380, v1;
	[smem:$0x780] =	sst s22;
	s22 =	sor.u32 s25, s22;
	[tilespmem:s19+$0x0] =	vst v11;
	v3 =	vld.idx.msk [tilespmem:v3+s13+$0x0], $0xffff  }
0x4a2: {  	s5 =	sor.u32 $0x1D200, s28;
	v4 =	vld.idx.msk [tilespmem:v51+s13+$0x0], $0xffff;
	[tilespmem:s22+$0x0] =	vst v6  }
0x4a3: {  	v57 =	vadd.s32 $0xA000, v2;
	s23 =	sor.u32 s26, s5;
	s7 =	sor.u32 $0x1D280, s28;
	v5 =	vld.idx.msk [tilespmem:v52+s13+$0x0], $0xffff  }
0x4a4: {  	v58 =	vadd.s32 $0xA080, v2;
	s31 =	sor.u32 s26, s7;
	s19 =	sor.u32 $0x1D300, s28;
	v8 =	vld.idx.msk [tilespmem:v54+s13+$0x0], $0xffff;
	[tilespmem:s23+$0x0] =	vst v53  }
0x4a5: {  	v59 =	vadd.s32 $0xA100, v2;
	s1 =	sor.u32 s26, s19;
	s22 =	sor.u32 $0x1D380, s28;
	v10 =	vld.idx.msk [tilespmem:v55+s13+$0x0], $0xffff;
	[tilespmem:s31+$0x0] =	vst v9  }
0x4a6: {  	v11 =	vld.idx.msk [tilespmem:v56+s13+$0x0], $0xffff;
	s2 =	sor.u32 s26, s22;
	[tilespmem:s1+$0x0] =	vst v3;
	v3 =	vadd.s32 $0xA180, v2  }
0x4a7: {  	v60 =	vadd.s32 $0x8000, v1;
	s11 =	sor.u32 s25, s3;
	[tilespmem:s2+$0x0] =	vst v4  }
0x4a8: {  	v62 =	vadd.s32 $0x8080, v1;
	s12 =	sor.u32 s25, s4;
	[tilespmem:s11+$0x0] =	vst v5;
	v61 =	vld.idx.msk [tilespmem:v57+s13+$0x0], $0xffff  }
0x4a9: {  	v63 =	vadd.s32 $0x8100, v1;
	s15 =	sor.u32 s25, s17;
	[tilespmem:s12+$0x0] =	vst v8;
	v7 =	vld.idx.msk [tilespmem:v58+s13+$0x0], $0xffff  }
0x4aa: {  	v12 =	vadd.s32 $0x8180, v1;
	s23 =	sor.u32 s25, s16;
	v9 =	vld.idx.msk [tilespmem:v59+s13+$0x0], $0xffff;
	[tilespmem:s15+$0x0] =	vst v10  }
0x4ab: {  	s2 =	sor.u32 $0x1D800, s28;
	[tilespmem:s23+$0x0] =	vst v11;
	v3 =	vld.idx.msk [tilespmem:v3+s13+$0x0], $0xffff  }
0x4ac: {  	v13 =	vadd.s32 $0xA200, v2;
	[smem:$0x782] =	sst s4;
	s4 =	sor.u32 $0x1D880, s28;
	s31 =	sor.u32 s26, s2;
	v4 =	vld.idx.msk [tilespmem:v60+s13+$0x0], $0xffff  }
0x4ad: {  	v14 =	vadd.s32 $0xA280, v2;
	s1 =	sor.u32 s26, s4;
	s11 =	sor.u32 $0x1D900, s28;
	v6 =	vld.idx.msk [tilespmem:v62+s13+$0x0], $0xffff;
	[tilespmem:s31+$0x0] =	vst v61  }
0x4ae: {  	v15 =	vadd.s32 $0xA300, v2;
	[smem:$0x781] =	sst s3;
	s3 =	sor.u32 s26, s11;
	s12 =	sor.u32 $0x1D980, s28;
	v8 =	vld.idx.msk [tilespmem:v63+s13+$0x0], $0xffff;
	[tilespmem:s1+$0x0] =	vst v7  }
0x4af: {  	v16 =	vadd.s32 $0xA380, v2;
	s15 =	sor.u32 s26, s12;
	v10 =	vld.idx.msk [tilespmem:v12+s13+$0x0], $0xffff;
	[tilespmem:s3+$0x0] =	vst v9  }
0x4b0: {  	s23 =	sor.u32 s25, s21;
	[tilespmem:s15+$0x0] =	vst v3;
	v3 =	vadd.s32 $0x8200, v1  }
0x4b1: {  	v18 =	vadd.s32 $0x8280, v1;
	s31 =	sor.u32 s25, s6;
	[tilespmem:s23+$0x0] =	vst v4;
	v17 =	vld.idx.msk [tilespmem:v13+s13+$0x0], $0xffff  }
0x4b2: {  	v19 =	vadd.s32 $0x8300, v1;
	s1 =	sor.u32 s25, s18;
	[tilespmem:s31+$0x0] =	vst v6;
	v5 =	vld.idx.msk [tilespmem:v14+s13+$0x0], $0xffff  }
0x4b3: {  	v20 =	vadd.s32 $0x8380, v1;
	s3 =	sor.u32 s25, s14;
	v7 =	vld.idx.msk [tilespmem:v15+s13+$0x0], $0xffff;
	[tilespmem:s1+$0x0] =	vst v8  }
0x4b4: {  	v9 =	vld.idx.msk [tilespmem:v16+s13+$0x0], $0xffff;
	[tilespmem:s3+$0x0] =	vst v10;
	s3 =	sor.u32 $0x1DA00, s28  }
0x4b5: {  	v21 =	vadd.s32 $0xC000, v2;
	[smem:$0x784] =	sst s6;
	s15 =	sor.u32 $0x1DA80, s28;
	s6 =	sor.u32 s26, s3;
	v3 =	vld.idx.msk [tilespmem:v3+s13+$0x0], $0xffff  }
0x4b6: {  	v22 =	vadd.s32 $0xC080, v2;
	[smem:$0x783] =	sst s21;
	s23 =	sor.u32 $0x1DB00, s28;
	s21 =	sor.u32 s26, s15;
	v11 =	vld.idx.msk [tilespmem:v18+s13+$0x0], $0xffff;
	[tilespmem:s6+$0x0] =	vst v17  }
0x4b7: {  	v23 =	vadd.s32 $0xC100, v2;
	s31 =	sor.u32 s26, s23;
	v6 =	vld.idx.msk [tilespmem:v19+s13+$0x0], $0xffff;
	[tilespmem:s21+$0x0] =	vst v5;
	s21 =	sor.u32 $0x1DB80, s28  }
0x4b8: {  	v24 =	vadd.s32 $0xC180, v2;
	v8 =	vld.idx.msk [tilespmem:v20+s13+$0x0], $0xffff;
	[tilespmem:s31+$0x0] =	vst v7;
	s1 =	sor.u32 s26, s21  }
0x4b9: {  	v25 =	vadd.s32 $0xA000, v1;
	s6 =	sor.u32 s25, s5;
	[tilespmem:s1+$0x0] =	vst v9  }
0x4ba: {  	v26 =	vadd.s32 $0xA080, v1;
	[smem:$0x786] =	sst s7;
	s7 =	sor.u32 s25, s7;
	[tilespmem:s6+$0x0] =	vst v3;
	v3 =	vld.idx.msk [tilespmem:v21+s13+$0x0], $0xffff  }
0x4bb: {  	v27 =	vadd.s32 $0xA100, v1;
	[smem:$0x787] =	sst s19;
	s19 =	sor.u32 s25, s19;
	v4 =	vld.idx.msk [tilespmem:v22+s13+$0x0], $0xffff;
	[tilespmem:s7+$0x0] =	vst v11  }
0x4bc: {  	v28 =	vadd.s32 $0xA180, v1;
	s31 =	sor.u32 s25, s22;
	v5 =	vld.idx.msk [tilespmem:v23+s13+$0x0], $0xffff;
	[tilespmem:s19+$0x0] =	vst v6  }
0x4bd: {  	v7 =	vld.idx.msk [tilespmem:v24+s13+$0x0], $0xffff;
	s6 =	sor.u32 $0x1E000, s28;
	[tilespmem:s31+$0x0] =	vst v8  }
0x4be: {  	v29 =	vadd.s32 $0xC200, v2;
	[smem:$0x785] =	sst s5;
	s5 =	sor.u32 $0x1E080, s28;
	s1 =	sor.u32 s26, s6;
	v9 =	vld.idx.msk [tilespmem:v25+s13+$0x0], $0xffff  }
0x4bf: {  	s7 =	sor.u32 s26, s5;
	s31 =	sor.u32 $0x1E100, s28;
	v10 =	vld.idx.msk [tilespmem:v26+s13+$0x0], $0xffff;
	[tilespmem:s1+$0x0] =	vst v3;
	v3 =	vadd.s32 $0xC280, v2  }
0x4c0: {  	v30 =	vadd.s32 $0xC300, v2;
	[smem:$0x788] =	sst s22;
	s22 =	sor.u32 $0x1E180, s28;
	v11 =	vld.idx.msk [tilespmem:v27+s13+$0x0], $0xffff;
	s19 =	sor.u32 s26, s31;
	[tilespmem:s7+$0x0] =	vst v4  }
0x4c1: {  	v31 =	vadd.s32 $0xC380, v2;
	v6 =	vld.idx.msk [tilespmem:v28+s13+$0x0], $0xffff;
	s1 =	sor.u32 s26, s22;
	[tilespmem:s19+$0x0] =	vst v5  }
0x4c2: {  	v32 =	vadd.s32 $0xA200, v1;
	s7 =	sor.u32 s25, s2;
	[tilespmem:s1+$0x0] =	vst v7  }
0x4c3: {  	v33 =	vadd.s32 $0xA280, v1;
	[smem:$0x78A] =	sst s4;
	s19 =	sor.u32 s25, s4;
	[tilespmem:s7+$0x0] =	vst v9;
	v8 =	vld.idx.msk [tilespmem:v29+s13+$0x0], $0xffff  }
0x4c4: {  	v34 =	vadd.s32 $0xA300, v1;
	[smem:$0x789] =	sst s2;
	s1 =	sor.u32 s25, s11;
	[tilespmem:s19+$0x0] =	vst v10;
	v3 =	vld.idx.msk [tilespmem:v3+s13+$0x0], $0xffff  }
0x4c5: {  	v35 =	vadd.s32 $0xA380, v1;
	[smem:$0x78B] =	sst s11;
	s2 =	sor.u32 s25, s12;
	s4 =	sadd.s32 $0xFFFFFFF0, s24;
	v4 =	vld.idx.msk [tilespmem:v30+s13+$0x0], $0xffff;
	[tilespmem:s1+$0x0] =	vst v11  }
0x4c6: {  	[smem:$0x78C] =	sst s12;
	s12 =	sor.u32 $0x1E200, s28;
	s0 =	sand.u32 $0x60, s4;
	v5 =	vld.idx.msk [tilespmem:v31+s13+$0x0], $0xffff;
	[tilespmem:s2+$0x0] =	vst v6  }
0x4c7: {  	v36 =	vadd.s32 $0xE000, v2;
	s11 =	sor.u32 $0x1E280, s28;
	s7 =	sor.u32 s26, s12;
	s19 =	sadd.s32 $0x900, s30;
	v7 =	vld.idx.msk [tilespmem:v32+s13+$0x0], $0xffff  }
0x4c8: {  	v37 =	vadd.s32 $0xE080, v2;
	s4 =	sand.u32 $0xC00, s19;
	s19 =	sor.u32 s26, s11;
	v9 =	vld.idx.msk [tilespmem:v33+s13+$0x0], $0xffff;
	[tilespmem:s7+$0x0] =	vst v8;
	s7 =	sor.u32 $0x1E300, s28  }
0x4c9: {  	s1 =	sadd.s32 s4, s20;
	v10 =	vld.idx.msk [tilespmem:v34+s13+$0x0], $0xffff;
	[tilespmem:s19+$0x0] =	vst v3;
	v3 =	vadd.s32 $0xE100, v2;
	s4 =	sor.u32 s26, s7;
	s19 =	sor.u32 $0x1E380, s28  }
0x4ca: {  	v38 =	vadd.s32 $0xE180, v2;
	s0 =	sadd.s32 s0, s1;
	v11 =	vld.idx.msk [tilespmem:v35+s13+$0x0], $0xffff;
	[tilespmem:s4+$0x0] =	vst v4;
	s2 =	sor.u32 s26, s19  }
0x4cb: {  	v12 =	vadd.s32 $0xC000, v1;
	[smem:$0x78D] =	sst s3;
	s3 =	sor.u32 s25, s3;
	v39 =	vld.idx.msk [tilespmem:v0+s0+$0x0 ss:$0x1], $0xffff;
	[tilespmem:s2+$0x0] =	vst v5  }
0x4cc: {  	v40 =	vadd.s32 $0xC080, v1;
	s4 =	sor.u32 s25, s15;
	[tilespmem:s3+$0x0] =	vst v7;
	v6 =	vld.idx.msk [tilespmem:v36+s13+$0x0], $0xffff  }
0x4cd: {  	v41 =	vadd.s32 $0xC100, v1;
	[smem:$0x78E] =	sst s15;
	s15 =	sor.u32 s25, s23;
	v8 =	vld.idx.msk [tilespmem:v37+s13+$0x0], $0xffff;
	[tilespmem:s4+$0x0] =	vst v9  }
0x4ce: {  	v42 =	vadd.s32 $0xC180, v1;
	[smem:$0x790] =	sst s21;
	s21 =	sor.u32 s25, s21;
	[tilespmem:s15+$0x0] =	vst v10;
	v3 =	vld.idx.msk [tilespmem:v3+s13+$0x0], $0xffff  }
0x4cf: {  	s2 =	sor.u32 $0x1E800, s28;
	v4 =	vld.idx.msk [tilespmem:v38+s13+$0x0], $0xffff;
	[tilespmem:s21+$0x0] =	vst v11  }
0x4d0: {  	[smem:$0x78F] =	sst s23;
	s23 =	sor.u32 s26, s2;
	s15 =	sor.u32 $0x1E880, s28;
	v11 =	vld.idx.msk [tilespmem:v12+s13+$0x0], $0xffff  }
0x4d1: {  	s3 =	sadd.s32 $0x980, s30;
	s4 =	sor.u32 $0x1E900, s28;
	s1 =	sor.u32 s26, s15;
	v7 =	vld.idx.msk [tilespmem:v40+s13+$0x0], $0xffff;
	[tilespmem:s23+$0x0] =	vst v6  }
0x4d2: {  	s21 =	sand.u32 $0xC00, s3;
	s3 =	sor.u32 $0x1E980, s28;
	v9 =	vld.idx.msk [tilespmem:v41+s13+$0x0], $0xffff;
	[tilespmem:s1+$0x0] =	vst v8;
	s1 =	sor.u32 s26, s4  }
0x4d3: {  	v10 =	vld.idx.msk [tilespmem:v42+s13+$0x0], $0xffff;
	s0 =	sadd.s32 s21, s20;
	s20 =	sor.u32 s26, s3;
	s21 =	sand.u32 $0x70, s24;
	[tilespmem:s1+$0x0] =	vst v3;
	v3 =	vadd.s32 $0xE300, v2  }
0x4d4: {  	v45 =	vadd.s32 $0xC200, v1;
	s0 =	sadd.s32 s21, s0;
	s1 =	sor.u32 s25, s6;
	[tilespmem:s20+$0x0] =	vst v4  }
0x4d5: {  	v13 =	vadd.s32 $0xC280, v1;
	[smem:$0x791] =	sst s6;
	v47 =	vshll.u32 v39, $0x3;
	v46 =	vld.idx.msk [tilespmem:v0+s0+$0x0 ss:$0x1], $0xffff;
	s6 =	sor.u32 s25, s5;
	[tilespmem:s1+$0x0] =	vst v11  }
0x4d6: {  	v14 =	vadd.s32 $0xC300, v1;
	v49 =	vand.u32 $0x7F, v39;
	s20 =	sor.u32 s25, s31;
	v4 =	vand.u32 $0xFFFFFC00, v47;
	[tilespmem:s6+$0x0] =	vst v7  }
0x4d7: {  	s21 =	sor.u32 s25, s22;
	v4 =	vor.u32 v49, v4;
	[tilespmem:s20+$0x0] =	vst v9  }
0x4d8: {  	v48 =	vadd.s32 $0xC380, v1;
	[tilespmem:s21+$0x0] =	vst v10;
	v5 =	vld.idx.msk [tilespmem:v3+s13+$0x0], $0xffff  }
0x4d9: {  	v51 =	vor.u32 $0x80, v4;
	v50 =	vld.idx.msk [tilespmem:v45+s13+$0x0], $0xffff  }
0x4da: {  	v53 =	vor.u32 $0x100, v4;
	v3 =	vshll.u32 v46, $0x3;
	v52 =	vld.idx.msk [tilespmem:v13+s13+$0x0], $0xffff  }
0x4db: {  	v15 =	vor.u32 $0x180, v4;
	v11 =	vand.u32 $0x7F, v46;
	v14 =	vld.idx.msk [tilespmem:v14+s13+$0x0], $0xffff;
	v3 =	vand.u32 $0xFFFFFC00, v3  }
0x4dc: {  	v3 =	vor.u32 v11, v3;
	v54 =	vld.idx.msk [tilespmem:v4+s13+$0x0], $0xffff  }
0x4dd: {  	v8 =	vld.idx.msk [tilespmem:v48+s13+$0x0], $0xffff;
	v16 =	vor.u32 $0x80, v3  }
0x4de: {  	s23 =	sor.u32 s25, s12;
	v10 =	vld.idx.msk [tilespmem:v51+s13+$0x0], $0xffff;
	v17 =	vor.u32 $0x100, v3  }
0x4df: {  	s0 =	sor.u32 $0x20, s26;
	s1 =	sor.u32 s25, s11;
	v55 =	vld.idx.msk [tilespmem:v53+s13+$0x0], $0xffff;
	v56 =	vor.u32 $0x180, v3;
	[tilespmem:s23+$0x0] =	vst v50  }
0x4e0: {  	s21 =	sor.u32 s0, s8;
	v57 =	vld.idx.msk [tilespmem:v15+s13+$0x0], $0xffff;
	[tilespmem:s1+$0x0] =	vst v52  }
0x4e1: {  	s6 =	sor.u32 s25, s7;
	v58 =	vor.u32 $0x200, v4;
	v59 =	vld.idx.msk [tilespmem:v3+s13+$0x0], $0xffff;
	[tilespmem:s21+$0x0] =	vst v54  }
0x4e2: {  	v60 =	vor.u32 $0x280, v4;
	s23 =	sor.u32 s0, s29;
	[tilespmem:s6+$0x0] =	vst v14;
	v16 =	vld.idx.msk [tilespmem:v16+s13+$0x0], $0xffff  }
0x4e3: {  	v61 =	vor.u32 $0x300, v4;
	s1 =	sor.u32 s0, s9;
	[tilespmem:s23+$0x0] =	vst v10;
	v17 =	vld.idx.msk [tilespmem:v17+s13+$0x0], $0xffff  }
0x4e4: {  	v62 =	vor.u32 $0x380, v4;
	v13 =	vld.idx.msk [tilespmem:v56+s13+$0x0], $0xffff;
	s6 =	sor.u32 s0, s10;
	s23 =	sor.u32 $0x30, s26;
	[tilespmem:s1+$0x0] =	vst v55  }
0x4e5: {  	v63 =	vor.u32 $0x200, v3;
	s21 =	sor.u32 s23, s8;
	[tilespmem:s6+$0x0] =	vst v57  }
0x4e6: {  	v20 =	vor.u32 $0x280, v3;
	s29 =	sor.u32 s23, s29;
	v14 =	vld.idx.msk [tilespmem:v58+s13+$0x0], $0xffff;
	[tilespmem:s21+$0x0] =	vst v59  }
0x4e7: {  	v21 =	vor.u32 $0x300, v3;
	s1 =	sor.u32 s23, s9;
	v11 =	vld.idx.msk [tilespmem:v60+s13+$0x0], $0xffff;
	[tilespmem:s29+$0x0] =	vst v16  }
0x4e8: {  	v22 =	vor.u32 $0x380, v3;
	s8 =	sor.u32 s23, s10;
	v10 =	vld.idx.msk [tilespmem:v61+s13+$0x0], $0xffff;
	[tilespmem:s1+$0x0] =	vst v17  }
0x4e9: {  	s20 =	rddreg [dreg:$0x1b];
	s9 =	sor.u32 s25, s19;
	v9 =	vld.idx.msk [tilespmem:v62+s13+$0x0], $0xffff;
	[tilespmem:s8+$0x0] =	vst v13  }
0x4ea: {  	v24 =	vadd.s32 $0x2000, v4;
	s10 =	sor.u32 s0, s20;
	[tilespmem:s9+$0x0] =	vst v8;
	s9 =	rddreg [dreg:$0x19];
	v12 =	vld.idx.msk [tilespmem:v63+s13+$0x0], $0xffff  }
0x4eb: {  	s21 =	sor.u32 s0, s9;
	s8 =	rddreg [dreg:$0x18];
	[tilespmem:s10+$0x0] =	vst v14;
	v15 =	vld.idx.msk [tilespmem:v20+s13+$0x0], $0xffff  }
0x4ec: {  	v25 =	vadd.s32 $0x2080, v4;
	v16 =	vld.idx.msk [tilespmem:v21+s13+$0x0], $0xffff;
	s29 =	sor.u32 s0, s8;
	s10 =	rddreg [dreg:$0x1a];
	[tilespmem:s21+$0x0] =	vst v11  }
0x4ed: {  	v26 =	vadd.s32 $0x2100, v4;
	v17 =	vld.idx.msk [tilespmem:v22+s13+$0x0], $0xffff;
	s1 =	sor.u32 s0, s10;
	[tilespmem:s29+$0x0] =	vst v10  }
0x4ee: {  	v27 =	vadd.s32 $0x2180, v4;
	s21 =	sor.u32 s23, s20;
	[tilespmem:s1+$0x0] =	vst v9  }
0x4ef: {  	v29 =	vadd.s32 $0x2000, v3;
	s29 =	sor.u32 s23, s9;
	v8 =	vld.idx.msk [tilespmem:v24+s13+$0x0], $0xffff;
	[tilespmem:s21+$0x0] =	vst v12  }
0x4f0: {  	v30 =	vadd.s32 $0x2080, v3;
	s1 =	sor.u32 s23, s8;
	[tilespmem:s29+$0x0] =	vst v15  }
0x4f1: {  	v31 =	vadd.s32 $0x2100, v3;
	s20 =	sld [smem:$0x76F];
	s8 =	sor.u32 s23, s10;
	v14 =	vld.idx.msk [tilespmem:v25+s13+$0x0], $0xffff;
	[tilespmem:s1+$0x0] =	vst v16  }
0x4f2: {  	v32 =	vadd.s32 $0x2180, v3;
	v11 =	vld.idx.msk [tilespmem:v26+s13+$0x0], $0xffff;
	[tilespmem:s8+$0x0] =	vst v17;
	s8 =	rddreg [dreg:$0x1d]  }
0x4f3: {  	v44 =	vadd.s32 $0xE280, v2;
	v10 =	vld.idx.msk [tilespmem:v27+s13+$0x0], $0xffff;
	s29 =	sld [smem:$0x770];
	s9 =	sor.u32 s0, s8  }
0x4f4: {  	v18 =	vadd.s32 $0x2200, v4;
	v13 =	vld.idx.msk [tilespmem:v29+s13+$0x0], $0xffff;
	[tilespmem:s9+$0x0] =	vst v8;
	s9 =	rddreg [dreg:$0x1e]  }
0x4f5: {  	v34 =	vadd.s32 $0x2280, v4;
	v12 =	vld.idx.msk [tilespmem:v30+s13+$0x0], $0xffff;
	s10 =	sor.u32 s0, s9  }
0x4f6: {  	v35 =	vadd.s32 $0x2300, v4;
	s21 =	sor.u32 s0, s20;
	v15 =	vld.idx.msk [tilespmem:v31+s13+$0x0], $0xffff;
	[tilespmem:s10+$0x0] =	vst v14  }
0x4f7: {  	v36 =	vadd.s32 $0x2380, v4;
	v16 =	vld.idx.msk [tilespmem:v32+s13+$0x0], $0xffff;
	s1 =	sor.u32 s0, s29;
	[tilespmem:s21+$0x0] =	vst v11  }
0x4f8: {  	v6 =	vld.idx.msk [tilespmem:v44+s13+$0x0], $0xffff;
	v38 =	vadd.s32 $0x2200, v3;
	s8 =	sor.u32 s23, s8;
	[tilespmem:s1+$0x0] =	vst v10  }
0x4f9: {  	v40 =	vadd.s32 $0x2280, v3;
	s9 =	sor.u32 s23, s9;
	[tilespmem:s8+$0x0] =	vst v13;
	v39 =	vld.idx.msk [tilespmem:v18+s13+$0x0], $0xffff  }
0x4fa: {  	v41 =	vadd.s32 $0x2300, v3;
	s10 =	sor.u32 s23, s20;
	s8 =	sld [smem:$0x771];
	[tilespmem:s9+$0x0] =	vst v12;
	v8 =	vld.idx.msk [tilespmem:v34+s13+$0x0], $0xffff  }
0x4fb: {  	v42 =	vadd.s32 $0x2380, v3;
	s20 =	sor.u32 s23, s29;
	v14 =	vld.idx.msk [tilespmem:v35+s13+$0x0], $0xffff;
	s9 =	sld [smem:$0x772];
	[tilespmem:s10+$0x0] =	vst v15  }
0x4fc: {  	v43 =	vadd.s32 $0xE200, v2;
	v11 =	vld.idx.msk [tilespmem:v36+s13+$0x0], $0xffff;
	s10 =	sld [smem:$0x773];
	[tilespmem:s20+$0x0] =	vst v16  }
0x4fd: {  	s21 =	sor.u32 s0, s8;
	s20 =	sld [smem:$0x774];
	v17 =	vld.idx.msk [tilespmem:v38+s13+$0x0], $0xffff  }
0x4fe: {  	v19 =	vadd.s32 $0x4000, v4;
	v18 =	vld.idx.msk [tilespmem:v40+s13+$0x0], $0xffff;
	s29 =	sor.u32 s0, s9;
	[tilespmem:s21+$0x0] =	vst v39  }
0x4ff: {  	v44 =	vadd.s32 $0x4080, v4;
	v12 =	vld.idx.msk [tilespmem:v41+s13+$0x0], $0xffff;
	s1 =	sor.u32 s0, s10;
	[tilespmem:s29+$0x0] =	vst v8  }
0x500: {  	v45 =	vadd.s32 $0x4100, v4;
	v15 =	vld.idx.msk [tilespmem:v42+s13+$0x0], $0xffff;
	s21 =	sor.u32 s0, s20;
	[tilespmem:s1+$0x0] =	vst v14  }
0x501: {  	v2 =	vadd.s32 $0xE380, v2;
	v7 =	vld.idx.msk [tilespmem:v43+s13+$0x0], $0xffff;
	s29 =	sor.u32 s23, s8;
	[tilespmem:s21+$0x0] =	vst v11  }
0x502: {  	s8 =	sor.u32 s23, s9;
	[tilespmem:s29+$0x0] =	vst v17  }
0x503: {  	v46 =	vadd.s32 $0x4180, v4;
	s9 =	sor.u32 s23, s10;
	v49 =	vld.idx.msk [tilespmem:v19+s13+$0x0], $0xffff;
	[tilespmem:s8+$0x0] =	vst v18  }
0x504: {  	s6 =	sor.u32 $0x1EA00, s28;
	s10 =	sor.u32 s23, s20;
	v13 =	vld.idx.msk [tilespmem:v44+s13+$0x0], $0xffff;
	[tilespmem:s9+$0x0] =	vst v12;
	s9 =	sld [smem:$0x775]  }
0x505: {  	s20 =	sor.u32 s26, s6;
	v8 =	vld.idx.msk [tilespmem:v45+s13+$0x0], $0xffff;
	[tilespmem:s10+$0x0] =	vst v15;
	s10 =	sld [smem:$0x776]  }
0x506: {  	v2 =	vld.idx.msk [tilespmem:v2+s13+$0x0], $0xffff;
	v48 =	vadd.s32 $0x4000, v3;
	[tilespmem:s20+$0x0] =	vst v7;
	s20 =	sld [smem:$0x777]  }
0x507: {  	s21 =	sor.u32 s0, s9  }
0x508: {  	v50 =	vadd.s32 $0x4080, v3;
	v14 =	vld.idx.msk [tilespmem:v46+s13+$0x0], $0xffff;
	[tilespmem:s21+$0x0] =	vst v49;
	s29 =	sor.u32 s0, s10  }
0x509: {  	v51 =	vadd.s32 $0x4100, v3;
	s1 =	sor.u32 s0, s20;
	[tilespmem:s29+$0x0] =	vst v13  }
0x50a: {  	v54 =	vadd.s32 $0x4200, v4;
	[tilespmem:s1+$0x0] =	vst v8;
	s1 =	sld [smem:$0x778]  }
0x50b: {  	v52 =	vadd.s32 $0x4180, v3;
	v16 =	vld.idx.msk [tilespmem:v48+s13+$0x0], $0xffff;
	_ =	sdelay $0x1  }
0x50c: {  	v55 =	vadd.s32 $0x4280, v4;
	v19 =	vld.idx.msk [tilespmem:v50+s13+$0x0], $0xffff;
	s21 =	sor.u32 s0, s1  }
0x50d: {  	v56 =	vadd.s32 $0x4300, v4;
	v18 =	vld.idx.msk [tilespmem:v51+s13+$0x0], $0xffff;
	[tilespmem:s21+$0x0] =	vst v14  }
0x50e: {  	v57 =	vadd.s32 $0x4380, v4;
	s29 =	sor.u32 s23, s9;
	v7 =	vld.idx.msk [tilespmem:v54+s13+$0x0], $0xffff  }
0x50f: {  	v12 =	vld.idx.msk [tilespmem:v52+s13+$0x0], $0xffff;
	[tilespmem:s29+$0x0] =	vst v16;
	s29 =	sld [smem:$0x779];
	_ =	sdelay $0x1  }
0x510: {  	s9 =	sor.u32 s23, s10;
	v17 =	vld.idx.msk [tilespmem:v55+s13+$0x0], $0xffff  }
0x511: {  	s10 =	sor.u32 s23, s20;
	s20 =	sor.u32 s23, s1;
	s1 =	sor.u32 s0, s29;
	v13 =	vld.idx.msk [tilespmem:v56+s13+$0x0], $0xffff  }
0x512: {  	v8 =	vld.idx.msk [tilespmem:v57+s13+$0x0], $0xffff;
	[tilespmem:s1+$0x0] =	vst v7;
	s1 =	sld [smem:$0x77A]  }
0x513: {  	v23 =	vadd.s32 $0xE000, v1  }
0x514: {  	v33 =	vadd.s32 $0xE080, v1;
	[tilespmem:s9+$0x0] =	vst v19  }
0x515: {  	v43 =	vadd.s32 $0xE100, v1;
	[tilespmem:s10+$0x0] =	vst v18;
	s10 =	sor.u32 s0, s1  }
0x516: {  	v53 =	vadd.s32 $0xE180, v1;
	[tilespmem:s10+$0x0] =	vst v17;
	s10 =	sld [smem:$0x77B]  }
0x517: {  	v59 =	vadd.s32 $0x4200, v3  }
0x518: {  	v28 =	vld.idx.msk [tilespmem:v23+s13+$0x0], $0xffff;
	v60 =	vadd.s32 $0x4280, v3  }
0x519: {  	v37 =	vld.idx.msk [tilespmem:v33+s13+$0x0], $0xffff;
	v61 =	vadd.s32 $0x4300, v3;
	[tilespmem:s20+$0x0] =	vst v12;
	s20 =	sor.u32 s0, s10  }
0x51a: {  	v47 =	vld.idx.msk [tilespmem:v43+s13+$0x0], $0xffff;
	v63 =	vadd.s32 $0x6000, v4;
	[tilespmem:s20+$0x0] =	vst v13;
	s20 =	sld [smem:$0x77C]  }
0x51b: {  	v58 =	vld.idx.msk [tilespmem:v53+s13+$0x0], $0xffff;
	v62 =	vadd.s32 $0x4380, v3  }
0x51c: {  	s21 =	sor.u32 s25, s2;
	v12 =	vld.idx.msk [tilespmem:v59+s13+$0x0], $0xffff  }
0x51d: {  	v21 =	vadd.s32 $0x6080, v4;
	[tilespmem:s21+$0x0] =	vst v28;
	v22 =	vld.idx.msk [tilespmem:v60+s13+$0x0], $0xffff;
	s21 =	sor.u32 s0, s20  }
0x51e: {  	v23 =	vadd.s32 $0x6100, v4;
	v24 =	vld.idx.msk [tilespmem:v61+s13+$0x0], $0xffff;
	[tilespmem:s21+$0x0] =	vst v8  }
0x51f: {  	v25 =	vadd.s32 $0x6180, v4;
	s9 =	sor.u32 s23, s1;
	s1 =	sor.u32 s25, s15;
	v9 =	vld.idx.msk [tilespmem:v63+s13+$0x0], $0xffff  }
0x520: {  	s29 =	sor.u32 s23, s29;
	v18 =	vld.idx.msk [tilespmem:v62+s13+$0x0], $0xffff;
	[tilespmem:s1+$0x0] =	vst v37;
	s1 =	sld [smem:$0x77D]  }
0x521: {  	v26 =	vadd.s32 $0x6000, v3;
	[tilespmem:s29+$0x0] =	vst v12  }
0x522: {  	[tilespmem:s9+$0x0] =	vst v22;
	s21 =	sor.u32 s23, s10;
	v7 =	vld.idx.msk [tilespmem:v21+s13+$0x0], $0xffff  }
0x523: {  	s9 =	sor.u32 s0, s1;
	[tilespmem:s21+$0x0] =	vst v24;
	v16 =	vld.idx.msk [tilespmem:v23+s13+$0x0], $0xffff  }
0x524: {  	v27 =	vadd.s32 $0x6080, v3;
	s29 =	sor.u32 s23, s20;
	v13 =	vld.idx.msk [tilespmem:v25+s13+$0x0], $0xffff;
	[tilespmem:s9+$0x0] =	vst v9;
	s9 =	sld [smem:$0x77E]  }
0x525: {  	v28 =	vadd.s32 $0x6100, v3;
	[tilespmem:s29+$0x0] =	vst v18  }
0x526: {  	v29 =	vadd.s32 $0x6180, v3;
	v8 =	vld.idx.msk [tilespmem:v26+s13+$0x0], $0xffff  }
0x527: {  	s10 =	sor.u32 s0, s9  }
0x528: {  	[tilespmem:s10+$0x0] =	vst v7;
	s10 =	sld [smem:$0x77F]  }
0x529: {  	v30 =	vadd.s32 $0x6200, v4;
	s21 =	sld [smem:$0x780];
	v12 =	vld.idx.msk [tilespmem:v27+s13+$0x0], $0xffff  }
0x52a: {  	v31 =	vadd.s32 $0x6280, v4;
	s1 =	sor.u32 s23, s1;
	v15 =	vld.idx.msk [tilespmem:v28+s13+$0x0], $0xffff  }
0x52b: {  	v32 =	vadd.s32 $0x6300, v4;
	v17 =	vld.idx.msk [tilespmem:v29+s13+$0x0], $0xffff;
	[tilespmem:s1+$0x0] =	vst v8;
	s20 =	sor.u32 s0, s10  }
0x52c: {  	v34 =	vadd.s32 $0x6200, v3;
	s29 =	sor.u32 s0, s21;
	[tilespmem:s20+$0x0] =	vst v16  }
0x52d: {  	v33 =	vadd.s32 $0x6380, v4;
	s9 =	sor.u32 s23, s9;
	[tilespmem:s29+$0x0] =	vst v13  }
0x52e: {  	v36 =	vadd.s32 $0x6280, v3;
	[tilespmem:s9+$0x0] =	vst v12;
	s10 =	sor.u32 s23, s10;
	v35 =	vld.idx.msk [tilespmem:v30+s13+$0x0], $0xffff  }
0x52f: {  	[tilespmem:s10+$0x0] =	vst v15;
	s20 =	sor.u32 s23, s21;
	s29 =	sld [smem:$0x781];
	v9 =	vld.idx.msk [tilespmem:v31+s13+$0x0], $0xffff  }
0x530: {  	v37 =	vadd.s32 $0x6300, v3;
	[tilespmem:s20+$0x0] =	vst v17;
	v7 =	vld.idx.msk [tilespmem:v32+s13+$0x0], $0xffff  }
0x531: {  	v38 =	vadd.s32 $0x6380, v3;
	v13 =	vld.idx.msk [tilespmem:v34+s13+$0x0], $0xffff  }
0x532: {  	v16 =	vld.idx.msk [tilespmem:v33+s13+$0x0], $0xffff;
	s9 =	sor.u32 s0, s29  }
0x533: {  	v10 =	vld.idx.msk [tilespmem:v36+s13+$0x0], $0xffff;
	[tilespmem:s9+$0x0] =	vst v35;
	s9 =	sld [smem:$0x782]  }
0x534: {  	s21 =	sor.u32 s25, s4  }
0x535: {  	[tilespmem:s21+$0x0] =	vst v47;
	v12 =	vld.idx.msk [tilespmem:v37+s13+$0x0], $0xffff;
	s29 =	sor.u32 s23, s29  }
0x536: {  	v39 =	vadd.s32 $0x8000, v4;
	v15 =	vld.idx.msk [tilespmem:v38+s13+$0x0], $0xffff;
	[tilespmem:s29+$0x0] =	vst v13;
	s10 =	sor.u32 s0, s9  }
0x537: {  	v40 =	vadd.s32 $0x8080, v4;
	s1 =	sor.u32 s23, s9;
	[tilespmem:s10+$0x0] =	vst v9  }
0x538: {  	v43 =	vadd.s32 $0x8000, v3;
	s20 =	sor.u32 s0, s17;
	[tilespmem:s1+$0x0] =	vst v10  }
0x539: {  	v41 =	vadd.s32 $0x8100, v4;
	s21 =	sor.u32 s0, s16;
	[tilespmem:s20+$0x0] =	vst v7  }
0x53a: {  	v44 =	vadd.s32 $0x8080, v3;
	s9 =	sor.u32 s23, s17;
	[tilespmem:s21+$0x0] =	vst v16  }
0x53b: {  	v42 =	vadd.s32 $0x8180, v4;
	s10 =	sor.u32 s23, s16;
	[tilespmem:s9+$0x0] =	vst v12;
	v11 =	vld.idx.msk [tilespmem:v39+s13+$0x0], $0xffff  }
0x53c: {  	v45 =	vadd.s32 $0x8100, v3;
	[tilespmem:s10+$0x0] =	vst v15;
	v8 =	vld.idx.msk [tilespmem:v40+s13+$0x0], $0xffff  }
0x53d: {  	v46 =	vadd.s32 $0x8180, v3;
	s17 =	sld [smem:$0x783];
	v16 =	vld.idx.msk [tilespmem:v43+s13+$0x0], $0xffff  }
0x53e: {  	v9 =	vld.idx.msk [tilespmem:v41+s13+$0x0], $0xffff  }
0x53f: {  	s16 =	sor.u32 s25, s3;
	s21 =	sld [smem:$0x784];
	v13 =	vld.idx.msk [tilespmem:v44+s13+$0x0], $0xffff  }
0x540: {  	[tilespmem:s16+$0x0] =	vst v58;
	s20 =	sor.u32 s0, s17;
	v7 =	vld.idx.msk [tilespmem:v42+s13+$0x0], $0xffff  }
0x541: {  	s17 =	sor.u32 s23, s17;
	v10 =	vld.idx.msk [tilespmem:v45+s13+$0x0], $0xffff;
	[tilespmem:s20+$0x0] =	vst v11  }
0x542: {  	v48 =	vadd.s32 $0x8200, v4;
	v12 =	vld.idx.msk [tilespmem:v46+s13+$0x0], $0xffff;
	s29 =	sor.u32 s0, s21;
	[tilespmem:s17+$0x0] =	vst v16  }
0x543: {  	v49 =	vadd.s32 $0x8280, v4;
	s20 =	sor.u32 s23, s21;
	[tilespmem:s29+$0x0] =	vst v8  }
0x544: {  	v53 =	vadd.s32 $0x8200, v3;
	s10 =	sor.u32 s0, s18;
	[tilespmem:s20+$0x0] =	vst v13  }
0x545: {  	v50 =	vadd.s32 $0x8300, v4;
	s16 =	sor.u32 s0, s14;
	[tilespmem:s10+$0x0] =	vst v9  }
0x546: {  	v54 =	vadd.s32 $0x8280, v3;
	s21 =	sor.u32 s23, s18;
	[tilespmem:s16+$0x0] =	vst v7  }
0x547: {  	v51 =	vadd.s32 $0x8380, v4;
	s29 =	sor.u32 s23, s14;
	[tilespmem:s21+$0x0] =	vst v10;
	v14 =	vld.idx.msk [tilespmem:v48+s13+$0x0], $0xffff  }
0x548: {  	v55 =	vadd.s32 $0x8300, v3;
	s10 =	sld [smem:$0x785];
	[tilespmem:s29+$0x0] =	vst v12;
	v11 =	vld.idx.msk [tilespmem:v49+s13+$0x0], $0xffff  }
0x549: {  	s8 =	sor.u32 $0x1EA80, s28;
	v56 =	vadd.s32 $0x8380, v3;
	s20 =	sld [smem:$0x786];
	v15 =	vld.idx.msk [tilespmem:v53+s13+$0x0], $0xffff  }
0x54a: {  	s1 =	sor.u32 s26, s8;
	v8 =	vld.idx.msk [tilespmem:v50+s13+$0x0], $0xffff  }
0x54b: {  	[tilespmem:s1+$0x0] =	vst v6;
	s16 =	sld [smem:$0x787];
	v16 =	vld.idx.msk [tilespmem:v54+s13+$0x0], $0xffff;
	s18 =	sor.u32 s0, s10  }
0x54c: {  	v9 =	vld.idx.msk [tilespmem:v51+s13+$0x0], $0xffff;
	s14 =	sor.u32 s0, s20;
	[tilespmem:s18+$0x0] =	vst v14  }
0x54d: {  	v58 =	vadd.s32 $0xA000, v4;
	s29 =	sld [smem:$0x788];
	v13 =	vld.idx.msk [tilespmem:v55+s13+$0x0], $0xffff;
	s18 =	sor.u32 s23, s10;
	[tilespmem:s14+$0x0] =	vst v11  }
0x54e: {  	v59 =	vadd.s32 $0xA080, v4;
	v10 =	vld.idx.msk [tilespmem:v56+s13+$0x0], $0xffff;
	s21 =	sor.u32 s0, s16;
	[tilespmem:s18+$0x0] =	vst v15  }
0x54f: {  	v63 =	vadd.s32 $0xA000, v3;
	s20 =	sor.u32 s23, s20;
	[tilespmem:s21+$0x0] =	vst v8  }
0x550: {  	v20 =	vadd.s32 $0xA080, v3;
	s17 =	sor.u32 s0, s29;
	[tilespmem:s20+$0x0] =	vst v16  }
0x551: {  	v60 =	vadd.s32 $0xA100, v4;
	s21 =	sor.u32 s23, s16;
	[tilespmem:s17+$0x0] =	vst v9  }
0x552: {  	v61 =	vadd.s32 $0xA180, v4;
	s29 =	sor.u32 s23, s29;
	[tilespmem:s21+$0x0] =	vst v13;
	v6 =	vld.idx.msk [tilespmem:v58+s13+$0x0], $0xffff  }
0x553: {  	v21 =	vadd.s32 $0xA100, v3;
	s14 =	sld [smem:$0x789];
	v14 =	vld.idx.msk [tilespmem:v59+s13+$0x0], $0xffff;
	[tilespmem:s29+$0x0] =	vst v10  }
0x554: {  	v22 =	vadd.s32 $0xA180, v3;
	s9 =	sor.u32 $0x1EB00, s28;
	s18 =	sld [smem:$0x78A];
	v12 =	vld.idx.msk [tilespmem:v63+s13+$0x0], $0xffff  }
0x555: {  	s1 =	sor.u32 s26, s9;
	v15 =	vld.idx.msk [tilespmem:v20+s13+$0x0], $0xffff  }
0x556: {  	[tilespmem:s1+$0x0] =	vst v5;
	v11 =	vld.idx.msk [tilespmem:v60+s13+$0x0], $0xffff;
	s17 =	sor.u32 s0, s14  }
0x557: {  	v47 =	vadd.s32 $0xE200, v1;
	v8 =	vld.idx.msk [tilespmem:v61+s13+$0x0], $0xffff;
	s16 =	sor.u32 s0, s18;
	[tilespmem:s17+$0x0] =	vst v6;
	s17 =	sld [smem:$0x78B]  }
0x558: {  	v24 =	vadd.s32 $0xA200, v4;
	s21 =	sld [smem:$0x78C];
	s1 =	sor.u32 s23, s14;
	v16 =	vld.idx.msk [tilespmem:v21+s13+$0x0], $0xffff;
	[tilespmem:s16+$0x0] =	vst v14  }
0x559: {  	v25 =	vadd.s32 $0xA280, v4;
	s18 =	sor.u32 s23, s18;
	v13 =	vld.idx.msk [tilespmem:v22+s13+$0x0], $0xffff;
	[tilespmem:s1+$0x0] =	vst v12  }
0x55a: {  	v29 =	vadd.s32 $0xA200, v3;
	[tilespmem:s18+$0x0] =	vst v15;
	s20 =	sor.u32 s0, s17  }
0x55b: {  	v26 =	vadd.s32 $0xA300, v4;
	s29 =	sor.u32 s0, s21;
	[tilespmem:s20+$0x0] =	vst v11  }
0x55c: {  	v30 =	vadd.s32 $0xA280, v3;
	v52 =	vld.idx.msk [tilespmem:v47+s13+$0x0], $0xffff;
	s20 =	sor.u32 s23, s17;
	[tilespmem:s29+$0x0] =	vst v8  }
0x55d: {  	v27 =	vadd.s32 $0xA380, v4;
	s21 =	sor.u32 s23, s21;
	[tilespmem:s20+$0x0] =	vst v16;
	v5 =	vld.idx.msk [tilespmem:v24+s13+$0x0], $0xffff  }
0x55e: {  	v31 =	vadd.s32 $0xA300, v3;
	s29 =	sld [smem:$0x78D];
	v6 =	vld.idx.msk [tilespmem:v25+s13+$0x0], $0xffff;
	[tilespmem:s21+$0x0] =	vst v13  }
0x55f: {  	v32 =	vadd.s32 $0xA380, v3;
	s10 =	sor.u32 $0x1EB80, s28;
	s17 =	sld [smem:$0x78E];
	v10 =	vld.idx.msk [tilespmem:v29+s13+$0x0], $0xffff  }
0x560: {  	v57 =	vadd.s32 $0xE280, v1;
	s28 =	sor.u32 s26, s10;
	v14 =	vld.idx.msk [tilespmem:v26+s13+$0x0], $0xffff  }
0x561: {  	v23 =	vadd.s32 $0xE300, v1;
	[tilespmem:s28+$0x0] =	vst v2;
	s20 =	sld [smem:$0x78F];
	v12 =	vld.idx.msk [tilespmem:v30+s13+$0x0], $0xffff;
	s16 =	sor.u32 s0, s29  }
0x562: {  	v1 =	vadd.s32 $0xE380, v1;
	v11 =	vld.idx.msk [tilespmem:v27+s13+$0x0], $0xffff;
	s18 =	sor.u32 s0, s17;
	[tilespmem:s16+$0x0] =	vst v5  }
0x563: {  	s26 =	sld [smem:$0x790];
	v2 =	vadd.s32 $0xC000, v4;
	v13 =	vld.idx.msk [tilespmem:v31+s13+$0x0], $0xffff;
	s29 =	sor.u32 s23, s29;
	[tilespmem:s18+$0x0] =	vst v6  }
0x564: {  	v33 =	vadd.s32 $0xC080, v4;
	v36 =	vld.idx.msk [tilespmem:v32+s13+$0x0], $0xffff;
	s21 =	sor.u32 s0, s20;
	[tilespmem:s29+$0x0] =	vst v10  }
0x565: {  	v37 =	vadd.s32 $0xC000, v3;
	v62 =	vld.idx.msk [tilespmem:v57+s13+$0x0], $0xffff;
	s1 =	sor.u32 s23, s17;
	[tilespmem:s21+$0x0] =	vst v14  }
0x566: {  	v34 =	vadd.s32 $0xC100, v4;
	v28 =	vld.idx.msk [tilespmem:v23+s13+$0x0], $0xffff;
	s28 =	sor.u32 s0, s26;
	[tilespmem:s1+$0x0] =	vst v12  }
0x567: {  	v38 =	vadd.s32 $0xC080, v3;
	v1 =	vld.idx.msk [tilespmem:v1+s13+$0x0], $0xffff;
	s16 =	sor.u32 s23, s20;
	[tilespmem:s28+$0x0] =	vst v11  }
0x568: {  	v35 =	vadd.s32 $0xC180, v4;
	s17 =	sor.u32 s23, s26;
	[tilespmem:s16+$0x0] =	vst v13;
	v2 =	vld.idx.msk [tilespmem:v2+s13+$0x0], $0xffff  }
0x569: {  	v39 =	vadd.s32 $0xC100, v3;
	s20 =	sld [smem:$0x791];
	v5 =	vld.idx.msk [tilespmem:v33+s13+$0x0], $0xffff;
	[tilespmem:s17+$0x0] =	vst v36  }
0x56a: {  	v40 =	vadd.s32 $0xC180, v3;
	v11 =	vld.idx.msk [tilespmem:v37+s13+$0x0], $0xffff  }
0x56b: {  	s18 =	sor.u32 s25, s6;
	v6 =	vld.idx.msk [tilespmem:v34+s13+$0x0], $0xffff  }
0x56c: {  	[tilespmem:s18+$0x0] =	vst v52;
	s21 =	sor.u32 s0, s20;
	v10 =	vld.idx.msk [tilespmem:v38+s13+$0x0], $0xffff  }
0x56d: {  	s26 =	sor.u32 s0, s5;
	v14 =	vld.idx.msk [tilespmem:v35+s13+$0x0], $0xffff;
	[tilespmem:s21+$0x0] =	vst v2  }
0x56e: {  	v41 =	vadd.s32 $0xC200, v4;
	s16 =	sor.u32 s23, s20;
	v12 =	vld.idx.msk [tilespmem:v39+s13+$0x0], $0xffff;
	[tilespmem:s26+$0x0] =	vst v5  }
0x56f: {  	s28 =	sor.u32 s0, s31;
	v13 =	vld.idx.msk [tilespmem:v40+s13+$0x0], $0xffff;
	v2 =	vadd.s32 $0xC280, v4;
	[tilespmem:s16+$0x0] =	vst v11  }
0x570: {  	v44 =	vadd.s32 $0xC200, v3;
	s17 =	sor.u32 s23, s5;
	[tilespmem:s28+$0x0] =	vst v6  }
0x571: {  	v42 =	vadd.s32 $0xC300, v4;
	s29 =	sor.u32 s0, s22;
	[tilespmem:s17+$0x0] =	vst v10  }
0x572: {  	v45 =	vadd.s32 $0xC280, v3;
	s18 =	sor.u32 s23, s31;
	[tilespmem:s29+$0x0] =	vst v14  }
0x573: {  	v43 =	vadd.s32 $0xC380, v4;
	s20 =	sor.u32 s23, s22;
	[tilespmem:s18+$0x0] =	vst v12;
	v7 =	vld.idx.msk [tilespmem:v41+s13+$0x0], $0xffff  }
0x574: {  	v46 =	vadd.s32 $0xC300, v3;
	[tilespmem:s20+$0x0] =	vst v13;
	v2 =	vld.idx.msk [tilespmem:v2+s13+$0x0], $0xffff  }
0x575: {  	v47 =	vadd.s32 $0xC380, v3;
	v13 =	vld.idx.msk [tilespmem:v44+s13+$0x0], $0xffff  }
0x576: {  	v5 =	vld.idx.msk [tilespmem:v42+s13+$0x0], $0xffff  }
0x577: {  	s22 =	sor.u32 s0, s12;
	v11 =	vld.idx.msk [tilespmem:v45+s13+$0x0], $0xffff  }
0x578: {  	s26 =	sor.u32 s0, s11;
	v6 =	vld.idx.msk [tilespmem:v43+s13+$0x0], $0xffff;
	[tilespmem:s22+$0x0] =	vst v7  }
0x579: {  	v48 =	vadd.s32 $0xE000, v4;
	s12 =	sor.u32 s23, s12;
	v10 =	vld.idx.msk [tilespmem:v46+s13+$0x0], $0xffff;
	[tilespmem:s26+$0x0] =	vst v2  }
0x57a: {  	v49 =	vadd.s32 $0xE080, v4;
	s28 =	sor.u32 s0, s7;
	v12 =	vld.idx.msk [tilespmem:v47+s13+$0x0], $0xffff;
	[tilespmem:s12+$0x0] =	vst v13  }
0x57b: {  	v51 =	vadd.s32 $0xE000, v3;
	s11 =	sor.u32 s23, s11;
	[tilespmem:s28+$0x0] =	vst v5  }
0x57c: {  	s29 =	sor.u32 s0, s19;
	v2 =	vadd.s32 $0xE100, v4;
	[tilespmem:s11+$0x0] =	vst v11  }
0x57d: {  	v52 =	vadd.s32 $0xE080, v3;
	s7 =	sor.u32 s23, s7;
	[tilespmem:s29+$0x0] =	vst v6  }
0x57e: {  	v50 =	vadd.s32 $0xE180, v4;
	s31 =	sor.u32 s23, s19;
	[tilespmem:s7+$0x0] =	vst v10;
	v9 =	vld.idx.msk [tilespmem:v48+s13+$0x0], $0xffff  }
0x57f: {  	v53 =	vadd.s32 $0xE100, v3;
	v7 =	vld.idx.msk [tilespmem:v49+s13+$0x0], $0xffff;
	[tilespmem:s31+$0x0] =	vst v12  }
0x580: {  	v54 =	vadd.s32 $0xE180, v3;
	s21 =	sor.u32 s25, s8;
	v6 =	vld.idx.msk [tilespmem:v51+s13+$0x0], $0xffff  }
0x581: {  	s1 =	sor.u32 s25, s9;
	[tilespmem:s21+$0x0] =	vst v62;
	v2 =	vld.idx.msk [tilespmem:v2+s13+$0x0], $0xffff  }
0x582: {  	[tilespmem:s1+$0x0] =	vst v28;
	s7 =	sor.u32 s0, s2;
	v12 =	vld.idx.msk [tilespmem:v52+s13+$0x0], $0xffff  }
0x583: {  	s11 =	sor.u32 s0, s15;
	v5 =	vld.idx.msk [tilespmem:v50+s13+$0x0], $0xffff;
	[tilespmem:s7+$0x0] =	vst v9  }
0x584: {  	v55 =	vadd.s32 $0xE200, v4;
	s2 =	sor.u32 s23, s2;
	v11 =	vld.idx.msk [tilespmem:v53+s13+$0x0], $0xffff;
	[tilespmem:s11+$0x0] =	vst v7  }
0x585: {  	v56 =	vadd.s32 $0xE280, v4;
	s12 =	sor.u32 s0, s4;
	v58 =	vld.idx.msk [tilespmem:v54+s13+$0x0], $0xffff;
	[tilespmem:s2+$0x0] =	vst v6  }
0x586: {  	v59 =	vadd.s32 $0xE200, v3;
	s16 =	sor.u32 s23, s15;
	[tilespmem:s12+$0x0] =	vst v2  }
0x587: {  	v57 =	vadd.s32 $0xE300, v4;
	s14 =	sor.u32 s0, s3;
	[tilespmem:s16+$0x0] =	vst v12  }
0x588: {  	v61 =	vadd.s32 $0xE280, v3;
	s17 =	sor.u32 s23, s4;
	[tilespmem:s14+$0x0] =	vst v5  }
0x589: {  	s18 =	sor.u32 s23, s3;
	v2 =	vadd.s32 $0xE380, v4;
	[tilespmem:s17+$0x0] =	vst v11;
	v60 =	vld.idx.msk [tilespmem:v55+s13+$0x0], $0xffff  }
0x58a: {  	v62 =	vadd.s32 $0xE300, v3;
	s19 =	sor.u32 s25, s10;
	v9 =	vld.idx.msk [tilespmem:v56+s13+$0x0], $0xffff;
	[tilespmem:s18+$0x0] =	vst v58  }
0x58b: {  	v3 =	vadd.s32 $0xE380, v3;
	[tilespmem:s19+$0x0] =	vst v1;
	v1 =	vld.idx.msk [tilespmem:v59+s13+$0x0], $0xffff  }
0x58c: {  	v7 =	vld.idx.msk [tilespmem:v57+s13+$0x0], $0xffff  }
0x58d: {  	s20 =	sor.u32 s0, s6;
	v4 =	vld.idx.msk [tilespmem:v61+s13+$0x0], $0xffff  }
0x58e: {  	s21 =	sor.u32 s0, s8;
	s25 =	rddreg [dreg:$0xd];
	v2 =	vld.idx.msk [tilespmem:v2+s13+$0x0], $0xffff;
	[tilespmem:s20+$0x0] =	vst v60  }
0x58f: {  	s1 =	sadd.s32 $0x4, s25;
	s26 =	sor.u32 s23, s6;
	v63 =	vld.idx.msk [tilespmem:v62+s13+$0x0], $0xffff;
	[tilespmem:s21+$0x0] =	vst v9  }
0x590: {  	p0 =	slt.u32 s1, $0xC;
	s22 =	sor.u32 s0, s9;
	v3 =	vld.idx.msk [tilespmem:v3+s13+$0x0], $0xffff;
	[tilespmem:s26+$0x0] =	vst v1  }
.Ltmp3:
0x591: {  	s28 =	sor.u32 s23, s8;
	[tilespmem:s22+$0x0] =	vst v7;
	(pc) =	sbr.rel @p0 .LBB2_9-.Ltmp3, $4  }
0x592: {  	s0 =	sor.u32 s0, s10;
	[tilespmem:s28+$0x0] =	vst v4  }
0x593: {  	s29 =	sor.u32 s23, s9;
	[tilespmem:s0+$0x0] =	vst v2  }
0x594: {  	s31 =	sor.u32 s23, s10;
	[tilespmem:s29+$0x0] =	vst v63  }
0x595: {  	s30 =	sadd.s32 $0x200, s30;
	s24 =	sadd.s32 $0x40, s24;
	[tilespmem:s31+$0x0] =	vst v3  }
0x596: {  	s4 =	rddreg [dreg:$0xb]  }
0x597: {  	s0 =	sshll.u32 s4, $0x14;
	s4 =	sadd.s32 $0x1, s4  }
0x598: {  	p0 =	sne.s32 s4, $0x32  }
.Ltmp4:
0x599: {  	s1 =	rddreg [dreg:$0x5];
	(pc) =	sbr.rel @p0 .LBB2_6-.Ltmp4, $4  }
0x59a: {  	s0 =	sor.u32 s1, s0  }
0x59b: {  	s30 =	rddreg [dreg:$0x2];
	s31 =	simm.s32 $0x20000;
	s0 =	sshrl.u32 s0, $0x3  }
0x59c: {  	s2 =	simm.s32 $0x800;
	s3 =	simm.s32 $0x1B000;
	s0 =	sadd.s32 s30, s0  }
0x59d: {  	[hbm4b:s0+s2] =	stream.strided.scatter [tilespmem:s3], [sflag:$0x2], $0x4000, s31, s2, $0x38;
	[tilespmem:$0x1F000] =	vst v63  }
0x59e: {  	s0 =	simm.s32 $0x1  }
0x59f: {  	_ =	swait.ge [sflag:s0], $0x4000  }
0x5a0: {  	[sflag:s0] =	ssyncset.done $0x0  }
0x5a1: {  	s1 =	simm.s32 $0x2;
	[sflag:s0] =	ssyncadd.s32 $0xFFFFC000  }
0x5a2: {  	_ =	swait.ge [sflag:s1], $0x4000  }
0x5a3: {  	s2 =	rddreg [dreg:$0xa]  }
0x5a4: {  	s31 =	rddreg [dreg:$0x9];
	s2 =	sadd.s32 $0x1, s2  }
0x5a5: {  	p0 =	sne.s32 s2, s31  }
.Ltmp5:
0x5a6: {  	_ = 	snop;
	(pc) =	sbr.rel @p0 .LBB2_1-.Ltmp5, $3  }
0x5a7: {  	_ =	sdelay $0x1  }
0x5a8: {  	[sflag:s1] =	ssyncset.done $0x0  }
0x5a9: {  	[sflag:s1] =	ssyncadd.s32 $0xFFFFC000  }
0x5aa: {  	_ =	sfence.sel $0x180000  }
0x5ab: {  	[bflag:$0x0] =	sbarrier.arrive $0xFFFF  }
0x5ac: {  	_ =	strace $0x90000047  }
0x5ad: {  	s0 =	stileid.u32;
	[bflag:$0x2] =	sbarrier.arrive $0xFFFF  }
0x5ae: {  	p0 =	sne.s32 s0, $0x0;
	s0 =	rddreg [dreg:$0x3]  }
0x5af: {  	s0 =	sadd.s32 @!p0 $0x100000, s0  }
0x5b0: {  	[sflag:s0] =	ssyncadd.tile.s32 @!p0 $0x1;
	_ =	shalt  }
.Lfunc_end2:
_tile_overlayer_lowered:
.L_overlay_start_2:
0x5b1: {  	(tag) =	ssettag $0x2  }
0x5b2: {  	s0 =	rddreg [dreg:$0x0];
	s2 =	stileid.u32  }
0x5b3: {  	s1 =	rddreg [dreg:$0x1];
	p0 =	sne.s32 s2, $0x0  }
0x5b4: {  	s3 =	rddreg [dreg:$0x2];
	[bflag:$0x3] =	sbarrier.arrive $0xFFFF;
	s2 =	simm.s32 @!p0 $0x1C03  }
0x5b5: {  	[timem:s3], [sflag:s2] =	dma.local @!p0 [hbm:s0], s1  }
0x5b6: {  	s0 =	simm.s32 @!p0 $0x3  }
0x5b7: {  	_ =	swait.ge @!p0 [sflag:s0], s1  }
0x5b8: {  	s1 =	ssub.s32 @!p0 $0x0, s1;
	[sflag:s0] =	ssyncset.done @!p0 $0x0  }
0x5b9: {  	[sflag:s0] =	ssyncadd.s32 @!p0 s1  }
0x5ba: {  	[bflag:$0x3] =	sbarrier.arrive $0xFFFF  }
0x5bb: {  	_ =	shalt  }

</sc_bundles>
